<compile_context>
chip_gen: v7x
topology: tpu7x:2x2x1
jax: 0.10.2.dev20260603
libtpu: 0.0.44.dev20260713+nightly
codegen_flags: <defaults>
</compile_context>

<pallas_src>
import functools

import numpy as np
import jax
import jax.numpy as jnp
from jax import lax
from jax.experimental import pallas as pl
from jax.experimental.pallas import tpu as pltpu
from jax.experimental.pallas import tpu_sc as plsc

_B = 32
_C = 2304
_T = 64
_FOLD = _C // 64

_rng = np.random.RandomState(0)
_all = _rng.choice(_C, _FOLD * 2, replace=False)
_FWD_SET = set(np.sort(_all[:_FOLD]).tolist())
_BWD_SET = set(np.sort(_all[_FOLD:]).tolist())

_NW = 32
_CHUNK_ROWS = 384
_N_CHUNKS = _C // _CHUNK_ROWS
_NBUF = 2

_PATCH = []
for _ch in range(_N_CHUNKS):
    _lst = []
    for _r in range(_CHUNK_ROWS):
        _c = _ch * _CHUNK_ROWS + _r
        if _c in _FWD_SET:
            _lst.append((_r, 1))
        elif _c in _BWD_SET:
            _lst.append((_r, -1))
    _PATCH.append(_lst)


def _patch_chunk(buf, scr, ch, lane):
    for (r, d) in _PATCH[ch]:
        if d > 0:
            v0 = buf[r, pl.ds(1, 16)]
            v1 = buf[r, pl.ds(17, 16)]
            v2 = buf[r, pl.ds(33, 16)]
            t = buf[r, pl.ds(48, 16)]
            scr[pl.ds(0, 16)] = t
            v3 = scr[pl.ds(1, 16)]
            v3 = jnp.where(lane == 15, 0.0, v3)
        else:
            t = buf[r, pl.ds(0, 16)]
            scr[pl.ds(1, 16)] = t
            v0 = scr[pl.ds(0, 16)]
            v0 = jnp.where(lane == 0, 0.0, v0)
            v1 = buf[r, pl.ds(15, 16)]
            v2 = buf[r, pl.ds(31, 16)]
            v3 = buf[r, pl.ds(47, 16)]
        buf[r, pl.ds(0, 16)] = v0
        buf[r, pl.ds(16, 16)] = v1
        buf[r, pl.ds(32, 16)] = v2
        buf[r, pl.ds(48, 16)] = v3


def _body(x_hbm, out_hbm, buf0, buf1, scr, si0, si1, so0, so1):
    lane = lax.iota(jnp.int32, 16)
    nc = 2
    wid = lax.axis_index("s") * nc + lax.axis_index("c")
    bufs = [buf0, buf1]
    sin = [si0, si1]
    sout = [so0, so1]

    base = wid * _C

    def load(ch):
        rb = base + ch * _CHUNK_ROWS
        b = ch % _NBUF
        return pltpu.async_copy(x_hbm.at[pl.ds(rb, _CHUNK_ROWS), :],
                                bufs[b], sin[b])

    def store(ch):
        rb = base + ch * _CHUNK_ROWS
        b = ch % _NBUF
        return pltpu.async_copy(bufs[b],
                                out_hbm.at[pl.ds(rb, _CHUNK_ROWS), :],
                                sout[b])

    in_h = [None] * _N_CHUNKS
    out_h = [None] * _N_CHUNKS
    for ch in range(min(2, _N_CHUNKS)):
        in_h[ch] = load(ch)
    for ch in range(_N_CHUNKS):
        in_h[ch].wait()
        _patch_chunk(bufs[ch % _NBUF], scr, ch, lane)
        out_h[ch] = store(ch)
        nxt = ch + 2
        if nxt < _N_CHUNKS:
            prev = nxt - _NBUF
            if prev >= 0:
                out_h[prev].wait()
            in_h[nxt] = load(nxt)
    for ch in range(_N_CHUNKS):
        if ch >= _N_CHUNKS - _NBUF:
            out_h[ch].wait()


_sc_call = functools.partial(
    pl.kernel,
    out_type=jax.ShapeDtypeStruct((_B * _C, _T), jnp.float32),
    mesh=plsc.VectorSubcoreMesh(core_axis_name="c", subcore_axis_name="s"),
    compiler_params=pltpu.CompilerParams(use_tc_tiling_on_sc=True,
                                         skip_device_barrier=True),
    scratch_types=[
        pltpu.VMEM((_CHUNK_ROWS, _T), jnp.float32),
        pltpu.VMEM((_CHUNK_ROWS, _T), jnp.float32),
        pltpu.VMEM((32,), jnp.float32),
        pltpu.SemaphoreType.DMA,
        pltpu.SemaphoreType.DMA,
        pltpu.SemaphoreType.DMA,
        pltpu.SemaphoreType.DMA,
    ],
)(_body)


@jax.jit
def kernel(x):
    rows = x.reshape(_B * _C, _T)
    out = _sc_call(rows)
    return out.reshape(x.shape)

# --- scband reference (transcript-rebuilt; emitter-appended) ---
"""Pipeline reference for scband-temporal-shift-random-38027640439062 (READ-ONLY COPY).

The authoritative reference and input builder live on the scoring server;
editing this copy changes nothing except your own understanding.
"""

import jax, jax.numpy as jnp
import numpy as np

C = 2304
FOLD_DIV = 64
SHIFT = 1
B = 32
T = 64

FOLD = C // FOLD_DIV
_rng = np.random.RandomState(0)
_all = _rng.choice(C, FOLD * 2, replace=False)
FORWARD_CH = jnp.asarray(np.sort(_all[:FOLD]))
BACKWARD_CH = jnp.asarray(np.sort(_all[FOLD:]))
FIXED_CH = jnp.asarray(np.sort(np.array(list(set(range(C)) - set(_all.tolist())), dtype=np.int64)))


def setup_inputs(seed: int = 0) -> dict:
    key = jax.random.key(seed)
    x = jax.random.normal(key, (B, C, T), dtype=jnp.float32)
    return {"x": x}


def reference(x):
    # x: [N, C, T] -> permute to [N, T, C]
    xp = jnp.transpose(x, (0, 2, 1))
    out = jnp.zeros_like(xp)
    # forward-shifted channels: out[:, :-shift, fwd] = x[:, shift:, fwd]
    out = out.at[:, :-SHIFT, FORWARD_CH].set(xp[:, SHIFT:, FORWARD_CH])
    # backward-shifted channels: out[:, shift:, bwd] = x[:, :-shift, bwd]
    out = out.at[:, SHIFT:, BACKWARD_CH].set(xp[:, :-SHIFT, BACKWARD_CH])
    # fixed channels copied through
    out = out.at[:, :, FIXED_CH].set(xp[:, :, FIXED_CH])
    return jnp.transpose(out, (0, 2, 1))

if __name__ == "__main__":
    import jax
    _d = setup_inputs()
    print(jax.jit(kernel)(*tuple(_d.values())))

</pallas_src>

<mosaic_0001>
#map = affine_map<(d0, d1) -> (0, 0)>
module attributes {stable_mosaic.version = 14 : i64} {
  func.func @_body(%arg0: i32, %arg1: i32, %arg2: memref<73728x64xf32, #tpu.memory_space<hbm>>, %arg3: memref<73728x64xf32, #tpu.memory_space<hbm>>, %arg4: memref<384x64xf32, #tpu.memory_space<vmem>>, %arg5: memref<384x64xf32, #tpu.memory_space<vmem>>, %arg6: memref<32xf32, #tpu.memory_space<vmem>>, %arg7: memref<!tpu.dma_semaphore, #tpu.memory_space<semaphore_mem>>, %arg8: memref<!tpu.dma_semaphore, #tpu.memory_space<semaphore_mem>>, %arg9: memref<!tpu.dma_semaphore, #tpu.memory_space<semaphore_mem>>, %arg10: memref<!tpu.dma_semaphore, #tpu.memory_space<semaphore_mem>>) attributes {dimension_semantics = [#tpu.dimension_semantics<core_parallel>, #tpu.dimension_semantics<subcore_parallel>], iteration_bounds = array<i64: 2, 16>, scalar_prefetch = 0 : i64, scratch_operands = 7 : i64, tpu.core_type = #tpu.core_type<sc_vector_subcore>, window_params = [{transform_indices = #map}, {transform_indices = #map}]} {
    %iota3A = tpu.iota {dimensions = array<i32: 0>} : vector<16xi32>
    %mul3A = arith.constant 2 : i32
    %mul3A_0 = arith.muli %arg1, %mul3A : i32
    %add3A = arith.addi %mul3A_0, %arg0 : i32
    %mul3A_1 = arith.constant 2304 : i32
    %mul3A_2 = arith.muli %add3A, %mul3A_1 : i32
    %add3A_3 = arith.constant 0 : i32
    %add3A_4 = arith.addi %mul3A_2, %add3A_3 : i32
    %dma_start3A = arith.constant 0 : i32
    %dma_start3A_5 = tpu.memref_slice %arg2[%add3A_4, %dma_start3A] : memref<73728x64xf32, #tpu.memory_space<hbm>> -> memref<384x64xf32, #tpu.memory_space<hbm>>
    %dma_start3A_6 = arith.constant 0 : i32
    %dma_start3A_7 = tpu.memref_slice %arg2[%add3A_4, %dma_start3A_6] : memref<73728x64xf32, #tpu.memory_space<hbm>> -> memref<384x64xf32, #tpu.memory_space<hbm>>
    tpu.enqueue_dma source(%dma_start3A_7 : memref<384x64xf32, #tpu.memory_space<hbm>>) target(%arg4 : memref<384x64xf32, #tpu.memory_space<vmem>>) target_semaphore(%arg7 : memref<!tpu.dma_semaphore, #tpu.memory_space<semaphore_mem>>)
    %add3A_8 = arith.constant 384 : i32
    %add3A_9 = arith.addi %mul3A_2, %add3A_8 : i32
    %dma_start3A_10 = arith.constant 0 : i32
    %dma_start3A_11 = tpu.memref_slice %arg2[%add3A_9, %dma_start3A_10] : memref<73728x64xf32, #tpu.memory_space<hbm>> -> memref<384x64xf32, #tpu.memory_space<hbm>>
    %dma_start3A_12 = arith.constant 0 : i32
    %dma_start3A_13 = tpu.memref_slice %arg2[%add3A_9, %dma_start3A_12] : memref<73728x64xf32, #tpu.memory_space<hbm>> -> memref<384x64xf32, #tpu.memory_space<hbm>>
    tpu.enqueue_dma source(%dma_start3A_13 : memref<384x64xf32, #tpu.memory_space<hbm>>) target(%arg5 : memref<384x64xf32, #tpu.memory_space<vmem>>) target_semaphore(%arg8 : memref<!tpu.dma_semaphore, #tpu.memory_space<semaphore_mem>>)
    %dma_wait3A = arith.constant 0 : i32
    %dma_wait3A_14 = tpu.memref_slice %arg2[%add3A_4, %dma_wait3A] : memref<73728x64xf32, #tpu.memory_space<hbm>> -> memref<384x64xf32, #tpu.memory_space<hbm>>
    %dma_wait3A_15 = arith.constant 0 : i32
    %dma_wait3A_16 = tpu.memref_slice %arg2[%add3A_4, %dma_wait3A_15] : memref<73728x64xf32, #tpu.memory_space<hbm>> -> memref<384x64xf32, #tpu.memory_space<hbm>>
    tpu.wait_dma2 semaphore(%arg7 : memref<!tpu.dma_semaphore, #tpu.memory_space<semaphore_mem>>) src(%dma_wait3A_16 : memref<384x64xf32, #tpu.memory_space<hbm>>) dst(%arg4 : memref<384x64xf32, #tpu.memory_space<vmem>>)
    %get3A = arith.constant 53 : i32
    %get3A_17 = arith.index_cast %get3A : i32 to index
    %get3A_18 = arith.constant 0 : index
    %get3A_19 = tpu.vector_load %arg4[%get3A_17, %get3A_18] {strides = array<i32>} : memref<384x64xf32, #tpu.memory_space<vmem>>, vector<1x16xf32>,
    %get3A_20 = vector.shape_cast %get3A_19 : vector<1x16xf32> to vector<16xf32>
    %swap3A = arith.constant 1 : index
    %swap3A_21 = tpu.vector_load %arg6[%swap3A] {strides = array<i32>} : memref<32xf32, #tpu.memory_space<vmem>>, vector<16xf32>,
    %swap3A_22 = vector.shape_cast %swap3A_21 : vector<16xf32> to vector<16xf32>
    %swap3A_23 = vector.shape_cast %get3A_20 : vector<16xf32> to vector<16xf32>
    tpu.vector_store %arg6[%swap3A], %swap3A_23 {strides = array<i32>} : memref<32xf32, #tpu.memory_space<vmem>>, vector<16xf32>,
    %get3A_24 = arith.constant 0 : index
    %get3A_25 = tpu.vector_load %arg6[%get3A_24] {strides = array<i32>} : memref<32xf32, #tpu.memory_space<vmem>>, vector<16xf32>,
    %get3A_26 = vector.shape_cast %get3A_25 : vector<16xf32> to vector<16xf32>
    %eq3A = arith.constant 0 : i32
    %eq3A_27 = vector.broadcast %eq3A : i32 to vector<16xi32>
    %eq3A_28 = arith.cmpi eq, %iota3A, %eq3A_27 : vector<16xi32>
    %jit3A = arith.constant 0.000000e+00 : f32
    %broadcast_in_dim3A = vector.broadcast %jit3A : f32 to vector<16xf32>
    %select_n3A = arith.select %eq3A_28, %broadcast_in_dim3A, %get3A_26 : vector<16xi1>, vector<16xf32>
    %get3A_29 = arith.constant 53 : i32
    %get3A_30 = arith.index_cast %get3A_29 : i32 to index
    %get3A_31 = arith.constant 15 : index
    %get3A_32 = tpu.vector_load %arg4[%get3A_30, %get3A_31] {strides = array<i32>} : memref<384x64xf32, #tpu.memory_space<vmem>>, vector<1x16xf32>,
    %get3A_33 = vector.shape_cast %get3A_32 : vector<1x16xf32> to vector<16xf32>
    %get3A_34 = arith.constant 53 : i32
    %get3A_35 = arith.index_cast %get3A_34 : i32 to index
    %get3A_36 = arith.constant 31 : index
    %get3A_37 = tpu.vector_load %arg4[%get3A_35, %get3A_36] {strides = array<i32>} : memref<384x64xf32, #tpu.memory_space<vmem>>, vector<1x16xf32>,
    %get3A_38 = vector.shape_cast %get3A_37 : vector<1x16xf32> to vector<16xf32>
    %get3A_39 = arith.constant 53 : i32
    %get3A_40 = arith.index_cast %get3A_39 : i32 to index
    %get3A_41 = arith.constant 47 : index
    %get3A_42 = tpu.vector_load %arg4[%get3A_40, %get3A_41] {strides = array<i32>} : memref<384x64xf32, #tpu.memory_space<vmem>>, vector<1x16xf32>,
    %get3A_43 = vector.shape_cast %get3A_42 : vector<1x16xf32> to vector<16xf32>
    %swap3A_44 = arith.constant 53 : i32
    %swap3A_45 = arith.index_cast %swap3A_44 : i32 to index
    %swap3A_46 = arith.constant 0 : index
    %swap3A_47 = tpu.vector_load %arg4[%swap3A_45, %swap3A_46] {strides = array<i32>} : memref<384x64xf32, #tpu.memory_space<vmem>>, vector<1x16xf32>,
    %swap3A_48 = vector.shape_cast %swap3A_47 : vector<1x16xf32> to vector<16xf32>
    %swap3A_49 = vector.shape_cast %select_n3A : vector<16xf32> to vector<1x16xf32>
    tpu.vector_store %arg4[%swap3A_45, %swap3A_46], %swap3A_49 {strides = array<i32>} : memref<384x64xf32, #tpu.memory_space<vmem>>, vector<1x16xf32>,
    %swap3A_50 = arith.constant 53 : i32
    %swap3A_51 = arith.index_cast %swap3A_50 : i32 to index
    %swap3A_52 = arith.constant 16 : index
    %swap3A_53 = tpu.vector_load %arg4[%swap3A_51, %swap3A_52] {strides = array<i32>} : memref<384x64xf32, #tpu.memory_space<vmem>>, vector<1x16xf32>,
    %swap3A_54 = vector.shape_cast %swap3A_53 : vector<1x16xf32> to vector<16xf32>
    %swap3A_55 = vector.shape_cast %get3A_33 : vector<16xf32> to vector<1x16xf32>
    tpu.vector_store %arg4[%swap3A_51, %swap3A_52], %swap3A_55 {strides = array<i32>} : memref<384x64xf32, #tpu.memory_space<vmem>>, vector<1x16xf32>,
    %swap3A_56 = arith.constant 53 : i32
    %swap3A_57 = arith.index_cast %swap3A_56 : i32 to index
    %swap3A_58 = arith.constant 32 : index
    %swap3A_59 = tpu.vector_load %arg4[%swap3A_57, %swap3A_58] {strides = array<i32>} : memref<384x64xf32, #tpu.memory_space<vmem>>, vector<1x16xf32>,
    %swap3A_60 = vector.shape_cast %swap3A_59 : vector<1x16xf32> to vector<16xf32>
    %swap3A_61 = vector.shape_cast %get3A_38 : vector<16xf32> to vector<1x16xf32>
    tpu.vector_store %arg4[%swap3A_57, %swap3A_58], %swap3A_61 {strides = array<i32>} : memref<384x64xf32, #tpu.memory_space<vmem>>, vector<1x16xf32>,
    %swap3A_62 = arith.constant 53 : i32
    %swap3A_63 = arith.index_cast %swap3A_62 : i32 to index
    %swap3A_64 = arith.constant 48 : index
    %swap3A_65 = tpu.vector_load %arg4[%swap3A_63, %swap3A_64] {strides = array<i32>} : memref<384x64xf32, #tpu.memory_space<vmem>>, vector<1x16xf32>,
    %swap3A_66 = vector.shape_cast %swap3A_65 : vector<1x16xf32> to vector<16xf32>
    %swap3A_67 = vector.shape_cast %get3A_43 : vector<16xf32> to vector<1x16xf32>
    tpu.vector_store %arg4[%swap3A_63, %swap3A_64], %swap3A_67 {strides = array<i32>} : memref<384x64xf32, #tpu.memory_space<vmem>>, vector<1x16xf32>,
    %get3A_68 = arith.constant 57 : i32
    %get3A_69 = arith.index_cast %get3A_68 : i32 to index
    %get3A_70 = arith.constant 1 : index
    %get3A_71 = tpu.vector_load %arg4[%get3A_69, %get3A_70] {strides = array<i32>} : memref<384x64xf32, #tpu.memory_space<vmem>>, vector<1x16xf32>,
    %get3A_72 = vector.shape_cast %get3A_71 : vector<1x16xf32> to vector<16xf32>
    %get3A_73 = arith.constant 57 : i32
    %get3A_74 = arith.index_cast %get3A_73 : i32 to index
    %get3A_75 = arith.constant 17 : index
    %get3A_76 = tpu.vector_load %arg4[%get3A_74, %get3A_75] {strides = array<i32>} : memref<384x64xf32, #tpu.memory_space<vmem>>, vector<1x16xf32>,
    %get3A_77 = vector.shape_cast %get3A_76 : vector<1x16xf32> to vector<16xf32>
    %get3A_78 = arith.constant 57 : i32
    %get3A_79 = arith.index_cast %get3A_78 : i32 to index
    %get3A_80 = arith.constant 33 : index
    %get3A_81 = tpu.vector_load %arg4[%get3A_79, %get3A_80] {strides = array<i32>} : memref<384x64xf32, #tpu.memory_space<vmem>>, vector<1x16xf32>,
    %get3A_82 = vector.shape_cast %get3A_81 : vector<1x16xf32> to vector<16xf32>
    %get3A_83 = arith.constant 57 : i32
    %get3A_84 = arith.index_cast %get3A_83 : i32 to index
    %get3A_85 = arith.constant 48 : index
    %get3A_86 = tpu.vector_load %arg4[%get3A_84, %get3A_85] {strides = array<i32>} : memref<384x64xf32, #tpu.memory_space<vmem>>, vector<1x16xf32>,
    %get3A_87 = vector.shape_cast %get3A_86 : vector<1x16xf32> to vector<16xf32>
    %swap3A_88 = arith.constant 0 : index
    %swap3A_89 = tpu.vector_load %arg6[%swap3A_88] {strides = array<i32>} : memref<32xf32, #tpu.memory_space<vmem>>, vector<16xf32>,
    %swap3A_90 = vector.shape_cast %swap3A_89 : vector<16xf32> to vector<16xf32>
    %swap3A_91 = vector.shape_cast %get3A_87 : vector<16xf32> to vector<16xf32>
    tpu.vector_store %arg6[%swap3A_88], %swap3A_91 {strides = array<i32>} : memref<32xf32, #tpu.memory_space<vmem>>, vector<16xf32>,
    %get3A_92 = arith.constant 1 : index
    %get3A_93 = tpu.vector_load %arg6[%get3A_92] {strides = array<i32>} : memref<32xf32, #tpu.memory_space<vmem>>, vector<16xf32>,
    %get3A_94 = vector.shape_cast %get3A_93 : vector<16xf32> to vector<16xf32>
    %eq3A_95 = arith.constant 15 : i32
    %eq3A_96 = vector.broadcast %eq3A_95 : i32 to vector<16xi32>
    %eq3A_97 = arith.cmpi eq, %iota3A, %eq3A_96 : vector<16xi32>
    %jit3A_98 = arith.constant 0.000000e+00 : f32
    %broadcast_in_dim3A_99 = vector.broadcast %jit3A_98 : f32 to vector<16xf32>
    %select_n3A_100 = arith.select %eq3A_97, %broadcast_in_dim3A_99, %get3A_94 : vector<16xi1>, vector<16xf32>
    %swap3A_101 = arith.constant 57 : i32
    %swap3A_102 = arith.index_cast %swap3A_101 : i32 to index
    %swap3A_103 = arith.constant 0 : index
    %swap3A_104 = tpu.vector_load %arg4[%swap3A_102, %swap3A_103] {strides = array<i32>} : memref<384x64xf32, #tpu.memory_space<vmem>>, vector<1x16xf32>,
    %swap3A_105 = vector.shape_cast %swap3A_104 : vector<1x16xf32> to vector<16xf32>
    %swap3A_106 = vector.shape_cast %get3A_72 : vector<16xf32> to vector<1x16xf32>
    tpu.vector_store %arg4[%swap3A_102, %swap3A_103], %swap3A_106 {strides = array<i32>} : memref<384x64xf32, #tpu.memory_space<vmem>>, vector<1x16xf32>,
    %swap3A_107 = arith.constant 57 : i32
    %swap3A_108 = arith.index_cast %swap3A_107 : i32 to index
    %swap3A_109 = arith.constant 16 : index
    %swap3A_110 = tpu.vector_load %arg4[%swap3A_108, %swap3A_109] {strides = array<i32>} : memref<384x64xf32, #tpu.memory_space<vmem>>, vector<1x16xf32>,
    %swap3A_111 = vector.shape_cast %swap3A_110 : vector<1x16xf32> to vector<16xf32>
    %swap3A_112 = vector.shape_cast %get3A_77 : vector<16xf32> to vector<1x16xf32>
    tpu.vector_store %arg4[%swap3A_108, %swap3A_109], %swap3A_112 {strides = array<i32>} : memref<384x64xf32, #tpu.memory_space<vmem>>, vector<1x16xf32>,
    %swap3A_113 = arith.constant 57 : i32
    %swap3A_114 = arith.index_cast %swap3A_113 : i32 to index
    %swap3A_115 = arith.constant 32 : index
    %swap3A_116 = tpu.vector_load %arg4[%swap3A_114, %swap3A_115] {strides = array<i32>} : memref<384x64xf32, #tpu.memory_space<vmem>>, vector<1x16xf32>,
    %swap3A_117 = vector.shape_cast %swap3A_116 : vector<1x16xf32> to vector<16xf32>
    %swap3A_118 = vector.shape_cast %get3A_82 : vector<16xf32> to vector<1x16xf32>
    tpu.vector_store %arg4[%swap3A_114, %swap3A_115], %swap3A_118 {strides = array<i32>} : memref<384x64xf32, #tpu.memory_space<vmem>>, vector<1x16xf32>,
    %swap3A_119 = arith.constant 57 : i32
    %swap3A_120 = arith.index_cast %swap3A_119 : i32 to index
    %swap3A_121 = arith.constant 48 : index
    %swap3A_122 = tpu.vector_load %arg4[%swap3A_120, %swap3A_121] {strides = array<i32>} : memref<384x64xf32, #tpu.memory_space<vmem>>, vector<1x16xf32>,
    %swap3A_123 = vector.shape_cast %swap3A_122 : vector<1x16xf32> to vector<16xf32>
    %swap3A_124 = vector.shape_cast %select_n3A_100 : vector<16xf32> to vector<1x16xf32>
    tpu.vector_store %arg4[%swap3A_120, %swap3A_121], %swap3A_124 {strides = array<i32>} : memref<384x64xf32, #tpu.memory_space<vmem>>, vector<1x16xf32>,
    %get3A_125 = arith.constant 69 : i32
    %get3A_126 = arith.index_cast %get3A_125 : i32 to index
    %get3A_127 = arith.constant 0 : index
    %get3A_128 = tpu.vector_load %arg4[%get3A_126, %get3A_127] {strides = array<i32>} : memref<384x64xf32, #tpu.memory_space<vmem>>, vector<1x16xf32>,
    %get3A_129 = vector.shape_cast %get3A_128 : vector<1x16xf32> to vector<16xf32>
    %swap3A_130 = arith.constant 1 : index
    %swap3A_131 = tpu.vector_load %arg6[%swap3A_130] {strides = array<i32>} : memref<32xf32, #tpu.memory_space<vmem>>, vector<16xf32>,
    %swap3A_132 = vector.shape_cast %swap3A_131 : vector<16xf32> to vector<16xf32>
    %swap3A_133 = vector.shape_cast %get3A_129 : vector<16xf32> to vector<16xf32>
    tpu.vector_store %arg6[%swap3A_130], %swap3A_133 {strides = array<i32>} : memref<32xf32, #tpu.memory_space<vmem>>, vector<16xf32>,
    %get3A_134 = arith.constant 0 : index
    %get3A_135 = tpu.vector_load %arg6[%get3A_134] {strides = array<i32>} : memref<32xf32, #tpu.memory_space<vmem>>, vector<16xf32>,
    %get3A_136 = vector.shape_cast %get3A_135 : vector<16xf32> to vector<16xf32>
    %eq3A_137 = arith.constant 0 : i32
    %eq3A_138 = vector.broadcast %eq3A_137 : i32 to vector<16xi32>
    %eq3A_139 = arith.cmpi eq, %iota3A, %eq3A_138 : vector<16xi32>
    %jit3A_140 = arith.constant 0.000000e+00 : f32
    %broadcast_in_dim3A_141 = vector.broadcast %jit3A_140 : f32 to vector<16xf32>
    %select_n3A_142 = arith.select %eq3A_139, %broadcast_in_dim3A_141, %get3A_136 : vector<16xi1>, vector<16xf32>
    %get3A_143 = arith.constant 69 : i32
    %get3A_144 = arith.index_cast %get3A_143 : i32 to index
    %get3A_145 = arith.constant 15 : index
    %get3A_146 = tpu.vector_load %arg4[%get3A_144, %get3A_145] {strides = array<i32>} : memref<384x64xf32, #tpu.memory_space<vmem>>, vector<1x16xf32>,
    %get3A_147 = vector.shape_cast %get3A_146 : vector<1x16xf32> to vector<16xf32>
    %get3A_148 = arith.constant 69 : i32
    %get3A_149 = arith.index_cast %get3A_148 : i32 to index
    %get3A_150 = arith.constant 31 : index
    %get3A_151 = tpu.vector_load %arg4[%get3A_149, %get3A_150] {strides = array<i32>} : memref<384x64xf32, #tpu.memory_space<vmem>>, vector<1x16xf32>,
    %get3A_152 = vector.shape_cast %get3A_151 : vector<1x16xf32> to vector<16xf32>
    %get3A_153 = arith.constant 69 : i32
    %get3A_154 = arith.index_cast %get3A_153 : i32 to index
    %get3A_155 = arith.constant 47 : index
    %get3A_156 = tpu.vector_load %arg4[%get3A_154, %get3A_155] {strides = array<i32>} : memref<384x64xf32, #tpu.memory_space<vmem>>, vector<1x16xf32>,
    %get3A_157 = vector.shape_cast %get3A_156 : vector<1x16xf32> to vector<16xf32>
    %swap3A_158 = arith.constant 69 : i32
    %swap3A_159 = arith.index_cast %swap3A_158 : i32 to index
    %swap3A_160 = arith.constant 0 : index
    %swap3A_161 = tpu.vector_load %arg4[%swap3A_159, %swap3A_160] {strides = array<i32>} : memref<384x64xf32, #tpu.memory_space<vmem>>, vector<1x16xf32>,
    %swap3A_162 = vector.shape_cast %swap3A_161 : vector<1x16xf32> to vector<16xf32>
    %swap3A_163 = vector.shape_cast %select_n3A_142 : vector<16xf32> to vector<1x16xf32>
    tpu.vector_store %arg4[%swap3A_159, %swap3A_160], %swap3A_163 {strides = array<i32>} : memref<384x64xf32, #tpu.memory_space<vmem>>, vector<1x16xf32>,
    %swap3A_164 = arith.constant 69 : i32
    %swap3A_165 = arith.index_cast %swap3A_164 : i32 to index
    %swap3A_166 = arith.constant 16 : index
    %swap3A_167 = tpu.vector_load %arg4[%swap3A_165, %swap3A_166] {strides = array<i32>} : memref<384x64xf32, #tpu.memory_space<vmem>>, vector<1x16xf32>,
    %swap3A_168 = vector.shape_cast %swap3A_167 : vector<1x16xf32> to vector<16xf32>
    %swap3A_169 = vector.shape_cast %get3A_147 : vector<16xf32> to vector<1x16xf32>
    tpu.vector_store %arg4[%swap3A_165, %swap3A_166], %swap3A_169 {strides = array<i32>} : memref<384x64xf32, #tpu.memory_space<vmem>>, vector<1x16xf32>,
    %swap3A_170 = arith.constant 69 : i32
    %swap3A_171 = arith.index_cast %swap3A_170 : i32 to index
    %swap3A_172 = arith.constant 32 : index
    %swap3A_173 = tpu.vector_load %arg4[%swap3A_171, %swap3A_172] {strides = array<i32>} : memref<384x64xf32, #tpu.memory_space<vmem>>, vector<1x16xf32>,
    %swap3A_174 = vector.shape_cast %swap3A_173 : vector<1x16xf32> to vector<16xf32>
    %swap3A_175 = vector.shape_cast %get3A_152 : vector<16xf32> to vector<1x16xf32>
    tpu.vector_store %arg4[%swap3A_171, %swap3A_172], %swap3A_175 {strides = array<i32>} : memref<384x64xf32, #tpu.memory_space<vmem>>, vector<1x16xf32>,
    %swap3A_176 = arith.constant 69 : i32
    %swap3A_177 = arith.index_cast %swap3A_176 : i32 to index
    %swap3A_178 = arith.constant 48 : index
    %swap3A_179 = tpu.vector_load %arg4[%swap3A_177, %swap3A_178] {strides = array<i32>} : memref<384x64xf32, #tpu.memory_space<vmem>>, vector<1x16xf32>,
    %swap3A_180 = vector.shape_cast %swap3A_179 : vector<1x16xf32> to vector<16xf32>
    %swap3A_181 = vector.shape_cast %get3A_157 : vector<16xf32> to vector<1x16xf32>
    tpu.vector_store %arg4[%swap3A_177, %swap3A_178], %swap3A_181 {strides = array<i32>} : memref<384x64xf32, #tpu.memory_space<vmem>>, vector<1x16xf32>,
    %get3A_182 = arith.constant 70 : i32
    %get3A_183 = arith.index_cast %get3A_182 : i32 to index
    %get3A_184 = arith.constant 0 : index
    %get3A_185 = tpu.vector_load %arg4[%get3A_183, %get3A_184] {strides = array<i32>} : memref<384x64xf32, #tpu.memory_space<vmem>>, vector<1x16xf32>,
    %get3A_186 = vector.shape_cast %get3A_185 : vector<1x16xf32> to vector<16xf32>
    %swap3A_187 = arith.constant 1 : index
    %swap3A_188 = tpu.vector_load %arg6[%swap3A_187] {strides = array<i32>} : memref<32xf32, #tpu.memory_space<vmem>>, vector<16xf32>,
    %swap3A_189 = vector.shape_cast %swap3A_188 : vector<16xf32> to vector<16xf32>
    %swap3A_190 = vector.shape_cast %get3A_186 : vector<16xf32> to vector<16xf32>
    tpu.vector_store %arg6[%swap3A_187], %swap3A_190 {strides = array<i32>} : memref<32xf32, #tpu.memory_space<vmem>>, vector<16xf32>,
    %get3A_191 = arith.constant 0 : index
    %get3A_192 = tpu.vector_load %arg6[%get3A_191] {strides = array<i32>} : memref<32xf32, #tpu.memory_space<vmem>>, vector<16xf32>,
    %get3A_193 = vector.shape_cast %get3A_192 : vector<16xf32> to vector<16xf32>
    %eq3A_194 = arith.constant 0 : i32
    %eq3A_195 = vector.broadcast %eq3A_194 : i32 to vector<16xi32>
    %eq3A_196 = arith.cmpi eq, %iota3A, %eq3A_195 : vector<16xi32>
    %jit3A_197 = arith.constant 0.000000e+00 : f32
    %broadcast_in_dim3A_198 = vector.broadcast %jit3A_197 : f32 to vector<16xf32>
    %select_n3A_199 = arith.select %eq3A_196, %broadcast_in_dim3A_198, %get3A_193 : vector<16xi1>, vector<16xf32>
    %get3A_200 = arith.constant 70 : i32
    %get3A_201 = arith.index_cast %get3A_200 : i32 to index
    %get3A_202 = arith.constant 15 : index
    %get3A_203 = tpu.vector_load %arg4[%get3A_201, %get3A_202] {strides = array<i32>} : memref<384x64xf32, #tpu.memory_space<vmem>>, vector<1x16xf32>,
    %get3A_204 = vector.shape_cast %get3A_203 : vector<1x16xf32> to vector<16xf32>
    %get3A_205 = arith.constant 70 : i32
    %get3A_206 = arith.index_cast %get3A_205 : i32 to index
    %get3A_207 = arith.constant 31 : index
    %get3A_208 = tpu.vector_load %arg4[%get3A_206, %get3A_207] {strides = array<i32>} : memref<384x64xf32, #tpu.memory_space<vmem>>, vector<1x16xf32>,
    %get3A_209 = vector.shape_cast %get3A_208 : vector<1x16xf32> to vector<16xf32>
    %get3A_210 = arith.constant 70 : i32
    %get3A_211 = arith.index_cast %get3A_210 : i32 to index
    %get3A_212 = arith.constant 47 : index
    %get3A_213 = tpu.vector_load %arg4[%get3A_211, %get3A_212] {strides = array<i32>} : memref<384x64xf32, #tpu.memory_space<vmem>>, vector<1x16xf32>,
    %get3A_214 = vector.shape_cast %get3A_213 : vector<1x16xf32> to vector<16xf32>
    %swap3A_215 = arith.constant 70 : i32
    %swap3A_216 = arith.index_cast %swap3A_215 : i32 to index
    %swap3A_217 = arith.constant 0 : index
    %swap3A_218 = tpu.vector_load %arg4[%swap3A_216, %swap3A_217] {strides = array<i32>} : memref<384x64xf32, #tpu.memory_space<vmem>>, vector<1x16xf32>,
    %swap3A_219 = vector.shape_cast %swap3A_218 : vector<1x16xf32> to vector<16xf32>
    %swap3A_220 = vector.shape_cast %select_n3A_199 : vector<16xf32> to vector<1x16xf32>
    tpu.vector_store %arg4[%swap3A_216, %swap3A_217], %swap3A_220 {strides = array<i32>} : memref<384x64xf32, #tpu.memory_space<vmem>>, vector<1x16xf32>,
    %swap3A_221 = arith.constant 70 : i32
    %swap3A_222 = arith.index_cast %swap3A_221 : i32 to index
    %swap3A_223 = arith.constant 16 : index
    %swap3A_224 = tpu.vector_load %arg4[%swap3A_222, %swap3A_223] {strides = array<i32>} : memref<384x64xf32, #tpu.memory_space<vmem>>, vector<1x16xf32>,
    %swap3A_225 = vector.shape_cast %swap3A_224 : vector<1x16xf32> to vector<16xf32>
    %swap3A_226 = vector.shape_cast %get3A_204 : vector<16xf32> to vector<1x16xf32>
    tpu.vector_store %arg4[%swap3A_222, %swap3A_223], %swap3A_226 {strides = array<i32>} : memref<384x64xf32, #tpu.memory_space<vmem>>, vector<1x16xf32>,
    %swap3A_227 = arith.constant 70 : i32
    %swap3A_228 = arith.index_cast %swap3A_227 : i32 to index
    %swap3A_229 = arith.constant 32 : index
    %swap3A_230 = tpu.vector_load %arg4[%swap3A_228, %swap3A_229] {strides = array<i32>} : memref<384x64xf32, #tpu.memory_space<vmem>>, vector<1x16xf32>,
    %swap3A_231 = vector.shape_cast %swap3A_230 : vector<1x16xf32> to vector<16xf32>
    %swap3A_232 = vector.shape_cast %get3A_209 : vector<16xf32> to vector<1x16xf32>
    tpu.vector_store %arg4[%swap3A_228, %swap3A_229], %swap3A_232 {strides = array<i32>} : memref<384x64xf32, #tpu.memory_space<vmem>>, vector<1x16xf32>,
    %swap3A_233 = arith.constant 70 : i32
    %swap3A_234 = arith.index_cast %swap3A_233 : i32 to index
    %swap3A_235 = arith.constant 48 : index
    %swap3A_236 = tpu.vector_load %arg4[%swap3A_234, %swap3A_235] {strides = array<i32>} : memref<384x64xf32, #tpu.memory_space<vmem>>, vector<1x16xf32>,
    %swap3A_237 = vector.shape_cast %swap3A_236 : vector<1x16xf32> to vector<16xf32>
    %swap3A_238 = vector.shape_cast %get3A_214 : vector<16xf32> to vector<1x16xf32>
    tpu.vector_store %arg4[%swap3A_234, %swap3A_235], %swap3A_238 {strides = array<i32>} : memref<384x64xf32, #tpu.memory_space<vmem>>, vector<1x16xf32>,
    %get3A_239 = arith.constant 98 : i32
    %get3A_240 = arith.index_cast %get3A_239 : i32 to index
    %get3A_241 = arith.constant 0 : index
    %get3A_242 = tpu.vector_load %arg4[%get3A_240, %get3A_241] {strides = array<i32>} : memref<384x64xf32, #tpu.memory_space<vmem>>, vector<1x16xf32>,
    %get3A_243 = vector.shape_cast %get3A_242 : vector<1x16xf32> to vector<16xf32>
    %swap3A_244 = arith.constant 1 : index
    %swap3A_245 = tpu.vector_load %arg6[%swap3A_244] {strides = array<i32>} : memref<32xf32, #tpu.memory_space<vmem>>, vector<16xf32>,
    %swap3A_246 = vector.shape_cast %swap3A_245 : vector<16xf32> to vector<16xf32>
    %swap3A_247 = vector.shape_cast %get3A_243 : vector<16xf32> to vector<16xf32>
    tpu.vector_store %arg6[%swap3A_244], %swap3A_247 {strides = array<i32>} : memref<32xf32, #tpu.memory_space<vmem>>, vector<16xf32>,
    %get3A_248 = arith.constant 0 : index
    %get3A_249 = tpu.vector_load %arg6[%get3A_248] {strides = array<i32>} : memref<32xf32, #tpu.memory_space<vmem>>, vector<16xf32>,
    %get3A_250 = vector.shape_cast %get3A_249 : vector<16xf32> to vector<16xf32>
    %eq3A_251 = arith.constant 0 : i32
    %eq3A_252 = vector.broadcast %eq3A_251 : i32 to vector<16xi32>
    %eq3A_253 = arith.cmpi eq, %iota3A, %eq3A_252 : vector<16xi32>
    %jit3A_254 = arith.constant 0.000000e+00 : f32
    %broadcast_in_dim3A_255 = vector.broadcast %jit3A_254 : f32 to vector<16xf32>
    %select_n3A_256 = arith.select %eq3A_253, %broadcast_in_dim3A_255, %get3A_250 : vector<16xi1>, vector<16xf32>
    %get3A_257 = arith.constant 98 : i32
    %get3A_258 = arith.index_cast %get3A_257 : i32 to index
    %get3A_259 = arith.constant 15 : index
    %get3A_260 = tpu.vector_load %arg4[%get3A_258, %get3A_259] {strides = array<i32>} : memref<384x64xf32, #tpu.memory_space<vmem>>, vector<1x16xf32>,
    %get3A_261 = vector.shape_cast %get3A_260 : vector<1x16xf32> to vector<16xf32>
    %get3A_262 = arith.constant 98 : i32
    %get3A_263 = arith.index_cast %get3A_262 : i32 to index
    %get3A_264 = arith.constant 31 : index
    %get3A_265 = tpu.vector_load %arg4[%get3A_263, %get3A_264] {strides = array<i32>} : memref<384x64xf32, #tpu.memory_space<vmem>>, vector<1x16xf32>,
    %get3A_266 = vector.shape_cast %get3A_265 : vector<1x16xf32> to vector<16xf32>
    %get3A_267 = arith.constant 98 : i32
    %get3A_268 = arith.index_cast %get3A_267 : i32 to index
    %get3A_269 = arith.constant 47 : index
    %get3A_270 = tpu.vector_load %arg4[%get3A_268, %get3A_269] {strides = array<i32>} : memref<384x64xf32, #tpu.memory_space<vmem>>, vector<1x16xf32>,
    %get3A_271 = vector.shape_cast %get3A_270 : vector<1x16xf32> to vector<16xf32>
    %swap3A_272 = arith.constant 98 : i32
    %swap3A_273 = arith.index_cast %swap3A_272 : i32 to index
    %swap3A_274 = arith.constant 0 : index
    %swap3A_275 = tpu.vector_load %arg4[%swap3A_273, %swap3A_274] {strides = array<i32>} : memref<384x64xf32, #tpu.memory_space<vmem>>, vector<1x16xf32>,
    %swap3A_276 = vector.shape_cast %swap3A_275 : vector<1x16xf32> to vector<16xf32>
    %swap3A_277 = vector.shape_cast %select_n3A_256 : vector<16xf32> to vector<1x16xf32>
    tpu.vector_store %arg4[%swap3A_273, %swap3A_274], %swap3A_277 {strides = array<i32>} : memref<384x64xf32, #tpu.memory_space<vmem>>, vector<1x16xf32>,
    %swap3A_278 = arith.constant 98 : i32
    %swap3A_279 = arith.index_cast %swap3A_278 : i32 to index
    %swap3A_280 = arith.constant 16 : index
    %swap3A_281 = tpu.vector_load %arg4[%swap3A_279, %swap3A_280] {strides = array<i32>} : memref<384x64xf32, #tpu.memory_space<vmem>>, vector<1x16xf32>,
    %swap3A_282 = vector.shape_cast %swap3A_281 : vector<1x16xf32> to vector<16xf32>
    %swap3A_283 = vector.shape_cast %get3A_261 : vector<16xf32> to vector<1x16xf32>
    tpu.vector_store %arg4[%swap3A_279, %swap3A_280], %swap3A_283 {strides = array<i32>} : memref<384x64xf32, #tpu.memory_space<vmem>>, vector<1x16xf32>,
    %swap3A_284 = arith.constant 98 : i32
    %swap3A_285 = arith.index_cast %swap3A_284 : i32 to index
    %swap3A_286 = arith.constant 32 : index
    %swap3A_287 = tpu.vector_load %arg4[%swap3A_285, %swap3A_286] {strides = array<i32>} : memref<384x64xf32, #tpu.memory_space<vmem>>, vector<1x16xf32>,
    %swap3A_288 = vector.shape_cast %swap3A_287 : vector<1x16xf32> to vector<16xf32>
    %swap3A_289 = vector.shape_cast %get3A_266 : vector<16xf32> to vector<1x16xf32>
    tpu.vector_store %arg4[%swap3A_285, %swap3A_286], %swap3A_289 {strides = array<i32>} : memref<384x64xf32, #tpu.memory_space<vmem>>, vector<1x16xf32>,
    %swap3A_290 = arith.constant 98 : i32
    %swap3A_291 = arith.index_cast %swap3A_290 : i32 to index
    %swap3A_292 = arith.constant 48 : index
    %swap3A_293 = tpu.vector_load %arg4[%swap3A_291, %swap3A_292] {strides = array<i32>} : memref<384x64xf32, #tpu.memory_space<vmem>>, vector<1x16xf32>,
    %swap3A_294 = vector.shape_cast %swap3A_293 : vector<1x16xf32> to vector<16xf32>
    %swap3A_295 = vector.shape_cast %get3A_271 : vector<16xf32> to vector<1x16xf32>
    tpu.vector_store %arg4[%swap3A_291, %swap3A_292], %swap3A_295 {strides = array<i32>} : memref<384x64xf32, #tpu.memory_space<vmem>>, vector<1x16xf32>,
    %get3A_296 = arith.constant 124 : i32
    %get3A_297 = arith.index_cast %get3A_296 : i32 to index
    %get3A_298 = arith.constant 1 : index
    %get3A_299 = tpu.vector_load %arg4[%get3A_297, %get3A_298] {strides = array<i32>} : memref<384x64xf32, #tpu.memory_space<vmem>>, vector<1x16xf32>,
    %get3A_300 = vector.shape_cast %get3A_299 : vector<1x16xf32> to vector<16xf32>
    %get3A_301 = arith.constant 124 : i32
    %get3A_302 = arith.index_cast %get3A_301 : i32 to index
    %get3A_303 = arith.constant 17 : index
    %get3A_304 = tpu.vector_load %arg4[%get3A_302, %get3A_303] {strides = array<i32>} : memref<384x64xf32, #tpu.memory_space<vmem>>, vector<1x16xf32>,
    %get3A_305 = vector.shape_cast %get3A_304 : vector<1x16xf32> to vector<16xf32>
    %get3A_306 = arith.constant 124 : i32
    %get3A_307 = arith.index_cast %get3A_306 : i32 to index
    %get3A_308 = arith.constant 33 : index
    %get3A_309 = tpu.vector_load %arg4[%get3A_307, %get3A_308] {strides = array<i32>} : memref<384x64xf32, #tpu.memory_space<vmem>>, vector<1x16xf32>,
    %get3A_310 = vector.shape_cast %get3A_309 : vector<1x16xf32> to vector<16xf32>
    %get3A_311 = arith.constant 124 : i32
    %get3A_312 = arith.index_cast %get3A_311 : i32 to index
    %get3A_313 = arith.constant 48 : index
    %get3A_314 = tpu.vector_load %arg4[%get3A_312, %get3A_313] {strides = array<i32>} : memref<384x64xf32, #tpu.memory_space<vmem>>, vector<1x16xf32>,
    %get3A_315 = vector.shape_cast %get3A_314 : vector<1x16xf32> to vector<16xf32>
    %swap3A_316 = arith.constant 0 : index
    %swap3A_317 = tpu.vector_load %arg6[%swap3A_316] {strides = array<i32>} : memref<32xf32, #tpu.memory_space<vmem>>, vector<16xf32>,
    %swap3A_318 = vector.shape_cast %swap3A_317 : vector<16xf32> to vector<16xf32>
    %swap3A_319 = vector.shape_cast %get3A_315 : vector<16xf32> to vector<16xf32>
    tpu.vector_store %arg6[%swap3A_316], %swap3A_319 {strides = array<i32>} : memref<32xf32, #tpu.memory_space<vmem>>, vector<16xf32>,
    %get3A_320 = arith.constant 1 : index
    %get3A_321 = tpu.vector_load %arg6[%get3A_320] {strides = array<i32>} : memref<32xf32, #tpu.memory_space<vmem>>, vector<16xf32>,
    %get3A_322 = vector.shape_cast %get3A_321 : vector<16xf32> to vector<16xf32>
    %eq3A_323 = arith.constant 15 : i32
    %eq3A_324 = vector.broadcast %eq3A_323 : i32 to vector<16xi32>
    %eq3A_325 = arith.cmpi eq, %iota3A, %eq3A_324 : vector<16xi32>
    %jit3A_326 = arith.constant 0.000000e+00 : f32
    %broadcast_in_dim3A_327 = vector.broadcast %jit3A_326 : f32 to vector<16xf32>
    %select_n3A_328 = arith.select %eq3A_325, %broadcast_in_dim3A_327, %get3A_322 : vector<16xi1>, vector<16xf32>
    %swap3A_329 = arith.constant 124 : i32
    %swap3A_330 = arith.index_cast %swap3A_329 : i32 to index
    %swap3A_331 = arith.constant 0 : index
    %swap3A_332 = tpu.vector_load %arg4[%swap3A_330, %swap3A_331] {strides = array<i32>} : memref<384x64xf32, #tpu.memory_space<vmem>>, vector<1x16xf32>,
    %swap3A_333 = vector.shape_cast %swap3A_332 : vector<1x16xf32> to vector<16xf32>
    %swap3A_334 = vector.shape_cast %get3A_300 : vector<16xf32> to vector<1x16xf32>
    tpu.vector_store %arg4[%swap3A_330, %swap3A_331], %swap3A_334 {strides = array<i32>} : memref<384x64xf32, #tpu.memory_space<vmem>>, vector<1x16xf32>,
    %swap3A_335 = arith.constant 124 : i32
    %swap3A_336 = arith.index_cast %swap3A_335 : i32 to index
    %swap3A_337 = arith.constant 16 : index
    %swap3A_338 = tpu.vector_load %arg4[%swap3A_336, %swap3A_337] {strides = array<i32>} : memref<384x64xf32, #tpu.memory_space<vmem>>, vector<1x16xf32>,
    %swap3A_339 = vector.shape_cast %swap3A_338 : vector<1x16xf32> to vector<16xf32>
    %swap3A_340 = vector.shape_cast %get3A_305 : vector<16xf32> to vector<1x16xf32>
    tpu.vector_store %arg4[%swap3A_336, %swap3A_337], %swap3A_340 {strides = array<i32>} : memref<384x64xf32, #tpu.memory_space<vmem>>, vector<1x16xf32>,
    %swap3A_341 = arith.constant 124 : i32
    %swap3A_342 = arith.index_cast %swap3A_341 : i32 to index
    %swap3A_343 = arith.constant 32 : index
    %swap3A_344 = tpu.vector_load %arg4[%swap3A_342, %swap3A_343] {strides = array<i32>} : memref<384x64xf32, #tpu.memory_space<vmem>>, vector<1x16xf32>,
    %swap3A_345 = vector.shape_cast %swap3A_344 : vector<1x16xf32> to vector<16xf32>
    %swap3A_346 = vector.shape_cast %get3A_310 : vector<16xf32> to vector<1x16xf32>
    tpu.vector_store %arg4[%swap3A_342, %swap3A_343], %swap3A_346 {strides = array<i32>} : memref<384x64xf32, #tpu.memory_space<vmem>>, vector<1x16xf32>,
    %swap3A_347 = arith.constant 124 : i32
    %swap3A_348 = arith.index_cast %swap3A_347 : i32 to index
    %swap3A_349 = arith.constant 48 : index
    %swap3A_350 = tpu.vector_load %arg4[%swap3A_348, %swap3A_349] {strides = array<i32>} : memref<384x64xf32, #tpu.memory_space<vmem>>, vector<1x16xf32>,
    %swap3A_351 = vector.shape_cast %swap3A_350 : vector<1x16xf32> to vector<16xf32>
    %swap3A_352 = vector.shape_cast %select_n3A_328 : vector<16xf32> to vector<1x16xf32>
    tpu.vector_store %arg4[%swap3A_348, %swap3A_349], %swap3A_352 {strides = array<i32>} : memref<384x64xf32, #tpu.memory_space<vmem>>, vector<1x16xf32>,
    %get3A_353 = arith.constant 132 : i32
    %get3A_354 = arith.index_cast %get3A_353 : i32 to index
    %get3A_355 = arith.constant 0 : index
    %get3A_356 = tpu.vector_load %arg4[%get3A_354, %get3A_355] {strides = array<i32>} : memref<384x64xf32, #tpu.memory_space<vmem>>, vector<1x16xf32>,
    %get3A_357 = vector.shape_cast %get3A_356 : vector<1x16xf32> to vector<16xf32>
    %swap3A_358 = arith.constant 1 : index
    %swap3A_359 = tpu.vector_load %arg6[%swap3A_358] {strides = array<i32>} : memref<32xf32, #tpu.memory_space<vmem>>, vector<16xf32>,
    %swap3A_360 = vector.shape_cast %swap3A_359 : vector<16xf32> to vector<16xf32>
    %swap3A_361 = vector.shape_cast %get3A_357 : vector<16xf32> to vector<16xf32>
    tpu.vector_store %arg6[%swap3A_358], %swap3A_361 {strides = array<i32>} : memref<32xf32, #tpu.memory_space<vmem>>, vector<16xf32>,
    %get3A_362 = arith.constant 0 : index
    %get3A_363 = tpu.vector_load %arg6[%get3A_362] {strides = array<i32>} : memref<32xf32, #tpu.memory_space<vmem>>, vector<16xf32>,
    %get3A_364 = vector.shape_cast %get3A_363 : vector<16xf32> to vector<16xf32>
    %eq3A_365 = arith.constant 0 : i32
    %eq3A_366 = vector.broadcast %eq3A_365 : i32 to vector<16xi32>
    %eq3A_367 = arith.cmpi eq, %iota3A, %eq3A_366 : vector<16xi32>
    %jit3A_368 = arith.constant 0.000000e+00 : f32
    %broadcast_in_dim3A_369 = vector.broadcast %jit3A_368 : f32 to vector<16xf32>
    %select_n3A_370 = arith.select %eq3A_367, %broadcast_in_dim3A_369, %get3A_364 : vector<16xi1>, vector<16xf32>
    %get3A_371 = arith.constant 132 : i32
    %get3A_372 = arith.index_cast %get3A_371 : i32 to index
    %get3A_373 = arith.constant 15 : index
    %get3A_374 = tpu.vector_load %arg4[%get3A_372, %get3A_373] {strides = array<i32>} : memref<384x64xf32, #tpu.memory_space<vmem>>, vector<1x16xf32>,
    %get3A_375 = vector.shape_cast %get3A_374 : vector<1x16xf32> to vector<16xf32>
    %get3A_376 = arith.constant 132 : i32
    %get3A_377 = arith.index_cast %get3A_376 : i32 to index
    %get3A_378 = arith.constant 31 : index
    %get3A_379 = tpu.vector_load %arg4[%get3A_377, %get3A_378] {strides = array<i32>} : memref<384x64xf32, #tpu.memory_space<vmem>>, vector<1x16xf32>,
    %get3A_380 = vector.shape_cast %get3A_379 : vector<1x16xf32> to vector<16xf32>
    %get3A_381 = arith.constant 132 : i32
    %get3A_382 = arith.index_cast %get3A_381 : i32 to index
    %get3A_383 = arith.constant 47 : index
    %get3A_384 = tpu.vector_load %arg4[%get3A_382, %get3A_383] {strides = array<i32>} : memref<384x64xf32, #tpu.memory_space<vmem>>, vector<1x16xf32>,
    %get3A_385 = vector.shape_cast %get3A_384 : vector<1x16xf32> to vector<16xf32>
    %swap3A_386 = arith.constant 132 : i32
    %swap3A_387 = arith.index_cast %swap3A_386 : i32 to index
    %swap3A_388 = arith.constant 0 : index
    %swap3A_389 = tpu.vector_load %arg4[%swap3A_387, %swap3A_388] {strides = array<i32>} : memref<384x64xf32, #tpu.memory_space<vmem>>, vector<1x16xf32>,
    %swap3A_390 = vector.shape_cast %swap3A_389 : vector<1x16xf32> to vector<16xf32>
    %swap3A_391 = vector.shape_cast %select_n3A_370 : vector<16xf32> to vector<1x16xf32>
    tpu.vector_store %arg4[%swap3A_387, %swap3A_388], %swap3A_391 {strides = array<i32>} : memref<384x64xf32, #tpu.memory_space<vmem>>, vector<1x16xf32>,
    %swap3A_392 = arith.constant 132 : i32
    %swap3A_393 = arith.index_cast %swap3A_392 : i32 to index
    %swap3A_394 = arith.constant 16 : index
    %swap3A_395 = tpu.vector_load %arg4[%swap3A_393, %swap3A_394] {strides = array<i32>} : memref<384x64xf32, #tpu.memory_space<vmem>>, vector<1x16xf32>,
    %swap3A_396 = vector.shape_cast %swap3A_395 : vector<1x16xf32> to vector<16xf32>
    %swap3A_397 = vector.shape_cast %get3A_375 : vector<16xf32> to vector<1x16xf32>
    tpu.vector_store %arg4[%swap3A_393, %swap3A_394], %swap3A_397 {strides = array<i32>} : memref<384x64xf32, #tpu.memory_space<vmem>>, vector<1x16xf32>,
    %swap3A_398 = arith.constant 132 : i32
    %swap3A_399 = arith.index_cast %swap3A_398 : i32 to index
    %swap3A_400 = arith.constant 32 : index
    %swap3A_401 = tpu.vector_load %arg4[%swap3A_399, %swap3A_400] {strides = array<i32>} : memref<384x64xf32, #tpu.memory_space<vmem>>, vector<1x16xf32>,
    %swap3A_402 = vector.shape_cast %swap3A_401 : vector<1x16xf32> to vector<16xf32>
    %swap3A_403 = vector.shape_cast %get3A_380 : vector<16xf32> to vector<1x16xf32>
    tpu.vector_store %arg4[%swap3A_399, %swap3A_400], %swap3A_403 {strides = array<i32>} : memref<384x64xf32, #tpu.memory_space<vmem>>, vector<1x16xf32>,
    %swap3A_404 = arith.constant 132 : i32
    %swap3A_405 = arith.index_cast %swap3A_404 : i32 to index
    %swap3A_406 = arith.constant 48 : index
    %swap3A_407 = tpu.vector_load %arg4[%swap3A_405, %swap3A_406] {strides = array<i32>} : memref<384x64xf32, #tpu.memory_space<vmem>>, vector<1x16xf32>,
    %swap3A_408 = vector.shape_cast %swap3A_407 : vector<1x16xf32> to vector<16xf32>
    %swap3A_409 = vector.shape_cast %get3A_385 : vector<16xf32> to vector<1x16xf32>
    tpu.vector_store %arg4[%swap3A_405, %swap3A_406], %swap3A_409 {strides = array<i32>} : memref<384x64xf32, #tpu.memory_space<vmem>>, vector<1x16xf32>,
    %get3A_410 = arith.constant 156 : i32
    %get3A_411 = arith.index_cast %get3A_410 : i32 to index
    %get3A_412 = arith.constant 0 : index
    %get3A_413 = tpu.vector_load %arg4[%get3A_411, %get3A_412] {strides = array<i32>} : memref<384x64xf32, #tpu.memory_space<vmem>>, vector<1x16xf32>,
    %get3A_414 = vector.shape_cast %get3A_413 : vector<1x16xf32> to vector<16xf32>
    %swap3A_415 = arith.constant 1 : index
    %swap3A_416 = tpu.vector_load %arg6[%swap3A_415] {strides = array<i32>} : memref<32xf32, #tpu.memory_space<vmem>>, vector<16xf32>,
    %swap3A_417 = vector.shape_cast %swap3A_416 : vector<16xf32> to vector<16xf32>
    %swap3A_418 = vector.shape_cast %get3A_414 : vector<16xf32> to vector<16xf32>
    tpu.vector_store %arg6[%swap3A_415], %swap3A_418 {strides = array<i32>} : memref<32xf32, #tpu.memory_space<vmem>>, vector<16xf32>,
    %get3A_419 = arith.constant 0 : index
    %get3A_420 = tpu.vector_load %arg6[%get3A_419] {strides = array<i32>} : memref<32xf32, #tpu.memory_space<vmem>>, vector<16xf32>,
    %get3A_421 = vector.shape_cast %get3A_420 : vector<16xf32> to vector<16xf32>
    %eq3A_422 = arith.constant 0 : i32
    %eq3A_423 = vector.broadcast %eq3A_422 : i32 to vector<16xi32>
    %eq3A_424 = arith.cmpi eq, %iota3A, %eq3A_423 : vector<16xi32>
    %jit3A_425 = arith.constant 0.000000e+00 : f32
    %broadcast_in_dim3A_426 = vector.broadcast %jit3A_425 : f32 to vector<16xf32>
    %select_n3A_427 = arith.select %eq3A_424, %broadcast_in_dim3A_426, %get3A_421 : vector<16xi1>, vector<16xf32>
    %get3A_428 = arith.constant 156 : i32
    %get3A_429 = arith.index_cast %get3A_428 : i32 to index
    %get3A_430 = arith.constant 15 : index
    %get3A_431 = tpu.vector_load %arg4[%get3A_429, %get3A_430] {strides = array<i32>} : memref<384x64xf32, #tpu.memory_space<vmem>>, vector<1x16xf32>,
    %get3A_432 = vector.shape_cast %get3A_431 : vector<1x16xf32> to vector<16xf32>
    %get3A_433 = arith.constant 156 : i32
    %get3A_434 = arith.index_cast %get3A_433 : i32 to index
    %get3A_435 = arith.constant 31 : index
    %get3A_436 = tpu.vector_load %arg4[%get3A_434, %get3A_435] {strides = array<i32>} : memref<384x64xf32, #tpu.memory_space<vmem>>, vector<1x16xf32>,
    %get3A_437 = vector.shape_cast %get3A_436 : vector<1x16xf32> to vector<16xf32>
    %get3A_438 = arith.constant 156 : i32
    %get3A_439 = arith.index_cast %get3A_438 : i32 to index
    %get3A_440 = arith.constant 47 : index
    %get3A_441 = tpu.vector_load %arg4[%get3A_439, %get3A_440] {strides = array<i32>} : memref<384x64xf32, #tpu.memory_space<vmem>>, vector<1x16xf32>,
    %get3A_442 = vector.shape_cast %get3A_441 : vector<1x16xf32> to vector<16xf32>
    %swap3A_443 = arith.constant 156 : i32
    %swap3A_444 = arith.index_cast %swap3A_443 : i32 to index
    %swap3A_445 = arith.constant 0 : index
    %swap3A_446 = tpu.vector_load %arg4[%swap3A_444, %swap3A_445] {strides = array<i32>} : memref<384x64xf32, #tpu.memory_space<vmem>>, vector<1x16xf32>,
    %swap3A_447 = vector.shape_cast %swap3A_446 : vector<1x16xf32> to vector<16xf32>
    %swap3A_448 = vector.shape_cast %select_n3A_427 : vector<16xf32> to vector<1x16xf32>
    tpu.vector_store %arg4[%swap3A_444, %swap3A_445], %swap3A_448 {strides = array<i32>} : memref<384x64xf32, #tpu.memory_space<vmem>>, vector<1x16xf32>,
    %swap3A_449 = arith.constant 156 : i32
    %swap3A_450 = arith.index_cast %swap3A_449 : i32 to index
    %swap3A_451 = arith.constant 16 : index
    %swap3A_452 = tpu.vector_load %arg4[%swap3A_450, %swap3A_451] {strides = array<i32>} : memref<384x64xf32, #tpu.memory_space<vmem>>, vector<1x16xf32>,
    %swap3A_453 = vector.shape_cast %swap3A_452 : vector<1x16xf32> to vector<16xf32>
    %swap3A_454 = vector.shape_cast %get3A_432 : vector<16xf32> to vector<1x16xf32>
    tpu.vector_store %arg4[%swap3A_450, %swap3A_451], %swap3A_454 {strides = array<i32>} : memref<384x64xf32, #tpu.memory_space<vmem>>, vector<1x16xf32>,
    %swap3A_455 = arith.constant 156 : i32
    %swap3A_456 = arith.index_cast %swap3A_455 : i32 to index
    %swap3A_457 = arith.constant 32 : index
    %swap3A_458 = tpu.vector_load %arg4[%swap3A_456, %swap3A_457] {strides = array<i32>} : memref<384x64xf32, #tpu.memory_space<vmem>>, vector<1x16xf32>,
    %swap3A_459 = vector.shape_cast %swap3A_458 : vector<1x16xf32> to vector<16xf32>
    %swap3A_460 = vector.shape_cast %get3A_437 : vector<16xf32> to vector<1x16xf32>
    tpu.vector_store %arg4[%swap3A_456, %swap3A_457], %swap3A_460 {strides = array<i32>} : memref<384x64xf32, #tpu.memory_space<vmem>>, vector<1x16xf32>,
    %swap3A_461 = arith.constant 156 : i32
    %swap3A_462 = arith.index_cast %swap3A_461 : i32 to index
    %swap3A_463 = arith.constant 48 : index
    %swap3A_464 = tpu.vector_load %arg4[%swap3A_462, %swap3A_463] {strides = array<i32>} : memref<384x64xf32, #tpu.memory_space<vmem>>, vector<1x16xf32>,
    %swap3A_465 = vector.shape_cast %swap3A_464 : vector<1x16xf32> to vector<16xf32>
    %swap3A_466 = vector.shape_cast %get3A_442 : vector<16xf32> to vector<1x16xf32>
    tpu.vector_store %arg4[%swap3A_462, %swap3A_463], %swap3A_466 {strides = array<i32>} : memref<384x64xf32, #tpu.memory_space<vmem>>, vector<1x16xf32>,
    %get3A_467 = arith.constant 182 : i32
    %get3A_468 = arith.index_cast %get3A_467 : i32 to index
    %get3A_469 = arith.constant 1 : index
    %get3A_470 = tpu.vector_load %arg4[%get3A_468, %get3A_469] {strides = array<i32>} : memref<384x64xf32, #tpu.memory_space<vmem>>, vector<1x16xf32>,
    %get3A_471 = vector.shape_cast %get3A_470 : vector<1x16xf32> to vector<16xf32>
    %get3A_472 = arith.constant 182 : i32
    %get3A_473 = arith.index_cast %get3A_472 : i32 to index
    %get3A_474 = arith.constant 17 : index
    %get3A_475 = tpu.vector_load %arg4[%get3A_473, %get3A_474] {strides = array<i32>} : memref<384x64xf32, #tpu.memory_space<vmem>>, vector<1x16xf32>,
    %get3A_476 = vector.shape_cast %get3A_475 : vector<1x16xf32> to vector<16xf32>
    %get3A_477 = arith.constant 182 : i32
    %get3A_478 = arith.index_cast %get3A_477 : i32 to index
    %get3A_479 = arith.constant 33 : index
    %get3A_480 = tpu.vector_load %arg4[%get3A_478, %get3A_479] {strides = array<i32>} : memref<384x64xf32, #tpu.memory_space<vmem>>, vector<1x16xf32>,
    %get3A_481 = vector.shape_cast %get3A_480 : vector<1x16xf32> to vector<16xf32>
    %get3A_482 = arith.constant 182 : i32
    %get3A_483 = arith.index_cast %get3A_482 : i32 to index
    %get3A_484 = arith.constant 48 : index
    %get3A_485 = tpu.vector_load %arg4[%get3A_483, %get3A_484] {strides = array<i32>} : memref<384x64xf32, #tpu.memory_space<vmem>>, vector<1x16xf32>,
    %get3A_486 = vector.shape_cast %get3A_485 : vector<1x16xf32> to vector<16xf32>
    %swap3A_487 = arith.constant 0 : index
    %swap3A_488 = tpu.vector_load %arg6[%swap3A_487] {strides = array<i32>} : memref<32xf32, #tpu.memory_space<vmem>>, vector<16xf32>,
    %swap3A_489 = vector.shape_cast %swap3A_488 : vector<16xf32> to vector<16xf32>
    %swap3A_490 = vector.shape_cast %get3A_486 : vector<16xf32> to vector<16xf32>
    tpu.vector_store %arg6[%swap3A_487], %swap3A_490 {strides = array<i32>} : memref<32xf32, #tpu.memory_space<vmem>>, vector<16xf32>,
    %get3A_491 = arith.constant 1 : index
    %get3A_492 = tpu.vector_load %arg6[%get3A_491] {strides = array<i32>} : memref<32xf32, #tpu.memory_space<vmem>>, vector<16xf32>,
    %get3A_493 = vector.shape_cast %get3A_492 : vector<16xf32> to vector<16xf32>
    %eq3A_494 = arith.constant 15 : i32
    %eq3A_495 = vector.broadcast %eq3A_494 : i32 to vector<16xi32>
    %eq3A_496 = arith.cmpi eq, %iota3A, %eq3A_495 : vector<16xi32>
    %jit3A_497 = arith.constant 0.000000e+00 : f32
    %broadcast_in_dim3A_498 = vector.broadcast %jit3A_497 : f32 to vector<16xf32>
    %select_n3A_499 = arith.select %eq3A_496, %broadcast_in_dim3A_498, %get3A_493 : vector<16xi1>, vector<16xf32>
    %swap3A_500 = arith.constant 182 : i32
    %swap3A_501 = arith.index_cast %swap3A_500 : i32 to index
    %swap3A_502 = arith.constant 0 : index
    %swap3A_503 = tpu.vector_load %arg4[%swap3A_501, %swap3A_502] {strides = array<i32>} : memref<384x64xf32, #tpu.memory_space<vmem>>, vector<1x16xf32>,
    %swap3A_504 = vector.shape_cast %swap3A_503 : vector<1x16xf32> to vector<16xf32>
    %swap3A_505 = vector.shape_cast %get3A_471 : vector<16xf32> to vector<1x16xf32>
    tpu.vector_store %arg4[%swap3A_501, %swap3A_502], %swap3A_505 {strides = array<i32>} : memref<384x64xf32, #tpu.memory_space<vmem>>, vector<1x16xf32>,
    %swap3A_506 = arith.constant 182 : i32
    %swap3A_507 = arith.index_cast %swap3A_506 : i32 to index
    %swap3A_508 = arith.constant 16 : index
    %swap3A_509 = tpu.vector_load %arg4[%swap3A_507, %swap3A_508] {strides = array<i32>} : memref<384x64xf32, #tpu.memory_space<vmem>>, vector<1x16xf32>,
    %swap3A_510 = vector.shape_cast %swap3A_509 : vector<1x16xf32> to vector<16xf32>
    %swap3A_511 = vector.shape_cast %get3A_476 : vector<16xf32> to vector<1x16xf32>
    tpu.vector_store %arg4[%swap3A_507, %swap3A_508], %swap3A_511 {strides = array<i32>} : memref<384x64xf32, #tpu.memory_space<vmem>>, vector<1x16xf32>,
    %swap3A_512 = arith.constant 182 : i32
    %swap3A_513 = arith.index_cast %swap3A_512 : i32 to index
    %swap3A_514 = arith.constant 32 : index
    %swap3A_515 = tpu.vector_load %arg4[%swap3A_513, %swap3A_514] {strides = array<i32>} : memref<384x64xf32, #tpu.memory_space<vmem>>, vector<1x16xf32>,
    %swap3A_516 = vector.shape_cast %swap3A_515 : vector<1x16xf32> to vector<16xf32>
    %swap3A_517 = vector.shape_cast %get3A_481 : vector<16xf32> to vector<1x16xf32>
    tpu.vector_store %arg4[%swap3A_513, %swap3A_514], %swap3A_517 {strides = array<i32>} : memref<384x64xf32, #tpu.memory_space<vmem>>, vector<1x16xf32>,
    %swap3A_518 = arith.constant 182 : i32
    %swap3A_519 = arith.index_cast %swap3A_518 : i32 to index
    %swap3A_520 = arith.constant 48 : index
    %swap3A_521 = tpu.vector_load %arg4[%swap3A_519, %swap3A_520] {strides = array<i32>} : memref<384x64xf32, #tpu.memory_space<vmem>>, vector<1x16xf32>,
    %swap3A_522 = vector.shape_cast %swap3A_521 : vector<1x16xf32> to vector<16xf32>
    %swap3A_523 = vector.shape_cast %select_n3A_499 : vector<16xf32> to vector<1x16xf32>
    tpu.vector_store %arg4[%swap3A_519, %swap3A_520], %swap3A_523 {strides = array<i32>} : memref<384x64xf32, #tpu.memory_space<vmem>>, vector<1x16xf32>,
    %get3A_524 = arith.constant 195 : i32
    %get3A_525 = arith.index_cast %get3A_524 : i32 to index
    %get3A_526 = arith.constant 0 : index
    %get3A_527 = tpu.vector_load %arg4[%get3A_525, %get3A_526] {strides = array<i32>} : memref<384x64xf32, #tpu.memory_space<vmem>>, vector<1x16xf32>,
    %get3A_528 = vector.shape_cast %get3A_527 : vector<1x16xf32> to vector<16xf32>
    %swap3A_529 = arith.constant 1 : index
    %swap3A_530 = tpu.vector_load %arg6[%swap3A_529] {strides = array<i32>} : memref<32xf32, #tpu.memory_space<vmem>>, vector<16xf32>,
    %swap3A_531 = vector.shape_cast %swap3A_530 : vector<16xf32> to vector<16xf32>
    %swap3A_532 = vector.shape_cast %get3A_528 : vector<16xf32> to vector<16xf32>
    tpu.vector_store %arg6[%swap3A_529], %swap3A_532 {strides = array<i32>} : memref<32xf32, #tpu.memory_space<vmem>>, vector<16xf32>,
    %get3A_533 = arith.constant 0 : index
    %get3A_534 = tpu.vector_load %arg6[%get3A_533] {strides = array<i32>} : memref<32xf32, #tpu.memory_space<vmem>>, vector<16xf32>,
    %get3A_535 = vector.shape_cast %get3A_534 : vector<16xf32> to vector<16xf32>
    %eq3A_536 = arith.constant 0 : i32
    %eq3A_537 = vector.broadcast %eq3A_536 : i32 to vector<16xi32>
    %eq3A_538 = arith.cmpi eq, %iota3A, %eq3A_537 : vector<16xi32>
    %jit3A_539 = arith.constant 0.000000e+00 : f32
    %broadcast_in_dim3A_540 = vector.broadcast %jit3A_539 : f32 to vector<16xf32>
    %select_n3A_541 = arith.select %eq3A_538, %broadcast_in_dim3A_540, %get3A_535 : vector<16xi1>, vector<16xf32>
    %get3A_542 = arith.constant 195 : i32
    %get3A_543 = arith.index_cast %get3A_542 : i32 to index
    %get3A_544 = arith.constant 15 : index
    %get3A_545 = tpu.vector_load %arg4[%get3A_543, %get3A_544] {strides = array<i32>} : memref<384x64xf32, #tpu.memory_space<vmem>>, vector<1x16xf32>,
    %get3A_546 = vector.shape_cast %get3A_545 : vector<1x16xf32> to vector<16xf32>
    %get3A_547 = arith.constant 195 : i32
    %get3A_548 = arith.index_cast %get3A_547 : i32 to index
    %get3A_549 = arith.constant 31 : index
    %get3A_550 = tpu.vector_load %arg4[%get3A_548, %get3A_549] {strides = array<i32>} : memref<384x64xf32, #tpu.memory_space<vmem>>, vector<1x16xf32>,
    %get3A_551 = vector.shape_cast %get3A_550 : vector<1x16xf32> to vector<16xf32>
    %get3A_552 = arith.constant 195 : i32
    %get3A_553 = arith.index_cast %get3A_552 : i32 to index
    %get3A_554 = arith.constant 47 : index
    %get3A_555 = tpu.vector_load %arg4[%get3A_553, %get3A_554] {strides = array<i32>} : memref<384x64xf32, #tpu.memory_space<vmem>>, vector<1x16xf32>,
    %get3A_556 = vector.shape_cast %get3A_555 : vector<1x16xf32> to vector<16xf32>
    %swap3A_557 = arith.constant 195 : i32
    %swap3A_558 = arith.index_cast %swap3A_557 : i32 to index
    %swap3A_559 = arith.constant 0 : index
    %swap3A_560 = tpu.vector_load %arg4[%swap3A_558, %swap3A_559] {strides = array<i32>} : memref<384x64xf32, #tpu.memory_space<vmem>>, vector<1x16xf32>,
    %swap3A_561 = vector.shape_cast %swap3A_560 : vector<1x16xf32> to vector<16xf32>
    %swap3A_562 = vector.shape_cast %select_n3A_541 : vector<16xf32> to vector<1x16xf32>
    tpu.vector_store %arg4[%swap3A_558, %swap3A_559], %swap3A_562 {strides = array<i32>} : memref<384x64xf32, #tpu.memory_space<vmem>>, vector<1x16xf32>,
    %swap3A_563 = arith.constant 195 : i32
    %swap3A_564 = arith.index_cast %swap3A_563 : i32 to index
    %swap3A_565 = arith.constant 16 : index
    %swap3A_566 = tpu.vector_load %arg4[%swap3A_564, %swap3A_565] {strides = array<i32>} : memref<384x64xf32, #tpu.memory_space<vmem>>, vector<1x16xf32>,
    %swap3A_567 = vector.shape_cast %swap3A_566 : vector<1x16xf32> to vector<16xf32>
    %swap3A_568 = vector.shape_cast %get3A_546 : vector<16xf32> to vector<1x16xf32>
    tpu.vector_store %arg4[%swap3A_564, %swap3A_565], %swap3A_568 {strides = array<i32>} : memref<384x64xf32, #tpu.memory_space<vmem>>, vector<1x16xf32>,
    %swap3A_569 = arith.constant 195 : i32
    %swap3A_570 = arith.index_cast %swap3A_569 : i32 to index
    %swap3A_571 = arith.constant 32 : index
    %swap3A_572 = tpu.vector_load %arg4[%swap3A_570, %swap3A_571] {strides = array<i32>} : memref<384x64xf32, #tpu.memory_space<vmem>>, vector<1x16xf32>,
    %swap3A_573 = vector.shape_cast %swap3A_572 : vector<1x16xf32> to vector<16xf32>
    %swap3A_574 = vector.shape_cast %get3A_551 : vector<16xf32> to vector<1x16xf32>
    tpu.vector_store %arg4[%swap3A_570, %swap3A_571], %swap3A_574 {strides = array<i32>} : memref<384x64xf32, #tpu.memory_space<vmem>>, vector<1x16xf32>,
    %swap3A_575 = arith.constant 195 : i32
    %swap3A_576 = arith.index_cast %swap3A_575 : i32 to index
    %swap3A_577 = arith.constant 48 : index
    %swap3A_578 = tpu.vector_load %arg4[%swap3A_576, %swap3A_577] {strides = array<i32>} : memref<384x64xf32, #tpu.memory_space<vmem>>, vector<1x16xf32>,
    %swap3A_579 = vector.shape_cast %swap3A_578 : vector<1x16xf32> to vector<16xf32>
    %swap3A_580 = vector.shape_cast %get3A_556 : vector<16xf32> to vector<1x16xf32>
    tpu.vector_store %arg4[%swap3A_576, %swap3A_577], %swap3A_580 {strides = array<i32>} : memref<384x64xf32, #tpu.memory_space<vmem>>, vector<1x16xf32>,
    %get3A_581 = arith.constant 224 : i32
    %get3A_582 = arith.index_cast %get3A_581 : i32 to index
    %get3A_583 = arith.constant 0 : index
    %get3A_584 = tpu.vector_load %arg4[%get3A_582, %get3A_583] {strides = array<i32>} : memref<384x64xf32, #tpu.memory_space<vmem>>, vector<1x16xf32>,
    %get3A_585 = vector.shape_cast %get3A_584 : vector<1x16xf32> to vector<16xf32>
    %swap3A_586 = arith.constant 1 : index
    %swap3A_587 = tpu.vector_load %arg6[%swap3A_586] {strides = array<i32>} : memref<32xf32, #tpu.memory_space<vmem>>, vector<16xf32>,
    %swap3A_588 = vector.shape_cast %swap3A_587 : vector<16xf32> to vector<16xf32>
    %swap3A_589 = vector.shape_cast %get3A_585 : vector<16xf32> to vector<16xf32>
    tpu.vector_store %arg6[%swap3A_586], %swap3A_589 {strides = array<i32>} : memref<32xf32, #tpu.memory_space<vmem>>, vector<16xf32>,
    %get3A_590 = arith.constant 0 : index
    %get3A_591 = tpu.vector_load %arg6[%get3A_590] {strides = array<i32>} : memref<32xf32, #tpu.memory_space<vmem>>, vector<16xf32>,
    %get3A_592 = vector.shape_cast %get3A_591 : vector<16xf32> to vector<16xf32>
    %eq3A_593 = arith.constant 0 : i32
    %eq3A_594 = vector.broadcast %eq3A_593 : i32 to vector<16xi32>
    %eq3A_595 = arith.cmpi eq, %iota3A, %eq3A_594 : vector<16xi32>
    %jit3A_596 = arith.constant 0.000000e+00 : f32
    %broadcast_in_dim3A_597 = vector.broadcast %jit3A_596 : f32 to vector<16xf32>
    %select_n3A_598 = arith.select %eq3A_595, %broadcast_in_dim3A_597, %get3A_592 : vector<16xi1>, vector<16xf32>
    %get3A_599 = arith.constant 224 : i32
    %get3A_600 = arith.index_cast %get3A_599 : i32 to index
    %get3A_601 = arith.constant 15 : index
    %get3A_602 = tpu.vector_load %arg4[%get3A_600, %get3A_601] {strides = array<i32>} : memref<384x64xf32, #tpu.memory_space<vmem>>, vector<1x16xf32>,
    %get3A_603 = vector.shape_cast %get3A_602 : vector<1x16xf32> to vector<16xf32>
    %get3A_604 = arith.constant 224 : i32
    %get3A_605 = arith.index_cast %get3A_604 : i32 to index
    %get3A_606 = arith.constant 31 : index
    %get3A_607 = tpu.vector_load %arg4[%get3A_605, %get3A_606] {strides = array<i32>} : memref<384x64xf32, #tpu.memory_space<vmem>>, vector<1x16xf32>,
    %get3A_608 = vector.shape_cast %get3A_607 : vector<1x16xf32> to vector<16xf32>
    %get3A_609 = arith.constant 224 : i32
    %get3A_610 = arith.index_cast %get3A_609 : i32 to index
    %get3A_611 = arith.constant 47 : index
    %get3A_612 = tpu.vector_load %arg4[%get3A_610, %get3A_611] {strides = array<i32>} : memref<384x64xf32, #tpu.memory_space<vmem>>, vector<1x16xf32>,
    %get3A_613 = vector.shape_cast %get3A_612 : vector<1x16xf32> to vector<16xf32>
    %swap3A_614 = arith.constant 224 : i32
    %swap3A_615 = arith.index_cast %swap3A_614 : i32 to index
    %swap3A_616 = arith.constant 0 : index
    %swap3A_617 = tpu.vector_load %arg4[%swap3A_615, %swap3A_616] {strides = array<i32>} : memref<384x64xf32, #tpu.memory_space<vmem>>, vector<1x16xf32>,
    %swap3A_618 = vector.shape_cast %swap3A_617 : vector<1x16xf32> to vector<16xf32>
    %swap3A_619 = vector.shape_cast %select_n3A_598 : vector<16xf32> to vector<1x16xf32>
    tpu.vector_store %arg4[%swap3A_615, %swap3A_616], %swap3A_619 {strides = array<i32>} : memref<384x64xf32, #tpu.memory_space<vmem>>, vector<1x16xf32>,
    %swap3A_620 = arith.constant 224 : i32
    %swap3A_621 = arith.index_cast %swap3A_620 : i32 to index
    %swap3A_622 = arith.constant 16 : index
    %swap3A_623 = tpu.vector_load %arg4[%swap3A_621, %swap3A_622] {strides = array<i32>} : memref<384x64xf32, #tpu.memory_space<vmem>>, vector<1x16xf32>,
    %swap3A_624 = vector.shape_cast %swap3A_623 : vector<1x16xf32> to vector<16xf32>
    %swap3A_625 = vector.shape_cast %get3A_603 : vector<16xf32> to vector<1x16xf32>
    tpu.vector_store %arg4[%swap3A_621, %swap3A_622], %swap3A_625 {strides = array<i32>} : memref<384x64xf32, #tpu.memory_space<vmem>>, vector<1x16xf32>,
    %swap3A_626 = arith.constant 224 : i32
    %swap3A_627 = arith.index_cast %swap3A_626 : i32 to index
    %swap3A_628 = arith.constant 32 : index
    %swap3A_629 = tpu.vector_load %arg4[%swap3A_627, %swap3A_628] {strides = array<i32>} : memref<384x64xf32, #tpu.memory_space<vmem>>, vector<1x16xf32>,
    %swap3A_630 = vector.shape_cast %swap3A_629 : vector<1x16xf32> to vector<16xf32>
    %swap3A_631 = vector.shape_cast %get3A_608 : vector<16xf32> to vector<1x16xf32>
    tpu.vector_store %arg4[%swap3A_627, %swap3A_628], %swap3A_631 {strides = array<i32>} : memref<384x64xf32, #tpu.memory_space<vmem>>, vector<1x16xf32>,
    %swap3A_632 = arith.constant 224 : i32
    %swap3A_633 = arith.index_cast %swap3A_632 : i32 to index
    %swap3A_634 = arith.constant 48 : index
    %swap3A_635 = tpu.vector_load %arg4[%swap3A_633, %swap3A_634] {strides = array<i32>} : memref<384x64xf32, #tpu.memory_space<vmem>>, vector<1x16xf32>,
    %swap3A_636 = vector.shape_cast %swap3A_635 : vector<1x16xf32> to vector<16xf32>
    %swap3A_637 = vector.shape_cast %get3A_613 : vector<16xf32> to vector<1x16xf32>
    tpu.vector_store %arg4[%swap3A_633, %swap3A_634], %swap3A_637 {strides = array<i32>} : memref<384x64xf32, #tpu.memory_space<vmem>>, vector<1x16xf32>,
    %get3A_638 = arith.constant 245 : i32
    %get3A_639 = arith.index_cast %get3A_638 : i32 to index
    %get3A_640 = arith.constant 0 : index
    %get3A_641 = tpu.vector_load %arg4[%get3A_639, %get3A_640] {strides = array<i32>} : memref<384x64xf32, #tpu.memory_space<vmem>>, vector<1x16xf32>,
    %get3A_642 = vector.shape_cast %get3A_641 : vector<1x16xf32> to vector<16xf32>
    %swap3A_643 = arith.constant 1 : index
    %swap3A_644 = tpu.vector_load %arg6[%swap3A_643] {strides = array<i32>} : memref<32xf32, #tpu.memory_space<vmem>>, vector<16xf32>,
    %swap3A_645 = vector.shape_cast %swap3A_644 : vector<16xf32> to vector<16xf32>
    %swap3A_646 = vector.shape_cast %get3A_642 : vector<16xf32> to vector<16xf32>
    tpu.vector_store %arg6[%swap3A_643], %swap3A_646 {strides = array<i32>} : memref<32xf32, #tpu.memory_space<vmem>>, vector<16xf32>,
    %get3A_647 = arith.constant 0 : index
    %get3A_648 = tpu.vector_load %arg6[%get3A_647] {strides = array<i32>} : memref<32xf32, #tpu.memory_space<vmem>>, vector<16xf32>,
    %get3A_649 = vector.shape_cast %get3A_648 : vector<16xf32> to vector<16xf32>
    %eq3A_650 = arith.constant 0 : i32
    %eq3A_651 = vector.broadcast %eq3A_650 : i32 to vector<16xi32>
    %eq3A_652 = arith.cmpi eq, %iota3A, %eq3A_651 : vector<16xi32>
    %jit3A_653 = arith.constant 0.000000e+00 : f32
    %broadcast_in_dim3A_654 = vector.broadcast %jit3A_653 : f32 to vector<16xf32>
    %select_n3A_655 = arith.select %eq3A_652, %broadcast_in_dim3A_654, %get3A_649 : vector<16xi1>, vector<16xf32>
    %get3A_656 = arith.constant 245 : i32
    %get3A_657 = arith.index_cast %get3A_656 : i32 to index
    %get3A_658 = arith.constant 15 : index
    %get3A_659 = tpu.vector_load %arg4[%get3A_657, %get3A_658] {strides = array<i32>} : memref<384x64xf32, #tpu.memory_space<vmem>>, vector<1x16xf32>,
    %get3A_660 = vector.shape_cast %get3A_659 : vector<1x16xf32> to vector<16xf32>
    %get3A_661 = arith.constant 245 : i32
    %get3A_662 = arith.index_cast %get3A_661 : i32 to index
    %get3A_663 = arith.constant 31 : index
    %get3A_664 = tpu.vector_load %arg4[%get3A_662, %get3A_663] {strides = array<i32>} : memref<384x64xf32, #tpu.memory_space<vmem>>, vector<1x16xf32>,
    %get3A_665 = vector.shape_cast %get3A_664 : vector<1x16xf32> to vector<16xf32>
    %get3A_666 = arith.constant 245 : i32
    %get3A_667 = arith.index_cast %get3A_666 : i32 to index
    %get3A_668 = arith.constant 47 : index
    %get3A_669 = tpu.vector_load %arg4[%get3A_667, %get3A_668] {strides = array<i32>} : memref<384x64xf32, #tpu.memory_space<vmem>>, vector<1x16xf32>,
    %get3A_670 = vector.shape_cast %get3A_669 : vector<1x16xf32> to vector<16xf32>
    %swap3A_671 = arith.constant 245 : i32
    %swap3A_672 = arith.index_cast %swap3A_671 : i32 to index
    %swap3A_673 = arith.constant 0 : index
    %swap3A_674 = tpu.vector_load %arg4[%swap3A_672, %swap3A_673] {strides = array<i32>} : memref<384x64xf32, #tpu.memory_space<vmem>>, vector<1x16xf32>,
    %swap3A_675 = vector.shape_cast %swap3A_674 : vector<1x16xf32> to vector<16xf32>
    %swap3A_676 = vector.shape_cast %select_n3A_655 : vector<16xf32> to vector<1x16xf32>
    tpu.vector_store %arg4[%swap3A_672, %swap3A_673], %swap3A_676 {strides = array<i32>} : memref<384x64xf32, #tpu.memory_space<vmem>>, vector<1x16xf32>,
    %swap3A_677 = arith.constant 245 : i32
    %swap3A_678 = arith.index_cast %swap3A_677 : i32 to index
    %swap3A_679 = arith.constant 16 : index
    %swap3A_680 = tpu.vector_load %arg4[%swap3A_678, %swap3A_679] {strides = array<i32>} : memref<384x64xf32, #tpu.memory_space<vmem>>, vector<1x16xf32>,
    %swap3A_681 = vector.shape_cast %swap3A_680 : vector<1x16xf32> to vector<16xf32>
    %swap3A_682 = vector.shape_cast %get3A_660 : vector<16xf32> to vector<1x16xf32>
    tpu.vector_store %arg4[%swap3A_678, %swap3A_679], %swap3A_682 {strides = array<i32>} : memref<384x64xf32, #tpu.memory_space<vmem>>, vector<1x16xf32>,
    %swap3A_683 = arith.constant 245 : i32
    %swap3A_684 = arith.index_cast %swap3A_683 : i32 to index
    %swap3A_685 = arith.constant 32 : index
    %swap3A_686 = tpu.vector_load %arg4[%swap3A_684, %swap3A_685] {strides = array<i32>} : memref<384x64xf32, #tpu.memory_space<vmem>>, vector<1x16xf32>,
    %swap3A_687 = vector.shape_cast %swap3A_686 : vector<1x16xf32> to vector<16xf32>
    %swap3A_688 = vector.shape_cast %get3A_665 : vector<16xf32> to vector<1x16xf32>
    tpu.vector_store %arg4[%swap3A_684, %swap3A_685], %swap3A_688 {strides = array<i32>} : memref<384x64xf32, #tpu.memory_space<vmem>>, vector<1x16xf32>,
    %swap3A_689 = arith.constant 245 : i32
    %swap3A_690 = arith.index_cast %swap3A_689 : i32 to index
    %swap3A_691 = arith.constant 48 : index
    %swap3A_692 = tpu.vector_load %arg4[%swap3A_690, %swap3A_691] {strides = array<i32>} : memref<384x64xf32, #tpu.memory_space<vmem>>, vector<1x16xf32>,
    %swap3A_693 = vector.shape_cast %swap3A_692 : vector<1x16xf32> to vector<16xf32>
    %swap3A_694 = vector.shape_cast %get3A_670 : vector<16xf32> to vector<1x16xf32>
    tpu.vector_store %arg4[%swap3A_690, %swap3A_691], %swap3A_694 {strides = array<i32>} : memref<384x64xf32, #tpu.memory_space<vmem>>, vector<1x16xf32>,
    %get3A_695 = arith.constant 252 : i32
    %get3A_696 = arith.index_cast %get3A_695 : i32 to index
    %get3A_697 = arith.constant 0 : index
    %get3A_698 = tpu.vector_load %arg4[%get3A_696, %get3A_697] {strides = array<i32>} : memref<384x64xf32, #tpu.memory_space<vmem>>, vector<1x16xf32>,
    %get3A_699 = vector.shape_cast %get3A_698 : vector<1x16xf32> to vector<16xf32>
    %swap3A_700 = arith.constant 1 : index
    %swap3A_701 = tpu.vector_load %arg6[%swap3A_700] {strides = array<i32>} : memref<32xf32, #tpu.memory_space<vmem>>, vector<16xf32>,
    %swap3A_702 = vector.shape_cast %swap3A_701 : vector<16xf32> to vector<16xf32>
    %swap3A_703 = vector.shape_cast %get3A_699 : vector<16xf32> to vector<16xf32>
    tpu.vector_store %arg6[%swap3A_700], %swap3A_703 {strides = array<i32>} : memref<32xf32, #tpu.memory_space<vmem>>, vector<16xf32>,
    %get3A_704 = arith.constant 0 : index
    %get3A_705 = tpu.vector_load %arg6[%get3A_704] {strides = array<i32>} : memref<32xf32, #tpu.memory_space<vmem>>, vector<16xf32>,
    %get3A_706 = vector.shape_cast %get3A_705 : vector<16xf32> to vector<16xf32>
    %eq3A_707 = arith.constant 0 : i32
    %eq3A_708 = vector.broadcast %eq3A_707 : i32 to vector<16xi32>
    %eq3A_709 = arith.cmpi eq, %iota3A, %eq3A_708 : vector<16xi32>
    %jit3A_710 = arith.constant 0.000000e+00 : f32
    %broadcast_in_dim3A_711 = vector.broadcast %jit3A_710 : f32 to vector<16xf32>
    %select_n3A_712 = arith.select %eq3A_709, %broadcast_in_dim3A_711, %get3A_706 : vector<16xi1>, vector<16xf32>
    %get3A_713 = arith.constant 252 : i32
    %get3A_714 = arith.index_cast %get3A_713 : i32 to index
    %get3A_715 = arith.constant 15 : index
    %get3A_716 = tpu.vector_load %arg4[%get3A_714, %get3A_715] {strides = array<i32>} : memref<384x64xf32, #tpu.memory_space<vmem>>, vector<1x16xf32>,
    %get3A_717 = vector.shape_cast %get3A_716 : vector<1x16xf32> to vector<16xf32>
    %get3A_718 = arith.constant 252 : i32
    %get3A_719 = arith.index_cast %get3A_718 : i32 to index
    %get3A_720 = arith.constant 31 : index
    %get3A_721 = tpu.vector_load %arg4[%get3A_719, %get3A_720] {strides = array<i32>} : memref<384x64xf32, #tpu.memory_space<vmem>>, vector<1x16xf32>,
    %get3A_722 = vector.shape_cast %get3A_721 : vector<1x16xf32> to vector<16xf32>
    %get3A_723 = arith.constant 252 : i32
    %get3A_724 = arith.index_cast %get3A_723 : i32 to index
    %get3A_725 = arith.constant 47 : index
    %get3A_726 = tpu.vector_load %arg4[%get3A_724, %get3A_725] {strides = array<i32>} : memref<384x64xf32, #tpu.memory_space<vmem>>, vector<1x16xf32>,
    %get3A_727 = vector.shape_cast %get3A_726 : vector<1x16xf32> to vector<16xf32>
    %swap3A_728 = arith.constant 252 : i32
    %swap3A_729 = arith.index_cast %swap3A_728 : i32 to index
    %swap3A_730 = arith.constant 0 : index
    %swap3A_731 = tpu.vector_load %arg4[%swap3A_729, %swap3A_730] {strides = array<i32>} : memref<384x64xf32, #tpu.memory_space<vmem>>, vector<1x16xf32>,
    %swap3A_732 = vector.shape_cast %swap3A_731 : vector<1x16xf32> to vector<16xf32>
    %swap3A_733 = vector.shape_cast %select_n3A_712 : vector<16xf32> to vector<1x16xf32>
    tpu.vector_store %arg4[%swap3A_729, %swap3A_730], %swap3A_733 {strides = array<i32>} : memref<384x64xf32, #tpu.memory_space<vmem>>, vector<1x16xf32>,
    %swap3A_734 = arith.constant 252 : i32
    %swap3A_735 = arith.index_cast %swap3A_734 : i32 to index
    %swap3A_736 = arith.constant 16 : index
    %swap3A_737 = tpu.vector_load %arg4[%swap3A_735, %swap3A_736] {strides = array<i32>} : memref<384x64xf32, #tpu.memory_space<vmem>>, vector<1x16xf32>,
    %swap3A_738 = vector.shape_cast %swap3A_737 : vector<1x16xf32> to vector<16xf32>
    %swap3A_739 = vector.shape_cast %get3A_717 : vector<16xf32> to vector<1x16xf32>
    tpu.vector_store %arg4[%swap3A_735, %swap3A_736], %swap3A_739 {strides = array<i32>} : memref<384x64xf32, #tpu.memory_space<vmem>>, vector<1x16xf32>,
    %swap3A_740 = arith.constant 252 : i32
    %swap3A_741 = arith.index_cast %swap3A_740 : i32 to index
    %swap3A_742 = arith.constant 32 : index
    %swap3A_743 = tpu.vector_load %arg4[%swap3A_741, %swap3A_742] {strides = array<i32>} : memref<384x64xf32, #tpu.memory_space<vmem>>, vector<1x16xf32>,
    %swap3A_744 = vector.shape_cast %swap3A_743 : vector<1x16xf32> to vector<16xf32>
    %swap3A_745 = vector.shape_cast %get3A_722 : vector<16xf32> to vector<1x16xf32>
    tpu.vector_store %arg4[%swap3A_741, %swap3A_742], %swap3A_745 {strides = array<i32>} : memref<384x64xf32, #tpu.memory_space<vmem>>, vector<1x16xf32>,
    %swap3A_746 = arith.constant 252 : i32
    %swap3A_747 = arith.index_cast %swap3A_746 : i32 to index
    %swap3A_748 = arith.constant 48 : index
    %swap3A_749 = tpu.vector_load %arg4[%swap3A_747, %swap3A_748] {strides = array<i32>} : memref<384x64xf32, #tpu.memory_space<vmem>>, vector<1x16xf32>,
    %swap3A_750 = vector.shape_cast %swap3A_749 : vector<1x16xf32> to vector<16xf32>
    %swap3A_751 = vector.shape_cast %get3A_727 : vector<16xf32> to vector<1x16xf32>
    tpu.vector_store %arg4[%swap3A_747, %swap3A_748], %swap3A_751 {strides = array<i32>} : memref<384x64xf32, #tpu.memory_space<vmem>>, vector<1x16xf32>,
    %get3A_752 = arith.constant 361 : i32
    %get3A_753 = arith.index_cast %get3A_752 : i32 to index
    %get3A_754 = arith.constant 1 : index
    %get3A_755 = tpu.vector_load %arg4[%get3A_753, %get3A_754] {strides = array<i32>} : memref<384x64xf32, #tpu.memory_space<vmem>>, vector<1x16xf32>,
    %get3A_756 = vector.shape_cast %get3A_755 : vector<1x16xf32> to vector<16xf32>
    %get3A_757 = arith.constant 361 : i32
    %get3A_758 = arith.index_cast %get3A_757 : i32 to index
    %get3A_759 = arith.constant 17 : index
    %get3A_760 = tpu.vector_load %arg4[%get3A_758, %get3A_759] {strides = array<i32>} : memref<384x64xf32, #tpu.memory_space<vmem>>, vector<1x16xf32>,
    %get3A_761 = vector.shape_cast %get3A_760 : vector<1x16xf32> to vector<16xf32>
    %get3A_762 = arith.constant 361 : i32
    %get3A_763 = arith.index_cast %get3A_762 : i32 to index
    %get3A_764 = arith.constant 33 : index
    %get3A_765 = tpu.vector_load %arg4[%get3A_763, %get3A_764] {strides = array<i32>} : memref<384x64xf32, #tpu.memory_space<vmem>>, vector<1x16xf32>,
    %get3A_766 = vector.shape_cast %get3A_765 : vector<1x16xf32> to vector<16xf32>
    %get3A_767 = arith.constant 361 : i32
    %get3A_768 = arith.index_cast %get3A_767 : i32 to index
    %get3A_769 = arith.constant 48 : index
    %get3A_770 = tpu.vector_load %arg4[%get3A_768, %get3A_769] {strides = array<i32>} : memref<384x64xf32, #tpu.memory_space<vmem>>, vector<1x16xf32>,
    %get3A_771 = vector.shape_cast %get3A_770 : vector<1x16xf32> to vector<16xf32>
    %swap3A_772 = arith.constant 0 : index
    %swap3A_773 = tpu.vector_load %arg6[%swap3A_772] {strides = array<i32>} : memref<32xf32, #tpu.memory_space<vmem>>, vector<16xf32>,
    %swap3A_774 = vector.shape_cast %swap3A_773 : vector<16xf32> to vector<16xf32>
    %swap3A_775 = vector.shape_cast %get3A_771 : vector<16xf32> to vector<16xf32>
    tpu.vector_store %arg6[%swap3A_772], %swap3A_775 {strides = array<i32>} : memref<32xf32, #tpu.memory_space<vmem>>, vector<16xf32>,
    %get3A_776 = arith.constant 1 : index
    %get3A_777 = tpu.vector_load %arg6[%get3A_776] {strides = array<i32>} : memref<32xf32, #tpu.memory_space<vmem>>, vector<16xf32>,
    %get3A_778 = vector.shape_cast %get3A_777 : vector<16xf32> to vector<16xf32>
    %eq3A_779 = arith.constant 15 : i32
    %eq3A_780 = vector.broadcast %eq3A_779 : i32 to vector<16xi32>
    %eq3A_781 = arith.cmpi eq, %iota3A, %eq3A_780 : vector<16xi32>
    %jit3A_782 = arith.constant 0.000000e+00 : f32
    %broadcast_in_dim3A_783 = vector.broadcast %jit3A_782 : f32 to vector<16xf32>
    %select_n3A_784 = arith.select %eq3A_781, %broadcast_in_dim3A_783, %get3A_778 : vector<16xi1>, vector<16xf32>
    %swap3A_785 = arith.constant 361 : i32
    %swap3A_786 = arith.index_cast %swap3A_785 : i32 to index
    %swap3A_787 = arith.constant 0 : index
    %swap3A_788 = tpu.vector_load %arg4[%swap3A_786, %swap3A_787] {strides = array<i32>} : memref<384x64xf32, #tpu.memory_space<vmem>>, vector<1x16xf32>,
    %swap3A_789 = vector.shape_cast %swap3A_788 : vector<1x16xf32> to vector<16xf32>
    %swap3A_790 = vector.shape_cast %get3A_756 : vector<16xf32> to vector<1x16xf32>
    tpu.vector_store %arg4[%swap3A_786, %swap3A_787], %swap3A_790 {strides = array<i32>} : memref<384x64xf32, #tpu.memory_space<vmem>>, vector<1x16xf32>,
    %swap3A_791 = arith.constant 361 : i32
    %swap3A_792 = arith.index_cast %swap3A_791 : i32 to index
    %swap3A_793 = arith.constant 16 : index
    %swap3A_794 = tpu.vector_load %arg4[%swap3A_792, %swap3A_793] {strides = array<i32>} : memref<384x64xf32, #tpu.memory_space<vmem>>, vector<1x16xf32>,
    %swap3A_795 = vector.shape_cast %swap3A_794 : vector<1x16xf32> to vector<16xf32>
    %swap3A_796 = vector.shape_cast %get3A_761 : vector<16xf32> to vector<1x16xf32>
    tpu.vector_store %arg4[%swap3A_792, %swap3A_793], %swap3A_796 {strides = array<i32>} : memref<384x64xf32, #tpu.memory_space<vmem>>, vector<1x16xf32>,
    %swap3A_797 = arith.constant 361 : i32
    %swap3A_798 = arith.index_cast %swap3A_797 : i32 to index
    %swap3A_799 = arith.constant 32 : index
    %swap3A_800 = tpu.vector_load %arg4[%swap3A_798, %swap3A_799] {strides = array<i32>} : memref<384x64xf32, #tpu.memory_space<vmem>>, vector<1x16xf32>,
    %swap3A_801 = vector.shape_cast %swap3A_800 : vector<1x16xf32> to vector<16xf32>
    %swap3A_802 = vector.shape_cast %get3A_766 : vector<16xf32> to vector<1x16xf32>
    tpu.vector_store %arg4[%swap3A_798, %swap3A_799], %swap3A_802 {strides = array<i32>} : memref<384x64xf32, #tpu.memory_space<vmem>>, vector<1x16xf32>,
    %swap3A_803 = arith.constant 361 : i32
    %swap3A_804 = arith.index_cast %swap3A_803 : i32 to index
    %swap3A_805 = arith.constant 48 : index
    %swap3A_806 = tpu.vector_load %arg4[%swap3A_804, %swap3A_805] {strides = array<i32>} : memref<384x64xf32, #tpu.memory_space<vmem>>, vector<1x16xf32>,
    %swap3A_807 = vector.shape_cast %swap3A_806 : vector<1x16xf32> to vector<16xf32>
    %swap3A_808 = vector.shape_cast %select_n3A_784 : vector<16xf32> to vector<1x16xf32>
    tpu.vector_store %arg4[%swap3A_804, %swap3A_805], %swap3A_808 {strides = array<i32>} : memref<384x64xf32, #tpu.memory_space<vmem>>, vector<1x16xf32>,
    %add3A_809 = arith.constant 0 : i32
    %add3A_810 = arith.addi %mul3A_2, %add3A_809 : i32
    %dma_start3A_811 = arith.constant 0 : i32
    %dma_start3A_812 = tpu.memref_slice %arg3[%add3A_810, %dma_start3A_811] : memref<73728x64xf32, #tpu.memory_space<hbm>> -> memref<384x64xf32, #tpu.memory_space<hbm>>
    %dma_start3A_813 = arith.constant 0 : i32
    %dma_start3A_814 = tpu.memref_slice %arg3[%add3A_810, %dma_start3A_813] : memref<73728x64xf32, #tpu.memory_space<hbm>> -> memref<384x64xf32, #tpu.memory_space<hbm>>
    tpu.enqueue_dma source(%arg4 : memref<384x64xf32, #tpu.memory_space<vmem>>) target(%dma_start3A_814 : memref<384x64xf32, #tpu.memory_space<hbm>>) target_semaphore(%arg9 : memref<!tpu.dma_semaphore, #tpu.memory_space<semaphore_mem>>)
    %dma_wait3A_815 = arith.constant 0 : i32
    %dma_wait3A_816 = tpu.memref_slice %arg3[%add3A_810, %dma_wait3A_815] : memref<73728x64xf32, #tpu.memory_space<hbm>> -> memref<384x64xf32, #tpu.memory_space<hbm>>
    %dma_wait3A_817 = arith.constant 0 : i32
    %dma_wait3A_818 = tpu.memref_slice %arg3[%add3A_810, %dma_wait3A_817] : memref<73728x64xf32, #tpu.memory_space<hbm>> -> memref<384x64xf32, #tpu.memory_space<hbm>>
    tpu.wait_dma2 semaphore(%arg9 : memref<!tpu.dma_semaphore, #tpu.memory_space<semaphore_mem>>) src(%arg4 : memref<384x64xf32, #tpu.memory_space<vmem>>) dst(%dma_wait3A_818 : memref<384x64xf32, #tpu.memory_space<hbm>>)
    %add3A_819 = arith.constant 768 : i32
    %add3A_820 = arith.addi %mul3A_2, %add3A_819 : i32
    %dma_start3A_821 = arith.constant 0 : i32
    %dma_start3A_822 = tpu.memref_slice %arg2[%add3A_820, %dma_start3A_821] : memref<73728x64xf32, #tpu.memory_space<hbm>> -> memref<384x64xf32, #tpu.memory_space<hbm>>
    %dma_start3A_823 = arith.constant 0 : i32
    %dma_start3A_824 = tpu.memref_slice %arg2[%add3A_820, %dma_start3A_823] : memref<73728x64xf32, #tpu.memory_space<hbm>> -> memref<384x64xf32, #tpu.memory_space<hbm>>
    tpu.enqueue_dma source(%dma_start3A_824 : memref<384x64xf32, #tpu.memory_space<hbm>>) target(%arg4 : memref<384x64xf32, #tpu.memory_space<vmem>>) target_semaphore(%arg7 : memref<!tpu.dma_semaphore, #tpu.memory_space<semaphore_mem>>)
    %dma_wait3A_825 = arith.constant 0 : i32
    %dma_wait3A_826 = tpu.memref_slice %arg2[%add3A_9, %dma_wait3A_825] : memref<73728x64xf32, #tpu.memory_space<hbm>> -> memref<384x64xf32, #tpu.memory_space<hbm>>
    %dma_wait3A_827 = arith.constant 0 : i32
    %dma_wait3A_828 = tpu.memref_slice %arg2[%add3A_9, %dma_wait3A_827] : memref<73728x64xf32, #tpu.memory_space<hbm>> -> memref<384x64xf32, #tpu.memory_space<hbm>>
    tpu.wait_dma2 semaphore(%arg8 : memref<!tpu.dma_semaphore, #tpu.memory_space<semaphore_mem>>) src(%dma_wait3A_828 : memref<384x64xf32, #tpu.memory_space<hbm>>) dst(%arg5 : memref<384x64xf32, #tpu.memory_space<vmem>>)
    %get3A_829 = arith.constant 0 : i32
    %get3A_830 = arith.index_cast %get3A_829 : i32 to index
    %get3A_831 = arith.constant 0 : index
    %get3A_832 = tpu.vector_load %arg5[%get3A_830, %get3A_831] {strides = array<i32>} : memref<384x64xf32, #tpu.memory_space<vmem>>, vector<1x16xf32>,
    %get3A_833 = vector.shape_cast %get3A_832 : vector<1x16xf32> to vector<16xf32>
    %swap3A_834 = arith.constant 1 : index
    %swap3A_835 = tpu.vector_load %arg6[%swap3A_834] {strides = array<i32>} : memref<32xf32, #tpu.memory_space<vmem>>, vector<16xf32>,
    %swap3A_836 = vector.shape_cast %swap3A_835 : vector<16xf32> to vector<16xf32>
    %swap3A_837 = vector.shape_cast %get3A_833 : vector<16xf32> to vector<16xf32>
    tpu.vector_store %arg6[%swap3A_834], %swap3A_837 {strides = array<i32>} : memref<32xf32, #tpu.memory_space<vmem>>, vector<16xf32>,
    %get3A_838 = arith.constant 0 : index
    %get3A_839 = tpu.vector_load %arg6[%get3A_838] {strides = array<i32>} : memref<32xf32, #tpu.memory_space<vmem>>, vector<16xf32>,
    %get3A_840 = vector.shape_cast %get3A_839 : vector<16xf32> to vector<16xf32>
    %eq3A_841 = arith.constant 0 : i32
    %eq3A_842 = vector.broadcast %eq3A_841 : i32 to vector<16xi32>
    %eq3A_843 = arith.cmpi eq, %iota3A, %eq3A_842 : vector<16xi32>
    %jit3A_844 = arith.constant 0.000000e+00 : f32
    %broadcast_in_dim3A_845 = vector.broadcast %jit3A_844 : f32 to vector<16xf32>
    %select_n3A_846 = arith.select %eq3A_843, %broadcast_in_dim3A_845, %get3A_840 : vector<16xi1>, vector<16xf32>
    %get3A_847 = arith.constant 0 : i32
    %get3A_848 = arith.index_cast %get3A_847 : i32 to index
    %get3A_849 = arith.constant 15 : index
    %get3A_850 = tpu.vector_load %arg5[%get3A_848, %get3A_849] {strides = array<i32>} : memref<384x64xf32, #tpu.memory_space<vmem>>, vector<1x16xf32>,
    %get3A_851 = vector.shape_cast %get3A_850 : vector<1x16xf32> to vector<16xf32>
    %get3A_852 = arith.constant 0 : i32
    %get3A_853 = arith.index_cast %get3A_852 : i32 to index
    %get3A_854 = arith.constant 31 : index
    %get3A_855 = tpu.vector_load %arg5[%get3A_853, %get3A_854] {strides = array<i32>} : memref<384x64xf32, #tpu.memory_space<vmem>>, vector<1x16xf32>,
    %get3A_856 = vector.shape_cast %get3A_855 : vector<1x16xf32> to vector<16xf32>
    %get3A_857 = arith.constant 0 : i32
    %get3A_858 = arith.index_cast %get3A_857 : i32 to index
    %get3A_859 = arith.constant 47 : index
    %get3A_860 = tpu.vector_load %arg5[%get3A_858, %get3A_859] {strides = array<i32>} : memref<384x64xf32, #tpu.memory_space<vmem>>, vector<1x16xf32>,
    %get3A_861 = vector.shape_cast %get3A_860 : vector<1x16xf32> to vector<16xf32>
    %swap3A_862 = arith.constant 0 : i32
    %swap3A_863 = arith.index_cast %swap3A_862 : i32 to index
    %swap3A_864 = arith.constant 0 : index
    %swap3A_865 = tpu.vector_load %arg5[%swap3A_863, %swap3A_864] {strides = array<i32>} : memref<384x64xf32, #tpu.memory_space<vmem>>, vector<1x16xf32>,
    %swap3A_866 = vector.shape_cast %swap3A_865 : vector<1x16xf32> to vector<16xf32>
    %swap3A_867 = vector.shape_cast %select_n3A_846 : vector<16xf32> to vector<1x16xf32>
    tpu.vector_store %arg5[%swap3A_863, %swap3A_864], %swap3A_867 {strides = array<i32>} : memref<384x64xf32, #tpu.memory_space<vmem>>, vector<1x16xf32>,
    %swap3A_868 = arith.constant 0 : i32
    %swap3A_869 = arith.index_cast %swap3A_868 : i32 to index
    %swap3A_870 = arith.constant 16 : index
    %swap3A_871 = tpu.vector_load %arg5[%swap3A_869, %swap3A_870] {strides = array<i32>} : memref<384x64xf32, #tpu.memory_space<vmem>>, vector<1x16xf32>,
    %swap3A_872 = vector.shape_cast %swap3A_871 : vector<1x16xf32> to vector<16xf32>
    %swap3A_873 = vector.shape_cast %get3A_851 : vector<16xf32> to vector<1x16xf32>
    tpu.vector_store %arg5[%swap3A_869, %swap3A_870], %swap3A_873 {strides = array<i32>} : memref<384x64xf32, #tpu.memory_space<vmem>>, vector<1x16xf32>,
    %swap3A_874 = arith.constant 0 : i32
    %swap3A_875 = arith.index_cast %swap3A_874 : i32 to index
    %swap3A_876 = arith.constant 32 : index
    %swap3A_877 = tpu.vector_load %arg5[%swap3A_875, %swap3A_876] {strides = array<i32>} : memref<384x64xf32, #tpu.memory_space<vmem>>, vector<1x16xf32>,
    %swap3A_878 = vector.shape_cast %swap3A_877 : vector<1x16xf32> to vector<16xf32>
    %swap3A_879 = vector.shape_cast %get3A_856 : vector<16xf32> to vector<1x16xf32>
    tpu.vector_store %arg5[%swap3A_875, %swap3A_876], %swap3A_879 {strides = array<i32>} : memref<384x64xf32, #tpu.memory_space<vmem>>, vector<1x16xf32>,
    %swap3A_880 = arith.constant 0 : i32
    %swap3A_881 = arith.index_cast %swap3A_880 : i32 to index
    %swap3A_882 = arith.constant 48 : index
    %swap3A_883 = tpu.vector_load %arg5[%swap3A_881, %swap3A_882] {strides = array<i32>} : memref<384x64xf32, #tpu.memory_space<vmem>>, vector<1x16xf32>,
    %swap3A_884 = vector.shape_cast %swap3A_883 : vector<1x16xf32> to vector<16xf32>
    %swap3A_885 = vector.shape_cast %get3A_861 : vector<16xf32> to vector<1x16xf32>
    tpu.vector_store %arg5[%swap3A_881, %swap3A_882], %swap3A_885 {strides = array<i32>} : memref<384x64xf32, #tpu.memory_space<vmem>>, vector<1x16xf32>,
    %get3A_886 = arith.constant 56 : i32
    %get3A_887 = arith.index_cast %get3A_886 : i32 to index
    %get3A_888 = arith.constant 0 : index
    %get3A_889 = tpu.vector_load %arg5[%get3A_887, %get3A_888] {strides = array<i32>} : memref<384x64xf32, #tpu.memory_space<vmem>>, vector<1x16xf32>,
    %get3A_890 = vector.shape_cast %get3A_889 : vector<1x16xf32> to vector<16xf32>
    %swap3A_891 = arith.constant 1 : index
    %swap3A_892 = tpu.vector_load %arg6[%swap3A_891] {strides = array<i32>} : memref<32xf32, #tpu.memory_space<vmem>>, vector<16xf32>,
    %swap3A_893 = vector.shape_cast %swap3A_892 : vector<16xf32> to vector<16xf32>
    %swap3A_894 = vector.shape_cast %get3A_890 : vector<16xf32> to vector<16xf32>
    tpu.vector_store %arg6[%swap3A_891], %swap3A_894 {strides = array<i32>} : memref<32xf32, #tpu.memory_space<vmem>>, vector<16xf32>,
    %get3A_895 = arith.constant 0 : index
    %get3A_896 = tpu.vector_load %arg6[%get3A_895] {strides = array<i32>} : memref<32xf32, #tpu.memory_space<vmem>>, vector<16xf32>,
    %get3A_897 = vector.shape_cast %get3A_896 : vector<16xf32> to vector<16xf32>
    %eq3A_898 = arith.constant 0 : i32
    %eq3A_899 = vector.broadcast %eq3A_898 : i32 to vector<16xi32>
    %eq3A_900 = arith.cmpi eq, %iota3A, %eq3A_899 : vector<16xi32>
    %jit3A_901 = arith.constant 0.000000e+00 : f32
    %broadcast_in_dim3A_902 = vector.broadcast %jit3A_901 : f32 to vector<16xf32>
    %select_n3A_903 = arith.select %eq3A_900, %broadcast_in_dim3A_902, %get3A_897 : vector<16xi1>, vector<16xf32>
    %get3A_904 = arith.constant 56 : i32
    %get3A_905 = arith.index_cast %get3A_904 : i32 to index
    %get3A_906 = arith.constant 15 : index
    %get3A_907 = tpu.vector_load %arg5[%get3A_905, %get3A_906] {strides = array<i32>} : memref<384x64xf32, #tpu.memory_space<vmem>>, vector<1x16xf32>,
    %get3A_908 = vector.shape_cast %get3A_907 : vector<1x16xf32> to vector<16xf32>
    %get3A_909 = arith.constant 56 : i32
    %get3A_910 = arith.index_cast %get3A_909 : i32 to index
    %get3A_911 = arith.constant 31 : index
    %get3A_912 = tpu.vector_load %arg5[%get3A_910, %get3A_911] {strides = array<i32>} : memref<384x64xf32, #tpu.memory_space<vmem>>, vector<1x16xf32>,
    %get3A_913 = vector.shape_cast %get3A_912 : vector<1x16xf32> to vector<16xf32>
    %get3A_914 = arith.constant 56 : i32
    %get3A_915 = arith.index_cast %get3A_914 : i32 to index
    %get3A_916 = arith.constant 47 : index
    %get3A_917 = tpu.vector_load %arg5[%get3A_915, %get3A_916] {strides = array<i32>} : memref<384x64xf32, #tpu.memory_space<vmem>>, vector<1x16xf32>,
    %get3A_918 = vector.shape_cast %get3A_917 : vector<1x16xf32> to vector<16xf32>
    %swap3A_919 = arith.constant 56 : i32
    %swap3A_920 = arith.index_cast %swap3A_919 : i32 to index
    %swap3A_921 = arith.constant 0 : index
    %swap3A_922 = tpu.vector_load %arg5[%swap3A_920, %swap3A_921] {strides = array<i32>} : memref<384x64xf32, #tpu.memory_space<vmem>>, vector<1x16xf32>,
    %swap3A_923 = vector.shape_cast %swap3A_922 : vector<1x16xf32> to vector<16xf32>
    %swap3A_924 = vector.shape_cast %select_n3A_903 : vector<16xf32> to vector<1x16xf32>
    tpu.vector_store %arg5[%swap3A_920, %swap3A_921], %swap3A_924 {strides = array<i32>} : memref<384x64xf32, #tpu.memory_space<vmem>>, vector<1x16xf32>,
    %swap3A_925 = arith.constant 56 : i32
    %swap3A_926 = arith.index_cast %swap3A_925 : i32 to index
    %swap3A_927 = arith.constant 16 : index
    %swap3A_928 = tpu.vector_load %arg5[%swap3A_926, %swap3A_927] {strides = array<i32>} : memref<384x64xf32, #tpu.memory_space<vmem>>, vector<1x16xf32>,
    %swap3A_929 = vector.shape_cast %swap3A_928 : vector<1x16xf32> to vector<16xf32>
    %swap3A_930 = vector.shape_cast %get3A_908 : vector<16xf32> to vector<1x16xf32>
    tpu.vector_store %arg5[%swap3A_926, %swap3A_927], %swap3A_930 {strides = array<i32>} : memref<384x64xf32, #tpu.memory_space<vmem>>, vector<1x16xf32>,
    %swap3A_931 = arith.constant 56 : i32
    %swap3A_932 = arith.index_cast %swap3A_931 : i32 to index
    %swap3A_933 = arith.constant 32 : index
    %swap3A_934 = tpu.vector_load %arg5[%swap3A_932, %swap3A_933] {strides = array<i32>} : memref<384x64xf32, #tpu.memory_space<vmem>>, vector<1x16xf32>,
    %swap3A_935 = vector.shape_cast %swap3A_934 : vector<1x16xf32> to vector<16xf32>
    %swap3A_936 = vector.shape_cast %get3A_913 : vector<16xf32> to vector<1x16xf32>
    tpu.vector_store %arg5[%swap3A_932, %swap3A_933], %swap3A_936 {strides = array<i32>} : memref<384x64xf32, #tpu.memory_space<vmem>>, vector<1x16xf32>,
    %swap3A_937 = arith.constant 56 : i32
    %swap3A_938 = arith.index_cast %swap3A_937 : i32 to index
    %swap3A_939 = arith.constant 48 : index
    %swap3A_940 = tpu.vector_load %arg5[%swap3A_938, %swap3A_939] {strides = array<i32>} : memref<384x64xf32, #tpu.memory_space<vmem>>, vector<1x16xf32>,
    %swap3A_941 = vector.shape_cast %swap3A_940 : vector<1x16xf32> to vector<16xf32>
    %swap3A_942 = vector.shape_cast %get3A_918 : vector<16xf32> to vector<1x16xf32>
    tpu.vector_store %arg5[%swap3A_938, %swap3A_939], %swap3A_942 {strides = array<i32>} : memref<384x64xf32, #tpu.memory_space<vmem>>, vector<1x16xf32>,
    %get3A_943 = arith.constant 77 : i32
    %get3A_944 = arith.index_cast %get3A_943 : i32 to index
    %get3A_945 = arith.constant 0 : index
    %get3A_946 = tpu.vector_load %arg5[%get3A_944, %get3A_945] {strides = array<i32>} : memref<384x64xf32, #tpu.memory_space<vmem>>, vector<1x16xf32>,
    %get3A_947 = vector.shape_cast %get3A_946 : vector<1x16xf32> to vector<16xf32>
    %swap3A_948 = arith.constant 1 : index
    %swap3A_949 = tpu.vector_load %arg6[%swap3A_948] {strides = array<i32>} : memref<32xf32, #tpu.memory_space<vmem>>, vector<16xf32>,
    %swap3A_950 = vector.shape_cast %swap3A_949 : vector<16xf32> to vector<16xf32>
    %swap3A_951 = vector.shape_cast %get3A_947 : vector<16xf32> to vector<16xf32>
    tpu.vector_store %arg6[%swap3A_948], %swap3A_951 {strides = array<i32>} : memref<32xf32, #tpu.memory_space<vmem>>, vector<16xf32>,
    %get3A_952 = arith.constant 0 : index
    %get3A_953 = tpu.vector_load %arg6[%get3A_952] {strides = array<i32>} : memref<32xf32, #tpu.memory_space<vmem>>, vector<16xf32>,
    %get3A_954 = vector.shape_cast %get3A_953 : vector<16xf32> to vector<16xf32>
    %eq3A_955 = arith.constant 0 : i32
    %eq3A_956 = vector.broadcast %eq3A_955 : i32 to vector<16xi32>
    %eq3A_957 = arith.cmpi eq, %iota3A, %eq3A_956 : vector<16xi32>
    %jit3A_958 = arith.constant 0.000000e+00 : f32
    %broadcast_in_dim3A_959 = vector.broadcast %jit3A_958 : f32 to vector<16xf32>
    %select_n3A_960 = arith.select %eq3A_957, %broadcast_in_dim3A_959, %get3A_954 : vector<16xi1>, vector<16xf32>
    %get3A_961 = arith.constant 77 : i32
    %get3A_962 = arith.index_cast %get3A_961 : i32 to index
    %get3A_963 = arith.constant 15 : index
    %get3A_964 = tpu.vector_load %arg5[%get3A_962, %get3A_963] {strides = array<i32>} : memref<384x64xf32, #tpu.memory_space<vmem>>, vector<1x16xf32>,
    %get3A_965 = vector.shape_cast %get3A_964 : vector<1x16xf32> to vector<16xf32>
    %get3A_966 = arith.constant 77 : i32
    %get3A_967 = arith.index_cast %get3A_966 : i32 to index
    %get3A_968 = arith.constant 31 : index
    %get3A_969 = tpu.vector_load %arg5[%get3A_967, %get3A_968] {strides = array<i32>} : memref<384x64xf32, #tpu.memory_space<vmem>>, vector<1x16xf32>,
    %get3A_970 = vector.shape_cast %get3A_969 : vector<1x16xf32> to vector<16xf32>
    %get3A_971 = arith.constant 77 : i32
    %get3A_972 = arith.index_cast %get3A_971 : i32 to index
    %get3A_973 = arith.constant 47 : index
    %get3A_974 = tpu.vector_load %arg5[%get3A_972, %get3A_973] {strides = array<i32>} : memref<384x64xf32, #tpu.memory_space<vmem>>, vector<1x16xf32>,
    %get3A_975 = vector.shape_cast %get3A_974 : vector<1x16xf32> to vector<16xf32>
    %swap3A_976 = arith.constant 77 : i32
    %swap3A_977 = arith.index_cast %swap3A_976 : i32 to index
    %swap3A_978 = arith.constant 0 : index
    %swap3A_979 = tpu.vector_load %arg5[%swap3A_977, %swap3A_978] {strides = array<i32>} : memref<384x64xf32, #tpu.memory_space<vmem>>, vector<1x16xf32>,
    %swap3A_980 = vector.shape_cast %swap3A_979 : vector<1x16xf32> to vector<16xf32>
    %swap3A_981 = vector.shape_cast %select_n3A_960 : vector<16xf32> to vector<1x16xf32>
    tpu.vector_store %arg5[%swap3A_977, %swap3A_978], %swap3A_981 {strides = array<i32>} : memref<384x64xf32, #tpu.memory_space<vmem>>, vector<1x16xf32>,
    %swap3A_982 = arith.constant 77 : i32
    %swap3A_983 = arith.index_cast %swap3A_982 : i32 to index
    %swap3A_984 = arith.constant 16 : index
    %swap3A_985 = tpu.vector_load %arg5[%swap3A_983, %swap3A_984] {strides = array<i32>} : memref<384x64xf32, #tpu.memory_space<vmem>>, vector<1x16xf32>,
    %swap3A_986 = vector.shape_cast %swap3A_985 : vector<1x16xf32> to vector<16xf32>
    %swap3A_987 = vector.shape_cast %get3A_965 : vector<16xf32> to vector<1x16xf32>
    tpu.vector_store %arg5[%swap3A_983, %swap3A_984], %swap3A_987 {strides = array<i32>} : memref<384x64xf32, #tpu.memory_space<vmem>>, vector<1x16xf32>,
    %swap3A_988 = arith.constant 77 : i32
    %swap3A_989 = arith.index_cast %swap3A_988 : i32 to index
    %swap3A_990 = arith.constant 32 : index
    %swap3A_991 = tpu.vector_load %arg5[%swap3A_989, %swap3A_990] {strides = array<i32>} : memref<384x64xf32, #tpu.memory_space<vmem>>, vector<1x16xf32>,
    %swap3A_992 = vector.shape_cast %swap3A_991 : vector<1x16xf32> to vector<16xf32>
    %swap3A_993 = vector.shape_cast %get3A_970 : vector<16xf32> to vector<1x16xf32>
    tpu.vector_store %arg5[%swap3A_989, %swap3A_990], %swap3A_993 {strides = array<i32>} : memref<384x64xf32, #tpu.memory_space<vmem>>, vector<1x16xf32>,
    %swap3A_994 = arith.constant 77 : i32
    %swap3A_995 = arith.index_cast %swap3A_994 : i32 to index
    %swap3A_996 = arith.constant 48 : index
    %swap3A_997 = tpu.vector_load %arg5[%swap3A_995, %swap3A_996] {strides = array<i32>} : memref<384x64xf32, #tpu.memory_space<vmem>>, vector<1x16xf32>,
    %swap3A_998 = vector.shape_cast %swap3A_997 : vector<1x16xf32> to vector<16xf32>
    %swap3A_999 = vector.shape_cast %get3A_975 : vector<16xf32> to vector<1x16xf32>
    tpu.vector_store %arg5[%swap3A_995, %swap3A_996], %swap3A_999 {strides = array<i32>} : memref<384x64xf32, #tpu.memory_space<vmem>>, vector<1x16xf32>,
    %get3A_1000 = arith.constant 102 : i32
    %get3A_1001 = arith.index_cast %get3A_1000 : i32 to index
    %get3A_1002 = arith.constant 1 : index
    %get3A_1003 = tpu.vector_load %arg5[%get3A_1001, %get3A_1002] {strides = array<i32>} : memref<384x64xf32, #tpu.memory_space<vmem>>, vector<1x16xf32>,
    %get3A_1004 = vector.shape_cast %get3A_1003 : vector<1x16xf32> to vector<16xf32>
    %get3A_1005 = arith.constant 102 : i32
    %get3A_1006 = arith.index_cast %get3A_1005 : i32 to index
    %get3A_1007 = arith.constant 17 : index
    %get3A_1008 = tpu.vector_load %arg5[%get3A_1006, %get3A_1007] {strides = array<i32>} : memref<384x64xf32, #tpu.memory_space<vmem>>, vector<1x16xf32>,
    %get3A_1009 = vector.shape_cast %get3A_1008 : vector<1x16xf32> to vector<16xf32>
    %get3A_1010 = arith.constant 102 : i32
    %get3A_1011 = arith.index_cast %get3A_1010 : i32 to index
    %get3A_1012 = arith.constant 33 : index
    %get3A_1013 = tpu.vector_load %arg5[%get3A_1011, %get3A_1012] {strides = array<i32>} : memref<384x64xf32, #tpu.memory_space<vmem>>, vector<1x16xf32>,
    %get3A_1014 = vector.shape_cast %get3A_1013 : vector<1x16xf32> to vector<16xf32>
    %get3A_1015 = arith.constant 102 : i32
    %get3A_1016 = arith.index_cast %get3A_1015 : i32 to index
    %get3A_1017 = arith.constant 48 : index
    %get3A_1018 = tpu.vector_load %arg5[%get3A_1016, %get3A_1017] {strides = array<i32>} : memref<384x64xf32, #tpu.memory_space<vmem>>, vector<1x16xf32>,
    %get3A_1019 = vector.shape_cast %get3A_1018 : vector<1x16xf32> to vector<16xf32>
    %swap3A_1020 = arith.constant 0 : index
    %swap3A_1021 = tpu.vector_load %arg6[%swap3A_1020] {strides = array<i32>} : memref<32xf32, #tpu.memory_space<vmem>>, vector<16xf32>,
    %swap3A_1022 = vector.shape_cast %swap3A_1021 : vector<16xf32> to vector<16xf32>
    %swap3A_1023 = vector.shape_cast %get3A_1019 : vector<16xf32> to vector<16xf32>
    tpu.vector_store %arg6[%swap3A_1020], %swap3A_1023 {strides = array<i32>} : memref<32xf32, #tpu.memory_space<vmem>>, vector<16xf32>,
    %get3A_1024 = arith.constant 1 : index
    %get3A_1025 = tpu.vector_load %arg6[%get3A_1024] {strides = array<i32>} : memref<32xf32, #tpu.memory_space<vmem>>, vector<16xf32>,
    %get3A_1026 = vector.shape_cast %get3A_1025 : vector<16xf32> to vector<16xf32>
    %eq3A_1027 = arith.constant 15 : i32
    %eq3A_1028 = vector.broadcast %eq3A_1027 : i32 to vector<16xi32>
    %eq3A_1029 = arith.cmpi eq, %iota3A, %eq3A_1028 : vector<16xi32>
    %jit3A_1030 = arith.constant 0.000000e+00 : f32
    %broadcast_in_dim3A_1031 = vector.broadcast %jit3A_1030 : f32 to vector<16xf32>
    %select_n3A_1032 = arith.select %eq3A_1029, %broadcast_in_dim3A_1031, %get3A_1026 : vector<16xi1>, vector<16xf32>
    %swap3A_1033 = arith.constant 102 : i32
    %swap3A_1034 = arith.index_cast %swap3A_1033 : i32 to index
    %swap3A_1035 = arith.constant 0 : index
    %swap3A_1036 = tpu.vector_load %arg5[%swap3A_1034, %swap3A_1035] {strides = array<i32>} : memref<384x64xf32, #tpu.memory_space<vmem>>, vector<1x16xf32>,
    %swap3A_1037 = vector.shape_cast %swap3A_1036 : vector<1x16xf32> to vector<16xf32>
    %swap3A_1038 = vector.shape_cast %get3A_1004 : vector<16xf32> to vector<1x16xf32>
    tpu.vector_store %arg5[%swap3A_1034, %swap3A_1035], %swap3A_1038 {strides = array<i32>} : memref<384x64xf32, #tpu.memory_space<vmem>>, vector<1x16xf32>,
    %swap3A_1039 = arith.constant 102 : i32
    %swap3A_1040 = arith.index_cast %swap3A_1039 : i32 to index
    %swap3A_1041 = arith.constant 16 : index
    %swap3A_1042 = tpu.vector_load %arg5[%swap3A_1040, %swap3A_1041] {strides = array<i32>} : memref<384x64xf32, #tpu.memory_space<vmem>>, vector<1x16xf32>,
    %swap3A_1043 = vector.shape_cast %swap3A_1042 : vector<1x16xf32> to vector<16xf32>
    %swap3A_1044 = vector.shape_cast %get3A_1009 : vector<16xf32> to vector<1x16xf32>
    tpu.vector_store %arg5[%swap3A_1040, %swap3A_1041], %swap3A_1044 {strides = array<i32>} : memref<384x64xf32, #tpu.memory_space<vmem>>, vector<1x16xf32>,
    %swap3A_1045 = arith.constant 102 : i32
    %swap3A_1046 = arith.index_cast %swap3A_1045 : i32 to index
    %swap3A_1047 = arith.constant 32 : index
    %swap3A_1048 = tpu.vector_load %arg5[%swap3A_1046, %swap3A_1047] {strides = array<i32>} : memref<384x64xf32, #tpu.memory_space<vmem>>, vector<1x16xf32>,
    %swap3A_1049 = vector.shape_cast %swap3A_1048 : vector<1x16xf32> to vector<16xf32>
    %swap3A_1050 = vector.shape_cast %get3A_1014 : vector<16xf32> to vector<1x16xf32>
    tpu.vector_store %arg5[%swap3A_1046, %swap3A_1047], %swap3A_1050 {strides = array<i32>} : memref<384x64xf32, #tpu.memory_space<vmem>>, vector<1x16xf32>,
    %swap3A_1051 = arith.constant 102 : i32
    %swap3A_1052 = arith.index_cast %swap3A_1051 : i32 to index
    %swap3A_1053 = arith.constant 48 : index
    %swap3A_1054 = tpu.vector_load %arg5[%swap3A_1052, %swap3A_1053] {strides = array<i32>} : memref<384x64xf32, #tpu.memory_space<vmem>>, vector<1x16xf32>,
    %swap3A_1055 = vector.shape_cast %swap3A_1054 : vector<1x16xf32> to vector<16xf32>
    %swap3A_1056 = vector.shape_cast %select_n3A_1032 : vector<16xf32> to vector<1x16xf32>
    tpu.vector_store %arg5[%swap3A_1052, %swap3A_1053], %swap3A_1056 {strides = array<i32>} : memref<384x64xf32, #tpu.memory_space<vmem>>, vector<1x16xf32>,
    %get3A_1057 = arith.constant 117 : i32
    %get3A_1058 = arith.index_cast %get3A_1057 : i32 to index
    %get3A_1059 = arith.constant 0 : index
    %get3A_1060 = tpu.vector_load %arg5[%get3A_1058, %get3A_1059] {strides = array<i32>} : memref<384x64xf32, #tpu.memory_space<vmem>>, vector<1x16xf32>,
    %get3A_1061 = vector.shape_cast %get3A_1060 : vector<1x16xf32> to vector<16xf32>
    %swap3A_1062 = arith.constant 1 : index
    %swap3A_1063 = tpu.vector_load %arg6[%swap3A_1062] {strides = array<i32>} : memref<32xf32, #tpu.memory_space<vmem>>, vector<16xf32>,
    %swap3A_1064 = vector.shape_cast %swap3A_1063 : vector<16xf32> to vector<16xf32>
    %swap3A_1065 = vector.shape_cast %get3A_1061 : vector<16xf32> to vector<16xf32>
    tpu.vector_store %arg6[%swap3A_1062], %swap3A_1065 {strides = array<i32>} : memref<32xf32, #tpu.memory_space<vmem>>, vector<16xf32>,
    %get3A_1066 = arith.constant 0 : index
    %get3A_1067 = tpu.vector_load %arg6[%get3A_1066] {strides = array<i32>} : memref<32xf32, #tpu.memory_space<vmem>>, vector<16xf32>,
    %get3A_1068 = vector.shape_cast %get3A_1067 : vector<16xf32> to vector<16xf32>
    %eq3A_1069 = arith.constant 0 : i32
    %eq3A_1070 = vector.broadcast %eq3A_1069 : i32 to vector<16xi32>
    %eq3A_1071 = arith.cmpi eq, %iota3A, %eq3A_1070 : vector<16xi32>
    %jit3A_1072 = arith.constant 0.000000e+00 : f32
    %broadcast_in_dim3A_1073 = vector.broadcast %jit3A_1072 : f32 to vector<16xf32>
    %select_n3A_1074 = arith.select %eq3A_1071, %broadcast_in_dim3A_1073, %get3A_1068 : vector<16xi1>, vector<16xf32>
    %get3A_1075 = arith.constant 117 : i32
    %get3A_1076 = arith.index_cast %get3A_1075 : i32 to index
    %get3A_1077 = arith.constant 15 : index
    %get3A_1078 = tpu.vector_load %arg5[%get3A_1076, %get3A_1077] {strides = array<i32>} : memref<384x64xf32, #tpu.memory_space<vmem>>, vector<1x16xf32>,
    %get3A_1079 = vector.shape_cast %get3A_1078 : vector<1x16xf32> to vector<16xf32>
    %get3A_1080 = arith.constant 117 : i32
    %get3A_1081 = arith.index_cast %get3A_1080 : i32 to index
    %get3A_1082 = arith.constant 31 : index
    %get3A_1083 = tpu.vector_load %arg5[%get3A_1081, %get3A_1082] {strides = array<i32>} : memref<384x64xf32, #tpu.memory_space<vmem>>, vector<1x16xf32>,
    %get3A_1084 = vector.shape_cast %get3A_1083 : vector<1x16xf32> to vector<16xf32>
    %get3A_1085 = arith.constant 117 : i32
    %get3A_1086 = arith.index_cast %get3A_1085 : i32 to index
    %get3A_1087 = arith.constant 47 : index
    %get3A_1088 = tpu.vector_load %arg5[%get3A_1086, %get3A_1087] {strides = array<i32>} : memref<384x64xf32, #tpu.memory_space<vmem>>, vector<1x16xf32>,
    %get3A_1089 = vector.shape_cast %get3A_1088 : vector<1x16xf32> to vector<16xf32>
    %swap3A_1090 = arith.constant 117 : i32
    %swap3A_1091 = arith.index_cast %swap3A_1090 : i32 to index
    %swap3A_1092 = arith.constant 0 : index
    %swap3A_1093 = tpu.vector_load %arg5[%swap3A_1091, %swap3A_1092] {strides = array<i32>} : memref<384x64xf32, #tpu.memory_space<vmem>>, vector<1x16xf32>,
    %swap3A_1094 = vector.shape_cast %swap3A_1093 : vector<1x16xf32> to vector<16xf32>
    %swap3A_1095 = vector.shape_cast %select_n3A_1074 : vector<16xf32> to vector<1x16xf32>
    tpu.vector_store %arg5[%swap3A_1091, %swap3A_1092], %swap3A_1095 {strides = array<i32>} : memref<384x64xf32, #tpu.memory_space<vmem>>, vector<1x16xf32>,
    %swap3A_1096 = arith.constant 117 : i32
    %swap3A_1097 = arith.index_cast %swap3A_1096 : i32 to index
    %swap3A_1098 = arith.constant 16 : index
    %swap3A_1099 = tpu.vector_load %arg5[%swap3A_1097, %swap3A_1098] {strides = array<i32>} : memref<384x64xf32, #tpu.memory_space<vmem>>, vector<1x16xf32>,
    %swap3A_1100 = vector.shape_cast %swap3A_1099 : vector<1x16xf32> to vector<16xf32>
    %swap3A_1101 = vector.shape_cast %get3A_1079 : vector<16xf32> to vector<1x16xf32>
    tpu.vector_store %arg5[%swap3A_1097, %swap3A_1098], %swap3A_1101 {strides = array<i32>} : memref<384x64xf32, #tpu.memory_space<vmem>>, vector<1x16xf32>,
    %swap3A_1102 = arith.constant 117 : i32
    %swap3A_1103 = arith.index_cast %swap3A_1102 : i32 to index
    %swap3A_1104 = arith.constant 32 : index
    %swap3A_1105 = tpu.vector_load %arg5[%swap3A_1103, %swap3A_1104] {strides = array<i32>} : memref<384x64xf32, #tpu.memory_space<vmem>>, vector<1x16xf32>,
    %swap3A_1106 = vector.shape_cast %swap3A_1105 : vector<1x16xf32> to vector<16xf32>
    %swap3A_1107 = vector.shape_cast %get3A_1084 : vector<16xf32> to vector<1x16xf32>
    tpu.vector_store %arg5[%swap3A_1103, %swap3A_1104], %swap3A_1107 {strides = array<i32>} : memref<384x64xf32, #tpu.memory_space<vmem>>, vector<1x16xf32>,
    %swap3A_1108 = arith.constant 117 : i32
    %swap3A_1109 = arith.index_cast %swap3A_1108 : i32 to index
    %swap3A_1110 = arith.constant 48 : index
    %swap3A_1111 = tpu.vector_load %arg5[%swap3A_1109, %swap3A_1110] {strides = array<i32>} : memref<384x64xf32, #tpu.memory_space<vmem>>, vector<1x16xf32>,
    %swap3A_1112 = vector.shape_cast %swap3A_1111 : vector<1x16xf32> to vector<16xf32>
    %swap3A_1113 = vector.shape_cast %get3A_1089 : vector<16xf32> to vector<1x16xf32>
    tpu.vector_store %arg5[%swap3A_1109, %swap3A_1110], %swap3A_1113 {strides = array<i32>} : memref<384x64xf32, #tpu.memory_space<vmem>>, vector<1x16xf32>,
    %get3A_1114 = arith.constant 128 : i32
    %get3A_1115 = arith.index_cast %get3A_1114 : i32 to index
    %get3A_1116 = arith.constant 1 : index
    %get3A_1117 = tpu.vector_load %arg5[%get3A_1115, %get3A_1116] {strides = array<i32>} : memref<384x64xf32, #tpu.memory_space<vmem>>, vector<1x16xf32>,
    %get3A_1118 = vector.shape_cast %get3A_1117 : vector<1x16xf32> to vector<16xf32>
    %get3A_1119 = arith.constant 128 : i32
    %get3A_1120 = arith.index_cast %get3A_1119 : i32 to index
    %get3A_1121 = arith.constant 17 : index
    %get3A_1122 = tpu.vector_load %arg5[%get3A_1120, %get3A_1121] {strides = array<i32>} : memref<384x64xf32, #tpu.memory_space<vmem>>, vector<1x16xf32>,
    %get3A_1123 = vector.shape_cast %get3A_1122 : vector<1x16xf32> to vector<16xf32>
    %get3A_1124 = arith.constant 128 : i32
    %get3A_1125 = arith.index_cast %get3A_1124 : i32 to index
    %get3A_1126 = arith.constant 33 : index
    %get3A_1127 = tpu.vector_load %arg5[%get3A_1125, %get3A_1126] {strides = array<i32>} : memref<384x64xf32, #tpu.memory_space<vmem>>, vector<1x16xf32>,
    %get3A_1128 = vector.shape_cast %get3A_1127 : vector<1x16xf32> to vector<16xf32>
    %get3A_1129 = arith.constant 128 : i32
    %get3A_1130 = arith.index_cast %get3A_1129 : i32 to index
    %get3A_1131 = arith.constant 48 : index
    %get3A_1132 = tpu.vector_load %arg5[%get3A_1130, %get3A_1131] {strides = array<i32>} : memref<384x64xf32, #tpu.memory_space<vmem>>, vector<1x16xf32>,
    %get3A_1133 = vector.shape_cast %get3A_1132 : vector<1x16xf32> to vector<16xf32>
    %swap3A_1134 = arith.constant 0 : index
    %swap3A_1135 = tpu.vector_load %arg6[%swap3A_1134] {strides = array<i32>} : memref<32xf32, #tpu.memory_space<vmem>>, vector<16xf32>,
    %swap3A_1136 = vector.shape_cast %swap3A_1135 : vector<16xf32> to vector<16xf32>
    %swap3A_1137 = vector.shape_cast %get3A_1133 : vector<16xf32> to vector<16xf32>
    tpu.vector_store %arg6[%swap3A_1134], %swap3A_1137 {strides = array<i32>} : memref<32xf32, #tpu.memory_space<vmem>>, vector<16xf32>,
    %get3A_1138 = arith.constant 1 : index
    %get3A_1139 = tpu.vector_load %arg6[%get3A_1138] {strides = array<i32>} : memref<32xf32, #tpu.memory_space<vmem>>, vector<16xf32>,
    %get3A_1140 = vector.shape_cast %get3A_1139 : vector<16xf32> to vector<16xf32>
    %eq3A_1141 = arith.constant 15 : i32
    %eq3A_1142 = vector.broadcast %eq3A_1141 : i32 to vector<16xi32>
    %eq3A_1143 = arith.cmpi eq, %iota3A, %eq3A_1142 : vector<16xi32>
    %jit3A_1144 = arith.constant 0.000000e+00 : f32
    %broadcast_in_dim3A_1145 = vector.broadcast %jit3A_1144 : f32 to vector<16xf32>
    %select_n3A_1146 = arith.select %eq3A_1143, %broadcast_in_dim3A_1145, %get3A_1140 : vector<16xi1>, vector<16xf32>
    %swap3A_1147 = arith.constant 128 : i32
    %swap3A_1148 = arith.index_cast %swap3A_1147 : i32 to index
    %swap3A_1149 = arith.constant 0 : index
    %swap3A_1150 = tpu.vector_load %arg5[%swap3A_1148, %swap3A_1149] {strides = array<i32>} : memref<384x64xf32, #tpu.memory_space<vmem>>, vector<1x16xf32>,
    %swap3A_1151 = vector.shape_cast %swap3A_1150 : vector<1x16xf32> to vector<16xf32>
    %swap3A_1152 = vector.shape_cast %get3A_1118 : vector<16xf32> to vector<1x16xf32>
    tpu.vector_store %arg5[%swap3A_1148, %swap3A_1149], %swap3A_1152 {strides = array<i32>} : memref<384x64xf32, #tpu.memory_space<vmem>>, vector<1x16xf32>,
    %swap3A_1153 = arith.constant 128 : i32
    %swap3A_1154 = arith.index_cast %swap3A_1153 : i32 to index
    %swap3A_1155 = arith.constant 16 : index
    %swap3A_1156 = tpu.vector_load %arg5[%swap3A_1154, %swap3A_1155] {strides = array<i32>} : memref<384x64xf32, #tpu.memory_space<vmem>>, vector<1x16xf32>,
    %swap3A_1157 = vector.shape_cast %swap3A_1156 : vector<1x16xf32> to vector<16xf32>
    %swap3A_1158 = vector.shape_cast %get3A_1123 : vector<16xf32> to vector<1x16xf32>
    tpu.vector_store %arg5[%swap3A_1154, %swap3A_1155], %swap3A_1158 {strides = array<i32>} : memref<384x64xf32, #tpu.memory_space<vmem>>, vector<1x16xf32>,
    %swap3A_1159 = arith.constant 128 : i32
    %swap3A_1160 = arith.index_cast %swap3A_1159 : i32 to index
    %swap3A_1161 = arith.constant 32 : index
    %swap3A_1162 = tpu.vector_load %arg5[%swap3A_1160, %swap3A_1161] {strides = array<i32>} : memref<384x64xf32, #tpu.memory_space<vmem>>, vector<1x16xf32>,
    %swap3A_1163 = vector.shape_cast %swap3A_1162 : vector<1x16xf32> to vector<16xf32>
    %swap3A_1164 = vector.shape_cast %get3A_1128 : vector<16xf32> to vector<1x16xf32>
    tpu.vector_store %arg5[%swap3A_1160, %swap3A_1161], %swap3A_1164 {strides = array<i32>} : memref<384x64xf32, #tpu.memory_space<vmem>>, vector<1x16xf32>,
    %swap3A_1165 = arith.constant 128 : i32
    %swap3A_1166 = arith.index_cast %swap3A_1165 : i32 to index
    %swap3A_1167 = arith.constant 48 : index
    %swap3A_1168 = tpu.vector_load %arg5[%swap3A_1166, %swap3A_1167] {strides = array<i32>} : memref<384x64xf32, #tpu.memory_space<vmem>>, vector<1x16xf32>,
    %swap3A_1169 = vector.shape_cast %swap3A_1168 : vector<1x16xf32> to vector<16xf32>
    %swap3A_1170 = vector.shape_cast %select_n3A_1146 : vector<16xf32> to vector<1x16xf32>
    tpu.vector_store %arg5[%swap3A_1166, %swap3A_1167], %swap3A_1170 {strides = array<i32>} : memref<384x64xf32, #tpu.memory_space<vmem>>, vector<1x16xf32>,
    %get3A_1171 = arith.constant 133 : i32
    %get3A_1172 = arith.index_cast %get3A_1171 : i32 to index
    %get3A_1173 = arith.constant 1 : index
    %get3A_1174 = tpu.vector_load %arg5[%get3A_1172, %get3A_1173] {strides = array<i32>} : memref<384x64xf32, #tpu.memory_space<vmem>>, vector<1x16xf32>,
    %get3A_1175 = vector.shape_cast %get3A_1174 : vector<1x16xf32> to vector<16xf32>
    %get3A_1176 = arith.constant 133 : i32
    %get3A_1177 = arith.index_cast %get3A_1176 : i32 to index
    %get3A_1178 = arith.constant 17 : index
    %get3A_1179 = tpu.vector_load %arg5[%get3A_1177, %get3A_1178] {strides = array<i32>} : memref<384x64xf32, #tpu.memory_space<vmem>>, vector<1x16xf32>,
    %get3A_1180 = vector.shape_cast %get3A_1179 : vector<1x16xf32> to vector<16xf32>
    %get3A_1181 = arith.constant 133 : i32
    %get3A_1182 = arith.index_cast %get3A_1181 : i32 to index
    %get3A_1183 = arith.constant 33 : index
    %get3A_1184 = tpu.vector_load %arg5[%get3A_1182, %get3A_1183] {strides = array<i32>} : memref<384x64xf32, #tpu.memory_space<vmem>>, vector<1x16xf32>,
    %get3A_1185 = vector.shape_cast %get3A_1184 : vector<1x16xf32> to vector<16xf32>
    %get3A_1186 = arith.constant 133 : i32
    %get3A_1187 = arith.index_cast %get3A_1186 : i32 to index
    %get3A_1188 = arith.constant 48 : index
    %get3A_1189 = tpu.vector_load %arg5[%get3A_1187, %get3A_1188] {strides = array<i32>} : memref<384x64xf32, #tpu.memory_space<vmem>>, vector<1x16xf32>,
    %get3A_1190 = vector.shape_cast %get3A_1189 : vector<1x16xf32> to vector<16xf32>
    %swap3A_1191 = arith.constant 0 : index
    %swap3A_1192 = tpu.vector_load %arg6[%swap3A_1191] {strides = array<i32>} : memref<32xf32, #tpu.memory_space<vmem>>, vector<16xf32>,
    %swap3A_1193 = vector.shape_cast %swap3A_1192 : vector<16xf32> to vector<16xf32>
    %swap3A_1194 = vector.shape_cast %get3A_1190 : vector<16xf32> to vector<16xf32>
    tpu.vector_store %arg6[%swap3A_1191], %swap3A_1194 {strides = array<i32>} : memref<32xf32, #tpu.memory_space<vmem>>, vector<16xf32>,
    %get3A_1195 = arith.constant 1 : index
    %get3A_1196 = tpu.vector_load %arg6[%get3A_1195] {strides = array<i32>} : memref<32xf32, #tpu.memory_space<vmem>>, vector<16xf32>,
    %get3A_1197 = vector.shape_cast %get3A_1196 : vector<16xf32> to vector<16xf32>
    %eq3A_1198 = arith.constant 15 : i32
    %eq3A_1199 = vector.broadcast %eq3A_1198 : i32 to vector<16xi32>
    %eq3A_1200 = arith.cmpi eq, %iota3A, %eq3A_1199 : vector<16xi32>
    %jit3A_1201 = arith.constant 0.000000e+00 : f32
    %broadcast_in_dim3A_1202 = vector.broadcast %jit3A_1201 : f32 to vector<16xf32>
    %select_n3A_1203 = arith.select %eq3A_1200, %broadcast_in_dim3A_1202, %get3A_1197 : vector<16xi1>, vector<16xf32>
    %swap3A_1204 = arith.constant 133 : i32
    %swap3A_1205 = arith.index_cast %swap3A_1204 : i32 to index
    %swap3A_1206 = arith.constant 0 : index
    %swap3A_1207 = tpu.vector_load %arg5[%swap3A_1205, %swap3A_1206] {strides = array<i32>} : memref<384x64xf32, #tpu.memory_space<vmem>>, vector<1x16xf32>,
    %swap3A_1208 = vector.shape_cast %swap3A_1207 : vector<1x16xf32> to vector<16xf32>
    %swap3A_1209 = vector.shape_cast %get3A_1175 : vector<16xf32> to vector<1x16xf32>
    tpu.vector_store %arg5[%swap3A_1205, %swap3A_1206], %swap3A_1209 {strides = array<i32>} : memref<384x64xf32, #tpu.memory_space<vmem>>, vector<1x16xf32>,
    %swap3A_1210 = arith.constant 133 : i32
    %swap3A_1211 = arith.index_cast %swap3A_1210 : i32 to index
    %swap3A_1212 = arith.constant 16 : index
    %swap3A_1213 = tpu.vector_load %arg5[%swap3A_1211, %swap3A_1212] {strides = array<i32>} : memref<384x64xf32, #tpu.memory_space<vmem>>, vector<1x16xf32>,
    %swap3A_1214 = vector.shape_cast %swap3A_1213 : vector<1x16xf32> to vector<16xf32>
    %swap3A_1215 = vector.shape_cast %get3A_1180 : vector<16xf32> to vector<1x16xf32>
    tpu.vector_store %arg5[%swap3A_1211, %swap3A_1212], %swap3A_1215 {strides = array<i32>} : memref<384x64xf32, #tpu.memory_space<vmem>>, vector<1x16xf32>,
    %swap3A_1216 = arith.constant 133 : i32
    %swap3A_1217 = arith.index_cast %swap3A_1216 : i32 to index
    %swap3A_1218 = arith.constant 32 : index
    %swap3A_1219 = tpu.vector_load %arg5[%swap3A_1217, %swap3A_1218] {strides = array<i32>} : memref<384x64xf32, #tpu.memory_space<vmem>>, vector<1x16xf32>,
    %swap3A_1220 = vector.shape_cast %swap3A_1219 : vector<1x16xf32> to vector<16xf32>
    %swap3A_1221 = vector.shape_cast %get3A_1185 : vector<16xf32> to vector<1x16xf32>
    tpu.vector_store %arg5[%swap3A_1217, %swap3A_1218], %swap3A_1221 {strides = array<i32>} : memref<384x64xf32, #tpu.memory_space<vmem>>, vector<1x16xf32>,
    %swap3A_1222 = arith.constant 133 : i32
    %swap3A_1223 = arith.index_cast %swap3A_1222 : i32 to index
    %swap3A_1224 = arith.constant 48 : index
    %swap3A_1225 = tpu.vector_load %arg5[%swap3A_1223, %swap3A_1224] {strides = array<i32>} : memref<384x64xf32, #tpu.memory_space<vmem>>, vector<1x16xf32>,
    %swap3A_1226 = vector.shape_cast %swap3A_1225 : vector<1x16xf32> to vector<16xf32>
    %swap3A_1227 = vector.shape_cast %select_n3A_1203 : vector<16xf32> to vector<1x16xf32>
    tpu.vector_store %arg5[%swap3A_1223, %swap3A_1224], %swap3A_1227 {strides = array<i32>} : memref<384x64xf32, #tpu.memory_space<vmem>>, vector<1x16xf32>,
    %get3A_1228 = arith.constant 169 : i32
    %get3A_1229 = arith.index_cast %get3A_1228 : i32 to index
    %get3A_1230 = arith.constant 1 : index
    %get3A_1231 = tpu.vector_load %arg5[%get3A_1229, %get3A_1230] {strides = array<i32>} : memref<384x64xf32, #tpu.memory_space<vmem>>, vector<1x16xf32>,
    %get3A_1232 = vector.shape_cast %get3A_1231 : vector<1x16xf32> to vector<16xf32>
    %get3A_1233 = arith.constant 169 : i32
    %get3A_1234 = arith.index_cast %get3A_1233 : i32 to index
    %get3A_1235 = arith.constant 17 : index
    %get3A_1236 = tpu.vector_load %arg5[%get3A_1234, %get3A_1235] {strides = array<i32>} : memref<384x64xf32, #tpu.memory_space<vmem>>, vector<1x16xf32>,
    %get3A_1237 = vector.shape_cast %get3A_1236 : vector<1x16xf32> to vector<16xf32>
    %get3A_1238 = arith.constant 169 : i32
    %get3A_1239 = arith.index_cast %get3A_1238 : i32 to index
    %get3A_1240 = arith.constant 33 : index
    %get3A_1241 = tpu.vector_load %arg5[%get3A_1239, %get3A_1240] {strides = array<i32>} : memref<384x64xf32, #tpu.memory_space<vmem>>, vector<1x16xf32>,
    %get3A_1242 = vector.shape_cast %get3A_1241 : vector<1x16xf32> to vector<16xf32>
    %get3A_1243 = arith.constant 169 : i32
    %get3A_1244 = arith.index_cast %get3A_1243 : i32 to index
    %get3A_1245 = arith.constant 48 : index
    %get3A_1246 = tpu.vector_load %arg5[%get3A_1244, %get3A_1245] {strides = array<i32>} : memref<384x64xf32, #tpu.memory_space<vmem>>, vector<1x16xf32>,
    %get3A_1247 = vector.shape_cast %get3A_1246 : vector<1x16xf32> to vector<16xf32>
    %swap3A_1248 = arith.constant 0 : index
    %swap3A_1249 = tpu.vector_load %arg6[%swap3A_1248] {strides = array<i32>} : memref<32xf32, #tpu.memory_space<vmem>>, vector<16xf32>,
    %swap3A_1250 = vector.shape_cast %swap3A_1249 : vector<16xf32> to vector<16xf32>
    %swap3A_1251 = vector.shape_cast %get3A_1247 : vector<16xf32> to vector<16xf32>
    tpu.vector_store %arg6[%swap3A_1248], %swap3A_1251 {strides = array<i32>} : memref<32xf32, #tpu.memory_space<vmem>>, vector<16xf32>,
    %get3A_1252 = arith.constant 1 : index
    %get3A_1253 = tpu.vector_load %arg6[%get3A_1252] {strides = array<i32>} : memref<32xf32, #tpu.memory_space<vmem>>, vector<16xf32>,
    %get3A_1254 = vector.shape_cast %get3A_1253 : vector<16xf32> to vector<16xf32>
    %eq3A_1255 = arith.constant 15 : i32
    %eq3A_1256 = vector.broadcast %eq3A_1255 : i32 to vector<16xi32>
    %eq3A_1257 = arith.cmpi eq, %iota3A, %eq3A_1256 : vector<16xi32>
    %jit3A_1258 = arith.constant 0.000000e+00 : f32
    %broadcast_in_dim3A_1259 = vector.broadcast %jit3A_1258 : f32 to vector<16xf32>
    %select_n3A_1260 = arith.select %eq3A_1257, %broadcast_in_dim3A_1259, %get3A_1254 : vector<16xi1>, vector<16xf32>
    %swap3A_1261 = arith.constant 169 : i32
    %swap3A_1262 = arith.index_cast %swap3A_1261 : i32 to index
    %swap3A_1263 = arith.constant 0 : index
    %swap3A_1264 = tpu.vector_load %arg5[%swap3A_1262, %swap3A_1263] {strides = array<i32>} : memref<384x64xf32, #tpu.memory_space<vmem>>, vector<1x16xf32>,
    %swap3A_1265 = vector.shape_cast %swap3A_1264 : vector<1x16xf32> to vector<16xf32>
    %swap3A_1266 = vector.shape_cast %get3A_1232 : vector<16xf32> to vector<1x16xf32>
    tpu.vector_store %arg5[%swap3A_1262, %swap3A_1263], %swap3A_1266 {strides = array<i32>} : memref<384x64xf32, #tpu.memory_space<vmem>>, vector<1x16xf32>,
    %swap3A_1267 = arith.constant 169 : i32
    %swap3A_1268 = arith.index_cast %swap3A_1267 : i32 to index
    %swap3A_1269 = arith.constant 16 : index
    %swap3A_1270 = tpu.vector_load %arg5[%swap3A_1268, %swap3A_1269] {strides = array<i32>} : memref<384x64xf32, #tpu.memory_space<vmem>>, vector<1x16xf32>,
    %swap3A_1271 = vector.shape_cast %swap3A_1270 : vector<1x16xf32> to vector<16xf32>
    %swap3A_1272 = vector.shape_cast %get3A_1237 : vector<16xf32> to vector<1x16xf32>
    tpu.vector_store %arg5[%swap3A_1268, %swap3A_1269], %swap3A_1272 {strides = array<i32>} : memref<384x64xf32, #tpu.memory_space<vmem>>, vector<1x16xf32>,
    %swap3A_1273 = arith.constant 169 : i32
    %swap3A_1274 = arith.index_cast %swap3A_1273 : i32 to index
    %swap3A_1275 = arith.constant 32 : index
    %swap3A_1276 = tpu.vector_load %arg5[%swap3A_1274, %swap3A_1275] {strides = array<i32>} : memref<384x64xf32, #tpu.memory_space<vmem>>, vector<1x16xf32>,
    %swap3A_1277 = vector.shape_cast %swap3A_1276 : vector<1x16xf32> to vector<16xf32>
    %swap3A_1278 = vector.shape_cast %get3A_1242 : vector<16xf32> to vector<1x16xf32>
    tpu.vector_store %arg5[%swap3A_1274, %swap3A_1275], %swap3A_1278 {strides = array<i32>} : memref<384x64xf32, #tpu.memory_space<vmem>>, vector<1x16xf32>,
    %swap3A_1279 = arith.constant 169 : i32
    %swap3A_1280 = arith.index_cast %swap3A_1279 : i32 to index
    %swap3A_1281 = arith.constant 48 : index
    %swap3A_1282 = tpu.vector_load %arg5[%swap3A_1280, %swap3A_1281] {strides = array<i32>} : memref<384x64xf32, #tpu.memory_space<vmem>>, vector<1x16xf32>,
    %swap3A_1283 = vector.shape_cast %swap3A_1282 : vector<1x16xf32> to vector<16xf32>
    %swap3A_1284 = vector.shape_cast %select_n3A_1260 : vector<16xf32> to vector<1x16xf32>
    tpu.vector_store %arg5[%swap3A_1280, %swap3A_1281], %swap3A_1284 {strides = array<i32>} : memref<384x64xf32, #tpu.memory_space<vmem>>, vector<1x16xf32>,
    %get3A_1285 = arith.constant 178 : i32
    %get3A_1286 = arith.index_cast %get3A_1285 : i32 to index
    %get3A_1287 = arith.constant 0 : index
    %get3A_1288 = tpu.vector_load %arg5[%get3A_1286, %get3A_1287] {strides = array<i32>} : memref<384x64xf32, #tpu.memory_space<vmem>>, vector<1x16xf32>,
    %get3A_1289 = vector.shape_cast %get3A_1288 : vector<1x16xf32> to vector<16xf32>
    %swap3A_1290 = arith.constant 1 : index
    %swap3A_1291 = tpu.vector_load %arg6[%swap3A_1290] {strides = array<i32>} : memref<32xf32, #tpu.memory_space<vmem>>, vector<16xf32>,
    %swap3A_1292 = vector.shape_cast %swap3A_1291 : vector<16xf32> to vector<16xf32>
    %swap3A_1293 = vector.shape_cast %get3A_1289 : vector<16xf32> to vector<16xf32>
    tpu.vector_store %arg6[%swap3A_1290], %swap3A_1293 {strides = array<i32>} : memref<32xf32, #tpu.memory_space<vmem>>, vector<16xf32>,
    %get3A_1294 = arith.constant 0 : index
    %get3A_1295 = tpu.vector_load %arg6[%get3A_1294] {strides = array<i32>} : memref<32xf32, #tpu.memory_space<vmem>>, vector<16xf32>,
    %get3A_1296 = vector.shape_cast %get3A_1295 : vector<16xf32> to vector<16xf32>
    %eq3A_1297 = arith.constant 0 : i32
    %eq3A_1298 = vector.broadcast %eq3A_1297 : i32 to vector<16xi32>
    %eq3A_1299 = arith.cmpi eq, %iota3A, %eq3A_1298 : vector<16xi32>
    %jit3A_1300 = arith.constant 0.000000e+00 : f32
    %broadcast_in_dim3A_1301 = vector.broadcast %jit3A_1300 : f32 to vector<16xf32>
    %select_n3A_1302 = arith.select %eq3A_1299, %broadcast_in_dim3A_1301, %get3A_1296 : vector<16xi1>, vector<16xf32>
    %get3A_1303 = arith.constant 178 : i32
    %get3A_1304 = arith.index_cast %get3A_1303 : i32 to index
    %get3A_1305 = arith.constant 15 : index
    %get3A_1306 = tpu.vector_load %arg5[%get3A_1304, %get3A_1305] {strides = array<i32>} : memref<384x64xf32, #tpu.memory_space<vmem>>, vector<1x16xf32>,
    %get3A_1307 = vector.shape_cast %get3A_1306 : vector<1x16xf32> to vector<16xf32>
    %get3A_1308 = arith.constant 178 : i32
    %get3A_1309 = arith.index_cast %get3A_1308 : i32 to index
    %get3A_1310 = arith.constant 31 : index
    %get3A_1311 = tpu.vector_load %arg5[%get3A_1309, %get3A_1310] {strides = array<i32>} : memref<384x64xf32, #tpu.memory_space<vmem>>, vector<1x16xf32>,
    %get3A_1312 = vector.shape_cast %get3A_1311 : vector<1x16xf32> to vector<16xf32>
    %get3A_1313 = arith.constant 178 : i32
    %get3A_1314 = arith.index_cast %get3A_1313 : i32 to index
    %get3A_1315 = arith.constant 47 : index
    %get3A_1316 = tpu.vector_load %arg5[%get3A_1314, %get3A_1315] {strides = array<i32>} : memref<384x64xf32, #tpu.memory_space<vmem>>, vector<1x16xf32>,
    %get3A_1317 = vector.shape_cast %get3A_1316 : vector<1x16xf32> to vector<16xf32>
    %swap3A_1318 = arith.constant 178 : i32
    %swap3A_1319 = arith.index_cast %swap3A_1318 : i32 to index
    %swap3A_1320 = arith.constant 0 : index
    %swap3A_1321 = tpu.vector_load %arg5[%swap3A_1319, %swap3A_1320] {strides = array<i32>} : memref<384x64xf32, #tpu.memory_space<vmem>>, vector<1x16xf32>,
    %swap3A_1322 = vector.shape_cast %swap3A_1321 : vector<1x16xf32> to vector<16xf32>
    %swap3A_1323 = vector.shape_cast %select_n3A_1302 : vector<16xf32> to vector<1x16xf32>
    tpu.vector_store %arg5[%swap3A_1319, %swap3A_1320], %swap3A_1323 {strides = array<i32>} : memref<384x64xf32, #tpu.memory_space<vmem>>, vector<1x16xf32>,
    %swap3A_1324 = arith.constant 178 : i32
    %swap3A_1325 = arith.index_cast %swap3A_1324 : i32 to index
    %swap3A_1326 = arith.constant 16 : index
    %swap3A_1327 = tpu.vector_load %arg5[%swap3A_1325, %swap3A_1326] {strides = array<i32>} : memref<384x64xf32, #tpu.memory_space<vmem>>, vector<1x16xf32>,
    %swap3A_1328 = vector.shape_cast %swap3A_1327 : vector<1x16xf32> to vector<16xf32>
    %swap3A_1329 = vector.shape_cast %get3A_1307 : vector<16xf32> to vector<1x16xf32>
    tpu.vector_store %arg5[%swap3A_1325, %swap3A_1326], %swap3A_1329 {strides = array<i32>} : memref<384x64xf32, #tpu.memory_space<vmem>>, vector<1x16xf32>,
    %swap3A_1330 = arith.constant 178 : i32
    %swap3A_1331 = arith.index_cast %swap3A_1330 : i32 to index
    %swap3A_1332 = arith.constant 32 : index
    %swap3A_1333 = tpu.vector_load %arg5[%swap3A_1331, %swap3A_1332] {strides = array<i32>} : memref<384x64xf32, #tpu.memory_space<vmem>>, vector<1x16xf32>,
    %swap3A_1334 = vector.shape_cast %swap3A_1333 : vector<1x16xf32> to vector<16xf32>
    %swap3A_1335 = vector.shape_cast %get3A_1312 : vector<16xf32> to vector<1x16xf32>
    tpu.vector_store %arg5[%swap3A_1331, %swap3A_1332], %swap3A_1335 {strides = array<i32>} : memref<384x64xf32, #tpu.memory_space<vmem>>, vector<1x16xf32>,
    %swap3A_1336 = arith.constant 178 : i32
    %swap3A_1337 = arith.index_cast %swap3A_1336 : i32 to index
    %swap3A_1338 = arith.constant 48 : index
    %swap3A_1339 = tpu.vector_load %arg5[%swap3A_1337, %swap3A_1338] {strides = array<i32>} : memref<384x64xf32, #tpu.memory_space<vmem>>, vector<1x16xf32>,
    %swap3A_1340 = vector.shape_cast %swap3A_1339 : vector<1x16xf32> to vector<16xf32>
    %swap3A_1341 = vector.shape_cast %get3A_1317 : vector<16xf32> to vector<1x16xf32>
    tpu.vector_store %arg5[%swap3A_1337, %swap3A_1338], %swap3A_1341 {strides = array<i32>} : memref<384x64xf32, #tpu.memory_space<vmem>>, vector<1x16xf32>,
    %get3A_1342 = arith.constant 185 : i32
    %get3A_1343 = arith.index_cast %get3A_1342 : i32 to index
    %get3A_1344 = arith.constant 0 : index
    %get3A_1345 = tpu.vector_load %arg5[%get3A_1343, %get3A_1344] {strides = array<i32>} : memref<384x64xf32, #tpu.memory_space<vmem>>, vector<1x16xf32>,
    %get3A_1346 = vector.shape_cast %get3A_1345 : vector<1x16xf32> to vector<16xf32>
    %swap3A_1347 = arith.constant 1 : index
    %swap3A_1348 = tpu.vector_load %arg6[%swap3A_1347] {strides = array<i32>} : memref<32xf32, #tpu.memory_space<vmem>>, vector<16xf32>,
    %swap3A_1349 = vector.shape_cast %swap3A_1348 : vector<16xf32> to vector<16xf32>
    %swap3A_1350 = vector.shape_cast %get3A_1346 : vector<16xf32> to vector<16xf32>
    tpu.vector_store %arg6[%swap3A_1347], %swap3A_1350 {strides = array<i32>} : memref<32xf32, #tpu.memory_space<vmem>>, vector<16xf32>,
    %get3A_1351 = arith.constant 0 : index
    %get3A_1352 = tpu.vector_load %arg6[%get3A_1351] {strides = array<i32>} : memref<32xf32, #tpu.memory_space<vmem>>, vector<16xf32>,
    %get3A_1353 = vector.shape_cast %get3A_1352 : vector<16xf32> to vector<16xf32>
    %eq3A_1354 = arith.constant 0 : i32
    %eq3A_1355 = vector.broadcast %eq3A_1354 : i32 to vector<16xi32>
    %eq3A_1356 = arith.cmpi eq, %iota3A, %eq3A_1355 : vector<16xi32>
    %jit3A_1357 = arith.constant 0.000000e+00 : f32
    %broadcast_in_dim3A_1358 = vector.broadcast %jit3A_1357 : f32 to vector<16xf32>
    %select_n3A_1359 = arith.select %eq3A_1356, %broadcast_in_dim3A_1358, %get3A_1353 : vector<16xi1>, vector<16xf32>
    %get3A_1360 = arith.constant 185 : i32
    %get3A_1361 = arith.index_cast %get3A_1360 : i32 to index
    %get3A_1362 = arith.constant 15 : index
    %get3A_1363 = tpu.vector_load %arg5[%get3A_1361, %get3A_1362] {strides = array<i32>} : memref<384x64xf32, #tpu.memory_space<vmem>>, vector<1x16xf32>,
    %get3A_1364 = vector.shape_cast %get3A_1363 : vector<1x16xf32> to vector<16xf32>
    %get3A_1365 = arith.constant 185 : i32
    %get3A_1366 = arith.index_cast %get3A_1365 : i32 to index
    %get3A_1367 = arith.constant 31 : index
    %get3A_1368 = tpu.vector_load %arg5[%get3A_1366, %get3A_1367] {strides = array<i32>} : memref<384x64xf32, #tpu.memory_space<vmem>>, vector<1x16xf32>,
    %get3A_1369 = vector.shape_cast %get3A_1368 : vector<1x16xf32> to vector<16xf32>
    %get3A_1370 = arith.constant 185 : i32
    %get3A_1371 = arith.index_cast %get3A_1370 : i32 to index
    %get3A_1372 = arith.constant 47 : index
    %get3A_1373 = tpu.vector_load %arg5[%get3A_1371, %get3A_1372] {strides = array<i32>} : memref<384x64xf32, #tpu.memory_space<vmem>>, vector<1x16xf32>,
    %get3A_1374 = vector.shape_cast %get3A_1373 : vector<1x16xf32> to vector<16xf32>
    %swap3A_1375 = arith.constant 185 : i32
    %swap3A_1376 = arith.index_cast %swap3A_1375 : i32 to index
    %swap3A_1377 = arith.constant 0 : index
    %swap3A_1378 = tpu.vector_load %arg5[%swap3A_1376, %swap3A_1377] {strides = array<i32>} : memref<384x64xf32, #tpu.memory_space<vmem>>, vector<1x16xf32>,
    %swap3A_1379 = vector.shape_cast %swap3A_1378 : vector<1x16xf32> to vector<16xf32>
    %swap3A_1380 = vector.shape_cast %select_n3A_1359 : vector<16xf32> to vector<1x16xf32>
    tpu.vector_store %arg5[%swap3A_1376, %swap3A_1377], %swap3A_1380 {strides = array<i32>} : memref<384x64xf32, #tpu.memory_space<vmem>>, vector<1x16xf32>,
    %swap3A_1381 = arith.constant 185 : i32
    %swap3A_1382 = arith.index_cast %swap3A_1381 : i32 to index
    %swap3A_1383 = arith.constant 16 : index
    %swap3A_1384 = tpu.vector_load %arg5[%swap3A_1382, %swap3A_1383] {strides = array<i32>} : memref<384x64xf32, #tpu.memory_space<vmem>>, vector<1x16xf32>,
    %swap3A_1385 = vector.shape_cast %swap3A_1384 : vector<1x16xf32> to vector<16xf32>
    %swap3A_1386 = vector.shape_cast %get3A_1364 : vector<16xf32> to vector<1x16xf32>
    tpu.vector_store %arg5[%swap3A_1382, %swap3A_1383], %swap3A_1386 {strides = array<i32>} : memref<384x64xf32, #tpu.memory_space<vmem>>, vector<1x16xf32>,
    %swap3A_1387 = arith.constant 185 : i32
    %swap3A_1388 = arith.index_cast %swap3A_1387 : i32 to index
    %swap3A_1389 = arith.constant 32 : index
    %swap3A_1390 = tpu.vector_load %arg5[%swap3A_1388, %swap3A_1389] {strides = array<i32>} : memref<384x64xf32, #tpu.memory_space<vmem>>, vector<1x16xf32>,
    %swap3A_1391 = vector.shape_cast %swap3A_1390 : vector<1x16xf32> to vector<16xf32>
    %swap3A_1392 = vector.shape_cast %get3A_1369 : vector<16xf32> to vector<1x16xf32>
    tpu.vector_store %arg5[%swap3A_1388, %swap3A_1389], %swap3A_1392 {strides = array<i32>} : memref<384x64xf32, #tpu.memory_space<vmem>>, vector<1x16xf32>,
    %swap3A_1393 = arith.constant 185 : i32
    %swap3A_1394 = arith.index_cast %swap3A_1393 : i32 to index
    %swap3A_1395 = arith.constant 48 : index
    %swap3A_1396 = tpu.vector_load %arg5[%swap3A_1394, %swap3A_1395] {strides = array<i32>} : memref<384x64xf32, #tpu.memory_space<vmem>>, vector<1x16xf32>,
    %swap3A_1397 = vector.shape_cast %swap3A_1396 : vector<1x16xf32> to vector<16xf32>
    %swap3A_1398 = vector.shape_cast %get3A_1374 : vector<16xf32> to vector<1x16xf32>
    tpu.vector_store %arg5[%swap3A_1394, %swap3A_1395], %swap3A_1398 {strides = array<i32>} : memref<384x64xf32, #tpu.memory_space<vmem>>, vector<1x16xf32>,
    %get3A_1399 = arith.constant 195 : i32
    %get3A_1400 = arith.index_cast %get3A_1399 : i32 to index
    %get3A_1401 = arith.constant 0 : index
    %get3A_1402 = tpu.vector_load %arg5[%get3A_1400, %get3A_1401] {strides = array<i32>} : memref<384x64xf32, #tpu.memory_space<vmem>>, vector<1x16xf32>,
    %get3A_1403 = vector.shape_cast %get3A_1402 : vector<1x16xf32> to vector<16xf32>
    %swap3A_1404 = arith.constant 1 : index
    %swap3A_1405 = tpu.vector_load %arg6[%swap3A_1404] {strides = array<i32>} : memref<32xf32, #tpu.memory_space<vmem>>, vector<16xf32>,
    %swap3A_1406 = vector.shape_cast %swap3A_1405 : vector<16xf32> to vector<16xf32>
    %swap3A_1407 = vector.shape_cast %get3A_1403 : vector<16xf32> to vector<16xf32>
    tpu.vector_store %arg6[%swap3A_1404], %swap3A_1407 {strides = array<i32>} : memref<32xf32, #tpu.memory_space<vmem>>, vector<16xf32>,
    %get3A_1408 = arith.constant 0 : index
    %get3A_1409 = tpu.vector_load %arg6[%get3A_1408] {strides = array<i32>} : memref<32xf32, #tpu.memory_space<vmem>>, vector<16xf32>,
    %get3A_1410 = vector.shape_cast %get3A_1409 : vector<16xf32> to vector<16xf32>
    %eq3A_1411 = arith.constant 0 : i32
    %eq3A_1412 = vector.broadcast %eq3A_1411 : i32 to vector<16xi32>
    %eq3A_1413 = arith.cmpi eq, %iota3A, %eq3A_1412 : vector<16xi32>
    %jit3A_1414 = arith.constant 0.000000e+00 : f32
    %broadcast_in_dim3A_1415 = vector.broadcast %jit3A_1414 : f32 to vector<16xf32>
    %select_n3A_1416 = arith.select %eq3A_1413, %broadcast_in_dim3A_1415, %get3A_1410 : vector<16xi1>, vector<16xf32>
    %get3A_1417 = arith.constant 195 : i32
    %get3A_1418 = arith.index_cast %get3A_1417 : i32 to index
    %get3A_1419 = arith.constant 15 : index
    %get3A_1420 = tpu.vector_load %arg5[%get3A_1418, %get3A_1419] {strides = array<i32>} : memref<384x64xf32, #tpu.memory_space<vmem>>, vector<1x16xf32>,
    %get3A_1421 = vector.shape_cast %get3A_1420 : vector<1x16xf32> to vector<16xf32>
    %get3A_1422 = arith.constant 195 : i32
    %get3A_1423 = arith.index_cast %get3A_1422 : i32 to index
    %get3A_1424 = arith.constant 31 : index
    %get3A_1425 = tpu.vector_load %arg5[%get3A_1423, %get3A_1424] {strides = array<i32>} : memref<384x64xf32, #tpu.memory_space<vmem>>, vector<1x16xf32>,
    %get3A_1426 = vector.shape_cast %get3A_1425 : vector<1x16xf32> to vector<16xf32>
    %get3A_1427 = arith.constant 195 : i32
    %get3A_1428 = arith.index_cast %get3A_1427 : i32 to index
    %get3A_1429 = arith.constant 47 : index
    %get3A_1430 = tpu.vector_load %arg5[%get3A_1428, %get3A_1429] {strides = array<i32>} : memref<384x64xf32, #tpu.memory_space<vmem>>, vector<1x16xf32>,
    %get3A_1431 = vector.shape_cast %get3A_1430 : vector<1x16xf32> to vector<16xf32>
    %swap3A_1432 = arith.constant 195 : i32
    %swap3A_1433 = arith.index_cast %swap3A_1432 : i32 to index
    %swap3A_1434 = arith.constant 0 : index
    %swap3A_1435 = tpu.vector_load %arg5[%swap3A_1433, %swap3A_1434] {strides = array<i32>} : memref<384x64xf32, #tpu.memory_space<vmem>>, vector<1x16xf32>,
    %swap3A_1436 = vector.shape_cast %swap3A_1435 : vector<1x16xf32> to vector<16xf32>
    %swap3A_1437 = vector.shape_cast %select_n3A_1416 : vector<16xf32> to vector<1x16xf32>
    tpu.vector_store %arg5[%swap3A_1433, %swap3A_1434], %swap3A_1437 {strides = array<i32>} : memref<384x64xf32, #tpu.memory_space<vmem>>, vector<1x16xf32>,
    %swap3A_1438 = arith.constant 195 : i32
    %swap3A_1439 = arith.index_cast %swap3A_1438 : i32 to index
    %swap3A_1440 = arith.constant 16 : index
    %swap3A_1441 = tpu.vector_load %arg5[%swap3A_1439, %swap3A_1440] {strides = array<i32>} : memref<384x64xf32, #tpu.memory_space<vmem>>, vector<1x16xf32>,
    %swap3A_1442 = vector.shape_cast %swap3A_1441 : vector<1x16xf32> to vector<16xf32>
    %swap3A_1443 = vector.shape_cast %get3A_1421 : vector<16xf32> to vector<1x16xf32>
    tpu.vector_store %arg5[%swap3A_1439, %swap3A_1440], %swap3A_1443 {strides = array<i32>} : memref<384x64xf32, #tpu.memory_space<vmem>>, vector<1x16xf32>,
    %swap3A_1444 = arith.constant 195 : i32
    %swap3A_1445 = arith.index_cast %swap3A_1444 : i32 to index
    %swap3A_1446 = arith.constant 32 : index
    %swap3A_1447 = tpu.vector_load %arg5[%swap3A_1445, %swap3A_1446] {strides = array<i32>} : memref<384x64xf32, #tpu.memory_space<vmem>>, vector<1x16xf32>,
    %swap3A_1448 = vector.shape_cast %swap3A_1447 : vector<1x16xf32> to vector<16xf32>
    %swap3A_1449 = vector.shape_cast %get3A_1426 : vector<16xf32> to vector<1x16xf32>
    tpu.vector_store %arg5[%swap3A_1445, %swap3A_1446], %swap3A_1449 {strides = array<i32>} : memref<384x64xf32, #tpu.memory_space<vmem>>, vector<1x16xf32>,
    %swap3A_1450 = arith.constant 195 : i32
    %swap3A_1451 = arith.index_cast %swap3A_1450 : i32 to index
    %swap3A_1452 = arith.constant 48 : index
    %swap3A_1453 = tpu.vector_load %arg5[%swap3A_1451, %swap3A_1452] {strides = array<i32>} : memref<384x64xf32, #tpu.memory_space<vmem>>, vector<1x16xf32>,
    %swap3A_1454 = vector.shape_cast %swap3A_1453 : vector<1x16xf32> to vector<16xf32>
    %swap3A_1455 = vector.shape_cast %get3A_1431 : vector<16xf32> to vector<1x16xf32>
    tpu.vector_store %arg5[%swap3A_1451, %swap3A_1452], %swap3A_1455 {strides = array<i32>} : memref<384x64xf32, #tpu.memory_space<vmem>>, vector<1x16xf32>,
    %get3A_1456 = arith.constant 198 : i32
    %get3A_1457 = arith.index_cast %get3A_1456 : i32 to index
    %get3A_1458 = arith.constant 1 : index
    %get3A_1459 = tpu.vector_load %arg5[%get3A_1457, %get3A_1458] {strides = array<i32>} : memref<384x64xf32, #tpu.memory_space<vmem>>, vector<1x16xf32>,
    %get3A_1460 = vector.shape_cast %get3A_1459 : vector<1x16xf32> to vector<16xf32>
    %get3A_1461 = arith.constant 198 : i32
    %get3A_1462 = arith.index_cast %get3A_1461 : i32 to index
    %get3A_1463 = arith.constant 17 : index
    %get3A_1464 = tpu.vector_load %arg5[%get3A_1462, %get3A_1463] {strides = array<i32>} : memref<384x64xf32, #tpu.memory_space<vmem>>, vector<1x16xf32>,
    %get3A_1465 = vector.shape_cast %get3A_1464 : vector<1x16xf32> to vector<16xf32>
    %get3A_1466 = arith.constant 198 : i32
    %get3A_1467 = arith.index_cast %get3A_1466 : i32 to index
    %get3A_1468 = arith.constant 33 : index
    %get3A_1469 = tpu.vector_load %arg5[%get3A_1467, %get3A_1468] {strides = array<i32>} : memref<384x64xf32, #tpu.memory_space<vmem>>, vector<1x16xf32>,
    %get3A_1470 = vector.shape_cast %get3A_1469 : vector<1x16xf32> to vector<16xf32>
    %get3A_1471 = arith.constant 198 : i32
    %get3A_1472 = arith.index_cast %get3A_1471 : i32 to index
    %get3A_1473 = arith.constant 48 : index
    %get3A_1474 = tpu.vector_load %arg5[%get3A_1472, %get3A_1473] {strides = array<i32>} : memref<384x64xf32, #tpu.memory_space<vmem>>, vector<1x16xf32>,
    %get3A_1475 = vector.shape_cast %get3A_1474 : vector<1x16xf32> to vector<16xf32>
    %swap3A_1476 = arith.constant 0 : index
    %swap3A_1477 = tpu.vector_load %arg6[%swap3A_1476] {strides = array<i32>} : memref<32xf32, #tpu.memory_space<vmem>>, vector<16xf32>,
    %swap3A_1478 = vector.shape_cast %swap3A_1477 : vector<16xf32> to vector<16xf32>
    %swap3A_1479 = vector.shape_cast %get3A_1475 : vector<16xf32> to vector<16xf32>
    tpu.vector_store %arg6[%swap3A_1476], %swap3A_1479 {strides = array<i32>} : memref<32xf32, #tpu.memory_space<vmem>>, vector<16xf32>,
    %get3A_1480 = arith.constant 1 : index
    %get3A_1481 = tpu.vector_load %arg6[%get3A_1480] {strides = array<i32>} : memref<32xf32, #tpu.memory_space<vmem>>, vector<16xf32>,
    %get3A_1482 = vector.shape_cast %get3A_1481 : vector<16xf32> to vector<16xf32>
    %eq3A_1483 = arith.constant 15 : i32
    %eq3A_1484 = vector.broadcast %eq3A_1483 : i32 to vector<16xi32>
    %eq3A_1485 = arith.cmpi eq, %iota3A, %eq3A_1484 : vector<16xi32>
    %jit3A_1486 = arith.constant 0.000000e+00 : f32
    %broadcast_in_dim3A_1487 = vector.broadcast %jit3A_1486 : f32 to vector<16xf32>
    %select_n3A_1488 = arith.select %eq3A_1485, %broadcast_in_dim3A_1487, %get3A_1482 : vector<16xi1>, vector<16xf32>
    %swap3A_1489 = arith.constant 198 : i32
    %swap3A_1490 = arith.index_cast %swap3A_1489 : i32 to index
    %swap3A_1491 = arith.constant 0 : index
    %swap3A_1492 = tpu.vector_load %arg5[%swap3A_1490, %swap3A_1491] {strides = array<i32>} : memref<384x64xf32, #tpu.memory_space<vmem>>, vector<1x16xf32>,
    %swap3A_1493 = vector.shape_cast %swap3A_1492 : vector<1x16xf32> to vector<16xf32>
    %swap3A_1494 = vector.shape_cast %get3A_1460 : vector<16xf32> to vector<1x16xf32>
    tpu.vector_store %arg5[%swap3A_1490, %swap3A_1491], %swap3A_1494 {strides = array<i32>} : memref<384x64xf32, #tpu.memory_space<vmem>>, vector<1x16xf32>,
    %swap3A_1495 = arith.constant 198 : i32
    %swap3A_1496 = arith.index_cast %swap3A_1495 : i32 to index
    %swap3A_1497 = arith.constant 16 : index
    %swap3A_1498 = tpu.vector_load %arg5[%swap3A_1496, %swap3A_1497] {strides = array<i32>} : memref<384x64xf32, #tpu.memory_space<vmem>>, vector<1x16xf32>,
    %swap3A_1499 = vector.shape_cast %swap3A_1498 : vector<1x16xf32> to vector<16xf32>
    %swap3A_1500 = vector.shape_cast %get3A_1465 : vector<16xf32> to vector<1x16xf32>
    tpu.vector_store %arg5[%swap3A_1496, %swap3A_1497], %swap3A_1500 {strides = array<i32>} : memref<384x64xf32, #tpu.memory_space<vmem>>, vector<1x16xf32>,
    %swap3A_1501 = arith.constant 198 : i32
    %swap3A_1502 = arith.index_cast %swap3A_1501 : i32 to index
    %swap3A_1503 = arith.constant 32 : index
    %swap3A_1504 = tpu.vector_load %arg5[%swap3A_1502, %swap3A_1503] {strides = array<i32>} : memref<384x64xf32, #tpu.memory_space<vmem>>, vector<1x16xf32>,
    %swap3A_1505 = vector.shape_cast %swap3A_1504 : vector<1x16xf32> to vector<16xf32>
    %swap3A_1506 = vector.shape_cast %get3A_1470 : vector<16xf32> to vector<1x16xf32>
    tpu.vector_store %arg5[%swap3A_1502, %swap3A_1503], %swap3A_1506 {strides = array<i32>} : memref<384x64xf32, #tpu.memory_space<vmem>>, vector<1x16xf32>,
    %swap3A_1507 = arith.constant 198 : i32
    %swap3A_1508 = arith.index_cast %swap3A_1507 : i32 to index
    %swap3A_1509 = arith.constant 48 : index
    %swap3A_1510 = tpu.vector_load %arg5[%swap3A_1508, %swap3A_1509] {strides = array<i32>} : memref<384x64xf32, #tpu.memory_space<vmem>>, vector<1x16xf32>,
    %swap3A_1511 = vector.shape_cast %swap3A_1510 : vector<1x16xf32> to vector<16xf32>
    %swap3A_1512 = vector.shape_cast %select_n3A_1488 : vector<16xf32> to vector<1x16xf32>
    tpu.vector_store %arg5[%swap3A_1508, %swap3A_1509], %swap3A_1512 {strides = array<i32>} : memref<384x64xf32, #tpu.memory_space<vmem>>, vector<1x16xf32>,
    %get3A_1513 = arith.constant 250 : i32
    %get3A_1514 = arith.index_cast %get3A_1513 : i32 to index
    %get3A_1515 = arith.constant 1 : index
    %get3A_1516 = tpu.vector_load %arg5[%get3A_1514, %get3A_1515] {strides = array<i32>} : memref<384x64xf32, #tpu.memory_space<vmem>>, vector<1x16xf32>,
    %get3A_1517 = vector.shape_cast %get3A_1516 : vector<1x16xf32> to vector<16xf32>
    %get3A_1518 = arith.constant 250 : i32
    %get3A_1519 = arith.index_cast %get3A_1518 : i32 to index
    %get3A_1520 = arith.constant 17 : index
    %get3A_1521 = tpu.vector_load %arg5[%get3A_1519, %get3A_1520] {strides = array<i32>} : memref<384x64xf32, #tpu.memory_space<vmem>>, vector<1x16xf32>,
    %get3A_1522 = vector.shape_cast %get3A_1521 : vector<1x16xf32> to vector<16xf32>
    %get3A_1523 = arith.constant 250 : i32
    %get3A_1524 = arith.index_cast %get3A_1523 : i32 to index
    %get3A_1525 = arith.constant 33 : index
    %get3A_1526 = tpu.vector_load %arg5[%get3A_1524, %get3A_1525] {strides = array<i32>} : memref<384x64xf32, #tpu.memory_space<vmem>>, vector<1x16xf32>,
    %get3A_1527 = vector.shape_cast %get3A_1526 : vector<1x16xf32> to vector<16xf32>
    %get3A_1528 = arith.constant 250 : i32
    %get3A_1529 = arith.index_cast %get3A_1528 : i32 to index
    %get3A_1530 = arith.constant 48 : index
    %get3A_1531 = tpu.vector_load %arg5[%get3A_1529, %get3A_1530] {strides = array<i32>} : memref<384x64xf32, #tpu.memory_space<vmem>>, vector<1x16xf32>,
    %get3A_1532 = vector.shape_cast %get3A_1531 : vector<1x16xf32> to vector<16xf32>
    %swap3A_1533 = arith.constant 0 : index
    %swap3A_1534 = tpu.vector_load %arg6[%swap3A_1533] {strides = array<i32>} : memref<32xf32, #tpu.memory_space<vmem>>, vector<16xf32>,
    %swap3A_1535 = vector.shape_cast %swap3A_1534 : vector<16xf32> to vector<16xf32>
    %swap3A_1536 = vector.shape_cast %get3A_1532 : vector<16xf32> to vector<16xf32>
    tpu.vector_store %arg6[%swap3A_1533], %swap3A_1536 {strides = array<i32>} : memref<32xf32, #tpu.memory_space<vmem>>, vector<16xf32>,
    %get3A_1537 = arith.constant 1 : index
    %get3A_1538 = tpu.vector_load %arg6[%get3A_1537] {strides = array<i32>} : memref<32xf32, #tpu.memory_space<vmem>>, vector<16xf32>,
    %get3A_1539 = vector.shape_cast %get3A_1538 : vector<16xf32> to vector<16xf32>
    %eq3A_1540 = arith.constant 15 : i32
    %eq3A_1541 = vector.broadcast %eq3A_1540 : i32 to vector<16xi32>
    %eq3A_1542 = arith.cmpi eq, %iota3A, %eq3A_1541 : vector<16xi32>
    %jit3A_1543 = arith.constant 0.000000e+00 : f32
    %broadcast_in_dim3A_1544 = vector.broadcast %jit3A_1543 : f32 to vector<16xf32>
    %select_n3A_1545 = arith.select %eq3A_1542, %broadcast_in_dim3A_1544, %get3A_1539 : vector<16xi1>, vector<16xf32>
    %swap3A_1546 = arith.constant 250 : i32
    %swap3A_1547 = arith.index_cast %swap3A_1546 : i32 to index
    %swap3A_1548 = arith.constant 0 : index
    %swap3A_1549 = tpu.vector_load %arg5[%swap3A_1547, %swap3A_1548] {strides = array<i32>} : memref<384x64xf32, #tpu.memory_space<vmem>>, vector<1x16xf32>,
    %swap3A_1550 = vector.shape_cast %swap3A_1549 : vector<1x16xf32> to vector<16xf32>
    %swap3A_1551 = vector.shape_cast %get3A_1517 : vector<16xf32> to vector<1x16xf32>
    tpu.vector_store %arg5[%swap3A_1547, %swap3A_1548], %swap3A_1551 {strides = array<i32>} : memref<384x64xf32, #tpu.memory_space<vmem>>, vector<1x16xf32>,
    %swap3A_1552 = arith.constant 250 : i32
    %swap3A_1553 = arith.index_cast %swap3A_1552 : i32 to index
    %swap3A_1554 = arith.constant 16 : index
    %swap3A_1555 = tpu.vector_load %arg5[%swap3A_1553, %swap3A_1554] {strides = array<i32>} : memref<384x64xf32, #tpu.memory_space<vmem>>, vector<1x16xf32>,
    %swap3A_1556 = vector.shape_cast %swap3A_1555 : vector<1x16xf32> to vector<16xf32>
    %swap3A_1557 = vector.shape_cast %get3A_1522 : vector<16xf32> to vector<1x16xf32>
    tpu.vector_store %arg5[%swap3A_1553, %swap3A_1554], %swap3A_1557 {strides = array<i32>} : memref<384x64xf32, #tpu.memory_space<vmem>>, vector<1x16xf32>,
    %swap3A_1558 = arith.constant 250 : i32
    %swap3A_1559 = arith.index_cast %swap3A_1558 : i32 to index
    %swap3A_1560 = arith.constant 32 : index
    %swap3A_1561 = tpu.vector_load %arg5[%swap3A_1559, %swap3A_1560] {strides = array<i32>} : memref<384x64xf32, #tpu.memory_space<vmem>>, vector<1x16xf32>,
    %swap3A_1562 = vector.shape_cast %swap3A_1561 : vector<1x16xf32> to vector<16xf32>
    %swap3A_1563 = vector.shape_cast %get3A_1527 : vector<16xf32> to vector<1x16xf32>
    tpu.vector_store %arg5[%swap3A_1559, %swap3A_1560], %swap3A_1563 {strides = array<i32>} : memref<384x64xf32, #tpu.memory_space<vmem>>, vector<1x16xf32>,
    %swap3A_1564 = arith.constant 250 : i32
    %swap3A_1565 = arith.index_cast %swap3A_1564 : i32 to index
    %swap3A_1566 = arith.constant 48 : index
    %swap3A_1567 = tpu.vector_load %arg5[%swap3A_1565, %swap3A_1566] {strides = array<i32>} : memref<384x64xf32, #tpu.memory_space<vmem>>, vector<1x16xf32>,
    %swap3A_1568 = vector.shape_cast %swap3A_1567 : vector<1x16xf32> to vector<16xf32>
    %swap3A_1569 = vector.shape_cast %select_n3A_1545 : vector<16xf32> to vector<1x16xf32>
    tpu.vector_store %arg5[%swap3A_1565, %swap3A_1566], %swap3A_1569 {strides = array<i32>} : memref<384x64xf32, #tpu.memory_space<vmem>>, vector<1x16xf32>,
    %get3A_1570 = arith.constant 343 : i32
    %get3A_1571 = arith.index_cast %get3A_1570 : i32 to index
    %get3A_1572 = arith.constant 0 : index
    %get3A_1573 = tpu.vector_load %arg5[%get3A_1571, %get3A_1572] {strides = array<i32>} : memref<384x64xf32, #tpu.memory_space<vmem>>, vector<1x16xf32>,
    %get3A_1574 = vector.shape_cast %get3A_1573 : vector<1x16xf32> to vector<16xf32>
    %swap3A_1575 = arith.constant 1 : index
    %swap3A_1576 = tpu.vector_load %arg6[%swap3A_1575] {strides = array<i32>} : memref<32xf32, #tpu.memory_space<vmem>>, vector<16xf32>,
    %swap3A_1577 = vector.shape_cast %swap3A_1576 : vector<16xf32> to vector<16xf32>
    %swap3A_1578 = vector.shape_cast %get3A_1574 : vector<16xf32> to vector<16xf32>
    tpu.vector_store %arg6[%swap3A_1575], %swap3A_1578 {strides = array<i32>} : memref<32xf32, #tpu.memory_space<vmem>>, vector<16xf32>,
    %get3A_1579 = arith.constant 0 : index
    %get3A_1580 = tpu.vector_load %arg6[%get3A_1579] {strides = array<i32>} : memref<32xf32, #tpu.memory_space<vmem>>, vector<16xf32>,
    %get3A_1581 = vector.shape_cast %get3A_1580 : vector<16xf32> to vector<16xf32>
    %eq3A_1582 = arith.constant 0 : i32
    %eq3A_1583 = vector.broadcast %eq3A_1582 : i32 to vector<16xi32>
    %eq3A_1584 = arith.cmpi eq, %iota3A, %eq3A_1583 : vector<16xi32>
    %jit3A_1585 = arith.constant 0.000000e+00 : f32
    %broadcast_in_dim3A_1586 = vector.broadcast %jit3A_1585 : f32 to vector<16xf32>
    %select_n3A_1587 = arith.select %eq3A_1584, %broadcast_in_dim3A_1586, %get3A_1581 : vector<16xi1>, vector<16xf32>
    %get3A_1588 = arith.constant 343 : i32
    %get3A_1589 = arith.index_cast %get3A_1588 : i32 to index
    %get3A_1590 = arith.constant 15 : index
    %get3A_1591 = tpu.vector_load %arg5[%get3A_1589, %get3A_1590] {strides = array<i32>} : memref<384x64xf32, #tpu.memory_space<vmem>>, vector<1x16xf32>,
    %get3A_1592 = vector.shape_cast %get3A_1591 : vector<1x16xf32> to vector<16xf32>
    %get3A_1593 = arith.constant 343 : i32
    %get3A_1594 = arith.index_cast %get3A_1593 : i32 to index
    %get3A_1595 = arith.constant 31 : index
    %get3A_1596 = tpu.vector_load %arg5[%get3A_1594, %get3A_1595] {strides = array<i32>} : memref<384x64xf32, #tpu.memory_space<vmem>>, vector<1x16xf32>,
    %get3A_1597 = vector.shape_cast %get3A_1596 : vector<1x16xf32> to vector<16xf32>
    %get3A_1598 = arith.constant 343 : i32
    %get3A_1599 = arith.index_cast %get3A_1598 : i32 to index
    %get3A_1600 = arith.constant 47 : index
    %get3A_1601 = tpu.vector_load %arg5[%get3A_1599, %get3A_1600] {strides = array<i32>} : memref<384x64xf32, #tpu.memory_space<vmem>>, vector<1x16xf32>,
    %get3A_1602 = vector.shape_cast %get3A_1601 : vector<1x16xf32> to vector<16xf32>
    %swap3A_1603 = arith.constant 343 : i32
    %swap3A_1604 = arith.index_cast %swap3A_1603 : i32 to index
    %swap3A_1605 = arith.constant 0 : index
    %swap3A_1606 = tpu.vector_load %arg5[%swap3A_1604, %swap3A_1605] {strides = array<i32>} : memref<384x64xf32, #tpu.memory_space<vmem>>, vector<1x16xf32>,
    %swap3A_1607 = vector.shape_cast %swap3A_1606 : vector<1x16xf32> to vector<16xf32>
    %swap3A_1608 = vector.shape_cast %select_n3A_1587 : vector<16xf32> to vector<1x16xf32>
    tpu.vector_store %arg5[%swap3A_1604, %swap3A_1605], %swap3A_1608 {strides = array<i32>} : memref<384x64xf32, #tpu.memory_space<vmem>>, vector<1x16xf32>,
    %swap3A_1609 = arith.constant 343 : i32
    %swap3A_1610 = arith.index_cast %swap3A_1609 : i32 to index
    %swap3A_1611 = arith.constant 16 : index
    %swap3A_1612 = tpu.vector_load %arg5[%swap3A_1610, %swap3A_1611] {strides = array<i32>} : memref<384x64xf32, #tpu.memory_space<vmem>>, vector<1x16xf32>,
    %swap3A_1613 = vector.shape_cast %swap3A_1612 : vector<1x16xf32> to vector<16xf32>
    %swap3A_1614 = vector.shape_cast %get3A_1592 : vector<16xf32> to vector<1x16xf32>
    tpu.vector_store %arg5[%swap3A_1610, %swap3A_1611], %swap3A_1614 {strides = array<i32>} : memref<384x64xf32, #tpu.memory_space<vmem>>, vector<1x16xf32>,
    %swap3A_1615 = arith.constant 343 : i32
    %swap3A_1616 = arith.index_cast %swap3A_1615 : i32 to index
    %swap3A_1617 = arith.constant 32 : index
    %swap3A_1618 = tpu.vector_load %arg5[%swap3A_1616, %swap3A_1617] {strides = array<i32>} : memref<384x64xf32, #tpu.memory_space<vmem>>, vector<1x16xf32>,
    %swap3A_1619 = vector.shape_cast %swap3A_1618 : vector<1x16xf32> to vector<16xf32>
    %swap3A_1620 = vector.shape_cast %get3A_1597 : vector<16xf32> to vector<1x16xf32>
    tpu.vector_store %arg5[%swap3A_1616, %swap3A_1617], %swap3A_1620 {strides = array<i32>} : memref<384x64xf32, #tpu.memory_space<vmem>>, vector<1x16xf32>,
    %swap3A_1621 = arith.constant 343 : i32
    %swap3A_1622 = arith.index_cast %swap3A_1621 : i32 to index
    %swap3A_1623 = arith.constant 48 : index
    %swap3A_1624 = tpu.vector_load %arg5[%swap3A_1622, %swap3A_1623] {strides = array<i32>} : memref<384x64xf32, #tpu.memory_space<vmem>>, vector<1x16xf32>,
    %swap3A_1625 = vector.shape_cast %swap3A_1624 : vector<1x16xf32> to vector<16xf32>
    %swap3A_1626 = vector.shape_cast %get3A_1602 : vector<16xf32> to vector<1x16xf32>
    tpu.vector_store %arg5[%swap3A_1622, %swap3A_1623], %swap3A_1626 {strides = array<i32>} : memref<384x64xf32, #tpu.memory_space<vmem>>, vector<1x16xf32>,
    %get3A_1627 = arith.constant 347 : i32
    %get3A_1628 = arith.index_cast %get3A_1627 : i32 to index
    %get3A_1629 = arith.constant 0 : index
    %get3A_1630 = tpu.vector_load %arg5[%get3A_1628, %get3A_1629] {strides = array<i32>} : memref<384x64xf32, #tpu.memory_space<vmem>>, vector<1x16xf32>,
    %get3A_1631 = vector.shape_cast %get3A_1630 : vector<1x16xf32> to vector<16xf32>
    %swap3A_1632 = arith.constant 1 : index
    %swap3A_1633 = tpu.vector_load %arg6[%swap3A_1632] {strides = array<i32>} : memref<32xf32, #tpu.memory_space<vmem>>, vector<16xf32>,
    %swap3A_1634 = vector.shape_cast %swap3A_1633 : vector<16xf32> to vector<16xf32>
    %swap3A_1635 = vector.shape_cast %get3A_1631 : vector<16xf32> to vector<16xf32>
    tpu.vector_store %arg6[%swap3A_1632], %swap3A_1635 {strides = array<i32>} : memref<32xf32, #tpu.memory_space<vmem>>, vector<16xf32>,
    %get3A_1636 = arith.constant 0 : index
    %get3A_1637 = tpu.vector_load %arg6[%get3A_1636] {strides = array<i32>} : memref<32xf32, #tpu.memory_space<vmem>>, vector<16xf32>,
    %get3A_1638 = vector.shape_cast %get3A_1637 : vector<16xf32> to vector<16xf32>
    %eq3A_1639 = arith.constant 0 : i32
    %eq3A_1640 = vector.broadcast %eq3A_1639 : i32 to vector<16xi32>
    %eq3A_1641 = arith.cmpi eq, %iota3A, %eq3A_1640 : vector<16xi32>
    %jit3A_1642 = arith.constant 0.000000e+00 : f32
    %broadcast_in_dim3A_1643 = vector.broadcast %jit3A_1642 : f32 to vector<16xf32>
    %select_n3A_1644 = arith.select %eq3A_1641, %broadcast_in_dim3A_1643, %get3A_1638 : vector<16xi1>, vector<16xf32>
    %get3A_1645 = arith.constant 347 : i32
    %get3A_1646 = arith.index_cast %get3A_1645 : i32 to index
    %get3A_1647 = arith.constant 15 : index
    %get3A_1648 = tpu.vector_load %arg5[%get3A_1646, %get3A_1647] {strides = array<i32>} : memref<384x64xf32, #tpu.memory_space<vmem>>, vector<1x16xf32>,
    %get3A_1649 = vector.shape_cast %get3A_1648 : vector<1x16xf32> to vector<16xf32>
    %get3A_1650 = arith.constant 347 : i32
    %get3A_1651 = arith.index_cast %get3A_1650 : i32 to index
    %get3A_1652 = arith.constant 31 : index
    %get3A_1653 = tpu.vector_load %arg5[%get3A_1651, %get3A_1652] {strides = array<i32>} : memref<384x64xf32, #tpu.memory_space<vmem>>, vector<1x16xf32>,
    %get3A_1654 = vector.shape_cast %get3A_1653 : vector<1x16xf32> to vector<16xf32>
    %get3A_1655 = arith.constant 347 : i32
    %get3A_1656 = arith.index_cast %get3A_1655 : i32 to index
    %get3A_1657 = arith.constant 47 : index
    %get3A_1658 = tpu.vector_load %arg5[%get3A_1656, %get3A_1657] {strides = array<i32>} : memref<384x64xf32, #tpu.memory_space<vmem>>, vector<1x16xf32>,
    %get3A_1659 = vector.shape_cast %get3A_1658 : vector<1x16xf32> to vector<16xf32>
    %swap3A_1660 = arith.constant 347 : i32
    %swap3A_1661 = arith.index_cast %swap3A_1660 : i32 to index
    %swap3A_1662 = arith.constant 0 : index
    %swap3A_1663 = tpu.vector_load %arg5[%swap3A_1661, %swap3A_1662] {strides = array<i32>} : memref<384x64xf32, #tpu.memory_space<vmem>>, vector<1x16xf32>,
    %swap3A_1664 = vector.shape_cast %swap3A_1663 : vector<1x16xf32> to vector<16xf32>
    %swap3A_1665 = vector.shape_cast %select_n3A_1644 : vector<16xf32> to vector<1x16xf32>
    tpu.vector_store %arg5[%swap3A_1661, %swap3A_1662], %swap3A_1665 {strides = array<i32>} : memref<384x64xf32, #tpu.memory_space<vmem>>, vector<1x16xf32>,
    %swap3A_1666 = arith.constant 347 : i32
    %swap3A_1667 = arith.index_cast %swap3A_1666 : i32 to index
    %swap3A_1668 = arith.constant 16 : index
    %swap3A_1669 = tpu.vector_load %arg5[%swap3A_1667, %swap3A_1668] {strides = array<i32>} : memref<384x64xf32, #tpu.memory_space<vmem>>, vector<1x16xf32>,
    %swap3A_1670 = vector.shape_cast %swap3A_1669 : vector<1x16xf32> to vector<16xf32>
    %swap3A_1671 = vector.shape_cast %get3A_1649 : vector<16xf32> to vector<1x16xf32>
    tpu.vector_store %arg5[%swap3A_1667, %swap3A_1668], %swap3A_1671 {strides = array<i32>} : memref<384x64xf32, #tpu.memory_space<vmem>>, vector<1x16xf32>,
    %swap3A_1672 = arith.constant 347 : i32
    %swap3A_1673 = arith.index_cast %swap3A_1672 : i32 to index
    %swap3A_1674 = arith.constant 32 : index
    %swap3A_1675 = tpu.vector_load %arg5[%swap3A_1673, %swap3A_1674] {strides = array<i32>} : memref<384x64xf32, #tpu.memory_space<vmem>>, vector<1x16xf32>,
    %swap3A_1676 = vector.shape_cast %swap3A_1675 : vector<1x16xf32> to vector<16xf32>
    %swap3A_1677 = vector.shape_cast %get3A_1654 : vector<16xf32> to vector<1x16xf32>
    tpu.vector_store %arg5[%swap3A_1673, %swap3A_1674], %swap3A_1677 {strides = array<i32>} : memref<384x64xf32, #tpu.memory_space<vmem>>, vector<1x16xf32>,
    %swap3A_1678 = arith.constant 347 : i32
    %swap3A_1679 = arith.index_cast %swap3A_1678 : i32 to index
    %swap3A_1680 = arith.constant 48 : index
    %swap3A_1681 = tpu.vector_load %arg5[%swap3A_1679, %swap3A_1680] {strides = array<i32>} : memref<384x64xf32, #tpu.memory_space<vmem>>, vector<1x16xf32>,
    %swap3A_1682 = vector.shape_cast %swap3A_1681 : vector<1x16xf32> to vector<16xf32>
    %swap3A_1683 = vector.shape_cast %get3A_1659 : vector<16xf32> to vector<1x16xf32>
    tpu.vector_store %arg5[%swap3A_1679, %swap3A_1680], %swap3A_1683 {strides = array<i32>} : memref<384x64xf32, #tpu.memory_space<vmem>>, vector<1x16xf32>,
    %get3A_1684 = arith.constant 361 : i32
    %get3A_1685 = arith.index_cast %get3A_1684 : i32 to index
    %get3A_1686 = arith.constant 1 : index
    %get3A_1687 = tpu.vector_load %arg5[%get3A_1685, %get3A_1686] {strides = array<i32>} : memref<384x64xf32, #tpu.memory_space<vmem>>, vector<1x16xf32>,
    %get3A_1688 = vector.shape_cast %get3A_1687 : vector<1x16xf32> to vector<16xf32>
    %get3A_1689 = arith.constant 361 : i32
    %get3A_1690 = arith.index_cast %get3A_1689 : i32 to index
    %get3A_1691 = arith.constant 17 : index
    %get3A_1692 = tpu.vector_load %arg5[%get3A_1690, %get3A_1691] {strides = array<i32>} : memref<384x64xf32, #tpu.memory_space<vmem>>, vector<1x16xf32>,
    %get3A_1693 = vector.shape_cast %get3A_1692 : vector<1x16xf32> to vector<16xf32>
    %get3A_1694 = arith.constant 361 : i32
    %get3A_1695 = arith.index_cast %get3A_1694 : i32 to index
    %get3A_1696 = arith.constant 33 : index
    %get3A_1697 = tpu.vector_load %arg5[%get3A_1695, %get3A_1696] {strides = array<i32>} : memref<384x64xf32, #tpu.memory_space<vmem>>, vector<1x16xf32>,
    %get3A_1698 = vector.shape_cast %get3A_1697 : vector<1x16xf32> to vector<16xf32>
    %get3A_1699 = arith.constant 361 : i32
    %get3A_1700 = arith.index_cast %get3A_1699 : i32 to index
    %get3A_1701 = arith.constant 48 : index
    %get3A_1702 = tpu.vector_load %arg5[%get3A_1700, %get3A_1701] {strides = array<i32>} : memref<384x64xf32, #tpu.memory_space<vmem>>, vector<1x16xf32>,
    %get3A_1703 = vector.shape_cast %get3A_1702 : vector<1x16xf32> to vector<16xf32>
    %swap3A_1704 = arith.constant 0 : index
    %swap3A_1705 = tpu.vector_load %arg6[%swap3A_1704] {strides = array<i32>} : memref<32xf32, #tpu.memory_space<vmem>>, vector<16xf32>,
    %swap3A_1706 = vector.shape_cast %swap3A_1705 : vector<16xf32> to vector<16xf32>
    %swap3A_1707 = vector.shape_cast %get3A_1703 : vector<16xf32> to vector<16xf32>
    tpu.vector_store %arg6[%swap3A_1704], %swap3A_1707 {strides = array<i32>} : memref<32xf32, #tpu.memory_space<vmem>>, vector<16xf32>,
    %get3A_1708 = arith.constant 1 : index
    %get3A_1709 = tpu.vector_load %arg6[%get3A_1708] {strides = array<i32>} : memref<32xf32, #tpu.memory_space<vmem>>, vector<16xf32>,
    %get3A_1710 = vector.shape_cast %get3A_1709 : vector<16xf32> to vector<16xf32>
    %eq3A_1711 = arith.constant 15 : i32
    %eq3A_1712 = vector.broadcast %eq3A_1711 : i32 to vector<16xi32>
    %eq3A_1713 = arith.cmpi eq, %iota3A, %eq3A_1712 : vector<16xi32>
    %jit3A_1714 = arith.constant 0.000000e+00 : f32
    %broadcast_in_dim3A_1715 = vector.broadcast %jit3A_1714 : f32 to vector<16xf32>
    %select_n3A_1716 = arith.select %eq3A_1713, %broadcast_in_dim3A_1715, %get3A_1710 : vector<16xi1>, vector<16xf32>
    %swap3A_1717 = arith.constant 361 : i32
    %swap3A_1718 = arith.index_cast %swap3A_1717 : i32 to index
    %swap3A_1719 = arith.constant 0 : index
    %swap3A_1720 = tpu.vector_load %arg5[%swap3A_1718, %swap3A_1719] {strides = array<i32>} : memref<384x64xf32, #tpu.memory_space<vmem>>, vector<1x16xf32>,
    %swap3A_1721 = vector.shape_cast %swap3A_1720 : vector<1x16xf32> to vector<16xf32>
    %swap3A_1722 = vector.shape_cast %get3A_1688 : vector<16xf32> to vector<1x16xf32>
    tpu.vector_store %arg5[%swap3A_1718, %swap3A_1719], %swap3A_1722 {strides = array<i32>} : memref<384x64xf32, #tpu.memory_space<vmem>>, vector<1x16xf32>,
    %swap3A_1723 = arith.constant 361 : i32
    %swap3A_1724 = arith.index_cast %swap3A_1723 : i32 to index
    %swap3A_1725 = arith.constant 16 : index
    %swap3A_1726 = tpu.vector_load %arg5[%swap3A_1724, %swap3A_1725] {strides = array<i32>} : memref<384x64xf32, #tpu.memory_space<vmem>>, vector<1x16xf32>,
    %swap3A_1727 = vector.shape_cast %swap3A_1726 : vector<1x16xf32> to vector<16xf32>
    %swap3A_1728 = vector.shape_cast %get3A_1693 : vector<16xf32> to vector<1x16xf32>
    tpu.vector_store %arg5[%swap3A_1724, %swap3A_1725], %swap3A_1728 {strides = array<i32>} : memref<384x64xf32, #tpu.memory_space<vmem>>, vector<1x16xf32>,
    %swap3A_1729 = arith.constant 361 : i32
    %swap3A_1730 = arith.index_cast %swap3A_1729 : i32 to index
    %swap3A_1731 = arith.constant 32 : index
    %swap3A_1732 = tpu.vector_load %arg5[%swap3A_1730, %swap3A_1731] {strides = array<i32>} : memref<384x64xf32, #tpu.memory_space<vmem>>, vector<1x16xf32>,
    %swap3A_1733 = vector.shape_cast %swap3A_1732 : vector<1x16xf32> to vector<16xf32>
    %swap3A_1734 = vector.shape_cast %get3A_1698 : vector<16xf32> to vector<1x16xf32>
    tpu.vector_store %arg5[%swap3A_1730, %swap3A_1731], %swap3A_1734 {strides = array<i32>} : memref<384x64xf32, #tpu.memory_space<vmem>>, vector<1x16xf32>,
    %swap3A_1735 = arith.constant 361 : i32
    %swap3A_1736 = arith.index_cast %swap3A_1735 : i32 to index
    %swap3A_1737 = arith.constant 48 : index
    %swap3A_1738 = tpu.vector_load %arg5[%swap3A_1736, %swap3A_1737] {strides = array<i32>} : memref<384x64xf32, #tpu.memory_space<vmem>>, vector<1x16xf32>,
    %swap3A_1739 = vector.shape_cast %swap3A_1738 : vector<1x16xf32> to vector<16xf32>
    %swap3A_1740 = vector.shape_cast %select_n3A_1716 : vector<16xf32> to vector<1x16xf32>
    tpu.vector_store %arg5[%swap3A_1736, %swap3A_1737], %swap3A_1740 {strides = array<i32>} : memref<384x64xf32, #tpu.memory_space<vmem>>, vector<1x16xf32>,
    %add3A_1741 = arith.constant 384 : i32
    %add3A_1742 = arith.addi %mul3A_2, %add3A_1741 : i32
    %dma_start3A_1743 = arith.constant 0 : i32
    %dma_start3A_1744 = tpu.memref_slice %arg3[%add3A_1742, %dma_start3A_1743] : memref<73728x64xf32, #tpu.memory_space<hbm>> -> memref<384x64xf32, #tpu.memory_space<hbm>>
    %dma_start3A_1745 = arith.constant 0 : i32
    %dma_start3A_1746 = tpu.memref_slice %arg3[%add3A_1742, %dma_start3A_1745] : memref<73728x64xf32, #tpu.memory_space<hbm>> -> memref<384x64xf32, #tpu.memory_space<hbm>>
    tpu.enqueue_dma source(%arg5 : memref<384x64xf32, #tpu.memory_space<vmem>>) target(%dma_start3A_1746 : memref<384x64xf32, #tpu.memory_space<hbm>>) target_semaphore(%arg10 : memref<!tpu.dma_semaphore, #tpu.memory_space<semaphore_mem>>)
    %dma_wait3A_1747 = arith.constant 0 : i32
    %dma_wait3A_1748 = tpu.memref_slice %arg3[%add3A_1742, %dma_wait3A_1747] : memref<73728x64xf32, #tpu.memory_space<hbm>> -> memref<384x64xf32, #tpu.memory_space<hbm>>
    %dma_wait3A_1749 = arith.constant 0 : i32
    %dma_wait3A_1750 = tpu.memref_slice %arg3[%add3A_1742, %dma_wait3A_1749] : memref<73728x64xf32, #tpu.memory_space<hbm>> -> memref<384x64xf32, #tpu.memory_space<hbm>>
    tpu.wait_dma2 semaphore(%arg10 : memref<!tpu.dma_semaphore, #tpu.memory_space<semaphore_mem>>) src(%arg5 : memref<384x64xf32, #tpu.memory_space<vmem>>) dst(%dma_wait3A_1750 : memref<384x64xf32, #tpu.memory_space<hbm>>)
    %add3A_1751 = arith.constant 1152 : i32
    %add3A_1752 = arith.addi %mul3A_2, %add3A_1751 : i32
    %dma_start3A_1753 = arith.constant 0 : i32
    %dma_start3A_1754 = tpu.memref_slice %arg2[%add3A_1752, %dma_start3A_1753] : memref<73728x64xf32, #tpu.memory_space<hbm>> -> memref<384x64xf32, #tpu.memory_space<hbm>>
    %dma_start3A_1755 = arith.constant 0 : i32
    %dma_start3A_1756 = tpu.memref_slice %arg2[%add3A_1752, %dma_start3A_1755] : memref<73728x64xf32, #tpu.memory_space<hbm>> -> memref<384x64xf32, #tpu.memory_space<hbm>>
    tpu.enqueue_dma source(%dma_start3A_1756 : memref<384x64xf32, #tpu.memory_space<hbm>>) target(%arg5 : memref<384x64xf32, #tpu.memory_space<vmem>>) target_semaphore(%arg8 : memref<!tpu.dma_semaphore, #tpu.memory_space<semaphore_mem>>)
    %dma_wait3A_1757 = arith.constant 0 : i32
    %dma_wait3A_1758 = tpu.memref_slice %arg2[%add3A_820, %dma_wait3A_1757] : memref<73728x64xf32, #tpu.memory_space<hbm>> -> memref<384x64xf32, #tpu.memory_space<hbm>>
    %dma_wait3A_1759 = arith.constant 0 : i32
    %dma_wait3A_1760 = tpu.memref_slice %arg2[%add3A_820, %dma_wait3A_1759] : memref<73728x64xf32, #tpu.memory_space<hbm>> -> memref<384x64xf32, #tpu.memory_space<hbm>>
    tpu.wait_dma2 semaphore(%arg7 : memref<!tpu.dma_semaphore, #tpu.memory_space<semaphore_mem>>) src(%dma_wait3A_1760 : memref<384x64xf32, #tpu.memory_space<hbm>>) dst(%arg4 : memref<384x64xf32, #tpu.memory_space<vmem>>)
    %get3A_1761 = arith.constant 7 : i32
    %get3A_1762 = arith.index_cast %get3A_1761 : i32 to index
    %get3A_1763 = arith.constant 1 : index
    %get3A_1764 = tpu.vector_load %arg4[%get3A_1762, %get3A_1763] {strides = array<i32>} : memref<384x64xf32, #tpu.memory_space<vmem>>, vector<1x16xf32>,
    %get3A_1765 = vector.shape_cast %get3A_1764 : vector<1x16xf32> to vector<16xf32>
    %get3A_1766 = arith.constant 7 : i32
    %get3A_1767 = arith.index_cast %get3A_1766 : i32 to index
    %get3A_1768 = arith.constant 17 : index
    %get3A_1769 = tpu.vector_load %arg4[%get3A_1767, %get3A_1768] {strides = array<i32>} : memref<384x64xf32, #tpu.memory_space<vmem>>, vector<1x16xf32>,
    %get3A_1770 = vector.shape_cast %get3A_1769 : vector<1x16xf32> to vector<16xf32>
    %get3A_1771 = arith.constant 7 : i32
    %get3A_1772 = arith.index_cast %get3A_1771 : i32 to index
    %get3A_1773 = arith.constant 33 : index
    %get3A_1774 = tpu.vector_load %arg4[%get3A_1772, %get3A_1773] {strides = array<i32>} : memref<384x64xf32, #tpu.memory_space<vmem>>, vector<1x16xf32>,
    %get3A_1775 = vector.shape_cast %get3A_1774 : vector<1x16xf32> to vector<16xf32>
    %get3A_1776 = arith.constant 7 : i32
    %get3A_1777 = arith.index_cast %get3A_1776 : i32 to index
    %get3A_1778 = arith.constant 48 : index
    %get3A_1779 = tpu.vector_load %arg4[%get3A_1777, %get3A_1778] {strides = array<i32>} : memref<384x64xf32, #tpu.memory_space<vmem>>, vector<1x16xf32>,
    %get3A_1780 = vector.shape_cast %get3A_1779 : vector<1x16xf32> to vector<16xf32>
    %swap3A_1781 = arith.constant 0 : index
    %swap3A_1782 = tpu.vector_load %arg6[%swap3A_1781] {strides = array<i32>} : memref<32xf32, #tpu.memory_space<vmem>>, vector<16xf32>,
    %swap3A_1783 = vector.shape_cast %swap3A_1782 : vector<16xf32> to vector<16xf32>
    %swap3A_1784 = vector.shape_cast %get3A_1780 : vector<16xf32> to vector<16xf32>
    tpu.vector_store %arg6[%swap3A_1781], %swap3A_1784 {strides = array<i32>} : memref<32xf32, #tpu.memory_space<vmem>>, vector<16xf32>,
    %get3A_1785 = arith.constant 1 : index
    %get3A_1786 = tpu.vector_load %arg6[%get3A_1785] {strides = array<i32>} : memref<32xf32, #tpu.memory_space<vmem>>, vector<16xf32>,
    %get3A_1787 = vector.shape_cast %get3A_1786 : vector<16xf32> to vector<16xf32>
    %eq3A_1788 = arith.constant 15 : i32
    %eq3A_1789 = vector.broadcast %eq3A_1788 : i32 to vector<16xi32>
    %eq3A_1790 = arith.cmpi eq, %iota3A, %eq3A_1789 : vector<16xi32>
    %jit3A_1791 = arith.constant 0.000000e+00 : f32
    %broadcast_in_dim3A_1792 = vector.broadcast %jit3A_1791 : f32 to vector<16xf32>
    %select_n3A_1793 = arith.select %eq3A_1790, %broadcast_in_dim3A_1792, %get3A_1787 : vector<16xi1>, vector<16xf32>
    %swap3A_1794 = arith.constant 7 : i32
    %swap3A_1795 = arith.index_cast %swap3A_1794 : i32 to index
    %swap3A_1796 = arith.constant 0 : index
    %swap3A_1797 = tpu.vector_load %arg4[%swap3A_1795, %swap3A_1796] {strides = array<i32>} : memref<384x64xf32, #tpu.memory_space<vmem>>, vector<1x16xf32>,
    %swap3A_1798 = vector.shape_cast %swap3A_1797 : vector<1x16xf32> to vector<16xf32>
    %swap3A_1799 = vector.shape_cast %get3A_1765 : vector<16xf32> to vector<1x16xf32>
    tpu.vector_store %arg4[%swap3A_1795, %swap3A_1796], %swap3A_1799 {strides = array<i32>} : memref<384x64xf32, #tpu.memory_space<vmem>>, vector<1x16xf32>,
    %swap3A_1800 = arith.constant 7 : i32
    %swap3A_1801 = arith.index_cast %swap3A_1800 : i32 to index
    %swap3A_1802 = arith.constant 16 : index
    %swap3A_1803 = tpu.vector_load %arg4[%swap3A_1801, %swap3A_1802] {strides = array<i32>} : memref<384x64xf32, #tpu.memory_space<vmem>>, vector<1x16xf32>,
    %swap3A_1804 = vector.shape_cast %swap3A_1803 : vector<1x16xf32> to vector<16xf32>
    %swap3A_1805 = vector.shape_cast %get3A_1770 : vector<16xf32> to vector<1x16xf32>
    tpu.vector_store %arg4[%swap3A_1801, %swap3A_1802], %swap3A_1805 {strides = array<i32>} : memref<384x64xf32, #tpu.memory_space<vmem>>, vector<1x16xf32>,
    %swap3A_1806 = arith.constant 7 : i32
    %swap3A_1807 = arith.index_cast %swap3A_1806 : i32 to index
    %swap3A_1808 = arith.constant 32 : index
    %swap3A_1809 = tpu.vector_load %arg4[%swap3A_1807, %swap3A_1808] {strides = array<i32>} : memref<384x64xf32, #tpu.memory_space<vmem>>, vector<1x16xf32>,
    %swap3A_1810 = vector.shape_cast %swap3A_1809 : vector<1x16xf32> to vector<16xf32>
    %swap3A_1811 = vector.shape_cast %get3A_1775 : vector<16xf32> to vector<1x16xf32>
    tpu.vector_store %arg4[%swap3A_1807, %swap3A_1808], %swap3A_1811 {strides = array<i32>} : memref<384x64xf32, #tpu.memory_space<vmem>>, vector<1x16xf32>,
    %swap3A_1812 = arith.constant 7 : i32
    %swap3A_1813 = arith.index_cast %swap3A_1812 : i32 to index
    %swap3A_1814 = arith.constant 48 : index
    %swap3A_1815 = tpu.vector_load %arg4[%swap3A_1813, %swap3A_1814] {strides = array<i32>} : memref<384x64xf32, #tpu.memory_space<vmem>>, vector<1x16xf32>,
    %swap3A_1816 = vector.shape_cast %swap3A_1815 : vector<1x16xf32> to vector<16xf32>
    %swap3A_1817 = vector.shape_cast %select_n3A_1793 : vector<16xf32> to vector<1x16xf32>
    tpu.vector_store %arg4[%swap3A_1813, %swap3A_1814], %swap3A_1817 {strides = array<i32>} : memref<384x64xf32, #tpu.memory_space<vmem>>, vector<1x16xf32>,
    %get3A_1818 = arith.constant 24 : i32
    %get3A_1819 = arith.index_cast %get3A_1818 : i32 to index
    %get3A_1820 = arith.constant 1 : index
    %get3A_1821 = tpu.vector_load %arg4[%get3A_1819, %get3A_1820] {strides = array<i32>} : memref<384x64xf32, #tpu.memory_space<vmem>>, vector<1x16xf32>,
    %get3A_1822 = vector.shape_cast %get3A_1821 : vector<1x16xf32> to vector<16xf32>
    %get3A_1823 = arith.constant 24 : i32
    %get3A_1824 = arith.index_cast %get3A_1823 : i32 to index
    %get3A_1825 = arith.constant 17 : index
    %get3A_1826 = tpu.vector_load %arg4[%get3A_1824, %get3A_1825] {strides = array<i32>} : memref<384x64xf32, #tpu.memory_space<vmem>>, vector<1x16xf32>,
    %get3A_1827 = vector.shape_cast %get3A_1826 : vector<1x16xf32> to vector<16xf32>
    %get3A_1828 = arith.constant 24 : i32
    %get3A_1829 = arith.index_cast %get3A_1828 : i32 to index
    %get3A_1830 = arith.constant 33 : index
    %get3A_1831 = tpu.vector_load %arg4[%get3A_1829, %get3A_1830] {strides = array<i32>} : memref<384x64xf32, #tpu.memory_space<vmem>>, vector<1x16xf32>,
    %get3A_1832 = vector.shape_cast %get3A_1831 : vector<1x16xf32> to vector<16xf32>
    %get3A_1833 = arith.constant 24 : i32
    %get3A_1834 = arith.index_cast %get3A_1833 : i32 to index
    %get3A_1835 = arith.constant 48 : index
    %get3A_1836 = tpu.vector_load %arg4[%get3A_1834, %get3A_1835] {strides = array<i32>} : memref<384x64xf32, #tpu.memory_space<vmem>>, vector<1x16xf32>,
    %get3A_1837 = vector.shape_cast %get3A_1836 : vector<1x16xf32> to vector<16xf32>
    %swap3A_1838 = arith.constant 0 : index
    %swap3A_1839 = tpu.vector_load %arg6[%swap3A_1838] {strides = array<i32>} : memref<32xf32, #tpu.memory_space<vmem>>, vector<16xf32>,
    %swap3A_1840 = vector.shape_cast %swap3A_1839 : vector<16xf32> to vector<16xf32>
    %swap3A_1841 = vector.shape_cast %get3A_1837 : vector<16xf32> to vector<16xf32>
    tpu.vector_store %arg6[%swap3A_1838], %swap3A_1841 {strides = array<i32>} : memref<32xf32, #tpu.memory_space<vmem>>, vector<16xf32>,
    %get3A_1842 = arith.constant 1 : index
    %get3A_1843 = tpu.vector_load %arg6[%get3A_1842] {strides = array<i32>} : memref<32xf32, #tpu.memory_space<vmem>>, vector<16xf32>,
    %get3A_1844 = vector.shape_cast %get3A_1843 : vector<16xf32> to vector<16xf32>
    %eq3A_1845 = arith.constant 15 : i32
    %eq3A_1846 = vector.broadcast %eq3A_1845 : i32 to vector<16xi32>
    %eq3A_1847 = arith.cmpi eq, %iota3A, %eq3A_1846 : vector<16xi32>
    %jit3A_1848 = arith.constant 0.000000e+00 : f32
    %broadcast_in_dim3A_1849 = vector.broadcast %jit3A_1848 : f32 to vector<16xf32>
    %select_n3A_1850 = arith.select %eq3A_1847, %broadcast_in_dim3A_1849, %get3A_1844 : vector<16xi1>, vector<16xf32>
    %swap3A_1851 = arith.constant 24 : i32
    %swap3A_1852 = arith.index_cast %swap3A_1851 : i32 to index
    %swap3A_1853 = arith.constant 0 : index
    %swap3A_1854 = tpu.vector_load %arg4[%swap3A_1852, %swap3A_1853] {strides = array<i32>} : memref<384x64xf32, #tpu.memory_space<vmem>>, vector<1x16xf32>,
    %swap3A_1855 = vector.shape_cast %swap3A_1854 : vector<1x16xf32> to vector<16xf32>
    %swap3A_1856 = vector.shape_cast %get3A_1822 : vector<16xf32> to vector<1x16xf32>
    tpu.vector_store %arg4[%swap3A_1852, %swap3A_1853], %swap3A_1856 {strides = array<i32>} : memref<384x64xf32, #tpu.memory_space<vmem>>, vector<1x16xf32>,
    %swap3A_1857 = arith.constant 24 : i32
    %swap3A_1858 = arith.index_cast %swap3A_1857 : i32 to index
    %swap3A_1859 = arith.constant 16 : index
    %swap3A_1860 = tpu.vector_load %arg4[%swap3A_1858, %swap3A_1859] {strides = array<i32>} : memref<384x64xf32, #tpu.memory_space<vmem>>, vector<1x16xf32>,
    %swap3A_1861 = vector.shape_cast %swap3A_1860 : vector<1x16xf32> to vector<16xf32>
    %swap3A_1862 = vector.shape_cast %get3A_1827 : vector<16xf32> to vector<1x16xf32>
    tpu.vector_store %arg4[%swap3A_1858, %swap3A_1859], %swap3A_1862 {strides = array<i32>} : memref<384x64xf32, #tpu.memory_space<vmem>>, vector<1x16xf32>,
    %swap3A_1863 = arith.constant 24 : i32
    %swap3A_1864 = arith.index_cast %swap3A_1863 : i32 to index
    %swap3A_1865 = arith.constant 32 : index
    %swap3A_1866 = tpu.vector_load %arg4[%swap3A_1864, %swap3A_1865] {strides = array<i32>} : memref<384x64xf32, #tpu.memory_space<vmem>>, vector<1x16xf32>,
    %swap3A_1867 = vector.shape_cast %swap3A_1866 : vector<1x16xf32> to vector<16xf32>
    %swap3A_1868 = vector.shape_cast %get3A_1832 : vector<16xf32> to vector<1x16xf32>
    tpu.vector_store %arg4[%swap3A_1864, %swap3A_1865], %swap3A_1868 {strides = array<i32>} : memref<384x64xf32, #tpu.memory_space<vmem>>, vector<1x16xf32>,
    %swap3A_1869 = arith.constant 24 : i32
    %swap3A_1870 = arith.index_cast %swap3A_1869 : i32 to index
    %swap3A_1871 = arith.constant 48 : index
    %swap3A_1872 = tpu.vector_load %arg4[%swap3A_1870, %swap3A_1871] {strides = array<i32>} : memref<384x64xf32, #tpu.memory_space<vmem>>, vector<1x16xf32>,
    %swap3A_1873 = vector.shape_cast %swap3A_1872 : vector<1x16xf32> to vector<16xf32>
    %swap3A_1874 = vector.shape_cast %select_n3A_1850 : vector<16xf32> to vector<1x16xf32>
    tpu.vector_store %arg4[%swap3A_1870, %swap3A_1871], %swap3A_1874 {strides = array<i32>} : memref<384x64xf32, #tpu.memory_space<vmem>>, vector<1x16xf32>,
    %get3A_1875 = arith.constant 25 : i32
    %get3A_1876 = arith.index_cast %get3A_1875 : i32 to index
    %get3A_1877 = arith.constant 1 : index
    %get3A_1878 = tpu.vector_load %arg4[%get3A_1876, %get3A_1877] {strides = array<i32>} : memref<384x64xf32, #tpu.memory_space<vmem>>, vector<1x16xf32>,
    %get3A_1879 = vector.shape_cast %get3A_1878 : vector<1x16xf32> to vector<16xf32>
    %get3A_1880 = arith.constant 25 : i32
    %get3A_1881 = arith.index_cast %get3A_1880 : i32 to index
    %get3A_1882 = arith.constant 17 : index
    %get3A_1883 = tpu.vector_load %arg4[%get3A_1881, %get3A_1882] {strides = array<i32>} : memref<384x64xf32, #tpu.memory_space<vmem>>, vector<1x16xf32>,
    %get3A_1884 = vector.shape_cast %get3A_1883 : vector<1x16xf32> to vector<16xf32>
    %get3A_1885 = arith.constant 25 : i32
    %get3A_1886 = arith.index_cast %get3A_1885 : i32 to index
    %get3A_1887 = arith.constant 33 : index
    %get3A_1888 = tpu.vector_load %arg4[%get3A_1886, %get3A_1887] {strides = array<i32>} : memref<384x64xf32, #tpu.memory_space<vmem>>, vector<1x16xf32>,
    %get3A_1889 = vector.shape_cast %get3A_1888 : vector<1x16xf32> to vector<16xf32>
    %get3A_1890 = arith.constant 25 : i32
    %get3A_1891 = arith.index_cast %get3A_1890 : i32 to index
    %get3A_1892 = arith.constant 48 : index
    %get3A_1893 = tpu.vector_load %arg4[%get3A_1891, %get3A_1892] {strides = array<i32>} : memref<384x64xf32, #tpu.memory_space<vmem>>, vector<1x16xf32>,
    %get3A_1894 = vector.shape_cast %get3A_1893 : vector<1x16xf32> to vector<16xf32>
    %swap3A_1895 = arith.constant 0 : index
    %swap3A_1896 = tpu.vector_load %arg6[%swap3A_1895] {strides = array<i32>} : memref<32xf32, #tpu.memory_space<vmem>>, vector<16xf32>,
    %swap3A_1897 = vector.shape_cast %swap3A_1896 : vector<16xf32> to vector<16xf32>
    %swap3A_1898 = vector.shape_cast %get3A_1894 : vector<16xf32> to vector<16xf32>
    tpu.vector_store %arg6[%swap3A_1895], %swap3A_1898 {strides = array<i32>} : memref<32xf32, #tpu.memory_space<vmem>>, vector<16xf32>,
    %get3A_1899 = arith.constant 1 : index
    %get3A_1900 = tpu.vector_load %arg6[%get3A_1899] {strides = array<i32>} : memref<32xf32, #tpu.memory_space<vmem>>, vector<16xf32>,
    %get3A_1901 = vector.shape_cast %get3A_1900 : vector<16xf32> to vector<16xf32>
    %eq3A_1902 = arith.constant 15 : i32
    %eq3A_1903 = vector.broadcast %eq3A_1902 : i32 to vector<16xi32>
    %eq3A_1904 = arith.cmpi eq, %iota3A, %eq3A_1903 : vector<16xi32>
    %jit3A_1905 = arith.constant 0.000000e+00 : f32
    %broadcast_in_dim3A_1906 = vector.broadcast %jit3A_1905 : f32 to vector<16xf32>
    %select_n3A_1907 = arith.select %eq3A_1904, %broadcast_in_dim3A_1906, %get3A_1901 : vector<16xi1>, vector<16xf32>
    %swap3A_1908 = arith.constant 25 : i32
    %swap3A_1909 = arith.index_cast %swap3A_1908 : i32 to index
    %swap3A_1910 = arith.constant 0 : index
    %swap3A_1911 = tpu.vector_load %arg4[%swap3A_1909, %swap3A_1910] {strides = array<i32>} : memref<384x64xf32, #tpu.memory_space<vmem>>, vector<1x16xf32>,
    %swap3A_1912 = vector.shape_cast %swap3A_1911 : vector<1x16xf32> to vector<16xf32>
    %swap3A_1913 = vector.shape_cast %get3A_1879 : vector<16xf32> to vector<1x16xf32>
    tpu.vector_store %arg4[%swap3A_1909, %swap3A_1910], %swap3A_1913 {strides = array<i32>} : memref<384x64xf32, #tpu.memory_space<vmem>>, vector<1x16xf32>,
    %swap3A_1914 = arith.constant 25 : i32
    %swap3A_1915 = arith.index_cast %swap3A_1914 : i32 to index
    %swap3A_1916 = arith.constant 16 : index
    %swap3A_1917 = tpu.vector_load %arg4[%swap3A_1915, %swap3A_1916] {strides = array<i32>} : memref<384x64xf32, #tpu.memory_space<vmem>>, vector<1x16xf32>,
    %swap3A_1918 = vector.shape_cast %swap3A_1917 : vector<1x16xf32> to vector<16xf32>
    %swap3A_1919 = vector.shape_cast %get3A_1884 : vector<16xf32> to vector<1x16xf32>
    tpu.vector_store %arg4[%swap3A_1915, %swap3A_1916], %swap3A_1919 {strides = array<i32>} : memref<384x64xf32, #tpu.memory_space<vmem>>, vector<1x16xf32>,
    %swap3A_1920 = arith.constant 25 : i32
    %swap3A_1921 = arith.index_cast %swap3A_1920 : i32 to index
    %swap3A_1922 = arith.constant 32 : index
    %swap3A_1923 = tpu.vector_load %arg4[%swap3A_1921, %swap3A_1922] {strides = array<i32>} : memref<384x64xf32, #tpu.memory_space<vmem>>, vector<1x16xf32>,
    %swap3A_1924 = vector.shape_cast %swap3A_1923 : vector<1x16xf32> to vector<16xf32>
    %swap3A_1925 = vector.shape_cast %get3A_1889 : vector<16xf32> to vector<1x16xf32>
    tpu.vector_store %arg4[%swap3A_1921, %swap3A_1922], %swap3A_1925 {strides = array<i32>} : memref<384x64xf32, #tpu.memory_space<vmem>>, vector<1x16xf32>,
    %swap3A_1926 = arith.constant 25 : i32
    %swap3A_1927 = arith.index_cast %swap3A_1926 : i32 to index
    %swap3A_1928 = arith.constant 48 : index
    %swap3A_1929 = tpu.vector_load %arg4[%swap3A_1927, %swap3A_1928] {strides = array<i32>} : memref<384x64xf32, #tpu.memory_space<vmem>>, vector<1x16xf32>,
    %swap3A_1930 = vector.shape_cast %swap3A_1929 : vector<1x16xf32> to vector<16xf32>
    %swap3A_1931 = vector.shape_cast %select_n3A_1907 : vector<16xf32> to vector<1x16xf32>
    tpu.vector_store %arg4[%swap3A_1927, %swap3A_1928], %swap3A_1931 {strides = array<i32>} : memref<384x64xf32, #tpu.memory_space<vmem>>, vector<1x16xf32>,
    %get3A_1932 = arith.constant 128 : i32
    %get3A_1933 = arith.index_cast %get3A_1932 : i32 to index
    %get3A_1934 = arith.constant 1 : index
    %get3A_1935 = tpu.vector_load %arg4[%get3A_1933, %get3A_1934] {strides = array<i32>} : memref<384x64xf32, #tpu.memory_space<vmem>>, vector<1x16xf32>,
    %get3A_1936 = vector.shape_cast %get3A_1935 : vector<1x16xf32> to vector<16xf32>
    %get3A_1937 = arith.constant 128 : i32
    %get3A_1938 = arith.index_cast %get3A_1937 : i32 to index
    %get3A_1939 = arith.constant 17 : index
    %get3A_1940 = tpu.vector_load %arg4[%get3A_1938, %get3A_1939] {strides = array<i32>} : memref<384x64xf32, #tpu.memory_space<vmem>>, vector<1x16xf32>,
    %get3A_1941 = vector.shape_cast %get3A_1940 : vector<1x16xf32> to vector<16xf32>
    %get3A_1942 = arith.constant 128 : i32
    %get3A_1943 = arith.index_cast %get3A_1942 : i32 to index
    %get3A_1944 = arith.constant 33 : index
    %get3A_1945 = tpu.vector_load %arg4[%get3A_1943, %get3A_1944] {strides = array<i32>} : memref<384x64xf32, #tpu.memory_space<vmem>>, vector<1x16xf32>,
    %get3A_1946 = vector.shape_cast %get3A_1945 : vector<1x16xf32> to vector<16xf32>
    %get3A_1947 = arith.constant 128 : i32
    %get3A_1948 = arith.index_cast %get3A_1947 : i32 to index
    %get3A_1949 = arith.constant 48 : index
    %get3A_1950 = tpu.vector_load %arg4[%get3A_1948, %get3A_1949] {strides = array<i32>} : memref<384x64xf32, #tpu.memory_space<vmem>>, vector<1x16xf32>,
    %get3A_1951 = vector.shape_cast %get3A_1950 : vector<1x16xf32> to vector<16xf32>
    %swap3A_1952 = arith.constant 0 : index
    %swap3A_1953 = tpu.vector_load %arg6[%swap3A_1952] {strides = array<i32>} : memref<32xf32, #tpu.memory_space<vmem>>, vector<16xf32>,
    %swap3A_1954 = vector.shape_cast %swap3A_1953 : vector<16xf32> to vector<16xf32>
    %swap3A_1955 = vector.shape_cast %get3A_1951 : vector<16xf32> to vector<16xf32>
    tpu.vector_store %arg6[%swap3A_1952], %swap3A_1955 {strides = array<i32>} : memref<32xf32, #tpu.memory_space<vmem>>, vector<16xf32>,
    %get3A_1956 = arith.constant 1 : index
    %get3A_1957 = tpu.vector_load %arg6[%get3A_1956] {strides = array<i32>} : memref<32xf32, #tpu.memory_space<vmem>>, vector<16xf32>,
    %get3A_1958 = vector.shape_cast %get3A_1957 : vector<16xf32> to vector<16xf32>
    %eq3A_1959 = arith.constant 15 : i32
    %eq3A_1960 = vector.broadcast %eq3A_1959 : i32 to vector<16xi32>
    %eq3A_1961 = arith.cmpi eq, %iota3A, %eq3A_1960 : vector<16xi32>
    %jit3A_1962 = arith.constant 0.000000e+00 : f32
    %broadcast_in_dim3A_1963 = vector.broadcast %jit3A_1962 : f32 to vector<16xf32>
    %select_n3A_1964 = arith.select %eq3A_1961, %broadcast_in_dim3A_1963, %get3A_1958 : vector<16xi1>, vector<16xf32>
    %swap3A_1965 = arith.constant 128 : i32
    %swap3A_1966 = arith.index_cast %swap3A_1965 : i32 to index
    %swap3A_1967 = arith.constant 0 : index
    %swap3A_1968 = tpu.vector_load %arg4[%swap3A_1966, %swap3A_1967] {strides = array<i32>} : memref<384x64xf32, #tpu.memory_space<vmem>>, vector<1x16xf32>,
    %swap3A_1969 = vector.shape_cast %swap3A_1968 : vector<1x16xf32> to vector<16xf32>
    %swap3A_1970 = vector.shape_cast %get3A_1936 : vector<16xf32> to vector<1x16xf32>
    tpu.vector_store %arg4[%swap3A_1966, %swap3A_1967], %swap3A_1970 {strides = array<i32>} : memref<384x64xf32, #tpu.memory_space<vmem>>, vector<1x16xf32>,
    %swap3A_1971 = arith.constant 128 : i32
    %swap3A_1972 = arith.index_cast %swap3A_1971 : i32 to index
    %swap3A_1973 = arith.constant 16 : index
    %swap3A_1974 = tpu.vector_load %arg4[%swap3A_1972, %swap3A_1973] {strides = array<i32>} : memref<384x64xf32, #tpu.memory_space<vmem>>, vector<1x16xf32>,
    %swap3A_1975 = vector.shape_cast %swap3A_1974 : vector<1x16xf32> to vector<16xf32>
    %swap3A_1976 = vector.shape_cast %get3A_1941 : vector<16xf32> to vector<1x16xf32>
    tpu.vector_store %arg4[%swap3A_1972, %swap3A_1973], %swap3A_1976 {strides = array<i32>} : memref<384x64xf32, #tpu.memory_space<vmem>>, vector<1x16xf32>,
    %swap3A_1977 = arith.constant 128 : i32
    %swap3A_1978 = arith.index_cast %swap3A_1977 : i32 to index
    %swap3A_1979 = arith.constant 32 : index
    %swap3A_1980 = tpu.vector_load %arg4[%swap3A_1978, %swap3A_1979] {strides = array<i32>} : memref<384x64xf32, #tpu.memory_space<vmem>>, vector<1x16xf32>,
    %swap3A_1981 = vector.shape_cast %swap3A_1980 : vector<1x16xf32> to vector<16xf32>
    %swap3A_1982 = vector.shape_cast %get3A_1946 : vector<16xf32> to vector<1x16xf32>
    tpu.vector_store %arg4[%swap3A_1978, %swap3A_1979], %swap3A_1982 {strides = array<i32>} : memref<384x64xf32, #tpu.memory_space<vmem>>, vector<1x16xf32>,
    %swap3A_1983 = arith.constant 128 : i32
    %swap3A_1984 = arith.index_cast %swap3A_1983 : i32 to index
    %swap3A_1985 = arith.constant 48 : index
    %swap3A_1986 = tpu.vector_load %arg4[%swap3A_1984, %swap3A_1985] {strides = array<i32>} : memref<384x64xf32, #tpu.memory_space<vmem>>, vector<1x16xf32>,
    %swap3A_1987 = vector.shape_cast %swap3A_1986 : vector<1x16xf32> to vector<16xf32>
    %swap3A_1988 = vector.shape_cast %select_n3A_1964 : vector<16xf32> to vector<1x16xf32>
    tpu.vector_store %arg4[%swap3A_1984, %swap3A_1985], %swap3A_1988 {strides = array<i32>} : memref<384x64xf32, #tpu.memory_space<vmem>>, vector<1x16xf32>,
    %get3A_1989 = arith.constant 206 : i32
    %get3A_1990 = arith.index_cast %get3A_1989 : i32 to index
    %get3A_1991 = arith.constant 0 : index
    %get3A_1992 = tpu.vector_load %arg4[%get3A_1990, %get3A_1991] {strides = array<i32>} : memref<384x64xf32, #tpu.memory_space<vmem>>, vector<1x16xf32>,
    %get3A_1993 = vector.shape_cast %get3A_1992 : vector<1x16xf32> to vector<16xf32>
    %swap3A_1994 = arith.constant 1 : index
    %swap3A_1995 = tpu.vector_load %arg6[%swap3A_1994] {strides = array<i32>} : memref<32xf32, #tpu.memory_space<vmem>>, vector<16xf32>,
    %swap3A_1996 = vector.shape_cast %swap3A_1995 : vector<16xf32> to vector<16xf32>
    %swap3A_1997 = vector.shape_cast %get3A_1993 : vector<16xf32> to vector<16xf32>
    tpu.vector_store %arg6[%swap3A_1994], %swap3A_1997 {strides = array<i32>} : memref<32xf32, #tpu.memory_space<vmem>>, vector<16xf32>,
    %get3A_1998 = arith.constant 0 : index
    %get3A_1999 = tpu.vector_load %arg6[%get3A_1998] {strides = array<i32>} : memref<32xf32, #tpu.memory_space<vmem>>, vector<16xf32>,
    %get3A_2000 = vector.shape_cast %get3A_1999 : vector<16xf32> to vector<16xf32>
    %eq3A_2001 = arith.constant 0 : i32
    %eq3A_2002 = vector.broadcast %eq3A_2001 : i32 to vector<16xi32>
    %eq3A_2003 = arith.cmpi eq, %iota3A, %eq3A_2002 : vector<16xi32>
    %jit3A_2004 = arith.constant 0.000000e+00 : f32
    %broadcast_in_dim3A_2005 = vector.broadcast %jit3A_2004 : f32 to vector<16xf32>
    %select_n3A_2006 = arith.select %eq3A_2003, %broadcast_in_dim3A_2005, %get3A_2000 : vector<16xi1>, vector<16xf32>
    %get3A_2007 = arith.constant 206 : i32
    %get3A_2008 = arith.index_cast %get3A_2007 : i32 to index
    %get3A_2009 = arith.constant 15 : index
    %get3A_2010 = tpu.vector_load %arg4[%get3A_2008, %get3A_2009] {strides = array<i32>} : memref<384x64xf32, #tpu.memory_space<vmem>>, vector<1x16xf32>,
    %get3A_2011 = vector.shape_cast %get3A_2010 : vector<1x16xf32> to vector<16xf32>
    %get3A_2012 = arith.constant 206 : i32
    %get3A_2013 = arith.index_cast %get3A_2012 : i32 to index
    %get3A_2014 = arith.constant 31 : index
    %get3A_2015 = tpu.vector_load %arg4[%get3A_2013, %get3A_2014] {strides = array<i32>} : memref<384x64xf32, #tpu.memory_space<vmem>>, vector<1x16xf32>,
    %get3A_2016 = vector.shape_cast %get3A_2015 : vector<1x16xf32> to vector<16xf32>
    %get3A_2017 = arith.constant 206 : i32
    %get3A_2018 = arith.index_cast %get3A_2017 : i32 to index
    %get3A_2019 = arith.constant 47 : index
    %get3A_2020 = tpu.vector_load %arg4[%get3A_2018, %get3A_2019] {strides = array<i32>} : memref<384x64xf32, #tpu.memory_space<vmem>>, vector<1x16xf32>,
    %get3A_2021 = vector.shape_cast %get3A_2020 : vector<1x16xf32> to vector<16xf32>
    %swap3A_2022 = arith.constant 206 : i32
    %swap3A_2023 = arith.index_cast %swap3A_2022 : i32 to index
    %swap3A_2024 = arith.constant 0 : index
    %swap3A_2025 = tpu.vector_load %arg4[%swap3A_2023, %swap3A_2024] {strides = array<i32>} : memref<384x64xf32, #tpu.memory_space<vmem>>, vector<1x16xf32>,
    %swap3A_2026 = vector.shape_cast %swap3A_2025 : vector<1x16xf32> to vector<16xf32>
    %swap3A_2027 = vector.shape_cast %select_n3A_2006 : vector<16xf32> to vector<1x16xf32>
    tpu.vector_store %arg4[%swap3A_2023, %swap3A_2024], %swap3A_2027 {strides = array<i32>} : memref<384x64xf32, #tpu.memory_space<vmem>>, vector<1x16xf32>,
    %swap3A_2028 = arith.constant 206 : i32
    %swap3A_2029 = arith.index_cast %swap3A_2028 : i32 to index
    %swap3A_2030 = arith.constant 16 : index
    %swap3A_2031 = tpu.vector_load %arg4[%swap3A_2029, %swap3A_2030] {strides = array<i32>} : memref<384x64xf32, #tpu.memory_space<vmem>>, vector<1x16xf32>,
    %swap3A_2032 = vector.shape_cast %swap3A_2031 : vector<1x16xf32> to vector<16xf32>
    %swap3A_2033 = vector.shape_cast %get3A_2011 : vector<16xf32> to vector<1x16xf32>
    tpu.vector_store %arg4[%swap3A_2029, %swap3A_2030], %swap3A_2033 {strides = array<i32>} : memref<384x64xf32, #tpu.memory_space<vmem>>, vector<1x16xf32>,
    %swap3A_2034 = arith.constant 206 : i32
    %swap3A_2035 = arith.index_cast %swap3A_2034 : i32 to index
    %swap3A_2036 = arith.constant 32 : index
    %swap3A_2037 = tpu.vector_load %arg4[%swap3A_2035, %swap3A_2036] {strides = array<i32>} : memref<384x64xf32, #tpu.memory_space<vmem>>, vector<1x16xf32>,
    %swap3A_2038 = vector.shape_cast %swap3A_2037 : vector<1x16xf32> to vector<16xf32>
    %swap3A_2039 = vector.shape_cast %get3A_2016 : vector<16xf32> to vector<1x16xf32>
    tpu.vector_store %arg4[%swap3A_2035, %swap3A_2036], %swap3A_2039 {strides = array<i32>} : memref<384x64xf32, #tpu.memory_space<vmem>>, vector<1x16xf32>,
    %swap3A_2040 = arith.constant 206 : i32
    %swap3A_2041 = arith.index_cast %swap3A_2040 : i32 to index
    %swap3A_2042 = arith.constant 48 : index
    %swap3A_2043 = tpu.vector_load %arg4[%swap3A_2041, %swap3A_2042] {strides = array<i32>} : memref<384x64xf32, #tpu.memory_space<vmem>>, vector<1x16xf32>,
    %swap3A_2044 = vector.shape_cast %swap3A_2043 : vector<1x16xf32> to vector<16xf32>
    %swap3A_2045 = vector.shape_cast %get3A_2021 : vector<16xf32> to vector<1x16xf32>
    tpu.vector_store %arg4[%swap3A_2041, %swap3A_2042], %swap3A_2045 {strides = array<i32>} : memref<384x64xf32, #tpu.memory_space<vmem>>, vector<1x16xf32>,
    %get3A_2046 = arith.constant 215 : i32
    %get3A_2047 = arith.index_cast %get3A_2046 : i32 to index
    %get3A_2048 = arith.constant 1 : index
    %get3A_2049 = tpu.vector_load %arg4[%get3A_2047, %get3A_2048] {strides = array<i32>} : memref<384x64xf32, #tpu.memory_space<vmem>>, vector<1x16xf32>,
    %get3A_2050 = vector.shape_cast %get3A_2049 : vector<1x16xf32> to vector<16xf32>
    %get3A_2051 = arith.constant 215 : i32
    %get3A_2052 = arith.index_cast %get3A_2051 : i32 to index
    %get3A_2053 = arith.constant 17 : index
    %get3A_2054 = tpu.vector_load %arg4[%get3A_2052, %get3A_2053] {strides = array<i32>} : memref<384x64xf32, #tpu.memory_space<vmem>>, vector<1x16xf32>,
    %get3A_2055 = vector.shape_cast %get3A_2054 : vector<1x16xf32> to vector<16xf32>
    %get3A_2056 = arith.constant 215 : i32
    %get3A_2057 = arith.index_cast %get3A_2056 : i32 to index
    %get3A_2058 = arith.constant 33 : index
    %get3A_2059 = tpu.vector_load %arg4[%get3A_2057, %get3A_2058] {strides = array<i32>} : memref<384x64xf32, #tpu.memory_space<vmem>>, vector<1x16xf32>,
    %get3A_2060 = vector.shape_cast %get3A_2059 : vector<1x16xf32> to vector<16xf32>
    %get3A_2061 = arith.constant 215 : i32
    %get3A_2062 = arith.index_cast %get3A_2061 : i32 to index
    %get3A_2063 = arith.constant 48 : index
    %get3A_2064 = tpu.vector_load %arg4[%get3A_2062, %get3A_2063] {strides = array<i32>} : memref<384x64xf32, #tpu.memory_space<vmem>>, vector<1x16xf32>,
    %get3A_2065 = vector.shape_cast %get3A_2064 : vector<1x16xf32> to vector<16xf32>
    %swap3A_2066 = arith.constant 0 : index
    %swap3A_2067 = tpu.vector_load %arg6[%swap3A_2066] {strides = array<i32>} : memref<32xf32, #tpu.memory_space<vmem>>, vector<16xf32>,
    %swap3A_2068 = vector.shape_cast %swap3A_2067 : vector<16xf32> to vector<16xf32>
    %swap3A_2069 = vector.shape_cast %get3A_2065 : vector<16xf32> to vector<16xf32>
    tpu.vector_store %arg6[%swap3A_2066], %swap3A_2069 {strides = array<i32>} : memref<32xf32, #tpu.memory_space<vmem>>, vector<16xf32>,
    %get3A_2070 = arith.constant 1 : index
    %get3A_2071 = tpu.vector_load %arg6[%get3A_2070] {strides = array<i32>} : memref<32xf32, #tpu.memory_space<vmem>>, vector<16xf32>,
    %get3A_2072 = vector.shape_cast %get3A_2071 : vector<16xf32> to vector<16xf32>
    %eq3A_2073 = arith.constant 15 : i32
    %eq3A_2074 = vector.broadcast %eq3A_2073 : i32 to vector<16xi32>
    %eq3A_2075 = arith.cmpi eq, %iota3A, %eq3A_2074 : vector<16xi32>
    %jit3A_2076 = arith.constant 0.000000e+00 : f32
    %broadcast_in_dim3A_2077 = vector.broadcast %jit3A_2076 : f32 to vector<16xf32>
    %select_n3A_2078 = arith.select %eq3A_2075, %broadcast_in_dim3A_2077, %get3A_2072 : vector<16xi1>, vector<16xf32>
    %swap3A_2079 = arith.constant 215 : i32
    %swap3A_2080 = arith.index_cast %swap3A_2079 : i32 to index
    %swap3A_2081 = arith.constant 0 : index
    %swap3A_2082 = tpu.vector_load %arg4[%swap3A_2080, %swap3A_2081] {strides = array<i32>} : memref<384x64xf32, #tpu.memory_space<vmem>>, vector<1x16xf32>,
    %swap3A_2083 = vector.shape_cast %swap3A_2082 : vector<1x16xf32> to vector<16xf32>
    %swap3A_2084 = vector.shape_cast %get3A_2050 : vector<16xf32> to vector<1x16xf32>
    tpu.vector_store %arg4[%swap3A_2080, %swap3A_2081], %swap3A_2084 {strides = array<i32>} : memref<384x64xf32, #tpu.memory_space<vmem>>, vector<1x16xf32>,
    %swap3A_2085 = arith.constant 215 : i32
    %swap3A_2086 = arith.index_cast %swap3A_2085 : i32 to index
    %swap3A_2087 = arith.constant 16 : index
    %swap3A_2088 = tpu.vector_load %arg4[%swap3A_2086, %swap3A_2087] {strides = array<i32>} : memref<384x64xf32, #tpu.memory_space<vmem>>, vector<1x16xf32>,
    %swap3A_2089 = vector.shape_cast %swap3A_2088 : vector<1x16xf32> to vector<16xf32>
    %swap3A_2090 = vector.shape_cast %get3A_2055 : vector<16xf32> to vector<1x16xf32>
    tpu.vector_store %arg4[%swap3A_2086, %swap3A_2087], %swap3A_2090 {strides = array<i32>} : memref<384x64xf32, #tpu.memory_space<vmem>>, vector<1x16xf32>,
    %swap3A_2091 = arith.constant 215 : i32
    %swap3A_2092 = arith.index_cast %swap3A_2091 : i32 to index
    %swap3A_2093 = arith.constant 32 : index
    %swap3A_2094 = tpu.vector_load %arg4[%swap3A_2092, %swap3A_2093] {strides = array<i32>} : memref<384x64xf32, #tpu.memory_space<vmem>>, vector<1x16xf32>,
    %swap3A_2095 = vector.shape_cast %swap3A_2094 : vector<1x16xf32> to vector<16xf32>
    %swap3A_2096 = vector.shape_cast %get3A_2060 : vector<16xf32> to vector<1x16xf32>
    tpu.vector_store %arg4[%swap3A_2092, %swap3A_2093], %swap3A_2096 {strides = array<i32>} : memref<384x64xf32, #tpu.memory_space<vmem>>, vector<1x16xf32>,
    %swap3A_2097 = arith.constant 215 : i32
    %swap3A_2098 = arith.index_cast %swap3A_2097 : i32 to index
    %swap3A_2099 = arith.constant 48 : index
    %swap3A_2100 = tpu.vector_load %arg4[%swap3A_2098, %swap3A_2099] {strides = array<i32>} : memref<384x64xf32, #tpu.memory_space<vmem>>, vector<1x16xf32>,
    %swap3A_2101 = vector.shape_cast %swap3A_2100 : vector<1x16xf32> to vector<16xf32>
    %swap3A_2102 = vector.shape_cast %select_n3A_2078 : vector<16xf32> to vector<1x16xf32>
    tpu.vector_store %arg4[%swap3A_2098, %swap3A_2099], %swap3A_2102 {strides = array<i32>} : memref<384x64xf32, #tpu.memory_space<vmem>>, vector<1x16xf32>,
    %get3A_2103 = arith.constant 217 : i32
    %get3A_2104 = arith.index_cast %get3A_2103 : i32 to index
    %get3A_2105 = arith.constant 0 : index
    %get3A_2106 = tpu.vector_load %arg4[%get3A_2104, %get3A_2105] {strides = array<i32>} : memref<384x64xf32, #tpu.memory_space<vmem>>, vector<1x16xf32>,
    %get3A_2107 = vector.shape_cast %get3A_2106 : vector<1x16xf32> to vector<16xf32>
    %swap3A_2108 = arith.constant 1 : index
    %swap3A_2109 = tpu.vector_load %arg6[%swap3A_2108] {strides = array<i32>} : memref<32xf32, #tpu.memory_space<vmem>>, vector<16xf32>,
    %swap3A_2110 = vector.shape_cast %swap3A_2109 : vector<16xf32> to vector<16xf32>
    %swap3A_2111 = vector.shape_cast %get3A_2107 : vector<16xf32> to vector<16xf32>
    tpu.vector_store %arg6[%swap3A_2108], %swap3A_2111 {strides = array<i32>} : memref<32xf32, #tpu.memory_space<vmem>>, vector<16xf32>,
    %get3A_2112 = arith.constant 0 : index
    %get3A_2113 = tpu.vector_load %arg6[%get3A_2112] {strides = array<i32>} : memref<32xf32, #tpu.memory_space<vmem>>, vector<16xf32>,
    %get3A_2114 = vector.shape_cast %get3A_2113 : vector<16xf32> to vector<16xf32>
    %eq3A_2115 = arith.constant 0 : i32
    %eq3A_2116 = vector.broadcast %eq3A_2115 : i32 to vector<16xi32>
    %eq3A_2117 = arith.cmpi eq, %iota3A, %eq3A_2116 : vector<16xi32>
    %jit3A_2118 = arith.constant 0.000000e+00 : f32
    %broadcast_in_dim3A_2119 = vector.broadcast %jit3A_2118 : f32 to vector<16xf32>
    %select_n3A_2120 = arith.select %eq3A_2117, %broadcast_in_dim3A_2119, %get3A_2114 : vector<16xi1>, vector<16xf32>
    %get3A_2121 = arith.constant 217 : i32
    %get3A_2122 = arith.index_cast %get3A_2121 : i32 to index
    %get3A_2123 = arith.constant 15 : index
    %get3A_2124 = tpu.vector_load %arg4[%get3A_2122, %get3A_2123] {strides = array<i32>} : memref<384x64xf32, #tpu.memory_space<vmem>>, vector<1x16xf32>,
    %get3A_2125 = vector.shape_cast %get3A_2124 : vector<1x16xf32> to vector<16xf32>
    %get3A_2126 = arith.constant 217 : i32
    %get3A_2127 = arith.index_cast %get3A_2126 : i32 to index
    %get3A_2128 = arith.constant 31 : index
    %get3A_2129 = tpu.vector_load %arg4[%get3A_2127, %get3A_2128] {strides = array<i32>} : memref<384x64xf32, #tpu.memory_space<vmem>>, vector<1x16xf32>,
    %get3A_2130 = vector.shape_cast %get3A_2129 : vector<1x16xf32> to vector<16xf32>
    %get3A_2131 = arith.constant 217 : i32
    %get3A_2132 = arith.index_cast %get3A_2131 : i32 to index
    %get3A_2133 = arith.constant 47 : index
    %get3A_2134 = tpu.vector_load %arg4[%get3A_2132, %get3A_2133] {strides = array<i32>} : memref<384x64xf32, #tpu.memory_space<vmem>>, vector<1x16xf32>,
    %get3A_2135 = vector.shape_cast %get3A_2134 : vector<1x16xf32> to vector<16xf32>
    %swap3A_2136 = arith.constant 217 : i32
    %swap3A_2137 = arith.index_cast %swap3A_2136 : i32 to index
    %swap3A_2138 = arith.constant 0 : index
    %swap3A_2139 = tpu.vector_load %arg4[%swap3A_2137, %swap3A_2138] {strides = array<i32>} : memref<384x64xf32, #tpu.memory_space<vmem>>, vector<1x16xf32>,
    %swap3A_2140 = vector.shape_cast %swap3A_2139 : vector<1x16xf32> to vector<16xf32>
    %swap3A_2141 = vector.shape_cast %select_n3A_2120 : vector<16xf32> to vector<1x16xf32>
    tpu.vector_store %arg4[%swap3A_2137, %swap3A_2138], %swap3A_2141 {strides = array<i32>} : memref<384x64xf32, #tpu.memory_space<vmem>>, vector<1x16xf32>,
    %swap3A_2142 = arith.constant 217 : i32
    %swap3A_2143 = arith.index_cast %swap3A_2142 : i32 to index
    %swap3A_2144 = arith.constant 16 : index
    %swap3A_2145 = tpu.vector_load %arg4[%swap3A_2143, %swap3A_2144] {strides = array<i32>} : memref<384x64xf32, #tpu.memory_space<vmem>>, vector<1x16xf32>,
    %swap3A_2146 = vector.shape_cast %swap3A_2145 : vector<1x16xf32> to vector<16xf32>
    %swap3A_2147 = vector.shape_cast %get3A_2125 : vector<16xf32> to vector<1x16xf32>
    tpu.vector_store %arg4[%swap3A_2143, %swap3A_2144], %swap3A_2147 {strides = array<i32>} : memref<384x64xf32, #tpu.memory_space<vmem>>, vector<1x16xf32>,
    %swap3A_2148 = arith.constant 217 : i32
    %swap3A_2149 = arith.index_cast %swap3A_2148 : i32 to index
    %swap3A_2150 = arith.constant 32 : index
    %swap3A_2151 = tpu.vector_load %arg4[%swap3A_2149, %swap3A_2150] {strides = array<i32>} : memref<384x64xf32, #tpu.memory_space<vmem>>, vector<1x16xf32>,
    %swap3A_2152 = vector.shape_cast %swap3A_2151 : vector<1x16xf32> to vector<16xf32>
    %swap3A_2153 = vector.shape_cast %get3A_2130 : vector<16xf32> to vector<1x16xf32>
    tpu.vector_store %arg4[%swap3A_2149, %swap3A_2150], %swap3A_2153 {strides = array<i32>} : memref<384x64xf32, #tpu.memory_space<vmem>>, vector<1x16xf32>,
    %swap3A_2154 = arith.constant 217 : i32
    %swap3A_2155 = arith.index_cast %swap3A_2154 : i32 to index
    %swap3A_2156 = arith.constant 48 : index
    %swap3A_2157 = tpu.vector_load %arg4[%swap3A_2155, %swap3A_2156] {strides = array<i32>} : memref<384x64xf32, #tpu.memory_space<vmem>>, vector<1x16xf32>,
    %swap3A_2158 = vector.shape_cast %swap3A_2157 : vector<1x16xf32> to vector<16xf32>
    %swap3A_2159 = vector.shape_cast %get3A_2135 : vector<16xf32> to vector<1x16xf32>
    tpu.vector_store %arg4[%swap3A_2155, %swap3A_2156], %swap3A_2159 {strides = array<i32>} : memref<384x64xf32, #tpu.memory_space<vmem>>, vector<1x16xf32>,
    %get3A_2160 = arith.constant 242 : i32
    %get3A_2161 = arith.index_cast %get3A_2160 : i32 to index
    %get3A_2162 = arith.constant 0 : index
    %get3A_2163 = tpu.vector_load %arg4[%get3A_2161, %get3A_2162] {strides = array<i32>} : memref<384x64xf32, #tpu.memory_space<vmem>>, vector<1x16xf32>,
    %get3A_2164 = vector.shape_cast %get3A_2163 : vector<1x16xf32> to vector<16xf32>
    %swap3A_2165 = arith.constant 1 : index
    %swap3A_2166 = tpu.vector_load %arg6[%swap3A_2165] {strides = array<i32>} : memref<32xf32, #tpu.memory_space<vmem>>, vector<16xf32>,
    %swap3A_2167 = vector.shape_cast %swap3A_2166 : vector<16xf32> to vector<16xf32>
    %swap3A_2168 = vector.shape_cast %get3A_2164 : vector<16xf32> to vector<16xf32>
    tpu.vector_store %arg6[%swap3A_2165], %swap3A_2168 {strides = array<i32>} : memref<32xf32, #tpu.memory_space<vmem>>, vector<16xf32>,
    %get3A_2169 = arith.constant 0 : index
    %get3A_2170 = tpu.vector_load %arg6[%get3A_2169] {strides = array<i32>} : memref<32xf32, #tpu.memory_space<vmem>>, vector<16xf32>,
    %get3A_2171 = vector.shape_cast %get3A_2170 : vector<16xf32> to vector<16xf32>
    %eq3A_2172 = arith.constant 0 : i32
    %eq3A_2173 = vector.broadcast %eq3A_2172 : i32 to vector<16xi32>
    %eq3A_2174 = arith.cmpi eq, %iota3A, %eq3A_2173 : vector<16xi32>
    %jit3A_2175 = arith.constant 0.000000e+00 : f32
    %broadcast_in_dim3A_2176 = vector.broadcast %jit3A_2175 : f32 to vector<16xf32>
    %select_n3A_2177 = arith.select %eq3A_2174, %broadcast_in_dim3A_2176, %get3A_2171 : vector<16xi1>, vector<16xf32>
    %get3A_2178 = arith.constant 242 : i32
    %get3A_2179 = arith.index_cast %get3A_2178 : i32 to index
    %get3A_2180 = arith.constant 15 : index
    %get3A_2181 = tpu.vector_load %arg4[%get3A_2179, %get3A_2180] {strides = array<i32>} : memref<384x64xf32, #tpu.memory_space<vmem>>, vector<1x16xf32>,
    %get3A_2182 = vector.shape_cast %get3A_2181 : vector<1x16xf32> to vector<16xf32>
    %get3A_2183 = arith.constant 242 : i32
    %get3A_2184 = arith.index_cast %get3A_2183 : i32 to index
    %get3A_2185 = arith.constant 31 : index
    %get3A_2186 = tpu.vector_load %arg4[%get3A_2184, %get3A_2185] {strides = array<i32>} : memref<384x64xf32, #tpu.memory_space<vmem>>, vector<1x16xf32>,
    %get3A_2187 = vector.shape_cast %get3A_2186 : vector<1x16xf32> to vector<16xf32>
    %get3A_2188 = arith.constant 242 : i32
    %get3A_2189 = arith.index_cast %get3A_2188 : i32 to index
    %get3A_2190 = arith.constant 47 : index
    %get3A_2191 = tpu.vector_load %arg4[%get3A_2189, %get3A_2190] {strides = array<i32>} : memref<384x64xf32, #tpu.memory_space<vmem>>, vector<1x16xf32>,
    %get3A_2192 = vector.shape_cast %get3A_2191 : vector<1x16xf32> to vector<16xf32>
    %swap3A_2193 = arith.constant 242 : i32
    %swap3A_2194 = arith.index_cast %swap3A_2193 : i32 to index
    %swap3A_2195 = arith.constant 0 : index
    %swap3A_2196 = tpu.vector_load %arg4[%swap3A_2194, %swap3A_2195] {strides = array<i32>} : memref<384x64xf32, #tpu.memory_space<vmem>>, vector<1x16xf32>,
    %swap3A_2197 = vector.shape_cast %swap3A_2196 : vector<1x16xf32> to vector<16xf32>
    %swap3A_2198 = vector.shape_cast %select_n3A_2177 : vector<16xf32> to vector<1x16xf32>
    tpu.vector_store %arg4[%swap3A_2194, %swap3A_2195], %swap3A_2198 {strides = array<i32>} : memref<384x64xf32, #tpu.memory_space<vmem>>, vector<1x16xf32>,
    %swap3A_2199 = arith.constant 242 : i32
    %swap3A_2200 = arith.index_cast %swap3A_2199 : i32 to index
    %swap3A_2201 = arith.constant 16 : index
    %swap3A_2202 = tpu.vector_load %arg4[%swap3A_2200, %swap3A_2201] {strides = array<i32>} : memref<384x64xf32, #tpu.memory_space<vmem>>, vector<1x16xf32>,
    %swap3A_2203 = vector.shape_cast %swap3A_2202 : vector<1x16xf32> to vector<16xf32>
    %swap3A_2204 = vector.shape_cast %get3A_2182 : vector<16xf32> to vector<1x16xf32>
    tpu.vector_store %arg4[%swap3A_2200, %swap3A_2201], %swap3A_2204 {strides = array<i32>} : memref<384x64xf32, #tpu.memory_space<vmem>>, vector<1x16xf32>,
    %swap3A_2205 = arith.constant 242 : i32
    %swap3A_2206 = arith.index_cast %swap3A_2205 : i32 to index
    %swap3A_2207 = arith.constant 32 : index
    %swap3A_2208 = tpu.vector_load %arg4[%swap3A_2206, %swap3A_2207] {strides = array<i32>} : memref<384x64xf32, #tpu.memory_space<vmem>>, vector<1x16xf32>,
    %swap3A_2209 = vector.shape_cast %swap3A_2208 : vector<1x16xf32> to vector<16xf32>
    %swap3A_2210 = vector.shape_cast %get3A_2187 : vector<16xf32> to vector<1x16xf32>
    tpu.vector_store %arg4[%swap3A_2206, %swap3A_2207], %swap3A_2210 {strides = array<i32>} : memref<384x64xf32, #tpu.memory_space<vmem>>, vector<1x16xf32>,
    %swap3A_2211 = arith.constant 242 : i32
    %swap3A_2212 = arith.index_cast %swap3A_2211 : i32 to index
    %swap3A_2213 = arith.constant 48 : index
    %swap3A_2214 = tpu.vector_load %arg4[%swap3A_2212, %swap3A_2213] {strides = array<i32>} : memref<384x64xf32, #tpu.memory_space<vmem>>, vector<1x16xf32>,
    %swap3A_2215 = vector.shape_cast %swap3A_2214 : vector<1x16xf32> to vector<16xf32>
    %swap3A_2216 = vector.shape_cast %get3A_2192 : vector<16xf32> to vector<1x16xf32>
    tpu.vector_store %arg4[%swap3A_2212, %swap3A_2213], %swap3A_2216 {strides = array<i32>} : memref<384x64xf32, #tpu.memory_space<vmem>>, vector<1x16xf32>,
    %get3A_2217 = arith.constant 274 : i32
    %get3A_2218 = arith.index_cast %get3A_2217 : i32 to index
    %get3A_2219 = arith.constant 0 : index
    %get3A_2220 = tpu.vector_load %arg4[%get3A_2218, %get3A_2219] {strides = array<i32>} : memref<384x64xf32, #tpu.memory_space<vmem>>, vector<1x16xf32>,
    %get3A_2221 = vector.shape_cast %get3A_2220 : vector<1x16xf32> to vector<16xf32>
    %swap3A_2222 = arith.constant 1 : index
    %swap3A_2223 = tpu.vector_load %arg6[%swap3A_2222] {strides = array<i32>} : memref<32xf32, #tpu.memory_space<vmem>>, vector<16xf32>,
    %swap3A_2224 = vector.shape_cast %swap3A_2223 : vector<16xf32> to vector<16xf32>
    %swap3A_2225 = vector.shape_cast %get3A_2221 : vector<16xf32> to vector<16xf32>
    tpu.vector_store %arg6[%swap3A_2222], %swap3A_2225 {strides = array<i32>} : memref<32xf32, #tpu.memory_space<vmem>>, vector<16xf32>,
    %get3A_2226 = arith.constant 0 : index
    %get3A_2227 = tpu.vector_load %arg6[%get3A_2226] {strides = array<i32>} : memref<32xf32, #tpu.memory_space<vmem>>, vector<16xf32>,
    %get3A_2228 = vector.shape_cast %get3A_2227 : vector<16xf32> to vector<16xf32>
    %eq3A_2229 = arith.constant 0 : i32
    %eq3A_2230 = vector.broadcast %eq3A_2229 : i32 to vector<16xi32>
    %eq3A_2231 = arith.cmpi eq, %iota3A, %eq3A_2230 : vector<16xi32>
    %jit3A_2232 = arith.constant 0.000000e+00 : f32
    %broadcast_in_dim3A_2233 = vector.broadcast %jit3A_2232 : f32 to vector<16xf32>
    %select_n3A_2234 = arith.select %eq3A_2231, %broadcast_in_dim3A_2233, %get3A_2228 : vector<16xi1>, vector<16xf32>
    %get3A_2235 = arith.constant 274 : i32
    %get3A_2236 = arith.index_cast %get3A_2235 : i32 to index
    %get3A_2237 = arith.constant 15 : index
    %get3A_2238 = tpu.vector_load %arg4[%get3A_2236, %get3A_2237] {strides = array<i32>} : memref<384x64xf32, #tpu.memory_space<vmem>>, vector<1x16xf32>,
    %get3A_2239 = vector.shape_cast %get3A_2238 : vector<1x16xf32> to vector<16xf32>
    %get3A_2240 = arith.constant 274 : i32
    %get3A_2241 = arith.index_cast %get3A_2240 : i32 to index
    %get3A_2242 = arith.constant 31 : index
    %get3A_2243 = tpu.vector_load %arg4[%get3A_2241, %get3A_2242] {strides = array<i32>} : memref<384x64xf32, #tpu.memory_space<vmem>>, vector<1x16xf32>,
    %get3A_2244 = vector.shape_cast %get3A_2243 : vector<1x16xf32> to vector<16xf32>
    %get3A_2245 = arith.constant 274 : i32
    %get3A_2246 = arith.index_cast %get3A_2245 : i32 to index
    %get3A_2247 = arith.constant 47 : index
    %get3A_2248 = tpu.vector_load %arg4[%get3A_2246, %get3A_2247] {strides = array<i32>} : memref<384x64xf32, #tpu.memory_space<vmem>>, vector<1x16xf32>,
    %get3A_2249 = vector.shape_cast %get3A_2248 : vector<1x16xf32> to vector<16xf32>
    %swap3A_2250 = arith.constant 274 : i32
    %swap3A_2251 = arith.index_cast %swap3A_2250 : i32 to index
    %swap3A_2252 = arith.constant 0 : index
    %swap3A_2253 = tpu.vector_load %arg4[%swap3A_2251, %swap3A_2252] {strides = array<i32>} : memref<384x64xf32, #tpu.memory_space<vmem>>, vector<1x16xf32>,
    %swap3A_2254 = vector.shape_cast %swap3A_2253 : vector<1x16xf32> to vector<16xf32>
    %swap3A_2255 = vector.shape_cast %select_n3A_2234 : vector<16xf32> to vector<1x16xf32>
    tpu.vector_store %arg4[%swap3A_2251, %swap3A_2252], %swap3A_2255 {strides = array<i32>} : memref<384x64xf32, #tpu.memory_space<vmem>>, vector<1x16xf32>,
    %swap3A_2256 = arith.constant 274 : i32
    %swap3A_2257 = arith.index_cast %swap3A_2256 : i32 to index
    %swap3A_2258 = arith.constant 16 : index
    %swap3A_2259 = tpu.vector_load %arg4[%swap3A_2257, %swap3A_2258] {strides = array<i32>} : memref<384x64xf32, #tpu.memory_space<vmem>>, vector<1x16xf32>,
    %swap3A_2260 = vector.shape_cast %swap3A_2259 : vector<1x16xf32> to vector<16xf32>
    %swap3A_2261 = vector.shape_cast %get3A_2239 : vector<16xf32> to vector<1x16xf32>
    tpu.vector_store %arg4[%swap3A_2257, %swap3A_2258], %swap3A_2261 {strides = array<i32>} : memref<384x64xf32, #tpu.memory_space<vmem>>, vector<1x16xf32>,
    %swap3A_2262 = arith.constant 274 : i32
    %swap3A_2263 = arith.index_cast %swap3A_2262 : i32 to index
    %swap3A_2264 = arith.constant 32 : index
    %swap3A_2265 = tpu.vector_load %arg4[%swap3A_2263, %swap3A_2264] {strides = array<i32>} : memref<384x64xf32, #tpu.memory_space<vmem>>, vector<1x16xf32>,
    %swap3A_2266 = vector.shape_cast %swap3A_2265 : vector<1x16xf32> to vector<16xf32>
    %swap3A_2267 = vector.shape_cast %get3A_2244 : vector<16xf32> to vector<1x16xf32>
    tpu.vector_store %arg4[%swap3A_2263, %swap3A_2264], %swap3A_2267 {strides = array<i32>} : memref<384x64xf32, #tpu.memory_space<vmem>>, vector<1x16xf32>,
    %swap3A_2268 = arith.constant 274 : i32
    %swap3A_2269 = arith.index_cast %swap3A_2268 : i32 to index
    %swap3A_2270 = arith.constant 48 : index
    %swap3A_2271 = tpu.vector_load %arg4[%swap3A_2269, %swap3A_2270] {strides = array<i32>} : memref<384x64xf32, #tpu.memory_space<vmem>>, vector<1x16xf32>,
    %swap3A_2272 = vector.shape_cast %swap3A_2271 : vector<1x16xf32> to vector<16xf32>
    %swap3A_2273 = vector.shape_cast %get3A_2249 : vector<16xf32> to vector<1x16xf32>
    tpu.vector_store %arg4[%swap3A_2269, %swap3A_2270], %swap3A_2273 {strides = array<i32>} : memref<384x64xf32, #tpu.memory_space<vmem>>, vector<1x16xf32>,
    %get3A_2274 = arith.constant 300 : i32
    %get3A_2275 = arith.index_cast %get3A_2274 : i32 to index
    %get3A_2276 = arith.constant 0 : index
    %get3A_2277 = tpu.vector_load %arg4[%get3A_2275, %get3A_2276] {strides = array<i32>} : memref<384x64xf32, #tpu.memory_space<vmem>>, vector<1x16xf32>,
    %get3A_2278 = vector.shape_cast %get3A_2277 : vector<1x16xf32> to vector<16xf32>
    %swap3A_2279 = arith.constant 1 : index
    %swap3A_2280 = tpu.vector_load %arg6[%swap3A_2279] {strides = array<i32>} : memref<32xf32, #tpu.memory_space<vmem>>, vector<16xf32>,
    %swap3A_2281 = vector.shape_cast %swap3A_2280 : vector<16xf32> to vector<16xf32>
    %swap3A_2282 = vector.shape_cast %get3A_2278 : vector<16xf32> to vector<16xf32>
    tpu.vector_store %arg6[%swap3A_2279], %swap3A_2282 {strides = array<i32>} : memref<32xf32, #tpu.memory_space<vmem>>, vector<16xf32>,
    %get3A_2283 = arith.constant 0 : index
    %get3A_2284 = tpu.vector_load %arg6[%get3A_2283] {strides = array<i32>} : memref<32xf32, #tpu.memory_space<vmem>>, vector<16xf32>,
    %get3A_2285 = vector.shape_cast %get3A_2284 : vector<16xf32> to vector<16xf32>
    %eq3A_2286 = arith.constant 0 : i32
    %eq3A_2287 = vector.broadcast %eq3A_2286 : i32 to vector<16xi32>
    %eq3A_2288 = arith.cmpi eq, %iota3A, %eq3A_2287 : vector<16xi32>
    %jit3A_2289 = arith.constant 0.000000e+00 : f32
    %broadcast_in_dim3A_2290 = vector.broadcast %jit3A_2289 : f32 to vector<16xf32>
    %select_n3A_2291 = arith.select %eq3A_2288, %broadcast_in_dim3A_2290, %get3A_2285 : vector<16xi1>, vector<16xf32>
    %get3A_2292 = arith.constant 300 : i32
    %get3A_2293 = arith.index_cast %get3A_2292 : i32 to index
    %get3A_2294 = arith.constant 15 : index
    %get3A_2295 = tpu.vector_load %arg4[%get3A_2293, %get3A_2294] {strides = array<i32>} : memref<384x64xf32, #tpu.memory_space<vmem>>, vector<1x16xf32>,
    %get3A_2296 = vector.shape_cast %get3A_2295 : vector<1x16xf32> to vector<16xf32>
    %get3A_2297 = arith.constant 300 : i32
    %get3A_2298 = arith.index_cast %get3A_2297 : i32 to index
    %get3A_2299 = arith.constant 31 : index
    %get3A_2300 = tpu.vector_load %arg4[%get3A_2298, %get3A_2299] {strides = array<i32>} : memref<384x64xf32, #tpu.memory_space<vmem>>, vector<1x16xf32>,
    %get3A_2301 = vector.shape_cast %get3A_2300 : vector<1x16xf32> to vector<16xf32>
    %get3A_2302 = arith.constant 300 : i32
    %get3A_2303 = arith.index_cast %get3A_2302 : i32 to index
    %get3A_2304 = arith.constant 47 : index
    %get3A_2305 = tpu.vector_load %arg4[%get3A_2303, %get3A_2304] {strides = array<i32>} : memref<384x64xf32, #tpu.memory_space<vmem>>, vector<1x16xf32>,
    %get3A_2306 = vector.shape_cast %get3A_2305 : vector<1x16xf32> to vector<16xf32>
    %swap3A_2307 = arith.constant 300 : i32
    %swap3A_2308 = arith.index_cast %swap3A_2307 : i32 to index
    %swap3A_2309 = arith.constant 0 : index
    %swap3A_2310 = tpu.vector_load %arg4[%swap3A_2308, %swap3A_2309] {strides = array<i32>} : memref<384x64xf32, #tpu.memory_space<vmem>>, vector<1x16xf32>,
    %swap3A_2311 = vector.shape_cast %swap3A_2310 : vector<1x16xf32> to vector<16xf32>
    %swap3A_2312 = vector.shape_cast %select_n3A_2291 : vector<16xf32> to vector<1x16xf32>
    tpu.vector_store %arg4[%swap3A_2308, %swap3A_2309], %swap3A_2312 {strides = array<i32>} : memref<384x64xf32, #tpu.memory_space<vmem>>, vector<1x16xf32>,
    %swap3A_2313 = arith.constant 300 : i32
    %swap3A_2314 = arith.index_cast %swap3A_2313 : i32 to index
    %swap3A_2315 = arith.constant 16 : index
    %swap3A_2316 = tpu.vector_load %arg4[%swap3A_2314, %swap3A_2315] {strides = array<i32>} : memref<384x64xf32, #tpu.memory_space<vmem>>, vector<1x16xf32>,
    %swap3A_2317 = vector.shape_cast %swap3A_2316 : vector<1x16xf32> to vector<16xf32>
    %swap3A_2318 = vector.shape_cast %get3A_2296 : vector<16xf32> to vector<1x16xf32>
    tpu.vector_store %arg4[%swap3A_2314, %swap3A_2315], %swap3A_2318 {strides = array<i32>} : memref<384x64xf32, #tpu.memory_space<vmem>>, vector<1x16xf32>,
    %swap3A_2319 = arith.constant 300 : i32
    %swap3A_2320 = arith.index_cast %swap3A_2319 : i32 to index
    %swap3A_2321 = arith.constant 32 : index
    %swap3A_2322 = tpu.vector_load %arg4[%swap3A_2320, %swap3A_2321] {strides = array<i32>} : memref<384x64xf32, #tpu.memory_space<vmem>>, vector<1x16xf32>,
    %swap3A_2323 = vector.shape_cast %swap3A_2322 : vector<1x16xf32> to vector<16xf32>
    %swap3A_2324 = vector.shape_cast %get3A_2301 : vector<16xf32> to vector<1x16xf32>
    tpu.vector_store %arg4[%swap3A_2320, %swap3A_2321], %swap3A_2324 {strides = array<i32>} : memref<384x64xf32, #tpu.memory_space<vmem>>, vector<1x16xf32>,
    %swap3A_2325 = arith.constant 300 : i32
    %swap3A_2326 = arith.index_cast %swap3A_2325 : i32 to index
    %swap3A_2327 = arith.constant 48 : index
    %swap3A_2328 = tpu.vector_load %arg4[%swap3A_2326, %swap3A_2327] {strides = array<i32>} : memref<384x64xf32, #tpu.memory_space<vmem>>, vector<1x16xf32>,
    %swap3A_2329 = vector.shape_cast %swap3A_2328 : vector<1x16xf32> to vector<16xf32>
    %swap3A_2330 = vector.shape_cast %get3A_2306 : vector<16xf32> to vector<1x16xf32>
    tpu.vector_store %arg4[%swap3A_2326, %swap3A_2327], %swap3A_2330 {strides = array<i32>} : memref<384x64xf32, #tpu.memory_space<vmem>>, vector<1x16xf32>,
    %get3A_2331 = arith.constant 329 : i32
    %get3A_2332 = arith.index_cast %get3A_2331 : i32 to index
    %get3A_2333 = arith.constant 0 : index
    %get3A_2334 = tpu.vector_load %arg4[%get3A_2332, %get3A_2333] {strides = array<i32>} : memref<384x64xf32, #tpu.memory_space<vmem>>, vector<1x16xf32>,
    %get3A_2335 = vector.shape_cast %get3A_2334 : vector<1x16xf32> to vector<16xf32>
    %swap3A_2336 = arith.constant 1 : index
    %swap3A_2337 = tpu.vector_load %arg6[%swap3A_2336] {strides = array<i32>} : memref<32xf32, #tpu.memory_space<vmem>>, vector<16xf32>,
    %swap3A_2338 = vector.shape_cast %swap3A_2337 : vector<16xf32> to vector<16xf32>
    %swap3A_2339 = vector.shape_cast %get3A_2335 : vector<16xf32> to vector<16xf32>
    tpu.vector_store %arg6[%swap3A_2336], %swap3A_2339 {strides = array<i32>} : memref<32xf32, #tpu.memory_space<vmem>>, vector<16xf32>,
    %get3A_2340 = arith.constant 0 : index
    %get3A_2341 = tpu.vector_load %arg6[%get3A_2340] {strides = array<i32>} : memref<32xf32, #tpu.memory_space<vmem>>, vector<16xf32>,
    %get3A_2342 = vector.shape_cast %get3A_2341 : vector<16xf32> to vector<16xf32>
    %eq3A_2343 = arith.constant 0 : i32
    %eq3A_2344 = vector.broadcast %eq3A_2343 : i32 to vector<16xi32>
    %eq3A_2345 = arith.cmpi eq, %iota3A, %eq3A_2344 : vector<16xi32>
    %jit3A_2346 = arith.constant 0.000000e+00 : f32
    %broadcast_in_dim3A_2347 = vector.broadcast %jit3A_2346 : f32 to vector<16xf32>
    %select_n3A_2348 = arith.select %eq3A_2345, %broadcast_in_dim3A_2347, %get3A_2342 : vector<16xi1>, vector<16xf32>
    %get3A_2349 = arith.constant 329 : i32
    %get3A_2350 = arith.index_cast %get3A_2349 : i32 to index
    %get3A_2351 = arith.constant 15 : index
    %get3A_2352 = tpu.vector_load %arg4[%get3A_2350, %get3A_2351] {strides = array<i32>} : memref<384x64xf32, #tpu.memory_space<vmem>>, vector<1x16xf32>,
    %get3A_2353 = vector.shape_cast %get3A_2352 : vector<1x16xf32> to vector<16xf32>
    %get3A_2354 = arith.constant 329 : i32
    %get3A_2355 = arith.index_cast %get3A_2354 : i32 to index
    %get3A_2356 = arith.constant 31 : index
    %get3A_2357 = tpu.vector_load %arg4[%get3A_2355, %get3A_2356] {strides = array<i32>} : memref<384x64xf32, #tpu.memory_space<vmem>>, vector<1x16xf32>,
    %get3A_2358 = vector.shape_cast %get3A_2357 : vector<1x16xf32> to vector<16xf32>
    %get3A_2359 = arith.constant 329 : i32
    %get3A_2360 = arith.index_cast %get3A_2359 : i32 to index
    %get3A_2361 = arith.constant 47 : index
    %get3A_2362 = tpu.vector_load %arg4[%get3A_2360, %get3A_2361] {strides = array<i32>} : memref<384x64xf32, #tpu.memory_space<vmem>>, vector<1x16xf32>,
    %get3A_2363 = vector.shape_cast %get3A_2362 : vector<1x16xf32> to vector<16xf32>
    %swap3A_2364 = arith.constant 329 : i32
    %swap3A_2365 = arith.index_cast %swap3A_2364 : i32 to index
    %swap3A_2366 = arith.constant 0 : index
    %swap3A_2367 = tpu.vector_load %arg4[%swap3A_2365, %swap3A_2366] {strides = array<i32>} : memref<384x64xf32, #tpu.memory_space<vmem>>, vector<1x16xf32>,
    %swap3A_2368 = vector.shape_cast %swap3A_2367 : vector<1x16xf32> to vector<16xf32>
    %swap3A_2369 = vector.shape_cast %select_n3A_2348 : vector<16xf32> to vector<1x16xf32>
    tpu.vector_store %arg4[%swap3A_2365, %swap3A_2366], %swap3A_2369 {strides = array<i32>} : memref<384x64xf32, #tpu.memory_space<vmem>>, vector<1x16xf32>,
    %swap3A_2370 = arith.constant 329 : i32
    %swap3A_2371 = arith.index_cast %swap3A_2370 : i32 to index
    %swap3A_2372 = arith.constant 16 : index
    %swap3A_2373 = tpu.vector_load %arg4[%swap3A_2371, %swap3A_2372] {strides = array<i32>} : memref<384x64xf32, #tpu.memory_space<vmem>>, vector<1x16xf32>,
    %swap3A_2374 = vector.shape_cast %swap3A_2373 : vector<1x16xf32> to vector<16xf32>
    %swap3A_2375 = vector.shape_cast %get3A_2353 : vector<16xf32> to vector<1x16xf32>
    tpu.vector_store %arg4[%swap3A_2371, %swap3A_2372], %swap3A_2375 {strides = array<i32>} : memref<384x64xf32, #tpu.memory_space<vmem>>, vector<1x16xf32>,
    %swap3A_2376 = arith.constant 329 : i32
    %swap3A_2377 = arith.index_cast %swap3A_2376 : i32 to index
    %swap3A_2378 = arith.constant 32 : index
    %swap3A_2379 = tpu.vector_load %arg4[%swap3A_2377, %swap3A_2378] {strides = array<i32>} : memref<384x64xf32, #tpu.memory_space<vmem>>, vector<1x16xf32>,
    %swap3A_2380 = vector.shape_cast %swap3A_2379 : vector<1x16xf32> to vector<16xf32>
    %swap3A_2381 = vector.shape_cast %get3A_2358 : vector<16xf32> to vector<1x16xf32>
    tpu.vector_store %arg4[%swap3A_2377, %swap3A_2378], %swap3A_2381 {strides = array<i32>} : memref<384x64xf32, #tpu.memory_space<vmem>>, vector<1x16xf32>,
    %swap3A_2382 = arith.constant 329 : i32
    %swap3A_2383 = arith.index_cast %swap3A_2382 : i32 to index
    %swap3A_2384 = arith.constant 48 : index
    %swap3A_2385 = tpu.vector_load %arg4[%swap3A_2383, %swap3A_2384] {strides = array<i32>} : memref<384x64xf32, #tpu.memory_space<vmem>>, vector<1x16xf32>,
    %swap3A_2386 = vector.shape_cast %swap3A_2385 : vector<1x16xf32> to vector<16xf32>
    %swap3A_2387 = vector.shape_cast %get3A_2363 : vector<16xf32> to vector<1x16xf32>
    tpu.vector_store %arg4[%swap3A_2383, %swap3A_2384], %swap3A_2387 {strides = array<i32>} : memref<384x64xf32, #tpu.memory_space<vmem>>, vector<1x16xf32>,
    %get3A_2388 = arith.constant 367 : i32
    %get3A_2389 = arith.index_cast %get3A_2388 : i32 to index
    %get3A_2390 = arith.constant 1 : index
    %get3A_2391 = tpu.vector_load %arg4[%get3A_2389, %get3A_2390] {strides = array<i32>} : memref<384x64xf32, #tpu.memory_space<vmem>>, vector<1x16xf32>,
    %get3A_2392 = vector.shape_cast %get3A_2391 : vector<1x16xf32> to vector<16xf32>
    %get3A_2393 = arith.constant 367 : i32
    %get3A_2394 = arith.index_cast %get3A_2393 : i32 to index
    %get3A_2395 = arith.constant 17 : index
    %get3A_2396 = tpu.vector_load %arg4[%get3A_2394, %get3A_2395] {strides = array<i32>} : memref<384x64xf32, #tpu.memory_space<vmem>>, vector<1x16xf32>,
    %get3A_2397 = vector.shape_cast %get3A_2396 : vector<1x16xf32> to vector<16xf32>
    %get3A_2398 = arith.constant 367 : i32
    %get3A_2399 = arith.index_cast %get3A_2398 : i32 to index
    %get3A_2400 = arith.constant 33 : index
    %get3A_2401 = tpu.vector_load %arg4[%get3A_2399, %get3A_2400] {strides = array<i32>} : memref<384x64xf32, #tpu.memory_space<vmem>>, vector<1x16xf32>,
    %get3A_2402 = vector.shape_cast %get3A_2401 : vector<1x16xf32> to vector<16xf32>
    %get3A_2403 = arith.constant 367 : i32
    %get3A_2404 = arith.index_cast %get3A_2403 : i32 to index
    %get3A_2405 = arith.constant 48 : index
    %get3A_2406 = tpu.vector_load %arg4[%get3A_2404, %get3A_2405] {strides = array<i32>} : memref<384x64xf32, #tpu.memory_space<vmem>>, vector<1x16xf32>,
    %get3A_2407 = vector.shape_cast %get3A_2406 : vector<1x16xf32> to vector<16xf32>
    %swap3A_2408 = arith.constant 0 : index
    %swap3A_2409 = tpu.vector_load %arg6[%swap3A_2408] {strides = array<i32>} : memref<32xf32, #tpu.memory_space<vmem>>, vector<16xf32>,
    %swap3A_2410 = vector.shape_cast %swap3A_2409 : vector<16xf32> to vector<16xf32>
    %swap3A_2411 = vector.shape_cast %get3A_2407 : vector<16xf32> to vector<16xf32>
    tpu.vector_store %arg6[%swap3A_2408], %swap3A_2411 {strides = array<i32>} : memref<32xf32, #tpu.memory_space<vmem>>, vector<16xf32>,
    %get3A_2412 = arith.constant 1 : index
    %get3A_2413 = tpu.vector_load %arg6[%get3A_2412] {strides = array<i32>} : memref<32xf32, #tpu.memory_space<vmem>>, vector<16xf32>,
    %get3A_2414 = vector.shape_cast %get3A_2413 : vector<16xf32> to vector<16xf32>
    %eq3A_2415 = arith.constant 15 : i32
    %eq3A_2416 = vector.broadcast %eq3A_2415 : i32 to vector<16xi32>
    %eq3A_2417 = arith.cmpi eq, %iota3A, %eq3A_2416 : vector<16xi32>
    %jit3A_2418 = arith.constant 0.000000e+00 : f32
    %broadcast_in_dim3A_2419 = vector.broadcast %jit3A_2418 : f32 to vector<16xf32>
    %select_n3A_2420 = arith.select %eq3A_2417, %broadcast_in_dim3A_2419, %get3A_2414 : vector<16xi1>, vector<16xf32>
    %swap3A_2421 = arith.constant 367 : i32
    %swap3A_2422 = arith.index_cast %swap3A_2421 : i32 to index
    %swap3A_2423 = arith.constant 0 : index
    %swap3A_2424 = tpu.vector_load %arg4[%swap3A_2422, %swap3A_2423] {strides = array<i32>} : memref<384x64xf32, #tpu.memory_space<vmem>>, vector<1x16xf32>,
    %swap3A_2425 = vector.shape_cast %swap3A_2424 : vector<1x16xf32> to vector<16xf32>
    %swap3A_2426 = vector.shape_cast %get3A_2392 : vector<16xf32> to vector<1x16xf32>
    tpu.vector_store %arg4[%swap3A_2422, %swap3A_2423], %swap3A_2426 {strides = array<i32>} : memref<384x64xf32, #tpu.memory_space<vmem>>, vector<1x16xf32>,
    %swap3A_2427 = arith.constant 367 : i32
    %swap3A_2428 = arith.index_cast %swap3A_2427 : i32 to index
    %swap3A_2429 = arith.constant 16 : index
    %swap3A_2430 = tpu.vector_load %arg4[%swap3A_2428, %swap3A_2429] {strides = array<i32>} : memref<384x64xf32, #tpu.memory_space<vmem>>, vector<1x16xf32>,
    %swap3A_2431 = vector.shape_cast %swap3A_2430 : vector<1x16xf32> to vector<16xf32>
    %swap3A_2432 = vector.shape_cast %get3A_2397 : vector<16xf32> to vector<1x16xf32>
    tpu.vector_store %arg4[%swap3A_2428, %swap3A_2429], %swap3A_2432 {strides = array<i32>} : memref<384x64xf32, #tpu.memory_space<vmem>>, vector<1x16xf32>,
    %swap3A_2433 = arith.constant 367 : i32
    %swap3A_2434 = arith.index_cast %swap3A_2433 : i32 to index
    %swap3A_2435 = arith.constant 32 : index
    %swap3A_2436 = tpu.vector_load %arg4[%swap3A_2434, %swap3A_2435] {strides = array<i32>} : memref<384x64xf32, #tpu.memory_space<vmem>>, vector<1x16xf32>,
    %swap3A_2437 = vector.shape_cast %swap3A_2436 : vector<1x16xf32> to vector<16xf32>
    %swap3A_2438 = vector.shape_cast %get3A_2402 : vector<16xf32> to vector<1x16xf32>
    tpu.vector_store %arg4[%swap3A_2434, %swap3A_2435], %swap3A_2438 {strides = array<i32>} : memref<384x64xf32, #tpu.memory_space<vmem>>, vector<1x16xf32>,
    %swap3A_2439 = arith.constant 367 : i32
    %swap3A_2440 = arith.index_cast %swap3A_2439 : i32 to index
    %swap3A_2441 = arith.constant 48 : index
    %swap3A_2442 = tpu.vector_load %arg4[%swap3A_2440, %swap3A_2441] {strides = array<i32>} : memref<384x64xf32, #tpu.memory_space<vmem>>, vector<1x16xf32>,
    %swap3A_2443 = vector.shape_cast %swap3A_2442 : vector<1x16xf32> to vector<16xf32>
    %swap3A_2444 = vector.shape_cast %select_n3A_2420 : vector<16xf32> to vector<1x16xf32>
    tpu.vector_store %arg4[%swap3A_2440, %swap3A_2441], %swap3A_2444 {strides = array<i32>} : memref<384x64xf32, #tpu.memory_space<vmem>>, vector<1x16xf32>,
    %add3A_2445 = arith.constant 768 : i32
    %add3A_2446 = arith.addi %mul3A_2, %add3A_2445 : i32
    %dma_start3A_2447 = arith.constant 0 : i32
    %dma_start3A_2448 = tpu.memref_slice %arg3[%add3A_2446, %dma_start3A_2447] : memref<73728x64xf32, #tpu.memory_space<hbm>> -> memref<384x64xf32, #tpu.memory_space<hbm>>
    %dma_start3A_2449 = arith.constant 0 : i32
    %dma_start3A_2450 = tpu.memref_slice %arg3[%add3A_2446, %dma_start3A_2449] : memref<73728x64xf32, #tpu.memory_space<hbm>> -> memref<384x64xf32, #tpu.memory_space<hbm>>
    tpu.enqueue_dma source(%arg4 : memref<384x64xf32, #tpu.memory_space<vmem>>) target(%dma_start3A_2450 : memref<384x64xf32, #tpu.memory_space<hbm>>) target_semaphore(%arg9 : memref<!tpu.dma_semaphore, #tpu.memory_space<semaphore_mem>>)
    %dma_wait3A_2451 = arith.constant 0 : i32
    %dma_wait3A_2452 = tpu.memref_slice %arg3[%add3A_2446, %dma_wait3A_2451] : memref<73728x64xf32, #tpu.memory_space<hbm>> -> memref<384x64xf32, #tpu.memory_space<hbm>>
    %dma_wait3A_2453 = arith.constant 0 : i32
    %dma_wait3A_2454 = tpu.memref_slice %arg3[%add3A_2446, %dma_wait3A_2453] : memref<73728x64xf32, #tpu.memory_space<hbm>> -> memref<384x64xf32, #tpu.memory_space<hbm>>
    tpu.wait_dma2 semaphore(%arg9 : memref<!tpu.dma_semaphore, #tpu.memory_space<semaphore_mem>>) src(%arg4 : memref<384x64xf32, #tpu.memory_space<vmem>>) dst(%dma_wait3A_2454 : memref<384x64xf32, #tpu.memory_space<hbm>>)
    %add3A_2455 = arith.constant 1536 : i32
    %add3A_2456 = arith.addi %mul3A_2, %add3A_2455 : i32
    %dma_start3A_2457 = arith.constant 0 : i32
    %dma_start3A_2458 = tpu.memref_slice %arg2[%add3A_2456, %dma_start3A_2457] : memref<73728x64xf32, #tpu.memory_space<hbm>> -> memref<384x64xf32, #tpu.memory_space<hbm>>
    %dma_start3A_2459 = arith.constant 0 : i32
    %dma_start3A_2460 = tpu.memref_slice %arg2[%add3A_2456, %dma_start3A_2459] : memref<73728x64xf32, #tpu.memory_space<hbm>> -> memref<384x64xf32, #tpu.memory_space<hbm>>
    tpu.enqueue_dma source(%dma_start3A_2460 : memref<384x64xf32, #tpu.memory_space<hbm>>) target(%arg4 : memref<384x64xf32, #tpu.memory_space<vmem>>) target_semaphore(%arg7 : memref<!tpu.dma_semaphore, #tpu.memory_space<semaphore_mem>>)
    %dma_wait3A_2461 = arith.constant 0 : i32
    %dma_wait3A_2462 = tpu.memref_slice %arg2[%add3A_1752, %dma_wait3A_2461] : memref<73728x64xf32, #tpu.memory_space<hbm>> -> memref<384x64xf32, #tpu.memory_space<hbm>>
    %dma_wait3A_2463 = arith.constant 0 : i32
    %dma_wait3A_2464 = tpu.memref_slice %arg2[%add3A_1752, %dma_wait3A_2463] : memref<73728x64xf32, #tpu.memory_space<hbm>> -> memref<384x64xf32, #tpu.memory_space<hbm>>
    tpu.wait_dma2 semaphore(%arg8 : memref<!tpu.dma_semaphore, #tpu.memory_space<semaphore_mem>>) src(%dma_wait3A_2464 : memref<384x64xf32, #tpu.memory_space<hbm>>) dst(%arg5 : memref<384x64xf32, #tpu.memory_space<vmem>>)
    %get3A_2465 = arith.constant 12 : i32
    %get3A_2466 = arith.index_cast %get3A_2465 : i32 to index
    %get3A_2467 = arith.constant 0 : index
    %get3A_2468 = tpu.vector_load %arg5[%get3A_2466, %get3A_2467] {strides = array<i32>} : memref<384x64xf32, #tpu.memory_space<vmem>>, vector<1x16xf32>,
    %get3A_2469 = vector.shape_cast %get3A_2468 : vector<1x16xf32> to vector<16xf32>
    %swap3A_2470 = arith.constant 1 : index
    %swap3A_2471 = tpu.vector_load %arg6[%swap3A_2470] {strides = array<i32>} : memref<32xf32, #tpu.memory_space<vmem>>, vector<16xf32>,
    %swap3A_2472 = vector.shape_cast %swap3A_2471 : vector<16xf32> to vector<16xf32>
    %swap3A_2473 = vector.shape_cast %get3A_2469 : vector<16xf32> to vector<16xf32>
    tpu.vector_store %arg6[%swap3A_2470], %swap3A_2473 {strides = array<i32>} : memref<32xf32, #tpu.memory_space<vmem>>, vector<16xf32>,
    %get3A_2474 = arith.constant 0 : index
    %get3A_2475 = tpu.vector_load %arg6[%get3A_2474] {strides = array<i32>} : memref<32xf32, #tpu.memory_space<vmem>>, vector<16xf32>,
    %get3A_2476 = vector.shape_cast %get3A_2475 : vector<16xf32> to vector<16xf32>
    %eq3A_2477 = arith.constant 0 : i32
    %eq3A_2478 = vector.broadcast %eq3A_2477 : i32 to vector<16xi32>
    %eq3A_2479 = arith.cmpi eq, %iota3A, %eq3A_2478 : vector<16xi32>
    %jit3A_2480 = arith.constant 0.000000e+00 : f32
    %broadcast_in_dim3A_2481 = vector.broadcast %jit3A_2480 : f32 to vector<16xf32>
    %select_n3A_2482 = arith.select %eq3A_2479, %broadcast_in_dim3A_2481, %get3A_2476 : vector<16xi1>, vector<16xf32>
    %get3A_2483 = arith.constant 12 : i32
    %get3A_2484 = arith.index_cast %get3A_2483 : i32 to index
    %get3A_2485 = arith.constant 15 : index
    %get3A_2486 = tpu.vector_load %arg5[%get3A_2484, %get3A_2485] {strides = array<i32>} : memref<384x64xf32, #tpu.memory_space<vmem>>, vector<1x16xf32>,
    %get3A_2487 = vector.shape_cast %get3A_2486 : vector<1x16xf32> to vector<16xf32>
    %get3A_2488 = arith.constant 12 : i32
    %get3A_2489 = arith.index_cast %get3A_2488 : i32 to index
    %get3A_2490 = arith.constant 31 : index
    %get3A_2491 = tpu.vector_load %arg5[%get3A_2489, %get3A_2490] {strides = array<i32>} : memref<384x64xf32, #tpu.memory_space<vmem>>, vector<1x16xf32>,
    %get3A_2492 = vector.shape_cast %get3A_2491 : vector<1x16xf32> to vector<16xf32>
    %get3A_2493 = arith.constant 12 : i32
    %get3A_2494 = arith.index_cast %get3A_2493 : i32 to index
    %get3A_2495 = arith.constant 47 : index
    %get3A_2496 = tpu.vector_load %arg5[%get3A_2494, %get3A_2495] {strides = array<i32>} : memref<384x64xf32, #tpu.memory_space<vmem>>, vector<1x16xf32>,
    %get3A_2497 = vector.shape_cast %get3A_2496 : vector<1x16xf32> to vector<16xf32>
    %swap3A_2498 = arith.constant 12 : i32
    %swap3A_2499 = arith.index_cast %swap3A_2498 : i32 to index
    %swap3A_2500 = arith.constant 0 : index
    %swap3A_2501 = tpu.vector_load %arg5[%swap3A_2499, %swap3A_2500] {strides = array<i32>} : memref<384x64xf32, #tpu.memory_space<vmem>>, vector<1x16xf32>,
    %swap3A_2502 = vector.shape_cast %swap3A_2501 : vector<1x16xf32> to vector<16xf32>
    %swap3A_2503 = vector.shape_cast %select_n3A_2482 : vector<16xf32> to vector<1x16xf32>
    tpu.vector_store %arg5[%swap3A_2499, %swap3A_2500], %swap3A_2503 {strides = array<i32>} : memref<384x64xf32, #tpu.memory_space<vmem>>, vector<1x16xf32>,
    %swap3A_2504 = arith.constant 12 : i32
    %swap3A_2505 = arith.index_cast %swap3A_2504 : i32 to index
    %swap3A_2506 = arith.constant 16 : index
    %swap3A_2507 = tpu.vector_load %arg5[%swap3A_2505, %swap3A_2506] {strides = array<i32>} : memref<384x64xf32, #tpu.memory_space<vmem>>, vector<1x16xf32>,
    %swap3A_2508 = vector.shape_cast %swap3A_2507 : vector<1x16xf32> to vector<16xf32>
    %swap3A_2509 = vector.shape_cast %get3A_2487 : vector<16xf32> to vector<1x16xf32>
    tpu.vector_store %arg5[%swap3A_2505, %swap3A_2506], %swap3A_2509 {strides = array<i32>} : memref<384x64xf32, #tpu.memory_space<vmem>>, vector<1x16xf32>,
    %swap3A_2510 = arith.constant 12 : i32
    %swap3A_2511 = arith.index_cast %swap3A_2510 : i32 to index
    %swap3A_2512 = arith.constant 32 : index
    %swap3A_2513 = tpu.vector_load %arg5[%swap3A_2511, %swap3A_2512] {strides = array<i32>} : memref<384x64xf32, #tpu.memory_space<vmem>>, vector<1x16xf32>,
    %swap3A_2514 = vector.shape_cast %swap3A_2513 : vector<1x16xf32> to vector<16xf32>
    %swap3A_2515 = vector.shape_cast %get3A_2492 : vector<16xf32> to vector<1x16xf32>
    tpu.vector_store %arg5[%swap3A_2511, %swap3A_2512], %swap3A_2515 {strides = array<i32>} : memref<384x64xf32, #tpu.memory_space<vmem>>, vector<1x16xf32>,
    %swap3A_2516 = arith.constant 12 : i32
    %swap3A_2517 = arith.index_cast %swap3A_2516 : i32 to index
    %swap3A_2518 = arith.constant 48 : index
    %swap3A_2519 = tpu.vector_load %arg5[%swap3A_2517, %swap3A_2518] {strides = array<i32>} : memref<384x64xf32, #tpu.memory_space<vmem>>, vector<1x16xf32>,
    %swap3A_2520 = vector.shape_cast %swap3A_2519 : vector<1x16xf32> to vector<16xf32>
    %swap3A_2521 = vector.shape_cast %get3A_2497 : vector<16xf32> to vector<1x16xf32>
    tpu.vector_store %arg5[%swap3A_2517, %swap3A_2518], %swap3A_2521 {strides = array<i32>} : memref<384x64xf32, #tpu.memory_space<vmem>>, vector<1x16xf32>,
    %get3A_2522 = arith.constant 58 : i32
    %get3A_2523 = arith.index_cast %get3A_2522 : i32 to index
    %get3A_2524 = arith.constant 1 : index
    %get3A_2525 = tpu.vector_load %arg5[%get3A_2523, %get3A_2524] {strides = array<i32>} : memref<384x64xf32, #tpu.memory_space<vmem>>, vector<1x16xf32>,
    %get3A_2526 = vector.shape_cast %get3A_2525 : vector<1x16xf32> to vector<16xf32>
    %get3A_2527 = arith.constant 58 : i32
    %get3A_2528 = arith.index_cast %get3A_2527 : i32 to index
    %get3A_2529 = arith.constant 17 : index
    %get3A_2530 = tpu.vector_load %arg5[%get3A_2528, %get3A_2529] {strides = array<i32>} : memref<384x64xf32, #tpu.memory_space<vmem>>, vector<1x16xf32>,
    %get3A_2531 = vector.shape_cast %get3A_2530 : vector<1x16xf32> to vector<16xf32>
    %get3A_2532 = arith.constant 58 : i32
    %get3A_2533 = arith.index_cast %get3A_2532 : i32 to index
    %get3A_2534 = arith.constant 33 : index
    %get3A_2535 = tpu.vector_load %arg5[%get3A_2533, %get3A_2534] {strides = array<i32>} : memref<384x64xf32, #tpu.memory_space<vmem>>, vector<1x16xf32>,
    %get3A_2536 = vector.shape_cast %get3A_2535 : vector<1x16xf32> to vector<16xf32>
    %get3A_2537 = arith.constant 58 : i32
    %get3A_2538 = arith.index_cast %get3A_2537 : i32 to index
    %get3A_2539 = arith.constant 48 : index
    %get3A_2540 = tpu.vector_load %arg5[%get3A_2538, %get3A_2539] {strides = array<i32>} : memref<384x64xf32, #tpu.memory_space<vmem>>, vector<1x16xf32>,
    %get3A_2541 = vector.shape_cast %get3A_2540 : vector<1x16xf32> to vector<16xf32>
    %swap3A_2542 = arith.constant 0 : index
    %swap3A_2543 = tpu.vector_load %arg6[%swap3A_2542] {strides = array<i32>} : memref<32xf32, #tpu.memory_space<vmem>>, vector<16xf32>,
    %swap3A_2544 = vector.shape_cast %swap3A_2543 : vector<16xf32> to vector<16xf32>
    %swap3A_2545 = vector.shape_cast %get3A_2541 : vector<16xf32> to vector<16xf32>
    tpu.vector_store %arg6[%swap3A_2542], %swap3A_2545 {strides = array<i32>} : memref<32xf32, #tpu.memory_space<vmem>>, vector<16xf32>,
    %get3A_2546 = arith.constant 1 : index
    %get3A_2547 = tpu.vector_load %arg6[%get3A_2546] {strides = array<i32>} : memref<32xf32, #tpu.memory_space<vmem>>, vector<16xf32>,
    %get3A_2548 = vector.shape_cast %get3A_2547 : vector<16xf32> to vector<16xf32>
    %eq3A_2549 = arith.constant 15 : i32
    %eq3A_2550 = vector.broadcast %eq3A_2549 : i32 to vector<16xi32>
    %eq3A_2551 = arith.cmpi eq, %iota3A, %eq3A_2550 : vector<16xi32>
    %jit3A_2552 = arith.constant 0.000000e+00 : f32
    %broadcast_in_dim3A_2553 = vector.broadcast %jit3A_2552 : f32 to vector<16xf32>
    %select_n3A_2554 = arith.select %eq3A_2551, %broadcast_in_dim3A_2553, %get3A_2548 : vector<16xi1>, vector<16xf32>
    %swap3A_2555 = arith.constant 58 : i32
    %swap3A_2556 = arith.index_cast %swap3A_2555 : i32 to index
    %swap3A_2557 = arith.constant 0 : index
    %swap3A_2558 = tpu.vector_load %arg5[%swap3A_2556, %swap3A_2557] {strides = array<i32>} : memref<384x64xf32, #tpu.memory_space<vmem>>, vector<1x16xf32>,
    %swap3A_2559 = vector.shape_cast %swap3A_2558 : vector<1x16xf32> to vector<16xf32>
    %swap3A_2560 = vector.shape_cast %get3A_2526 : vector<16xf32> to vector<1x16xf32>
    tpu.vector_store %arg5[%swap3A_2556, %swap3A_2557], %swap3A_2560 {strides = array<i32>} : memref<384x64xf32, #tpu.memory_space<vmem>>, vector<1x16xf32>,
    %swap3A_2561 = arith.constant 58 : i32
    %swap3A_2562 = arith.index_cast %swap3A_2561 : i32 to index
    %swap3A_2563 = arith.constant 16 : index
    %swap3A_2564 = tpu.vector_load %arg5[%swap3A_2562, %swap3A_2563] {strides = array<i32>} : memref<384x64xf32, #tpu.memory_space<vmem>>, vector<1x16xf32>,
    %swap3A_2565 = vector.shape_cast %swap3A_2564 : vector<1x16xf32> to vector<16xf32>
    %swap3A_2566 = vector.shape_cast %get3A_2531 : vector<16xf32> to vector<1x16xf32>
    tpu.vector_store %arg5[%swap3A_2562, %swap3A_2563], %swap3A_2566 {strides = array<i32>} : memref<384x64xf32, #tpu.memory_space<vmem>>, vector<1x16xf32>,
    %swap3A_2567 = arith.constant 58 : i32
    %swap3A_2568 = arith.index_cast %swap3A_2567 : i32 to index
    %swap3A_2569 = arith.constant 32 : index
    %swap3A_2570 = tpu.vector_load %arg5[%swap3A_2568, %swap3A_2569] {strides = array<i32>} : memref<384x64xf32, #tpu.memory_space<vmem>>, vector<1x16xf32>,
    %swap3A_2571 = vector.shape_cast %swap3A_2570 : vector<1x16xf32> to vector<16xf32>
    %swap3A_2572 = vector.shape_cast %get3A_2536 : vector<16xf32> to vector<1x16xf32>
    tpu.vector_store %arg5[%swap3A_2568, %swap3A_2569], %swap3A_2572 {strides = array<i32>} : memref<384x64xf32, #tpu.memory_space<vmem>>, vector<1x16xf32>,
    %swap3A_2573 = arith.constant 58 : i32
    %swap3A_2574 = arith.index_cast %swap3A_2573 : i32 to index
    %swap3A_2575 = arith.constant 48 : index
    %swap3A_2576 = tpu.vector_load %arg5[%swap3A_2574, %swap3A_2575] {strides = array<i32>} : memref<384x64xf32, #tpu.memory_space<vmem>>, vector<1x16xf32>,
    %swap3A_2577 = vector.shape_cast %swap3A_2576 : vector<1x16xf32> to vector<16xf32>
    %swap3A_2578 = vector.shape_cast %select_n3A_2554 : vector<16xf32> to vector<1x16xf32>
    tpu.vector_store %arg5[%swap3A_2574, %swap3A_2575], %swap3A_2578 {strides = array<i32>} : memref<384x64xf32, #tpu.memory_space<vmem>>, vector<1x16xf32>,
    %get3A_2579 = arith.constant 87 : i32
    %get3A_2580 = arith.index_cast %get3A_2579 : i32 to index
    %get3A_2581 = arith.constant 1 : index
    %get3A_2582 = tpu.vector_load %arg5[%get3A_2580, %get3A_2581] {strides = array<i32>} : memref<384x64xf32, #tpu.memory_space<vmem>>, vector<1x16xf32>,
    %get3A_2583 = vector.shape_cast %get3A_2582 : vector<1x16xf32> to vector<16xf32>
    %get3A_2584 = arith.constant 87 : i32
    %get3A_2585 = arith.index_cast %get3A_2584 : i32 to index
    %get3A_2586 = arith.constant 17 : index
    %get3A_2587 = tpu.vector_load %arg5[%get3A_2585, %get3A_2586] {strides = array<i32>} : memref<384x64xf32, #tpu.memory_space<vmem>>, vector<1x16xf32>,
    %get3A_2588 = vector.shape_cast %get3A_2587 : vector<1x16xf32> to vector<16xf32>
    %get3A_2589 = arith.constant 87 : i32
    %get3A_2590 = arith.index_cast %get3A_2589 : i32 to index
    %get3A_2591 = arith.constant 33 : index
    %get3A_2592 = tpu.vector_load %arg5[%get3A_2590, %get3A_2591] {strides = array<i32>} : memref<384x64xf32, #tpu.memory_space<vmem>>, vector<1x16xf32>,
    %get3A_2593 = vector.shape_cast %get3A_2592 : vector<1x16xf32> to vector<16xf32>
    %get3A_2594 = arith.constant 87 : i32
    %get3A_2595 = arith.index_cast %get3A_2594 : i32 to index
    %get3A_2596 = arith.constant 48 : index
    %get3A_2597 = tpu.vector_load %arg5[%get3A_2595, %get3A_2596] {strides = array<i32>} : memref<384x64xf32, #tpu.memory_space<vmem>>, vector<1x16xf32>,
    %get3A_2598 = vector.shape_cast %get3A_2597 : vector<1x16xf32> to vector<16xf32>
    %swap3A_2599 = arith.constant 0 : index
    %swap3A_2600 = tpu.vector_load %arg6[%swap3A_2599] {strides = array<i32>} : memref<32xf32, #tpu.memory_space<vmem>>, vector<16xf32>,
    %swap3A_2601 = vector.shape_cast %swap3A_2600 : vector<16xf32> to vector<16xf32>
    %swap3A_2602 = vector.shape_cast %get3A_2598 : vector<16xf32> to vector<16xf32>
    tpu.vector_store %arg6[%swap3A_2599], %swap3A_2602 {strides = array<i32>} : memref<32xf32, #tpu.memory_space<vmem>>, vector<16xf32>,
    %get3A_2603 = arith.constant 1 : index
    %get3A_2604 = tpu.vector_load %arg6[%get3A_2603] {strides = array<i32>} : memref<32xf32, #tpu.memory_space<vmem>>, vector<16xf32>,
    %get3A_2605 = vector.shape_cast %get3A_2604 : vector<16xf32> to vector<16xf32>
    %eq3A_2606 = arith.constant 15 : i32
    %eq3A_2607 = vector.broadcast %eq3A_2606 : i32 to vector<16xi32>
    %eq3A_2608 = arith.cmpi eq, %iota3A, %eq3A_2607 : vector<16xi32>
    %jit3A_2609 = arith.constant 0.000000e+00 : f32
    %broadcast_in_dim3A_2610 = vector.broadcast %jit3A_2609 : f32 to vector<16xf32>
    %select_n3A_2611 = arith.select %eq3A_2608, %broadcast_in_dim3A_2610, %get3A_2605 : vector<16xi1>, vector<16xf32>
    %swap3A_2612 = arith.constant 87 : i32
    %swap3A_2613 = arith.index_cast %swap3A_2612 : i32 to index
    %swap3A_2614 = arith.constant 0 : index
    %swap3A_2615 = tpu.vector_load %arg5[%swap3A_2613, %swap3A_2614] {strides = array<i32>} : memref<384x64xf32, #tpu.memory_space<vmem>>, vector<1x16xf32>,
    %swap3A_2616 = vector.shape_cast %swap3A_2615 : vector<1x16xf32> to vector<16xf32>
    %swap3A_2617 = vector.shape_cast %get3A_2583 : vector<16xf32> to vector<1x16xf32>
    tpu.vector_store %arg5[%swap3A_2613, %swap3A_2614], %swap3A_2617 {strides = array<i32>} : memref<384x64xf32, #tpu.memory_space<vmem>>, vector<1x16xf32>,
    %swap3A_2618 = arith.constant 87 : i32
    %swap3A_2619 = arith.index_cast %swap3A_2618 : i32 to index
    %swap3A_2620 = arith.constant 16 : index
    %swap3A_2621 = tpu.vector_load %arg5[%swap3A_2619, %swap3A_2620] {strides = array<i32>} : memref<384x64xf32, #tpu.memory_space<vmem>>, vector<1x16xf32>,
    %swap3A_2622 = vector.shape_cast %swap3A_2621 : vector<1x16xf32> to vector<16xf32>
    %swap3A_2623 = vector.shape_cast %get3A_2588 : vector<16xf32> to vector<1x16xf32>
    tpu.vector_store %arg5[%swap3A_2619, %swap3A_2620], %swap3A_2623 {strides = array<i32>} : memref<384x64xf32, #tpu.memory_space<vmem>>, vector<1x16xf32>,
    %swap3A_2624 = arith.constant 87 : i32
    %swap3A_2625 = arith.index_cast %swap3A_2624 : i32 to index
    %swap3A_2626 = arith.constant 32 : index
    %swap3A_2627 = tpu.vector_load %arg5[%swap3A_2625, %swap3A_2626] {strides = array<i32>} : memref<384x64xf32, #tpu.memory_space<vmem>>, vector<1x16xf32>,
    %swap3A_2628 = vector.shape_cast %swap3A_2627 : vector<1x16xf32> to vector<16xf32>
    %swap3A_2629 = vector.shape_cast %get3A_2593 : vector<16xf32> to vector<1x16xf32>
    tpu.vector_store %arg5[%swap3A_2625, %swap3A_2626], %swap3A_2629 {strides = array<i32>} : memref<384x64xf32, #tpu.memory_space<vmem>>, vector<1x16xf32>,
    %swap3A_2630 = arith.constant 87 : i32
    %swap3A_2631 = arith.index_cast %swap3A_2630 : i32 to index
    %swap3A_2632 = arith.constant 48 : index
    %swap3A_2633 = tpu.vector_load %arg5[%swap3A_2631, %swap3A_2632] {strides = array<i32>} : memref<384x64xf32, #tpu.memory_space<vmem>>, vector<1x16xf32>,
    %swap3A_2634 = vector.shape_cast %swap3A_2633 : vector<1x16xf32> to vector<16xf32>
    %swap3A_2635 = vector.shape_cast %select_n3A_2611 : vector<16xf32> to vector<1x16xf32>
    tpu.vector_store %arg5[%swap3A_2631, %swap3A_2632], %swap3A_2635 {strides = array<i32>} : memref<384x64xf32, #tpu.memory_space<vmem>>, vector<1x16xf32>,
    %get3A_2636 = arith.constant 128 : i32
    %get3A_2637 = arith.index_cast %get3A_2636 : i32 to index
    %get3A_2638 = arith.constant 0 : index
    %get3A_2639 = tpu.vector_load %arg5[%get3A_2637, %get3A_2638] {strides = array<i32>} : memref<384x64xf32, #tpu.memory_space<vmem>>, vector<1x16xf32>,
    %get3A_2640 = vector.shape_cast %get3A_2639 : vector<1x16xf32> to vector<16xf32>
    %swap3A_2641 = arith.constant 1 : index
    %swap3A_2642 = tpu.vector_load %arg6[%swap3A_2641] {strides = array<i32>} : memref<32xf32, #tpu.memory_space<vmem>>, vector<16xf32>,
    %swap3A_2643 = vector.shape_cast %swap3A_2642 : vector<16xf32> to vector<16xf32>
    %swap3A_2644 = vector.shape_cast %get3A_2640 : vector<16xf32> to vector<16xf32>
    tpu.vector_store %arg6[%swap3A_2641], %swap3A_2644 {strides = array<i32>} : memref<32xf32, #tpu.memory_space<vmem>>, vector<16xf32>,
    %get3A_2645 = arith.constant 0 : index
    %get3A_2646 = tpu.vector_load %arg6[%get3A_2645] {strides = array<i32>} : memref<32xf32, #tpu.memory_space<vmem>>, vector<16xf32>,
    %get3A_2647 = vector.shape_cast %get3A_2646 : vector<16xf32> to vector<16xf32>
    %eq3A_2648 = arith.constant 0 : i32
    %eq3A_2649 = vector.broadcast %eq3A_2648 : i32 to vector<16xi32>
    %eq3A_2650 = arith.cmpi eq, %iota3A, %eq3A_2649 : vector<16xi32>
    %jit3A_2651 = arith.constant 0.000000e+00 : f32
    %broadcast_in_dim3A_2652 = vector.broadcast %jit3A_2651 : f32 to vector<16xf32>
    %select_n3A_2653 = arith.select %eq3A_2650, %broadcast_in_dim3A_2652, %get3A_2647 : vector<16xi1>, vector<16xf32>
    %get3A_2654 = arith.constant 128 : i32
    %get3A_2655 = arith.index_cast %get3A_2654 : i32 to index
    %get3A_2656 = arith.constant 15 : index
    %get3A_2657 = tpu.vector_load %arg5[%get3A_2655, %get3A_2656] {strides = array<i32>} : memref<384x64xf32, #tpu.memory_space<vmem>>, vector<1x16xf32>,
    %get3A_2658 = vector.shape_cast %get3A_2657 : vector<1x16xf32> to vector<16xf32>
    %get3A_2659 = arith.constant 128 : i32
    %get3A_2660 = arith.index_cast %get3A_2659 : i32 to index
    %get3A_2661 = arith.constant 31 : index
    %get3A_2662 = tpu.vector_load %arg5[%get3A_2660, %get3A_2661] {strides = array<i32>} : memref<384x64xf32, #tpu.memory_space<vmem>>, vector<1x16xf32>,
    %get3A_2663 = vector.shape_cast %get3A_2662 : vector<1x16xf32> to vector<16xf32>
    %get3A_2664 = arith.constant 128 : i32
    %get3A_2665 = arith.index_cast %get3A_2664 : i32 to index
    %get3A_2666 = arith.constant 47 : index
    %get3A_2667 = tpu.vector_load %arg5[%get3A_2665, %get3A_2666] {strides = array<i32>} : memref<384x64xf32, #tpu.memory_space<vmem>>, vector<1x16xf32>,
    %get3A_2668 = vector.shape_cast %get3A_2667 : vector<1x16xf32> to vector<16xf32>
    %swap3A_2669 = arith.constant 128 : i32
    %swap3A_2670 = arith.index_cast %swap3A_2669 : i32 to index
    %swap3A_2671 = arith.constant 0 : index
    %swap3A_2672 = tpu.vector_load %arg5[%swap3A_2670, %swap3A_2671] {strides = array<i32>} : memref<384x64xf32, #tpu.memory_space<vmem>>, vector<1x16xf32>,
    %swap3A_2673 = vector.shape_cast %swap3A_2672 : vector<1x16xf32> to vector<16xf32>
    %swap3A_2674 = vector.shape_cast %select_n3A_2653 : vector<16xf32> to vector<1x16xf32>
    tpu.vector_store %arg5[%swap3A_2670, %swap3A_2671], %swap3A_2674 {strides = array<i32>} : memref<384x64xf32, #tpu.memory_space<vmem>>, vector<1x16xf32>,
    %swap3A_2675 = arith.constant 128 : i32
    %swap3A_2676 = arith.index_cast %swap3A_2675 : i32 to index
    %swap3A_2677 = arith.constant 16 : index
    %swap3A_2678 = tpu.vector_load %arg5[%swap3A_2676, %swap3A_2677] {strides = array<i32>} : memref<384x64xf32, #tpu.memory_space<vmem>>, vector<1x16xf32>,
    %swap3A_2679 = vector.shape_cast %swap3A_2678 : vector<1x16xf32> to vector<16xf32>
    %swap3A_2680 = vector.shape_cast %get3A_2658 : vector<16xf32> to vector<1x16xf32>
    tpu.vector_store %arg5[%swap3A_2676, %swap3A_2677], %swap3A_2680 {strides = array<i32>} : memref<384x64xf32, #tpu.memory_space<vmem>>, vector<1x16xf32>,
    %swap3A_2681 = arith.constant 128 : i32
    %swap3A_2682 = arith.index_cast %swap3A_2681 : i32 to index
    %swap3A_2683 = arith.constant 32 : index
    %swap3A_2684 = tpu.vector_load %arg5[%swap3A_2682, %swap3A_2683] {strides = array<i32>} : memref<384x64xf32, #tpu.memory_space<vmem>>, vector<1x16xf32>,
    %swap3A_2685 = vector.shape_cast %swap3A_2684 : vector<1x16xf32> to vector<16xf32>
    %swap3A_2686 = vector.shape_cast %get3A_2663 : vector<16xf32> to vector<1x16xf32>
    tpu.vector_store %arg5[%swap3A_2682, %swap3A_2683], %swap3A_2686 {strides = array<i32>} : memref<384x64xf32, #tpu.memory_space<vmem>>, vector<1x16xf32>,
    %swap3A_2687 = arith.constant 128 : i32
    %swap3A_2688 = arith.index_cast %swap3A_2687 : i32 to index
    %swap3A_2689 = arith.constant 48 : index
    %swap3A_2690 = tpu.vector_load %arg5[%swap3A_2688, %swap3A_2689] {strides = array<i32>} : memref<384x64xf32, #tpu.memory_space<vmem>>, vector<1x16xf32>,
    %swap3A_2691 = vector.shape_cast %swap3A_2690 : vector<1x16xf32> to vector<16xf32>
    %swap3A_2692 = vector.shape_cast %get3A_2668 : vector<16xf32> to vector<1x16xf32>
    tpu.vector_store %arg5[%swap3A_2688, %swap3A_2689], %swap3A_2692 {strides = array<i32>} : memref<384x64xf32, #tpu.memory_space<vmem>>, vector<1x16xf32>,
    %get3A_2693 = arith.constant 147 : i32
    %get3A_2694 = arith.index_cast %get3A_2693 : i32 to index
    %get3A_2695 = arith.constant 1 : index
    %get3A_2696 = tpu.vector_load %arg5[%get3A_2694, %get3A_2695] {strides = array<i32>} : memref<384x64xf32, #tpu.memory_space<vmem>>, vector<1x16xf32>,
    %get3A_2697 = vector.shape_cast %get3A_2696 : vector<1x16xf32> to vector<16xf32>
    %get3A_2698 = arith.constant 147 : i32
    %get3A_2699 = arith.index_cast %get3A_2698 : i32 to index
    %get3A_2700 = arith.constant 17 : index
    %get3A_2701 = tpu.vector_load %arg5[%get3A_2699, %get3A_2700] {strides = array<i32>} : memref<384x64xf32, #tpu.memory_space<vmem>>, vector<1x16xf32>,
    %get3A_2702 = vector.shape_cast %get3A_2701 : vector<1x16xf32> to vector<16xf32>
    %get3A_2703 = arith.constant 147 : i32
    %get3A_2704 = arith.index_cast %get3A_2703 : i32 to index
    %get3A_2705 = arith.constant 33 : index
    %get3A_2706 = tpu.vector_load %arg5[%get3A_2704, %get3A_2705] {strides = array<i32>} : memref<384x64xf32, #tpu.memory_space<vmem>>, vector<1x16xf32>,
    %get3A_2707 = vector.shape_cast %get3A_2706 : vector<1x16xf32> to vector<16xf32>
    %get3A_2708 = arith.constant 147 : i32
    %get3A_2709 = arith.index_cast %get3A_2708 : i32 to index
    %get3A_2710 = arith.constant 48 : index
    %get3A_2711 = tpu.vector_load %arg5[%get3A_2709, %get3A_2710] {strides = array<i32>} : memref<384x64xf32, #tpu.memory_space<vmem>>, vector<1x16xf32>,
    %get3A_2712 = vector.shape_cast %get3A_2711 : vector<1x16xf32> to vector<16xf32>
    %swap3A_2713 = arith.constant 0 : index
    %swap3A_2714 = tpu.vector_load %arg6[%swap3A_2713] {strides = array<i32>} : memref<32xf32, #tpu.memory_space<vmem>>, vector<16xf32>,
    %swap3A_2715 = vector.shape_cast %swap3A_2714 : vector<16xf32> to vector<16xf32>
    %swap3A_2716 = vector.shape_cast %get3A_2712 : vector<16xf32> to vector<16xf32>
    tpu.vector_store %arg6[%swap3A_2713], %swap3A_2716 {strides = array<i32>} : memref<32xf32, #tpu.memory_space<vmem>>, vector<16xf32>,
    %get3A_2717 = arith.constant 1 : index
    %get3A_2718 = tpu.vector_load %arg6[%get3A_2717] {strides = array<i32>} : memref<32xf32, #tpu.memory_space<vmem>>, vector<16xf32>,
    %get3A_2719 = vector.shape_cast %get3A_2718 : vector<16xf32> to vector<16xf32>
    %eq3A_2720 = arith.constant 15 : i32
    %eq3A_2721 = vector.broadcast %eq3A_2720 : i32 to vector<16xi32>
    %eq3A_2722 = arith.cmpi eq, %iota3A, %eq3A_2721 : vector<16xi32>
    %jit3A_2723 = arith.constant 0.000000e+00 : f32
    %broadcast_in_dim3A_2724 = vector.broadcast %jit3A_2723 : f32 to vector<16xf32>
    %select_n3A_2725 = arith.select %eq3A_2722, %broadcast_in_dim3A_2724, %get3A_2719 : vector<16xi1>, vector<16xf32>
    %swap3A_2726 = arith.constant 147 : i32
    %swap3A_2727 = arith.index_cast %swap3A_2726 : i32 to index
    %swap3A_2728 = arith.constant 0 : index
    %swap3A_2729 = tpu.vector_load %arg5[%swap3A_2727, %swap3A_2728] {strides = array<i32>} : memref<384x64xf32, #tpu.memory_space<vmem>>, vector<1x16xf32>,
    %swap3A_2730 = vector.shape_cast %swap3A_2729 : vector<1x16xf32> to vector<16xf32>
    %swap3A_2731 = vector.shape_cast %get3A_2697 : vector<16xf32> to vector<1x16xf32>
    tpu.vector_store %arg5[%swap3A_2727, %swap3A_2728], %swap3A_2731 {strides = array<i32>} : memref<384x64xf32, #tpu.memory_space<vmem>>, vector<1x16xf32>,
    %swap3A_2732 = arith.constant 147 : i32
    %swap3A_2733 = arith.index_cast %swap3A_2732 : i32 to index
    %swap3A_2734 = arith.constant 16 : index
    %swap3A_2735 = tpu.vector_load %arg5[%swap3A_2733, %swap3A_2734] {strides = array<i32>} : memref<384x64xf32, #tpu.memory_space<vmem>>, vector<1x16xf32>,
    %swap3A_2736 = vector.shape_cast %swap3A_2735 : vector<1x16xf32> to vector<16xf32>
    %swap3A_2737 = vector.shape_cast %get3A_2702 : vector<16xf32> to vector<1x16xf32>
    tpu.vector_store %arg5[%swap3A_2733, %swap3A_2734], %swap3A_2737 {strides = array<i32>} : memref<384x64xf32, #tpu.memory_space<vmem>>, vector<1x16xf32>,
    %swap3A_2738 = arith.constant 147 : i32
    %swap3A_2739 = arith.index_cast %swap3A_2738 : i32 to index
    %swap3A_2740 = arith.constant 32 : index
    %swap3A_2741 = tpu.vector_load %arg5[%swap3A_2739, %swap3A_2740] {strides = array<i32>} : memref<384x64xf32, #tpu.memory_space<vmem>>, vector<1x16xf32>,
    %swap3A_2742 = vector.shape_cast %swap3A_2741 : vector<1x16xf32> to vector<16xf32>
    %swap3A_2743 = vector.shape_cast %get3A_2707 : vector<16xf32> to vector<1x16xf32>
    tpu.vector_store %arg5[%swap3A_2739, %swap3A_2740], %swap3A_2743 {strides = array<i32>} : memref<384x64xf32, #tpu.memory_space<vmem>>, vector<1x16xf32>,
    %swap3A_2744 = arith.constant 147 : i32
    %swap3A_2745 = arith.index_cast %swap3A_2744 : i32 to index
    %swap3A_2746 = arith.constant 48 : index
    %swap3A_2747 = tpu.vector_load %arg5[%swap3A_2745, %swap3A_2746] {strides = array<i32>} : memref<384x64xf32, #tpu.memory_space<vmem>>, vector<1x16xf32>,
    %swap3A_2748 = vector.shape_cast %swap3A_2747 : vector<1x16xf32> to vector<16xf32>
    %swap3A_2749 = vector.shape_cast %select_n3A_2725 : vector<16xf32> to vector<1x16xf32>
    tpu.vector_store %arg5[%swap3A_2745, %swap3A_2746], %swap3A_2749 {strides = array<i32>} : memref<384x64xf32, #tpu.memory_space<vmem>>, vector<1x16xf32>,
    %get3A_2750 = arith.constant 163 : i32
    %get3A_2751 = arith.index_cast %get3A_2750 : i32 to index
    %get3A_2752 = arith.constant 1 : index
    %get3A_2753 = tpu.vector_load %arg5[%get3A_2751, %get3A_2752] {strides = array<i32>} : memref<384x64xf32, #tpu.memory_space<vmem>>, vector<1x16xf32>,
    %get3A_2754 = vector.shape_cast %get3A_2753 : vector<1x16xf32> to vector<16xf32>
    %get3A_2755 = arith.constant 163 : i32
    %get3A_2756 = arith.index_cast %get3A_2755 : i32 to index
    %get3A_2757 = arith.constant 17 : index
    %get3A_2758 = tpu.vector_load %arg5[%get3A_2756, %get3A_2757] {strides = array<i32>} : memref<384x64xf32, #tpu.memory_space<vmem>>, vector<1x16xf32>,
    %get3A_2759 = vector.shape_cast %get3A_2758 : vector<1x16xf32> to vector<16xf32>
    %get3A_2760 = arith.constant 163 : i32
    %get3A_2761 = arith.index_cast %get3A_2760 : i32 to index
    %get3A_2762 = arith.constant 33 : index
    %get3A_2763 = tpu.vector_load %arg5[%get3A_2761, %get3A_2762] {strides = array<i32>} : memref<384x64xf32, #tpu.memory_space<vmem>>, vector<1x16xf32>,
    %get3A_2764 = vector.shape_cast %get3A_2763 : vector<1x16xf32> to vector<16xf32>
    %get3A_2765 = arith.constant 163 : i32
    %get3A_2766 = arith.index_cast %get3A_2765 : i32 to index
    %get3A_2767 = arith.constant 48 : index
    %get3A_2768 = tpu.vector_load %arg5[%get3A_2766, %get3A_2767] {strides = array<i32>} : memref<384x64xf32, #tpu.memory_space<vmem>>, vector<1x16xf32>,
    %get3A_2769 = vector.shape_cast %get3A_2768 : vector<1x16xf32> to vector<16xf32>
    %swap3A_2770 = arith.constant 0 : index
    %swap3A_2771 = tpu.vector_load %arg6[%swap3A_2770] {strides = array<i32>} : memref<32xf32, #tpu.memory_space<vmem>>, vector<16xf32>,
    %swap3A_2772 = vector.shape_cast %swap3A_2771 : vector<16xf32> to vector<16xf32>
    %swap3A_2773 = vector.shape_cast %get3A_2769 : vector<16xf32> to vector<16xf32>
    tpu.vector_store %arg6[%swap3A_2770], %swap3A_2773 {strides = array<i32>} : memref<32xf32, #tpu.memory_space<vmem>>, vector<16xf32>,
    %get3A_2774 = arith.constant 1 : index
    %get3A_2775 = tpu.vector_load %arg6[%get3A_2774] {strides = array<i32>} : memref<32xf32, #tpu.memory_space<vmem>>, vector<16xf32>,
    %get3A_2776 = vector.shape_cast %get3A_2775 : vector<16xf32> to vector<16xf32>
    %eq3A_2777 = arith.constant 15 : i32
    %eq3A_2778 = vector.broadcast %eq3A_2777 : i32 to vector<16xi32>
    %eq3A_2779 = arith.cmpi eq, %iota3A, %eq3A_2778 : vector<16xi32>
    %jit3A_2780 = arith.constant 0.000000e+00 : f32
    %broadcast_in_dim3A_2781 = vector.broadcast %jit3A_2780 : f32 to vector<16xf32>
    %select_n3A_2782 = arith.select %eq3A_2779, %broadcast_in_dim3A_2781, %get3A_2776 : vector<16xi1>, vector<16xf32>
    %swap3A_2783 = arith.constant 163 : i32
    %swap3A_2784 = arith.index_cast %swap3A_2783 : i32 to index
    %swap3A_2785 = arith.constant 0 : index
    %swap3A_2786 = tpu.vector_load %arg5[%swap3A_2784, %swap3A_2785] {strides = array<i32>} : memref<384x64xf32, #tpu.memory_space<vmem>>, vector<1x16xf32>,
    %swap3A_2787 = vector.shape_cast %swap3A_2786 : vector<1x16xf32> to vector<16xf32>
    %swap3A_2788 = vector.shape_cast %get3A_2754 : vector<16xf32> to vector<1x16xf32>
    tpu.vector_store %arg5[%swap3A_2784, %swap3A_2785], %swap3A_2788 {strides = array<i32>} : memref<384x64xf32, #tpu.memory_space<vmem>>, vector<1x16xf32>,
    %swap3A_2789 = arith.constant 163 : i32
    %swap3A_2790 = arith.index_cast %swap3A_2789 : i32 to index
    %swap3A_2791 = arith.constant 16 : index
    %swap3A_2792 = tpu.vector_load %arg5[%swap3A_2790, %swap3A_2791] {strides = array<i32>} : memref<384x64xf32, #tpu.memory_space<vmem>>, vector<1x16xf32>,
    %swap3A_2793 = vector.shape_cast %swap3A_2792 : vector<1x16xf32> to vector<16xf32>
    %swap3A_2794 = vector.shape_cast %get3A_2759 : vector<16xf32> to vector<1x16xf32>
    tpu.vector_store %arg5[%swap3A_2790, %swap3A_2791], %swap3A_2794 {strides = array<i32>} : memref<384x64xf32, #tpu.memory_space<vmem>>, vector<1x16xf32>,
    %swap3A_2795 = arith.constant 163 : i32
    %swap3A_2796 = arith.index_cast %swap3A_2795 : i32 to index
    %swap3A_2797 = arith.constant 32 : index
    %swap3A_2798 = tpu.vector_load %arg5[%swap3A_2796, %swap3A_2797] {strides = array<i32>} : memref<384x64xf32, #tpu.memory_space<vmem>>, vector<1x16xf32>,
    %swap3A_2799 = vector.shape_cast %swap3A_2798 : vector<1x16xf32> to vector<16xf32>
    %swap3A_2800 = vector.shape_cast %get3A_2764 : vector<16xf32> to vector<1x16xf32>
    tpu.vector_store %arg5[%swap3A_2796, %swap3A_2797], %swap3A_2800 {strides = array<i32>} : memref<384x64xf32, #tpu.memory_space<vmem>>, vector<1x16xf32>,
    %swap3A_2801 = arith.constant 163 : i32
    %swap3A_2802 = arith.index_cast %swap3A_2801 : i32 to index
    %swap3A_2803 = arith.constant 48 : index
    %swap3A_2804 = tpu.vector_load %arg5[%swap3A_2802, %swap3A_2803] {strides = array<i32>} : memref<384x64xf32, #tpu.memory_space<vmem>>, vector<1x16xf32>,
    %swap3A_2805 = vector.shape_cast %swap3A_2804 : vector<1x16xf32> to vector<16xf32>
    %swap3A_2806 = vector.shape_cast %select_n3A_2782 : vector<16xf32> to vector<1x16xf32>
    tpu.vector_store %arg5[%swap3A_2802, %swap3A_2803], %swap3A_2806 {strides = array<i32>} : memref<384x64xf32, #tpu.memory_space<vmem>>, vector<1x16xf32>,
    %get3A_2807 = arith.constant 178 : i32
    %get3A_2808 = arith.index_cast %get3A_2807 : i32 to index
    %get3A_2809 = arith.constant 1 : index
    %get3A_2810 = tpu.vector_load %arg5[%get3A_2808, %get3A_2809] {strides = array<i32>} : memref<384x64xf32, #tpu.memory_space<vmem>>, vector<1x16xf32>,
    %get3A_2811 = vector.shape_cast %get3A_2810 : vector<1x16xf32> to vector<16xf32>
    %get3A_2812 = arith.constant 178 : i32
    %get3A_2813 = arith.index_cast %get3A_2812 : i32 to index
    %get3A_2814 = arith.constant 17 : index
    %get3A_2815 = tpu.vector_load %arg5[%get3A_2813, %get3A_2814] {strides = array<i32>} : memref<384x64xf32, #tpu.memory_space<vmem>>, vector<1x16xf32>,
    %get3A_2816 = vector.shape_cast %get3A_2815 : vector<1x16xf32> to vector<16xf32>
    %get3A_2817 = arith.constant 178 : i32
    %get3A_2818 = arith.index_cast %get3A_2817 : i32 to index
    %get3A_2819 = arith.constant 33 : index
    %get3A_2820 = tpu.vector_load %arg5[%get3A_2818, %get3A_2819] {strides = array<i32>} : memref<384x64xf32, #tpu.memory_space<vmem>>, vector<1x16xf32>,
    %get3A_2821 = vector.shape_cast %get3A_2820 : vector<1x16xf32> to vector<16xf32>
    %get3A_2822 = arith.constant 178 : i32
    %get3A_2823 = arith.index_cast %get3A_2822 : i32 to index
    %get3A_2824 = arith.constant 48 : index
    %get3A_2825 = tpu.vector_load %arg5[%get3A_2823, %get3A_2824] {strides = array<i32>} : memref<384x64xf32, #tpu.memory_space<vmem>>, vector<1x16xf32>,
    %get3A_2826 = vector.shape_cast %get3A_2825 : vector<1x16xf32> to vector<16xf32>
    %swap3A_2827 = arith.constant 0 : index
    %swap3A_2828 = tpu.vector_load %arg6[%swap3A_2827] {strides = array<i32>} : memref<32xf32, #tpu.memory_space<vmem>>, vector<16xf32>,
    %swap3A_2829 = vector.shape_cast %swap3A_2828 : vector<16xf32> to vector<16xf32>
    %swap3A_2830 = vector.shape_cast %get3A_2826 : vector<16xf32> to vector<16xf32>
    tpu.vector_store %arg6[%swap3A_2827], %swap3A_2830 {strides = array<i32>} : memref<32xf32, #tpu.memory_space<vmem>>, vector<16xf32>,
    %get3A_2831 = arith.constant 1 : index
    %get3A_2832 = tpu.vector_load %arg6[%get3A_2831] {strides = array<i32>} : memref<32xf32, #tpu.memory_space<vmem>>, vector<16xf32>,
    %get3A_2833 = vector.shape_cast %get3A_2832 : vector<16xf32> to vector<16xf32>
    %eq3A_2834 = arith.constant 15 : i32
    %eq3A_2835 = vector.broadcast %eq3A_2834 : i32 to vector<16xi32>
    %eq3A_2836 = arith.cmpi eq, %iota3A, %eq3A_2835 : vector<16xi32>
    %jit3A_2837 = arith.constant 0.000000e+00 : f32
    %broadcast_in_dim3A_2838 = vector.broadcast %jit3A_2837 : f32 to vector<16xf32>
    %select_n3A_2839 = arith.select %eq3A_2836, %broadcast_in_dim3A_2838, %get3A_2833 : vector<16xi1>, vector<16xf32>
    %swap3A_2840 = arith.constant 178 : i32
    %swap3A_2841 = arith.index_cast %swap3A_2840 : i32 to index
    %swap3A_2842 = arith.constant 0 : index
    %swap3A_2843 = tpu.vector_load %arg5[%swap3A_2841, %swap3A_2842] {strides = array<i32>} : memref<384x64xf32, #tpu.memory_space<vmem>>, vector<1x16xf32>,
    %swap3A_2844 = vector.shape_cast %swap3A_2843 : vector<1x16xf32> to vector<16xf32>
    %swap3A_2845 = vector.shape_cast %get3A_2811 : vector<16xf32> to vector<1x16xf32>
    tpu.vector_store %arg5[%swap3A_2841, %swap3A_2842], %swap3A_2845 {strides = array<i32>} : memref<384x64xf32, #tpu.memory_space<vmem>>, vector<1x16xf32>,
    %swap3A_2846 = arith.constant 178 : i32
    %swap3A_2847 = arith.index_cast %swap3A_2846 : i32 to index
    %swap3A_2848 = arith.constant 16 : index
    %swap3A_2849 = tpu.vector_load %arg5[%swap3A_2847, %swap3A_2848] {strides = array<i32>} : memref<384x64xf32, #tpu.memory_space<vmem>>, vector<1x16xf32>,
    %swap3A_2850 = vector.shape_cast %swap3A_2849 : vector<1x16xf32> to vector<16xf32>
    %swap3A_2851 = vector.shape_cast %get3A_2816 : vector<16xf32> to vector<1x16xf32>
    tpu.vector_store %arg5[%swap3A_2847, %swap3A_2848], %swap3A_2851 {strides = array<i32>} : memref<384x64xf32, #tpu.memory_space<vmem>>, vector<1x16xf32>,
    %swap3A_2852 = arith.constant 178 : i32
    %swap3A_2853 = arith.index_cast %swap3A_2852 : i32 to index
    %swap3A_2854 = arith.constant 32 : index
    %swap3A_2855 = tpu.vector_load %arg5[%swap3A_2853, %swap3A_2854] {strides = array<i32>} : memref<384x64xf32, #tpu.memory_space<vmem>>, vector<1x16xf32>,
    %swap3A_2856 = vector.shape_cast %swap3A_2855 : vector<1x16xf32> to vector<16xf32>
    %swap3A_2857 = vector.shape_cast %get3A_2821 : vector<16xf32> to vector<1x16xf32>
    tpu.vector_store %arg5[%swap3A_2853, %swap3A_2854], %swap3A_2857 {strides = array<i32>} : memref<384x64xf32, #tpu.memory_space<vmem>>, vector<1x16xf32>,
    %swap3A_2858 = arith.constant 178 : i32
    %swap3A_2859 = arith.index_cast %swap3A_2858 : i32 to index
    %swap3A_2860 = arith.constant 48 : index
    %swap3A_2861 = tpu.vector_load %arg5[%swap3A_2859, %swap3A_2860] {strides = array<i32>} : memref<384x64xf32, #tpu.memory_space<vmem>>, vector<1x16xf32>,
    %swap3A_2862 = vector.shape_cast %swap3A_2861 : vector<1x16xf32> to vector<16xf32>
    %swap3A_2863 = vector.shape_cast %select_n3A_2839 : vector<16xf32> to vector<1x16xf32>
    tpu.vector_store %arg5[%swap3A_2859, %swap3A_2860], %swap3A_2863 {strides = array<i32>} : memref<384x64xf32, #tpu.memory_space<vmem>>, vector<1x16xf32>,
    %get3A_2864 = arith.constant 275 : i32
    %get3A_2865 = arith.index_cast %get3A_2864 : i32 to index
    %get3A_2866 = arith.constant 1 : index
    %get3A_2867 = tpu.vector_load %arg5[%get3A_2865, %get3A_2866] {strides = array<i32>} : memref<384x64xf32, #tpu.memory_space<vmem>>, vector<1x16xf32>,
    %get3A_2868 = vector.shape_cast %get3A_2867 : vector<1x16xf32> to vector<16xf32>
    %get3A_2869 = arith.constant 275 : i32
    %get3A_2870 = arith.index_cast %get3A_2869 : i32 to index
    %get3A_2871 = arith.constant 17 : index
    %get3A_2872 = tpu.vector_load %arg5[%get3A_2870, %get3A_2871] {strides = array<i32>} : memref<384x64xf32, #tpu.memory_space<vmem>>, vector<1x16xf32>,
    %get3A_2873 = vector.shape_cast %get3A_2872 : vector<1x16xf32> to vector<16xf32>
    %get3A_2874 = arith.constant 275 : i32
    %get3A_2875 = arith.index_cast %get3A_2874 : i32 to index
    %get3A_2876 = arith.constant 33 : index
    %get3A_2877 = tpu.vector_load %arg5[%get3A_2875, %get3A_2876] {strides = array<i32>} : memref<384x64xf32, #tpu.memory_space<vmem>>, vector<1x16xf32>,
    %get3A_2878 = vector.shape_cast %get3A_2877 : vector<1x16xf32> to vector<16xf32>
    %get3A_2879 = arith.constant 275 : i32
    %get3A_2880 = arith.index_cast %get3A_2879 : i32 to index
    %get3A_2881 = arith.constant 48 : index
    %get3A_2882 = tpu.vector_load %arg5[%get3A_2880, %get3A_2881] {strides = array<i32>} : memref<384x64xf32, #tpu.memory_space<vmem>>, vector<1x16xf32>,
    %get3A_2883 = vector.shape_cast %get3A_2882 : vector<1x16xf32> to vector<16xf32>
    %swap3A_2884 = arith.constant 0 : index
    %swap3A_2885 = tpu.vector_load %arg6[%swap3A_2884] {strides = array<i32>} : memref<32xf32, #tpu.memory_space<vmem>>, vector<16xf32>,
    %swap3A_2886 = vector.shape_cast %swap3A_2885 : vector<16xf32> to vector<16xf32>
    %swap3A_2887 = vector.shape_cast %get3A_2883 : vector<16xf32> to vector<16xf32>
    tpu.vector_store %arg6[%swap3A_2884], %swap3A_2887 {strides = array<i32>} : memref<32xf32, #tpu.memory_space<vmem>>, vector<16xf32>,
    %get3A_2888 = arith.constant 1 : index
    %get3A_2889 = tpu.vector_load %arg6[%get3A_2888] {strides = array<i32>} : memref<32xf32, #tpu.memory_space<vmem>>, vector<16xf32>,
    %get3A_2890 = vector.shape_cast %get3A_2889 : vector<16xf32> to vector<16xf32>
    %eq3A_2891 = arith.constant 15 : i32
    %eq3A_2892 = vector.broadcast %eq3A_2891 : i32 to vector<16xi32>
    %eq3A_2893 = arith.cmpi eq, %iota3A, %eq3A_2892 : vector<16xi32>
    %jit3A_2894 = arith.constant 0.000000e+00 : f32
    %broadcast_in_dim3A_2895 = vector.broadcast %jit3A_2894 : f32 to vector<16xf32>
    %select_n3A_2896 = arith.select %eq3A_2893, %broadcast_in_dim3A_2895, %get3A_2890 : vector<16xi1>, vector<16xf32>
    %swap3A_2897 = arith.constant 275 : i32
    %swap3A_2898 = arith.index_cast %swap3A_2897 : i32 to index
    %swap3A_2899 = arith.constant 0 : index
    %swap3A_2900 = tpu.vector_load %arg5[%swap3A_2898, %swap3A_2899] {strides = array<i32>} : memref<384x64xf32, #tpu.memory_space<vmem>>, vector<1x16xf32>,
    %swap3A_2901 = vector.shape_cast %swap3A_2900 : vector<1x16xf32> to vector<16xf32>
    %swap3A_2902 = vector.shape_cast %get3A_2868 : vector<16xf32> to vector<1x16xf32>
    tpu.vector_store %arg5[%swap3A_2898, %swap3A_2899], %swap3A_2902 {strides = array<i32>} : memref<384x64xf32, #tpu.memory_space<vmem>>, vector<1x16xf32>,
    %swap3A_2903 = arith.constant 275 : i32
    %swap3A_2904 = arith.index_cast %swap3A_2903 : i32 to index
    %swap3A_2905 = arith.constant 16 : index
    %swap3A_2906 = tpu.vector_load %arg5[%swap3A_2904, %swap3A_2905] {strides = array<i32>} : memref<384x64xf32, #tpu.memory_space<vmem>>, vector<1x16xf32>,
    %swap3A_2907 = vector.shape_cast %swap3A_2906 : vector<1x16xf32> to vector<16xf32>
    %swap3A_2908 = vector.shape_cast %get3A_2873 : vector<16xf32> to vector<1x16xf32>
    tpu.vector_store %arg5[%swap3A_2904, %swap3A_2905], %swap3A_2908 {strides = array<i32>} : memref<384x64xf32, #tpu.memory_space<vmem>>, vector<1x16xf32>,
    %swap3A_2909 = arith.constant 275 : i32
    %swap3A_2910 = arith.index_cast %swap3A_2909 : i32 to index
    %swap3A_2911 = arith.constant 32 : index
    %swap3A_2912 = tpu.vector_load %arg5[%swap3A_2910, %swap3A_2911] {strides = array<i32>} : memref<384x64xf32, #tpu.memory_space<vmem>>, vector<1x16xf32>,
    %swap3A_2913 = vector.shape_cast %swap3A_2912 : vector<1x16xf32> to vector<16xf32>
    %swap3A_2914 = vector.shape_cast %get3A_2878 : vector<16xf32> to vector<1x16xf32>
    tpu.vector_store %arg5[%swap3A_2910, %swap3A_2911], %swap3A_2914 {strides = array<i32>} : memref<384x64xf32, #tpu.memory_space<vmem>>, vector<1x16xf32>,
    %swap3A_2915 = arith.constant 275 : i32
    %swap3A_2916 = arith.index_cast %swap3A_2915 : i32 to index
    %swap3A_2917 = arith.constant 48 : index
    %swap3A_2918 = tpu.vector_load %arg5[%swap3A_2916, %swap3A_2917] {strides = array<i32>} : memref<384x64xf32, #tpu.memory_space<vmem>>, vector<1x16xf32>,
    %swap3A_2919 = vector.shape_cast %swap3A_2918 : vector<1x16xf32> to vector<16xf32>
    %swap3A_2920 = vector.shape_cast %select_n3A_2896 : vector<16xf32> to vector<1x16xf32>
    tpu.vector_store %arg5[%swap3A_2916, %swap3A_2917], %swap3A_2920 {strides = array<i32>} : memref<384x64xf32, #tpu.memory_space<vmem>>, vector<1x16xf32>,
    %get3A_2921 = arith.constant 292 : i32
    %get3A_2922 = arith.index_cast %get3A_2921 : i32 to index
    %get3A_2923 = arith.constant 1 : index
    %get3A_2924 = tpu.vector_load %arg5[%get3A_2922, %get3A_2923] {strides = array<i32>} : memref<384x64xf32, #tpu.memory_space<vmem>>, vector<1x16xf32>,
    %get3A_2925 = vector.shape_cast %get3A_2924 : vector<1x16xf32> to vector<16xf32>
    %get3A_2926 = arith.constant 292 : i32
    %get3A_2927 = arith.index_cast %get3A_2926 : i32 to index
    %get3A_2928 = arith.constant 17 : index
    %get3A_2929 = tpu.vector_load %arg5[%get3A_2927, %get3A_2928] {strides = array<i32>} : memref<384x64xf32, #tpu.memory_space<vmem>>, vector<1x16xf32>,
    %get3A_2930 = vector.shape_cast %get3A_2929 : vector<1x16xf32> to vector<16xf32>
    %get3A_2931 = arith.constant 292 : i32
    %get3A_2932 = arith.index_cast %get3A_2931 : i32 to index
    %get3A_2933 = arith.constant 33 : index
    %get3A_2934 = tpu.vector_load %arg5[%get3A_2932, %get3A_2933] {strides = array<i32>} : memref<384x64xf32, #tpu.memory_space<vmem>>, vector<1x16xf32>,
    %get3A_2935 = vector.shape_cast %get3A_2934 : vector<1x16xf32> to vector<16xf32>
    %get3A_2936 = arith.constant 292 : i32
    %get3A_2937 = arith.index_cast %get3A_2936 : i32 to index
    %get3A_2938 = arith.constant 48 : index
    %get3A_2939 = tpu.vector_load %arg5[%get3A_2937, %get3A_2938] {strides = array<i32>} : memref<384x64xf32, #tpu.memory_space<vmem>>, vector<1x16xf32>,
    %get3A_2940 = vector.shape_cast %get3A_2939 : vector<1x16xf32> to vector<16xf32>
    %swap3A_2941 = arith.constant 0 : index
    %swap3A_2942 = tpu.vector_load %arg6[%swap3A_2941] {strides = array<i32>} : memref<32xf32, #tpu.memory_space<vmem>>, vector<16xf32>,
    %swap3A_2943 = vector.shape_cast %swap3A_2942 : vector<16xf32> to vector<16xf32>
    %swap3A_2944 = vector.shape_cast %get3A_2940 : vector<16xf32> to vector<16xf32>
    tpu.vector_store %arg6[%swap3A_2941], %swap3A_2944 {strides = array<i32>} : memref<32xf32, #tpu.memory_space<vmem>>, vector<16xf32>,
    %get3A_2945 = arith.constant 1 : index
    %get3A_2946 = tpu.vector_load %arg6[%get3A_2945] {strides = array<i32>} : memref<32xf32, #tpu.memory_space<vmem>>, vector<16xf32>,
    %get3A_2947 = vector.shape_cast %get3A_2946 : vector<16xf32> to vector<16xf32>
    %eq3A_2948 = arith.constant 15 : i32
    %eq3A_2949 = vector.broadcast %eq3A_2948 : i32 to vector<16xi32>
    %eq3A_2950 = arith.cmpi eq, %iota3A, %eq3A_2949 : vector<16xi32>
    %jit3A_2951 = arith.constant 0.000000e+00 : f32
    %broadcast_in_dim3A_2952 = vector.broadcast %jit3A_2951 : f32 to vector<16xf32>
    %select_n3A_2953 = arith.select %eq3A_2950, %broadcast_in_dim3A_2952, %get3A_2947 : vector<16xi1>, vector<16xf32>
    %swap3A_2954 = arith.constant 292 : i32
    %swap3A_2955 = arith.index_cast %swap3A_2954 : i32 to index
    %swap3A_2956 = arith.constant 0 : index
    %swap3A_2957 = tpu.vector_load %arg5[%swap3A_2955, %swap3A_2956] {strides = array<i32>} : memref<384x64xf32, #tpu.memory_space<vmem>>, vector<1x16xf32>,
    %swap3A_2958 = vector.shape_cast %swap3A_2957 : vector<1x16xf32> to vector<16xf32>
    %swap3A_2959 = vector.shape_cast %get3A_2925 : vector<16xf32> to vector<1x16xf32>
    tpu.vector_store %arg5[%swap3A_2955, %swap3A_2956], %swap3A_2959 {strides = array<i32>} : memref<384x64xf32, #tpu.memory_space<vmem>>, vector<1x16xf32>,
    %swap3A_2960 = arith.constant 292 : i32
    %swap3A_2961 = arith.index_cast %swap3A_2960 : i32 to index
    %swap3A_2962 = arith.constant 16 : index
    %swap3A_2963 = tpu.vector_load %arg5[%swap3A_2961, %swap3A_2962] {strides = array<i32>} : memref<384x64xf32, #tpu.memory_space<vmem>>, vector<1x16xf32>,
    %swap3A_2964 = vector.shape_cast %swap3A_2963 : vector<1x16xf32> to vector<16xf32>
    %swap3A_2965 = vector.shape_cast %get3A_2930 : vector<16xf32> to vector<1x16xf32>
    tpu.vector_store %arg5[%swap3A_2961, %swap3A_2962], %swap3A_2965 {strides = array<i32>} : memref<384x64xf32, #tpu.memory_space<vmem>>, vector<1x16xf32>,
    %swap3A_2966 = arith.constant 292 : i32
    %swap3A_2967 = arith.index_cast %swap3A_2966 : i32 to index
    %swap3A_2968 = arith.constant 32 : index
    %swap3A_2969 = tpu.vector_load %arg5[%swap3A_2967, %swap3A_2968] {strides = array<i32>} : memref<384x64xf32, #tpu.memory_space<vmem>>, vector<1x16xf32>,
    %swap3A_2970 = vector.shape_cast %swap3A_2969 : vector<1x16xf32> to vector<16xf32>
    %swap3A_2971 = vector.shape_cast %get3A_2935 : vector<16xf32> to vector<1x16xf32>
    tpu.vector_store %arg5[%swap3A_2967, %swap3A_2968], %swap3A_2971 {strides = array<i32>} : memref<384x64xf32, #tpu.memory_space<vmem>>, vector<1x16xf32>,
    %swap3A_2972 = arith.constant 292 : i32
    %swap3A_2973 = arith.index_cast %swap3A_2972 : i32 to index
    %swap3A_2974 = arith.constant 48 : index
    %swap3A_2975 = tpu.vector_load %arg5[%swap3A_2973, %swap3A_2974] {strides = array<i32>} : memref<384x64xf32, #tpu.memory_space<vmem>>, vector<1x16xf32>,
    %swap3A_2976 = vector.shape_cast %swap3A_2975 : vector<1x16xf32> to vector<16xf32>
    %swap3A_2977 = vector.shape_cast %select_n3A_2953 : vector<16xf32> to vector<1x16xf32>
    tpu.vector_store %arg5[%swap3A_2973, %swap3A_2974], %swap3A_2977 {strides = array<i32>} : memref<384x64xf32, #tpu.memory_space<vmem>>, vector<1x16xf32>,
    %add3A_2978 = arith.constant 1152 : i32
    %add3A_2979 = arith.addi %mul3A_2, %add3A_2978 : i32
    %dma_start3A_2980 = arith.constant 0 : i32
    %dma_start3A_2981 = tpu.memref_slice %arg3[%add3A_2979, %dma_start3A_2980] : memref<73728x64xf32, #tpu.memory_space<hbm>> -> memref<384x64xf32, #tpu.memory_space<hbm>>
    %dma_start3A_2982 = arith.constant 0 : i32
    %dma_start3A_2983 = tpu.memref_slice %arg3[%add3A_2979, %dma_start3A_2982] : memref<73728x64xf32, #tpu.memory_space<hbm>> -> memref<384x64xf32, #tpu.memory_space<hbm>>
    tpu.enqueue_dma source(%arg5 : memref<384x64xf32, #tpu.memory_space<vmem>>) target(%dma_start3A_2983 : memref<384x64xf32, #tpu.memory_space<hbm>>) target_semaphore(%arg10 : memref<!tpu.dma_semaphore, #tpu.memory_space<semaphore_mem>>)
    %dma_wait3A_2984 = arith.constant 0 : i32
    %dma_wait3A_2985 = tpu.memref_slice %arg3[%add3A_2979, %dma_wait3A_2984] : memref<73728x64xf32, #tpu.memory_space<hbm>> -> memref<384x64xf32, #tpu.memory_space<hbm>>
    %dma_wait3A_2986 = arith.constant 0 : i32
    %dma_wait3A_2987 = tpu.memref_slice %arg3[%add3A_2979, %dma_wait3A_2986] : memref<73728x64xf32, #tpu.memory_space<hbm>> -> memref<384x64xf32, #tpu.memory_space<hbm>>
    tpu.wait_dma2 semaphore(%arg10 : memref<!tpu.dma_semaphore, #tpu.memory_space<semaphore_mem>>) src(%arg5 : memref<384x64xf32, #tpu.memory_space<vmem>>) dst(%dma_wait3A_2987 : memref<384x64xf32, #tpu.memory_space<hbm>>)
    %add3A_2988 = arith.constant 1920 : i32
    %add3A_2989 = arith.addi %mul3A_2, %add3A_2988 : i32
    %dma_start3A_2990 = arith.constant 0 : i32
    %dma_start3A_2991 = tpu.memref_slice %arg2[%add3A_2989, %dma_start3A_2990] : memref<73728x64xf32, #tpu.memory_space<hbm>> -> memref<384x64xf32, #tpu.memory_space<hbm>>
    %dma_start3A_2992 = arith.constant 0 : i32
    %dma_start3A_2993 = tpu.memref_slice %arg2[%add3A_2989, %dma_start3A_2992] : memref<73728x64xf32, #tpu.memory_space<hbm>> -> memref<384x64xf32, #tpu.memory_space<hbm>>
    tpu.enqueue_dma source(%dma_start3A_2993 : memref<384x64xf32, #tpu.memory_space<hbm>>) target(%arg5 : memref<384x64xf32, #tpu.memory_space<vmem>>) target_semaphore(%arg8 : memref<!tpu.dma_semaphore, #tpu.memory_space<semaphore_mem>>)
    %dma_wait3A_2994 = arith.constant 0 : i32
    %dma_wait3A_2995 = tpu.memref_slice %arg2[%add3A_2456, %dma_wait3A_2994] : memref<73728x64xf32, #tpu.memory_space<hbm>> -> memref<384x64xf32, #tpu.memory_space<hbm>>
    %dma_wait3A_2996 = arith.constant 0 : i32
    %dma_wait3A_2997 = tpu.memref_slice %arg2[%add3A_2456, %dma_wait3A_2996] : memref<73728x64xf32, #tpu.memory_space<hbm>> -> memref<384x64xf32, #tpu.memory_space<hbm>>
    tpu.wait_dma2 semaphore(%arg7 : memref<!tpu.dma_semaphore, #tpu.memory_space<semaphore_mem>>) src(%dma_wait3A_2997 : memref<384x64xf32, #tpu.memory_space<hbm>>) dst(%arg4 : memref<384x64xf32, #tpu.memory_space<vmem>>)
    %get3A_2998 = arith.constant 80 : i32
    %get3A_2999 = arith.index_cast %get3A_2998 : i32 to index
    %get3A_3000 = arith.constant 1 : index
    %get3A_3001 = tpu.vector_load %arg4[%get3A_2999, %get3A_3000] {strides = array<i32>} : memref<384x64xf32, #tpu.memory_space<vmem>>, vector<1x16xf32>,
    %get3A_3002 = vector.shape_cast %get3A_3001 : vector<1x16xf32> to vector<16xf32>
    %get3A_3003 = arith.constant 80 : i32
    %get3A_3004 = arith.index_cast %get3A_3003 : i32 to index
    %get3A_3005 = arith.constant 17 : index
    %get3A_3006 = tpu.vector_load %arg4[%get3A_3004, %get3A_3005] {strides = array<i32>} : memref<384x64xf32, #tpu.memory_space<vmem>>, vector<1x16xf32>,
    %get3A_3007 = vector.shape_cast %get3A_3006 : vector<1x16xf32> to vector<16xf32>
    %get3A_3008 = arith.constant 80 : i32
    %get3A_3009 = arith.index_cast %get3A_3008 : i32 to index
    %get3A_3010 = arith.constant 33 : index
    %get3A_3011 = tpu.vector_load %arg4[%get3A_3009, %get3A_3010] {strides = array<i32>} : memref<384x64xf32, #tpu.memory_space<vmem>>, vector<1x16xf32>,
    %get3A_3012 = vector.shape_cast %get3A_3011 : vector<1x16xf32> to vector<16xf32>
    %get3A_3013 = arith.constant 80 : i32
    %get3A_3014 = arith.index_cast %get3A_3013 : i32 to index
    %get3A_3015 = arith.constant 48 : index
    %get3A_3016 = tpu.vector_load %arg4[%get3A_3014, %get3A_3015] {strides = array<i32>} : memref<384x64xf32, #tpu.memory_space<vmem>>, vector<1x16xf32>,
    %get3A_3017 = vector.shape_cast %get3A_3016 : vector<1x16xf32> to vector<16xf32>
    %swap3A_3018 = arith.constant 0 : index
    %swap3A_3019 = tpu.vector_load %arg6[%swap3A_3018] {strides = array<i32>} : memref<32xf32, #tpu.memory_space<vmem>>, vector<16xf32>,
    %swap3A_3020 = vector.shape_cast %swap3A_3019 : vector<16xf32> to vector<16xf32>
    %swap3A_3021 = vector.shape_cast %get3A_3017 : vector<16xf32> to vector<16xf32>
    tpu.vector_store %arg6[%swap3A_3018], %swap3A_3021 {strides = array<i32>} : memref<32xf32, #tpu.memory_space<vmem>>, vector<16xf32>,
    %get3A_3022 = arith.constant 1 : index
    %get3A_3023 = tpu.vector_load %arg6[%get3A_3022] {strides = array<i32>} : memref<32xf32, #tpu.memory_space<vmem>>, vector<16xf32>,
    %get3A_3024 = vector.shape_cast %get3A_3023 : vector<16xf32> to vector<16xf32>
    %eq3A_3025 = arith.constant 15 : i32
    %eq3A_3026 = vector.broadcast %eq3A_3025 : i32 to vector<16xi32>
    %eq3A_3027 = arith.cmpi eq, %iota3A, %eq3A_3026 : vector<16xi32>
    %jit3A_3028 = arith.constant 0.000000e+00 : f32
    %broadcast_in_dim3A_3029 = vector.broadcast %jit3A_3028 : f32 to vector<16xf32>
    %select_n3A_3030 = arith.select %eq3A_3027, %broadcast_in_dim3A_3029, %get3A_3024 : vector<16xi1>, vector<16xf32>
    %swap3A_3031 = arith.constant 80 : i32
    %swap3A_3032 = arith.index_cast %swap3A_3031 : i32 to index
    %swap3A_3033 = arith.constant 0 : index
    %swap3A_3034 = tpu.vector_load %arg4[%swap3A_3032, %swap3A_3033] {strides = array<i32>} : memref<384x64xf32, #tpu.memory_space<vmem>>, vector<1x16xf32>,
    %swap3A_3035 = vector.shape_cast %swap3A_3034 : vector<1x16xf32> to vector<16xf32>
    %swap3A_3036 = vector.shape_cast %get3A_3002 : vector<16xf32> to vector<1x16xf32>
    tpu.vector_store %arg4[%swap3A_3032, %swap3A_3033], %swap3A_3036 {strides = array<i32>} : memref<384x64xf32, #tpu.memory_space<vmem>>, vector<1x16xf32>,
    %swap3A_3037 = arith.constant 80 : i32
    %swap3A_3038 = arith.index_cast %swap3A_3037 : i32 to index
    %swap3A_3039 = arith.constant 16 : index
    %swap3A_3040 = tpu.vector_load %arg4[%swap3A_3038, %swap3A_3039] {strides = array<i32>} : memref<384x64xf32, #tpu.memory_space<vmem>>, vector<1x16xf32>,
    %swap3A_3041 = vector.shape_cast %swap3A_3040 : vector<1x16xf32> to vector<16xf32>
    %swap3A_3042 = vector.shape_cast %get3A_3007 : vector<16xf32> to vector<1x16xf32>
    tpu.vector_store %arg4[%swap3A_3038, %swap3A_3039], %swap3A_3042 {strides = array<i32>} : memref<384x64xf32, #tpu.memory_space<vmem>>, vector<1x16xf32>,
    %swap3A_3043 = arith.constant 80 : i32
    %swap3A_3044 = arith.index_cast %swap3A_3043 : i32 to index
    %swap3A_3045 = arith.constant 32 : index
    %swap3A_3046 = tpu.vector_load %arg4[%swap3A_3044, %swap3A_3045] {strides = array<i32>} : memref<384x64xf32, #tpu.memory_space<vmem>>, vector<1x16xf32>,
    %swap3A_3047 = vector.shape_cast %swap3A_3046 : vector<1x16xf32> to vector<16xf32>
    %swap3A_3048 = vector.shape_cast %get3A_3012 : vector<16xf32> to vector<1x16xf32>
    tpu.vector_store %arg4[%swap3A_3044, %swap3A_3045], %swap3A_3048 {strides = array<i32>} : memref<384x64xf32, #tpu.memory_space<vmem>>, vector<1x16xf32>,
    %swap3A_3049 = arith.constant 80 : i32
    %swap3A_3050 = arith.index_cast %swap3A_3049 : i32 to index
    %swap3A_3051 = arith.constant 48 : index
    %swap3A_3052 = tpu.vector_load %arg4[%swap3A_3050, %swap3A_3051] {strides = array<i32>} : memref<384x64xf32, #tpu.memory_space<vmem>>, vector<1x16xf32>,
    %swap3A_3053 = vector.shape_cast %swap3A_3052 : vector<1x16xf32> to vector<16xf32>
    %swap3A_3054 = vector.shape_cast %select_n3A_3030 : vector<16xf32> to vector<1x16xf32>
    tpu.vector_store %arg4[%swap3A_3050, %swap3A_3051], %swap3A_3054 {strides = array<i32>} : memref<384x64xf32, #tpu.memory_space<vmem>>, vector<1x16xf32>,
    %get3A_3055 = arith.constant 107 : i32
    %get3A_3056 = arith.index_cast %get3A_3055 : i32 to index
    %get3A_3057 = arith.constant 1 : index
    %get3A_3058 = tpu.vector_load %arg4[%get3A_3056, %get3A_3057] {strides = array<i32>} : memref<384x64xf32, #tpu.memory_space<vmem>>, vector<1x16xf32>,
    %get3A_3059 = vector.shape_cast %get3A_3058 : vector<1x16xf32> to vector<16xf32>
    %get3A_3060 = arith.constant 107 : i32
    %get3A_3061 = arith.index_cast %get3A_3060 : i32 to index
    %get3A_3062 = arith.constant 17 : index
    %get3A_3063 = tpu.vector_load %arg4[%get3A_3061, %get3A_3062] {strides = array<i32>} : memref<384x64xf32, #tpu.memory_space<vmem>>, vector<1x16xf32>,
    %get3A_3064 = vector.shape_cast %get3A_3063 : vector<1x16xf32> to vector<16xf32>
    %get3A_3065 = arith.constant 107 : i32
    %get3A_3066 = arith.index_cast %get3A_3065 : i32 to index
    %get3A_3067 = arith.constant 33 : index
    %get3A_3068 = tpu.vector_load %arg4[%get3A_3066, %get3A_3067] {strides = array<i32>} : memref<384x64xf32, #tpu.memory_space<vmem>>, vector<1x16xf32>,
    %get3A_3069 = vector.shape_cast %get3A_3068 : vector<1x16xf32> to vector<16xf32>
    %get3A_3070 = arith.constant 107 : i32
    %get3A_3071 = arith.index_cast %get3A_3070 : i32 to index
    %get3A_3072 = arith.constant 48 : index
    %get3A_3073 = tpu.vector_load %arg4[%get3A_3071, %get3A_3072] {strides = array<i32>} : memref<384x64xf32, #tpu.memory_space<vmem>>, vector<1x16xf32>,
    %get3A_3074 = vector.shape_cast %get3A_3073 : vector<1x16xf32> to vector<16xf32>
    %swap3A_3075 = arith.constant 0 : index
    %swap3A_3076 = tpu.vector_load %arg6[%swap3A_3075] {strides = array<i32>} : memref<32xf32, #tpu.memory_space<vmem>>, vector<16xf32>,
    %swap3A_3077 = vector.shape_cast %swap3A_3076 : vector<16xf32> to vector<16xf32>
    %swap3A_3078 = vector.shape_cast %get3A_3074 : vector<16xf32> to vector<16xf32>
    tpu.vector_store %arg6[%swap3A_3075], %swap3A_3078 {strides = array<i32>} : memref<32xf32, #tpu.memory_space<vmem>>, vector<16xf32>,
    %get3A_3079 = arith.constant 1 : index
    %get3A_3080 = tpu.vector_load %arg6[%get3A_3079] {strides = array<i32>} : memref<32xf32, #tpu.memory_space<vmem>>, vector<16xf32>,
    %get3A_3081 = vector.shape_cast %get3A_3080 : vector<16xf32> to vector<16xf32>
    %eq3A_3082 = arith.constant 15 : i32
    %eq3A_3083 = vector.broadcast %eq3A_3082 : i32 to vector<16xi32>
    %eq3A_3084 = arith.cmpi eq, %iota3A, %eq3A_3083 : vector<16xi32>
    %jit3A_3085 = arith.constant 0.000000e+00 : f32
    %broadcast_in_dim3A_3086 = vector.broadcast %jit3A_3085 : f32 to vector<16xf32>
    %select_n3A_3087 = arith.select %eq3A_3084, %broadcast_in_dim3A_3086, %get3A_3081 : vector<16xi1>, vector<16xf32>
    %swap3A_3088 = arith.constant 107 : i32
    %swap3A_3089 = arith.index_cast %swap3A_3088 : i32 to index
    %swap3A_3090 = arith.constant 0 : index
    %swap3A_3091 = tpu.vector_load %arg4[%swap3A_3089, %swap3A_3090] {strides = array<i32>} : memref<384x64xf32, #tpu.memory_space<vmem>>, vector<1x16xf32>,
    %swap3A_3092 = vector.shape_cast %swap3A_3091 : vector<1x16xf32> to vector<16xf32>
    %swap3A_3093 = vector.shape_cast %get3A_3059 : vector<16xf32> to vector<1x16xf32>
    tpu.vector_store %arg4[%swap3A_3089, %swap3A_3090], %swap3A_3093 {strides = array<i32>} : memref<384x64xf32, #tpu.memory_space<vmem>>, vector<1x16xf32>,
    %swap3A_3094 = arith.constant 107 : i32
    %swap3A_3095 = arith.index_cast %swap3A_3094 : i32 to index
    %swap3A_3096 = arith.constant 16 : index
    %swap3A_3097 = tpu.vector_load %arg4[%swap3A_3095, %swap3A_3096] {strides = array<i32>} : memref<384x64xf32, #tpu.memory_space<vmem>>, vector<1x16xf32>,
    %swap3A_3098 = vector.shape_cast %swap3A_3097 : vector<1x16xf32> to vector<16xf32>
    %swap3A_3099 = vector.shape_cast %get3A_3064 : vector<16xf32> to vector<1x16xf32>
    tpu.vector_store %arg4[%swap3A_3095, %swap3A_3096], %swap3A_3099 {strides = array<i32>} : memref<384x64xf32, #tpu.memory_space<vmem>>, vector<1x16xf32>,
    %swap3A_3100 = arith.constant 107 : i32
    %swap3A_3101 = arith.index_cast %swap3A_3100 : i32 to index
    %swap3A_3102 = arith.constant 32 : index
    %swap3A_3103 = tpu.vector_load %arg4[%swap3A_3101, %swap3A_3102] {strides = array<i32>} : memref<384x64xf32, #tpu.memory_space<vmem>>, vector<1x16xf32>,
    %swap3A_3104 = vector.shape_cast %swap3A_3103 : vector<1x16xf32> to vector<16xf32>
    %swap3A_3105 = vector.shape_cast %get3A_3069 : vector<16xf32> to vector<1x16xf32>
    tpu.vector_store %arg4[%swap3A_3101, %swap3A_3102], %swap3A_3105 {strides = array<i32>} : memref<384x64xf32, #tpu.memory_space<vmem>>, vector<1x16xf32>,
    %swap3A_3106 = arith.constant 107 : i32
    %swap3A_3107 = arith.index_cast %swap3A_3106 : i32 to index
    %swap3A_3108 = arith.constant 48 : index
    %swap3A_3109 = tpu.vector_load %arg4[%swap3A_3107, %swap3A_3108] {strides = array<i32>} : memref<384x64xf32, #tpu.memory_space<vmem>>, vector<1x16xf32>,
    %swap3A_3110 = vector.shape_cast %swap3A_3109 : vector<1x16xf32> to vector<16xf32>
    %swap3A_3111 = vector.shape_cast %select_n3A_3087 : vector<16xf32> to vector<1x16xf32>
    tpu.vector_store %arg4[%swap3A_3107, %swap3A_3108], %swap3A_3111 {strides = array<i32>} : memref<384x64xf32, #tpu.memory_space<vmem>>, vector<1x16xf32>,
    %get3A_3112 = arith.constant 116 : i32
    %get3A_3113 = arith.index_cast %get3A_3112 : i32 to index
    %get3A_3114 = arith.constant 1 : index
    %get3A_3115 = tpu.vector_load %arg4[%get3A_3113, %get3A_3114] {strides = array<i32>} : memref<384x64xf32, #tpu.memory_space<vmem>>, vector<1x16xf32>,
    %get3A_3116 = vector.shape_cast %get3A_3115 : vector<1x16xf32> to vector<16xf32>
    %get3A_3117 = arith.constant 116 : i32
    %get3A_3118 = arith.index_cast %get3A_3117 : i32 to index
    %get3A_3119 = arith.constant 17 : index
    %get3A_3120 = tpu.vector_load %arg4[%get3A_3118, %get3A_3119] {strides = array<i32>} : memref<384x64xf32, #tpu.memory_space<vmem>>, vector<1x16xf32>,
    %get3A_3121 = vector.shape_cast %get3A_3120 : vector<1x16xf32> to vector<16xf32>
    %get3A_3122 = arith.constant 116 : i32
    %get3A_3123 = arith.index_cast %get3A_3122 : i32 to index
    %get3A_3124 = arith.constant 33 : index
    %get3A_3125 = tpu.vector_load %arg4[%get3A_3123, %get3A_3124] {strides = array<i32>} : memref<384x64xf32, #tpu.memory_space<vmem>>, vector<1x16xf32>,
    %get3A_3126 = vector.shape_cast %get3A_3125 : vector<1x16xf32> to vector<16xf32>
    %get3A_3127 = arith.constant 116 : i32
    %get3A_3128 = arith.index_cast %get3A_3127 : i32 to index
    %get3A_3129 = arith.constant 48 : index
    %get3A_3130 = tpu.vector_load %arg4[%get3A_3128, %get3A_3129] {strides = array<i32>} : memref<384x64xf32, #tpu.memory_space<vmem>>, vector<1x16xf32>,
    %get3A_3131 = vector.shape_cast %get3A_3130 : vector<1x16xf32> to vector<16xf32>
    %swap3A_3132 = arith.constant 0 : index
    %swap3A_3133 = tpu.vector_load %arg6[%swap3A_3132] {strides = array<i32>} : memref<32xf32, #tpu.memory_space<vmem>>, vector<16xf32>,
    %swap3A_3134 = vector.shape_cast %swap3A_3133 : vector<16xf32> to vector<16xf32>
    %swap3A_3135 = vector.shape_cast %get3A_3131 : vector<16xf32> to vector<16xf32>
    tpu.vector_store %arg6[%swap3A_3132], %swap3A_3135 {strides = array<i32>} : memref<32xf32, #tpu.memory_space<vmem>>, vector<16xf32>,
    %get3A_3136 = arith.constant 1 : index
    %get3A_3137 = tpu.vector_load %arg6[%get3A_3136] {strides = array<i32>} : memref<32xf32, #tpu.memory_space<vmem>>, vector<16xf32>,
    %get3A_3138 = vector.shape_cast %get3A_3137 : vector<16xf32> to vector<16xf32>
    %eq3A_3139 = arith.constant 15 : i32
    %eq3A_3140 = vector.broadcast %eq3A_3139 : i32 to vector<16xi32>
    %eq3A_3141 = arith.cmpi eq, %iota3A, %eq3A_3140 : vector<16xi32>
    %jit3A_3142 = arith.constant 0.000000e+00 : f32
    %broadcast_in_dim3A_3143 = vector.broadcast %jit3A_3142 : f32 to vector<16xf32>
    %select_n3A_3144 = arith.select %eq3A_3141, %broadcast_in_dim3A_3143, %get3A_3138 : vector<16xi1>, vector<16xf32>
    %swap3A_3145 = arith.constant 116 : i32
    %swap3A_3146 = arith.index_cast %swap3A_3145 : i32 to index
    %swap3A_3147 = arith.constant 0 : index
    %swap3A_3148 = tpu.vector_load %arg4[%swap3A_3146, %swap3A_3147] {strides = array<i32>} : memref<384x64xf32, #tpu.memory_space<vmem>>, vector<1x16xf32>,
    %swap3A_3149 = vector.shape_cast %swap3A_3148 : vector<1x16xf32> to vector<16xf32>
    %swap3A_3150 = vector.shape_cast %get3A_3116 : vector<16xf32> to vector<1x16xf32>
    tpu.vector_store %arg4[%swap3A_3146, %swap3A_3147], %swap3A_3150 {strides = array<i32>} : memref<384x64xf32, #tpu.memory_space<vmem>>, vector<1x16xf32>,
    %swap3A_3151 = arith.constant 116 : i32
    %swap3A_3152 = arith.index_cast %swap3A_3151 : i32 to index
    %swap3A_3153 = arith.constant 16 : index
    %swap3A_3154 = tpu.vector_load %arg4[%swap3A_3152, %swap3A_3153] {strides = array<i32>} : memref<384x64xf32, #tpu.memory_space<vmem>>, vector<1x16xf32>,
    %swap3A_3155 = vector.shape_cast %swap3A_3154 : vector<1x16xf32> to vector<16xf32>
    %swap3A_3156 = vector.shape_cast %get3A_3121 : vector<16xf32> to vector<1x16xf32>
    tpu.vector_store %arg4[%swap3A_3152, %swap3A_3153], %swap3A_3156 {strides = array<i32>} : memref<384x64xf32, #tpu.memory_space<vmem>>, vector<1x16xf32>,
    %swap3A_3157 = arith.constant 116 : i32
    %swap3A_3158 = arith.index_cast %swap3A_3157 : i32 to index
    %swap3A_3159 = arith.constant 32 : index
    %swap3A_3160 = tpu.vector_load %arg4[%swap3A_3158, %swap3A_3159] {strides = array<i32>} : memref<384x64xf32, #tpu.memory_space<vmem>>, vector<1x16xf32>,
    %swap3A_3161 = vector.shape_cast %swap3A_3160 : vector<1x16xf32> to vector<16xf32>
    %swap3A_3162 = vector.shape_cast %get3A_3126 : vector<16xf32> to vector<1x16xf32>
    tpu.vector_store %arg4[%swap3A_3158, %swap3A_3159], %swap3A_3162 {strides = array<i32>} : memref<384x64xf32, #tpu.memory_space<vmem>>, vector<1x16xf32>,
    %swap3A_3163 = arith.constant 116 : i32
    %swap3A_3164 = arith.index_cast %swap3A_3163 : i32 to index
    %swap3A_3165 = arith.constant 48 : index
    %swap3A_3166 = tpu.vector_load %arg4[%swap3A_3164, %swap3A_3165] {strides = array<i32>} : memref<384x64xf32, #tpu.memory_space<vmem>>, vector<1x16xf32>,
    %swap3A_3167 = vector.shape_cast %swap3A_3166 : vector<1x16xf32> to vector<16xf32>
    %swap3A_3168 = vector.shape_cast %select_n3A_3144 : vector<16xf32> to vector<1x16xf32>
    tpu.vector_store %arg4[%swap3A_3164, %swap3A_3165], %swap3A_3168 {strides = array<i32>} : memref<384x64xf32, #tpu.memory_space<vmem>>, vector<1x16xf32>,
    %get3A_3169 = arith.constant 127 : i32
    %get3A_3170 = arith.index_cast %get3A_3169 : i32 to index
    %get3A_3171 = arith.constant 0 : index
    %get3A_3172 = tpu.vector_load %arg4[%get3A_3170, %get3A_3171] {strides = array<i32>} : memref<384x64xf32, #tpu.memory_space<vmem>>, vector<1x16xf32>,
    %get3A_3173 = vector.shape_cast %get3A_3172 : vector<1x16xf32> to vector<16xf32>
    %swap3A_3174 = arith.constant 1 : index
    %swap3A_3175 = tpu.vector_load %arg6[%swap3A_3174] {strides = array<i32>} : memref<32xf32, #tpu.memory_space<vmem>>, vector<16xf32>,
    %swap3A_3176 = vector.shape_cast %swap3A_3175 : vector<16xf32> to vector<16xf32>
    %swap3A_3177 = vector.shape_cast %get3A_3173 : vector<16xf32> to vector<16xf32>
    tpu.vector_store %arg6[%swap3A_3174], %swap3A_3177 {strides = array<i32>} : memref<32xf32, #tpu.memory_space<vmem>>, vector<16xf32>,
    %get3A_3178 = arith.constant 0 : index
    %get3A_3179 = tpu.vector_load %arg6[%get3A_3178] {strides = array<i32>} : memref<32xf32, #tpu.memory_space<vmem>>, vector<16xf32>,
    %get3A_3180 = vector.shape_cast %get3A_3179 : vector<16xf32> to vector<16xf32>
    %eq3A_3181 = arith.constant 0 : i32
    %eq3A_3182 = vector.broadcast %eq3A_3181 : i32 to vector<16xi32>
    %eq3A_3183 = arith.cmpi eq, %iota3A, %eq3A_3182 : vector<16xi32>
    %jit3A_3184 = arith.constant 0.000000e+00 : f32
    %broadcast_in_dim3A_3185 = vector.broadcast %jit3A_3184 : f32 to vector<16xf32>
    %select_n3A_3186 = arith.select %eq3A_3183, %broadcast_in_dim3A_3185, %get3A_3180 : vector<16xi1>, vector<16xf32>
    %get3A_3187 = arith.constant 127 : i32
    %get3A_3188 = arith.index_cast %get3A_3187 : i32 to index
    %get3A_3189 = arith.constant 15 : index
    %get3A_3190 = tpu.vector_load %arg4[%get3A_3188, %get3A_3189] {strides = array<i32>} : memref<384x64xf32, #tpu.memory_space<vmem>>, vector<1x16xf32>,
    %get3A_3191 = vector.shape_cast %get3A_3190 : vector<1x16xf32> to vector<16xf32>
    %get3A_3192 = arith.constant 127 : i32
    %get3A_3193 = arith.index_cast %get3A_3192 : i32 to index
    %get3A_3194 = arith.constant 31 : index
    %get3A_3195 = tpu.vector_load %arg4[%get3A_3193, %get3A_3194] {strides = array<i32>} : memref<384x64xf32, #tpu.memory_space<vmem>>, vector<1x16xf32>,
    %get3A_3196 = vector.shape_cast %get3A_3195 : vector<1x16xf32> to vector<16xf32>
    %get3A_3197 = arith.constant 127 : i32
    %get3A_3198 = arith.index_cast %get3A_3197 : i32 to index
    %get3A_3199 = arith.constant 47 : index
    %get3A_3200 = tpu.vector_load %arg4[%get3A_3198, %get3A_3199] {strides = array<i32>} : memref<384x64xf32, #tpu.memory_space<vmem>>, vector<1x16xf32>,
    %get3A_3201 = vector.shape_cast %get3A_3200 : vector<1x16xf32> to vector<16xf32>
    %swap3A_3202 = arith.constant 127 : i32
    %swap3A_3203 = arith.index_cast %swap3A_3202 : i32 to index
    %swap3A_3204 = arith.constant 0 : index
    %swap3A_3205 = tpu.vector_load %arg4[%swap3A_3203, %swap3A_3204] {strides = array<i32>} : memref<384x64xf32, #tpu.memory_space<vmem>>, vector<1x16xf32>,
    %swap3A_3206 = vector.shape_cast %swap3A_3205 : vector<1x16xf32> to vector<16xf32>
    %swap3A_3207 = vector.shape_cast %select_n3A_3186 : vector<16xf32> to vector<1x16xf32>
    tpu.vector_store %arg4[%swap3A_3203, %swap3A_3204], %swap3A_3207 {strides = array<i32>} : memref<384x64xf32, #tpu.memory_space<vmem>>, vector<1x16xf32>,
    %swap3A_3208 = arith.constant 127 : i32
    %swap3A_3209 = arith.index_cast %swap3A_3208 : i32 to index
    %swap3A_3210 = arith.constant 16 : index
    %swap3A_3211 = tpu.vector_load %arg4[%swap3A_3209, %swap3A_3210] {strides = array<i32>} : memref<384x64xf32, #tpu.memory_space<vmem>>, vector<1x16xf32>,
    %swap3A_3212 = vector.shape_cast %swap3A_3211 : vector<1x16xf32> to vector<16xf32>
    %swap3A_3213 = vector.shape_cast %get3A_3191 : vector<16xf32> to vector<1x16xf32>
    tpu.vector_store %arg4[%swap3A_3209, %swap3A_3210], %swap3A_3213 {strides = array<i32>} : memref<384x64xf32, #tpu.memory_space<vmem>>, vector<1x16xf32>,
    %swap3A_3214 = arith.constant 127 : i32
    %swap3A_3215 = arith.index_cast %swap3A_3214 : i32 to index
    %swap3A_3216 = arith.constant 32 : index
    %swap3A_3217 = tpu.vector_load %arg4[%swap3A_3215, %swap3A_3216] {strides = array<i32>} : memref<384x64xf32, #tpu.memory_space<vmem>>, vector<1x16xf32>,
    %swap3A_3218 = vector.shape_cast %swap3A_3217 : vector<1x16xf32> to vector<16xf32>
    %swap3A_3219 = vector.shape_cast %get3A_3196 : vector<16xf32> to vector<1x16xf32>
    tpu.vector_store %arg4[%swap3A_3215, %swap3A_3216], %swap3A_3219 {strides = array<i32>} : memref<384x64xf32, #tpu.memory_space<vmem>>, vector<1x16xf32>,
    %swap3A_3220 = arith.constant 127 : i32
    %swap3A_3221 = arith.index_cast %swap3A_3220 : i32 to index
    %swap3A_3222 = arith.constant 48 : index
    %swap3A_3223 = tpu.vector_load %arg4[%swap3A_3221, %swap3A_3222] {strides = array<i32>} : memref<384x64xf32, #tpu.memory_space<vmem>>, vector<1x16xf32>,
    %swap3A_3224 = vector.shape_cast %swap3A_3223 : vector<1x16xf32> to vector<16xf32>
    %swap3A_3225 = vector.shape_cast %get3A_3201 : vector<16xf32> to vector<1x16xf32>
    tpu.vector_store %arg4[%swap3A_3221, %swap3A_3222], %swap3A_3225 {strides = array<i32>} : memref<384x64xf32, #tpu.memory_space<vmem>>, vector<1x16xf32>,
    %get3A_3226 = arith.constant 137 : i32
    %get3A_3227 = arith.index_cast %get3A_3226 : i32 to index
    %get3A_3228 = arith.constant 1 : index
    %get3A_3229 = tpu.vector_load %arg4[%get3A_3227, %get3A_3228] {strides = array<i32>} : memref<384x64xf32, #tpu.memory_space<vmem>>, vector<1x16xf32>,
    %get3A_3230 = vector.shape_cast %get3A_3229 : vector<1x16xf32> to vector<16xf32>
    %get3A_3231 = arith.constant 137 : i32
    %get3A_3232 = arith.index_cast %get3A_3231 : i32 to index
    %get3A_3233 = arith.constant 17 : index
    %get3A_3234 = tpu.vector_load %arg4[%get3A_3232, %get3A_3233] {strides = array<i32>} : memref<384x64xf32, #tpu.memory_space<vmem>>, vector<1x16xf32>,
    %get3A_3235 = vector.shape_cast %get3A_3234 : vector<1x16xf32> to vector<16xf32>
    %get3A_3236 = arith.constant 137 : i32
    %get3A_3237 = arith.index_cast %get3A_3236 : i32 to index
    %get3A_3238 = arith.constant 33 : index
    %get3A_3239 = tpu.vector_load %arg4[%get3A_3237, %get3A_3238] {strides = array<i32>} : memref<384x64xf32, #tpu.memory_space<vmem>>, vector<1x16xf32>,
    %get3A_3240 = vector.shape_cast %get3A_3239 : vector<1x16xf32> to vector<16xf32>
    %get3A_3241 = arith.constant 137 : i32
    %get3A_3242 = arith.index_cast %get3A_3241 : i32 to index
    %get3A_3243 = arith.constant 48 : index
    %get3A_3244 = tpu.vector_load %arg4[%get3A_3242, %get3A_3243] {strides = array<i32>} : memref<384x64xf32, #tpu.memory_space<vmem>>, vector<1x16xf32>,
    %get3A_3245 = vector.shape_cast %get3A_3244 : vector<1x16xf32> to vector<16xf32>
    %swap3A_3246 = arith.constant 0 : index
    %swap3A_3247 = tpu.vector_load %arg6[%swap3A_3246] {strides = array<i32>} : memref<32xf32, #tpu.memory_space<vmem>>, vector<16xf32>,
    %swap3A_3248 = vector.shape_cast %swap3A_3247 : vector<16xf32> to vector<16xf32>
    %swap3A_3249 = vector.shape_cast %get3A_3245 : vector<16xf32> to vector<16xf32>
    tpu.vector_store %arg6[%swap3A_3246], %swap3A_3249 {strides = array<i32>} : memref<32xf32, #tpu.memory_space<vmem>>, vector<16xf32>,
    %get3A_3250 = arith.constant 1 : index
    %get3A_3251 = tpu.vector_load %arg6[%get3A_3250] {strides = array<i32>} : memref<32xf32, #tpu.memory_space<vmem>>, vector<16xf32>,
    %get3A_3252 = vector.shape_cast %get3A_3251 : vector<16xf32> to vector<16xf32>
    %eq3A_3253 = arith.constant 15 : i32
    %eq3A_3254 = vector.broadcast %eq3A_3253 : i32 to vector<16xi32>
    %eq3A_3255 = arith.cmpi eq, %iota3A, %eq3A_3254 : vector<16xi32>
    %jit3A_3256 = arith.constant 0.000000e+00 : f32
    %broadcast_in_dim3A_3257 = vector.broadcast %jit3A_3256 : f32 to vector<16xf32>
    %select_n3A_3258 = arith.select %eq3A_3255, %broadcast_in_dim3A_3257, %get3A_3252 : vector<16xi1>, vector<16xf32>
    %swap3A_3259 = arith.constant 137 : i32
    %swap3A_3260 = arith.index_cast %swap3A_3259 : i32 to index
    %swap3A_3261 = arith.constant 0 : index
    %swap3A_3262 = tpu.vector_load %arg4[%swap3A_3260, %swap3A_3261] {strides = array<i32>} : memref<384x64xf32, #tpu.memory_space<vmem>>, vector<1x16xf32>,
    %swap3A_3263 = vector.shape_cast %swap3A_3262 : vector<1x16xf32> to vector<16xf32>
    %swap3A_3264 = vector.shape_cast %get3A_3230 : vector<16xf32> to vector<1x16xf32>
    tpu.vector_store %arg4[%swap3A_3260, %swap3A_3261], %swap3A_3264 {strides = array<i32>} : memref<384x64xf32, #tpu.memory_space<vmem>>, vector<1x16xf32>,
    %swap3A_3265 = arith.constant 137 : i32
    %swap3A_3266 = arith.index_cast %swap3A_3265 : i32 to index
    %swap3A_3267 = arith.constant 16 : index
    %swap3A_3268 = tpu.vector_load %arg4[%swap3A_3266, %swap3A_3267] {strides = array<i32>} : memref<384x64xf32, #tpu.memory_space<vmem>>, vector<1x16xf32>,
    %swap3A_3269 = vector.shape_cast %swap3A_3268 : vector<1x16xf32> to vector<16xf32>
    %swap3A_3270 = vector.shape_cast %get3A_3235 : vector<16xf32> to vector<1x16xf32>
    tpu.vector_store %arg4[%swap3A_3266, %swap3A_3267], %swap3A_3270 {strides = array<i32>} : memref<384x64xf32, #tpu.memory_space<vmem>>, vector<1x16xf32>,
    %swap3A_3271 = arith.constant 137 : i32
    %swap3A_3272 = arith.index_cast %swap3A_3271 : i32 to index
    %swap3A_3273 = arith.constant 32 : index
    %swap3A_3274 = tpu.vector_load %arg4[%swap3A_3272, %swap3A_3273] {strides = array<i32>} : memref<384x64xf32, #tpu.memory_space<vmem>>, vector<1x16xf32>,
    %swap3A_3275 = vector.shape_cast %swap3A_3274 : vector<1x16xf32> to vector<16xf32>
    %swap3A_3276 = vector.shape_cast %get3A_3240 : vector<16xf32> to vector<1x16xf32>
    tpu.vector_store %arg4[%swap3A_3272, %swap3A_3273], %swap3A_3276 {strides = array<i32>} : memref<384x64xf32, #tpu.memory_space<vmem>>, vector<1x16xf32>,
    %swap3A_3277 = arith.constant 137 : i32
    %swap3A_3278 = arith.index_cast %swap3A_3277 : i32 to index
    %swap3A_3279 = arith.constant 48 : index
    %swap3A_3280 = tpu.vector_load %arg4[%swap3A_3278, %swap3A_3279] {strides = array<i32>} : memref<384x64xf32, #tpu.memory_space<vmem>>, vector<1x16xf32>,
    %swap3A_3281 = vector.shape_cast %swap3A_3280 : vector<1x16xf32> to vector<16xf32>
    %swap3A_3282 = vector.shape_cast %select_n3A_3258 : vector<16xf32> to vector<1x16xf32>
    tpu.vector_store %arg4[%swap3A_3278, %swap3A_3279], %swap3A_3282 {strides = array<i32>} : memref<384x64xf32, #tpu.memory_space<vmem>>, vector<1x16xf32>,
    %get3A_3283 = arith.constant 189 : i32
    %get3A_3284 = arith.index_cast %get3A_3283 : i32 to index
    %get3A_3285 = arith.constant 0 : index
    %get3A_3286 = tpu.vector_load %arg4[%get3A_3284, %get3A_3285] {strides = array<i32>} : memref<384x64xf32, #tpu.memory_space<vmem>>, vector<1x16xf32>,
    %get3A_3287 = vector.shape_cast %get3A_3286 : vector<1x16xf32> to vector<16xf32>
    %swap3A_3288 = arith.constant 1 : index
    %swap3A_3289 = tpu.vector_load %arg6[%swap3A_3288] {strides = array<i32>} : memref<32xf32, #tpu.memory_space<vmem>>, vector<16xf32>,
    %swap3A_3290 = vector.shape_cast %swap3A_3289 : vector<16xf32> to vector<16xf32>
    %swap3A_3291 = vector.shape_cast %get3A_3287 : vector<16xf32> to vector<16xf32>
    tpu.vector_store %arg6[%swap3A_3288], %swap3A_3291 {strides = array<i32>} : memref<32xf32, #tpu.memory_space<vmem>>, vector<16xf32>,
    %get3A_3292 = arith.constant 0 : index
    %get3A_3293 = tpu.vector_load %arg6[%get3A_3292] {strides = array<i32>} : memref<32xf32, #tpu.memory_space<vmem>>, vector<16xf32>,
    %get3A_3294 = vector.shape_cast %get3A_3293 : vector<16xf32> to vector<16xf32>
    %eq3A_3295 = arith.constant 0 : i32
    %eq3A_3296 = vector.broadcast %eq3A_3295 : i32 to vector<16xi32>
    %eq3A_3297 = arith.cmpi eq, %iota3A, %eq3A_3296 : vector<16xi32>
    %jit3A_3298 = arith.constant 0.000000e+00 : f32
    %broadcast_in_dim3A_3299 = vector.broadcast %jit3A_3298 : f32 to vector<16xf32>
    %select_n3A_3300 = arith.select %eq3A_3297, %broadcast_in_dim3A_3299, %get3A_3294 : vector<16xi1>, vector<16xf32>
    %get3A_3301 = arith.constant 189 : i32
    %get3A_3302 = arith.index_cast %get3A_3301 : i32 to index
    %get3A_3303 = arith.constant 15 : index
    %get3A_3304 = tpu.vector_load %arg4[%get3A_3302, %get3A_3303] {strides = array<i32>} : memref<384x64xf32, #tpu.memory_space<vmem>>, vector<1x16xf32>,
    %get3A_3305 = vector.shape_cast %get3A_3304 : vector<1x16xf32> to vector<16xf32>
    %get3A_3306 = arith.constant 189 : i32
    %get3A_3307 = arith.index_cast %get3A_3306 : i32 to index
    %get3A_3308 = arith.constant 31 : index
    %get3A_3309 = tpu.vector_load %arg4[%get3A_3307, %get3A_3308] {strides = array<i32>} : memref<384x64xf32, #tpu.memory_space<vmem>>, vector<1x16xf32>,
    %get3A_3310 = vector.shape_cast %get3A_3309 : vector<1x16xf32> to vector<16xf32>
    %get3A_3311 = arith.constant 189 : i32
    %get3A_3312 = arith.index_cast %get3A_3311 : i32 to index
    %get3A_3313 = arith.constant 47 : index
    %get3A_3314 = tpu.vector_load %arg4[%get3A_3312, %get3A_3313] {strides = array<i32>} : memref<384x64xf32, #tpu.memory_space<vmem>>, vector<1x16xf32>,
    %get3A_3315 = vector.shape_cast %get3A_3314 : vector<1x16xf32> to vector<16xf32>
    %swap3A_3316 = arith.constant 189 : i32
    %swap3A_3317 = arith.index_cast %swap3A_3316 : i32 to index
    %swap3A_3318 = arith.constant 0 : index
    %swap3A_3319 = tpu.vector_load %arg4[%swap3A_3317, %swap3A_3318] {strides = array<i32>} : memref<384x64xf32, #tpu.memory_space<vmem>>, vector<1x16xf32>,
    %swap3A_3320 = vector.shape_cast %swap3A_3319 : vector<1x16xf32> to vector<16xf32>
    %swap3A_3321 = vector.shape_cast %select_n3A_3300 : vector<16xf32> to vector<1x16xf32>
    tpu.vector_store %arg4[%swap3A_3317, %swap3A_3318], %swap3A_3321 {strides = array<i32>} : memref<384x64xf32, #tpu.memory_space<vmem>>, vector<1x16xf32>,
    %swap3A_3322 = arith.constant 189 : i32
    %swap3A_3323 = arith.index_cast %swap3A_3322 : i32 to index
    %swap3A_3324 = arith.constant 16 : index
    %swap3A_3325 = tpu.vector_load %arg4[%swap3A_3323, %swap3A_3324] {strides = array<i32>} : memref<384x64xf32, #tpu.memory_space<vmem>>, vector<1x16xf32>,
    %swap3A_3326 = vector.shape_cast %swap3A_3325 : vector<1x16xf32> to vector<16xf32>
    %swap3A_3327 = vector.shape_cast %get3A_3305 : vector<16xf32> to vector<1x16xf32>
    tpu.vector_store %arg4[%swap3A_3323, %swap3A_3324], %swap3A_3327 {strides = array<i32>} : memref<384x64xf32, #tpu.memory_space<vmem>>, vector<1x16xf32>,
    %swap3A_3328 = arith.constant 189 : i32
    %swap3A_3329 = arith.index_cast %swap3A_3328 : i32 to index
    %swap3A_3330 = arith.constant 32 : index
    %swap3A_3331 = tpu.vector_load %arg4[%swap3A_3329, %swap3A_3330] {strides = array<i32>} : memref<384x64xf32, #tpu.memory_space<vmem>>, vector<1x16xf32>,
    %swap3A_3332 = vector.shape_cast %swap3A_3331 : vector<1x16xf32> to vector<16xf32>
    %swap3A_3333 = vector.shape_cast %get3A_3310 : vector<16xf32> to vector<1x16xf32>
    tpu.vector_store %arg4[%swap3A_3329, %swap3A_3330], %swap3A_3333 {strides = array<i32>} : memref<384x64xf32, #tpu.memory_space<vmem>>, vector<1x16xf32>,
    %swap3A_3334 = arith.constant 189 : i32
    %swap3A_3335 = arith.index_cast %swap3A_3334 : i32 to index
    %swap3A_3336 = arith.constant 48 : index
    %swap3A_3337 = tpu.vector_load %arg4[%swap3A_3335, %swap3A_3336] {strides = array<i32>} : memref<384x64xf32, #tpu.memory_space<vmem>>, vector<1x16xf32>,
    %swap3A_3338 = vector.shape_cast %swap3A_3337 : vector<1x16xf32> to vector<16xf32>
    %swap3A_3339 = vector.shape_cast %get3A_3315 : vector<16xf32> to vector<1x16xf32>
    tpu.vector_store %arg4[%swap3A_3335, %swap3A_3336], %swap3A_3339 {strides = array<i32>} : memref<384x64xf32, #tpu.memory_space<vmem>>, vector<1x16xf32>,
    %get3A_3340 = arith.constant 206 : i32
    %get3A_3341 = arith.index_cast %get3A_3340 : i32 to index
    %get3A_3342 = arith.constant 0 : index
    %get3A_3343 = tpu.vector_load %arg4[%get3A_3341, %get3A_3342] {strides = array<i32>} : memref<384x64xf32, #tpu.memory_space<vmem>>, vector<1x16xf32>,
    %get3A_3344 = vector.shape_cast %get3A_3343 : vector<1x16xf32> to vector<16xf32>
    %swap3A_3345 = arith.constant 1 : index
    %swap3A_3346 = tpu.vector_load %arg6[%swap3A_3345] {strides = array<i32>} : memref<32xf32, #tpu.memory_space<vmem>>, vector<16xf32>,
    %swap3A_3347 = vector.shape_cast %swap3A_3346 : vector<16xf32> to vector<16xf32>
    %swap3A_3348 = vector.shape_cast %get3A_3344 : vector<16xf32> to vector<16xf32>
    tpu.vector_store %arg6[%swap3A_3345], %swap3A_3348 {strides = array<i32>} : memref<32xf32, #tpu.memory_space<vmem>>, vector<16xf32>,
    %get3A_3349 = arith.constant 0 : index
    %get3A_3350 = tpu.vector_load %arg6[%get3A_3349] {strides = array<i32>} : memref<32xf32, #tpu.memory_space<vmem>>, vector<16xf32>,
    %get3A_3351 = vector.shape_cast %get3A_3350 : vector<16xf32> to vector<16xf32>
    %eq3A_3352 = arith.constant 0 : i32
    %eq3A_3353 = vector.broadcast %eq3A_3352 : i32 to vector<16xi32>
    %eq3A_3354 = arith.cmpi eq, %iota3A, %eq3A_3353 : vector<16xi32>
    %jit3A_3355 = arith.constant 0.000000e+00 : f32
    %broadcast_in_dim3A_3356 = vector.broadcast %jit3A_3355 : f32 to vector<16xf32>
    %select_n3A_3357 = arith.select %eq3A_3354, %broadcast_in_dim3A_3356, %get3A_3351 : vector<16xi1>, vector<16xf32>
    %get3A_3358 = arith.constant 206 : i32
    %get3A_3359 = arith.index_cast %get3A_3358 : i32 to index
    %get3A_3360 = arith.constant 15 : index
    %get3A_3361 = tpu.vector_load %arg4[%get3A_3359, %get3A_3360] {strides = array<i32>} : memref<384x64xf32, #tpu.memory_space<vmem>>, vector<1x16xf32>,
    %get3A_3362 = vector.shape_cast %get3A_3361 : vector<1x16xf32> to vector<16xf32>
    %get3A_3363 = arith.constant 206 : i32
    %get3A_3364 = arith.index_cast %get3A_3363 : i32 to index
    %get3A_3365 = arith.constant 31 : index
    %get3A_3366 = tpu.vector_load %arg4[%get3A_3364, %get3A_3365] {strides = array<i32>} : memref<384x64xf32, #tpu.memory_space<vmem>>, vector<1x16xf32>,
    %get3A_3367 = vector.shape_cast %get3A_3366 : vector<1x16xf32> to vector<16xf32>
    %get3A_3368 = arith.constant 206 : i32
    %get3A_3369 = arith.index_cast %get3A_3368 : i32 to index
    %get3A_3370 = arith.constant 47 : index
    %get3A_3371 = tpu.vector_load %arg4[%get3A_3369, %get3A_3370] {strides = array<i32>} : memref<384x64xf32, #tpu.memory_space<vmem>>, vector<1x16xf32>,
    %get3A_3372 = vector.shape_cast %get3A_3371 : vector<1x16xf32> to vector<16xf32>
    %swap3A_3373 = arith.constant 206 : i32
    %swap3A_3374 = arith.index_cast %swap3A_3373 : i32 to index
    %swap3A_3375 = arith.constant 0 : index
    %swap3A_3376 = tpu.vector_load %arg4[%swap3A_3374, %swap3A_3375] {strides = array<i32>} : memref<384x64xf32, #tpu.memory_space<vmem>>, vector<1x16xf32>,
    %swap3A_3377 = vector.shape_cast %swap3A_3376 : vector<1x16xf32> to vector<16xf32>
    %swap3A_3378 = vector.shape_cast %select_n3A_3357 : vector<16xf32> to vector<1x16xf32>
    tpu.vector_store %arg4[%swap3A_3374, %swap3A_3375], %swap3A_3378 {strides = array<i32>} : memref<384x64xf32, #tpu.memory_space<vmem>>, vector<1x16xf32>,
    %swap3A_3379 = arith.constant 206 : i32
    %swap3A_3380 = arith.index_cast %swap3A_3379 : i32 to index
    %swap3A_3381 = arith.constant 16 : index
    %swap3A_3382 = tpu.vector_load %arg4[%swap3A_3380, %swap3A_3381] {strides = array<i32>} : memref<384x64xf32, #tpu.memory_space<vmem>>, vector<1x16xf32>,
    %swap3A_3383 = vector.shape_cast %swap3A_3382 : vector<1x16xf32> to vector<16xf32>
    %swap3A_3384 = vector.shape_cast %get3A_3362 : vector<16xf32> to vector<1x16xf32>
    tpu.vector_store %arg4[%swap3A_3380, %swap3A_3381], %swap3A_3384 {strides = array<i32>} : memref<384x64xf32, #tpu.memory_space<vmem>>, vector<1x16xf32>,
    %swap3A_3385 = arith.constant 206 : i32
    %swap3A_3386 = arith.index_cast %swap3A_3385 : i32 to index
    %swap3A_3387 = arith.constant 32 : index
    %swap3A_3388 = tpu.vector_load %arg4[%swap3A_3386, %swap3A_3387] {strides = array<i32>} : memref<384x64xf32, #tpu.memory_space<vmem>>, vector<1x16xf32>,
    %swap3A_3389 = vector.shape_cast %swap3A_3388 : vector<1x16xf32> to vector<16xf32>
    %swap3A_3390 = vector.shape_cast %get3A_3367 : vector<16xf32> to vector<1x16xf32>
    tpu.vector_store %arg4[%swap3A_3386, %swap3A_3387], %swap3A_3390 {strides = array<i32>} : memref<384x64xf32, #tpu.memory_space<vmem>>, vector<1x16xf32>,
    %swap3A_3391 = arith.constant 206 : i32
    %swap3A_3392 = arith.index_cast %swap3A_3391 : i32 to index
    %swap3A_3393 = arith.constant 48 : index
    %swap3A_3394 = tpu.vector_load %arg4[%swap3A_3392, %swap3A_3393] {strides = array<i32>} : memref<384x64xf32, #tpu.memory_space<vmem>>, vector<1x16xf32>,
    %swap3A_3395 = vector.shape_cast %swap3A_3394 : vector<1x16xf32> to vector<16xf32>
    %swap3A_3396 = vector.shape_cast %get3A_3372 : vector<16xf32> to vector<1x16xf32>
    tpu.vector_store %arg4[%swap3A_3392, %swap3A_3393], %swap3A_3396 {strides = array<i32>} : memref<384x64xf32, #tpu.memory_space<vmem>>, vector<1x16xf32>,
    %get3A_3397 = arith.constant 258 : i32
    %get3A_3398 = arith.index_cast %get3A_3397 : i32 to index
    %get3A_3399 = arith.constant 1 : index
    %get3A_3400 = tpu.vector_load %arg4[%get3A_3398, %get3A_3399] {strides = array<i32>} : memref<384x64xf32, #tpu.memory_space<vmem>>, vector<1x16xf32>,
    %get3A_3401 = vector.shape_cast %get3A_3400 : vector<1x16xf32> to vector<16xf32>
    %get3A_3402 = arith.constant 258 : i32
    %get3A_3403 = arith.index_cast %get3A_3402 : i32 to index
    %get3A_3404 = arith.constant 17 : index
    %get3A_3405 = tpu.vector_load %arg4[%get3A_3403, %get3A_3404] {strides = array<i32>} : memref<384x64xf32, #tpu.memory_space<vmem>>, vector<1x16xf32>,
    %get3A_3406 = vector.shape_cast %get3A_3405 : vector<1x16xf32> to vector<16xf32>
    %get3A_3407 = arith.constant 258 : i32
    %get3A_3408 = arith.index_cast %get3A_3407 : i32 to index
    %get3A_3409 = arith.constant 33 : index
    %get3A_3410 = tpu.vector_load %arg4[%get3A_3408, %get3A_3409] {strides = array<i32>} : memref<384x64xf32, #tpu.memory_space<vmem>>, vector<1x16xf32>,
    %get3A_3411 = vector.shape_cast %get3A_3410 : vector<1x16xf32> to vector<16xf32>
    %get3A_3412 = arith.constant 258 : i32
    %get3A_3413 = arith.index_cast %get3A_3412 : i32 to index
    %get3A_3414 = arith.constant 48 : index
    %get3A_3415 = tpu.vector_load %arg4[%get3A_3413, %get3A_3414] {strides = array<i32>} : memref<384x64xf32, #tpu.memory_space<vmem>>, vector<1x16xf32>,
    %get3A_3416 = vector.shape_cast %get3A_3415 : vector<1x16xf32> to vector<16xf32>
    %swap3A_3417 = arith.constant 0 : index
    %swap3A_3418 = tpu.vector_load %arg6[%swap3A_3417] {strides = array<i32>} : memref<32xf32, #tpu.memory_space<vmem>>, vector<16xf32>,
    %swap3A_3419 = vector.shape_cast %swap3A_3418 : vector<16xf32> to vector<16xf32>
    %swap3A_3420 = vector.shape_cast %get3A_3416 : vector<16xf32> to vector<16xf32>
    tpu.vector_store %arg6[%swap3A_3417], %swap3A_3420 {strides = array<i32>} : memref<32xf32, #tpu.memory_space<vmem>>, vector<16xf32>,
    %get3A_3421 = arith.constant 1 : index
    %get3A_3422 = tpu.vector_load %arg6[%get3A_3421] {strides = array<i32>} : memref<32xf32, #tpu.memory_space<vmem>>, vector<16xf32>,
    %get3A_3423 = vector.shape_cast %get3A_3422 : vector<16xf32> to vector<16xf32>
    %eq3A_3424 = arith.constant 15 : i32
    %eq3A_3425 = vector.broadcast %eq3A_3424 : i32 to vector<16xi32>
    %eq3A_3426 = arith.cmpi eq, %iota3A, %eq3A_3425 : vector<16xi32>
    %jit3A_3427 = arith.constant 0.000000e+00 : f32
    %broadcast_in_dim3A_3428 = vector.broadcast %jit3A_3427 : f32 to vector<16xf32>
    %select_n3A_3429 = arith.select %eq3A_3426, %broadcast_in_dim3A_3428, %get3A_3423 : vector<16xi1>, vector<16xf32>
    %swap3A_3430 = arith.constant 258 : i32
    %swap3A_3431 = arith.index_cast %swap3A_3430 : i32 to index
    %swap3A_3432 = arith.constant 0 : index
    %swap3A_3433 = tpu.vector_load %arg4[%swap3A_3431, %swap3A_3432] {strides = array<i32>} : memref<384x64xf32, #tpu.memory_space<vmem>>, vector<1x16xf32>,
    %swap3A_3434 = vector.shape_cast %swap3A_3433 : vector<1x16xf32> to vector<16xf32>
    %swap3A_3435 = vector.shape_cast %get3A_3401 : vector<16xf32> to vector<1x16xf32>
    tpu.vector_store %arg4[%swap3A_3431, %swap3A_3432], %swap3A_3435 {strides = array<i32>} : memref<384x64xf32, #tpu.memory_space<vmem>>, vector<1x16xf32>,
    %swap3A_3436 = arith.constant 258 : i32
    %swap3A_3437 = arith.index_cast %swap3A_3436 : i32 to index
    %swap3A_3438 = arith.constant 16 : index
    %swap3A_3439 = tpu.vector_load %arg4[%swap3A_3437, %swap3A_3438] {strides = array<i32>} : memref<384x64xf32, #tpu.memory_space<vmem>>, vector<1x16xf32>,
    %swap3A_3440 = vector.shape_cast %swap3A_3439 : vector<1x16xf32> to vector<16xf32>
    %swap3A_3441 = vector.shape_cast %get3A_3406 : vector<16xf32> to vector<1x16xf32>
    tpu.vector_store %arg4[%swap3A_3437, %swap3A_3438], %swap3A_3441 {strides = array<i32>} : memref<384x64xf32, #tpu.memory_space<vmem>>, vector<1x16xf32>,
    %swap3A_3442 = arith.constant 258 : i32
    %swap3A_3443 = arith.index_cast %swap3A_3442 : i32 to index
    %swap3A_3444 = arith.constant 32 : index
    %swap3A_3445 = tpu.vector_load %arg4[%swap3A_3443, %swap3A_3444] {strides = array<i32>} : memref<384x64xf32, #tpu.memory_space<vmem>>, vector<1x16xf32>,
    %swap3A_3446 = vector.shape_cast %swap3A_3445 : vector<1x16xf32> to vector<16xf32>
    %swap3A_3447 = vector.shape_cast %get3A_3411 : vector<16xf32> to vector<1x16xf32>
    tpu.vector_store %arg4[%swap3A_3443, %swap3A_3444], %swap3A_3447 {strides = array<i32>} : memref<384x64xf32, #tpu.memory_space<vmem>>, vector<1x16xf32>,
    %swap3A_3448 = arith.constant 258 : i32
    %swap3A_3449 = arith.index_cast %swap3A_3448 : i32 to index
    %swap3A_3450 = arith.constant 48 : index
    %swap3A_3451 = tpu.vector_load %arg4[%swap3A_3449, %swap3A_3450] {strides = array<i32>} : memref<384x64xf32, #tpu.memory_space<vmem>>, vector<1x16xf32>,
    %swap3A_3452 = vector.shape_cast %swap3A_3451 : vector<1x16xf32> to vector<16xf32>
    %swap3A_3453 = vector.shape_cast %select_n3A_3429 : vector<16xf32> to vector<1x16xf32>
    tpu.vector_store %arg4[%swap3A_3449, %swap3A_3450], %swap3A_3453 {strides = array<i32>} : memref<384x64xf32, #tpu.memory_space<vmem>>, vector<1x16xf32>,
    %get3A_3454 = arith.constant 355 : i32
    %get3A_3455 = arith.index_cast %get3A_3454 : i32 to index
    %get3A_3456 = arith.constant 1 : index
    %get3A_3457 = tpu.vector_load %arg4[%get3A_3455, %get3A_3456] {strides = array<i32>} : memref<384x64xf32, #tpu.memory_space<vmem>>, vector<1x16xf32>,
    %get3A_3458 = vector.shape_cast %get3A_3457 : vector<1x16xf32> to vector<16xf32>
    %get3A_3459 = arith.constant 355 : i32
    %get3A_3460 = arith.index_cast %get3A_3459 : i32 to index
    %get3A_3461 = arith.constant 17 : index
    %get3A_3462 = tpu.vector_load %arg4[%get3A_3460, %get3A_3461] {strides = array<i32>} : memref<384x64xf32, #tpu.memory_space<vmem>>, vector<1x16xf32>,
    %get3A_3463 = vector.shape_cast %get3A_3462 : vector<1x16xf32> to vector<16xf32>
    %get3A_3464 = arith.constant 355 : i32
    %get3A_3465 = arith.index_cast %get3A_3464 : i32 to index
    %get3A_3466 = arith.constant 33 : index
    %get3A_3467 = tpu.vector_load %arg4[%get3A_3465, %get3A_3466] {strides = array<i32>} : memref<384x64xf32, #tpu.memory_space<vmem>>, vector<1x16xf32>,
    %get3A_3468 = vector.shape_cast %get3A_3467 : vector<1x16xf32> to vector<16xf32>
    %get3A_3469 = arith.constant 355 : i32
    %get3A_3470 = arith.index_cast %get3A_3469 : i32 to index
    %get3A_3471 = arith.constant 48 : index
    %get3A_3472 = tpu.vector_load %arg4[%get3A_3470, %get3A_3471] {strides = array<i32>} : memref<384x64xf32, #tpu.memory_space<vmem>>, vector<1x16xf32>,
    %get3A_3473 = vector.shape_cast %get3A_3472 : vector<1x16xf32> to vector<16xf32>
    %swap3A_3474 = arith.constant 0 : index
    %swap3A_3475 = tpu.vector_load %arg6[%swap3A_3474] {strides = array<i32>} : memref<32xf32, #tpu.memory_space<vmem>>, vector<16xf32>,
    %swap3A_3476 = vector.shape_cast %swap3A_3475 : vector<16xf32> to vector<16xf32>
    %swap3A_3477 = vector.shape_cast %get3A_3473 : vector<16xf32> to vector<16xf32>
    tpu.vector_store %arg6[%swap3A_3474], %swap3A_3477 {strides = array<i32>} : memref<32xf32, #tpu.memory_space<vmem>>, vector<16xf32>,
    %get3A_3478 = arith.constant 1 : index
    %get3A_3479 = tpu.vector_load %arg6[%get3A_3478] {strides = array<i32>} : memref<32xf32, #tpu.memory_space<vmem>>, vector<16xf32>,
    %get3A_3480 = vector.shape_cast %get3A_3479 : vector<16xf32> to vector<16xf32>
    %eq3A_3481 = arith.constant 15 : i32
    %eq3A_3482 = vector.broadcast %eq3A_3481 : i32 to vector<16xi32>
    %eq3A_3483 = arith.cmpi eq, %iota3A, %eq3A_3482 : vector<16xi32>
    %jit3A_3484 = arith.constant 0.000000e+00 : f32
    %broadcast_in_dim3A_3485 = vector.broadcast %jit3A_3484 : f32 to vector<16xf32>
    %select_n3A_3486 = arith.select %eq3A_3483, %broadcast_in_dim3A_3485, %get3A_3480 : vector<16xi1>, vector<16xf32>
    %swap3A_3487 = arith.constant 355 : i32
    %swap3A_3488 = arith.index_cast %swap3A_3487 : i32 to index
    %swap3A_3489 = arith.constant 0 : index
    %swap3A_3490 = tpu.vector_load %arg4[%swap3A_3488, %swap3A_3489] {strides = array<i32>} : memref<384x64xf32, #tpu.memory_space<vmem>>, vector<1x16xf32>,
    %swap3A_3491 = vector.shape_cast %swap3A_3490 : vector<1x16xf32> to vector<16xf32>
    %swap3A_3492 = vector.shape_cast %get3A_3458 : vector<16xf32> to vector<1x16xf32>
    tpu.vector_store %arg4[%swap3A_3488, %swap3A_3489], %swap3A_3492 {strides = array<i32>} : memref<384x64xf32, #tpu.memory_space<vmem>>, vector<1x16xf32>,
    %swap3A_3493 = arith.constant 355 : i32
    %swap3A_3494 = arith.index_cast %swap3A_3493 : i32 to index
    %swap3A_3495 = arith.constant 16 : index
    %swap3A_3496 = tpu.vector_load %arg4[%swap3A_3494, %swap3A_3495] {strides = array<i32>} : memref<384x64xf32, #tpu.memory_space<vmem>>, vector<1x16xf32>,
    %swap3A_3497 = vector.shape_cast %swap3A_3496 : vector<1x16xf32> to vector<16xf32>
    %swap3A_3498 = vector.shape_cast %get3A_3463 : vector<16xf32> to vector<1x16xf32>
    tpu.vector_store %arg4[%swap3A_3494, %swap3A_3495], %swap3A_3498 {strides = array<i32>} : memref<384x64xf32, #tpu.memory_space<vmem>>, vector<1x16xf32>,
    %swap3A_3499 = arith.constant 355 : i32
    %swap3A_3500 = arith.index_cast %swap3A_3499 : i32 to index
    %swap3A_3501 = arith.constant 32 : index
    %swap3A_3502 = tpu.vector_load %arg4[%swap3A_3500, %swap3A_3501] {strides = array<i32>} : memref<384x64xf32, #tpu.memory_space<vmem>>, vector<1x16xf32>,
    %swap3A_3503 = vector.shape_cast %swap3A_3502 : vector<1x16xf32> to vector<16xf32>
    %swap3A_3504 = vector.shape_cast %get3A_3468 : vector<16xf32> to vector<1x16xf32>
    tpu.vector_store %arg4[%swap3A_3500, %swap3A_3501], %swap3A_3504 {strides = array<i32>} : memref<384x64xf32, #tpu.memory_space<vmem>>, vector<1x16xf32>,
    %swap3A_3505 = arith.constant 355 : i32
    %swap3A_3506 = arith.index_cast %swap3A_3505 : i32 to index
    %swap3A_3507 = arith.constant 48 : index
    %swap3A_3508 = tpu.vector_load %arg4[%swap3A_3506, %swap3A_3507] {strides = array<i32>} : memref<384x64xf32, #tpu.memory_space<vmem>>, vector<1x16xf32>,
    %swap3A_3509 = vector.shape_cast %swap3A_3508 : vector<1x16xf32> to vector<16xf32>
    %swap3A_3510 = vector.shape_cast %select_n3A_3486 : vector<16xf32> to vector<1x16xf32>
    tpu.vector_store %arg4[%swap3A_3506, %swap3A_3507], %swap3A_3510 {strides = array<i32>} : memref<384x64xf32, #tpu.memory_space<vmem>>, vector<1x16xf32>,
    %add3A_3511 = arith.constant 1536 : i32
    %add3A_3512 = arith.addi %mul3A_2, %add3A_3511 : i32
    %dma_start3A_3513 = arith.constant 0 : i32
    %dma_start3A_3514 = tpu.memref_slice %arg3[%add3A_3512, %dma_start3A_3513] : memref<73728x64xf32, #tpu.memory_space<hbm>> -> memref<384x64xf32, #tpu.memory_space<hbm>>
    %dma_start3A_3515 = arith.constant 0 : i32
    %dma_start3A_3516 = tpu.memref_slice %arg3[%add3A_3512, %dma_start3A_3515] : memref<73728x64xf32, #tpu.memory_space<hbm>> -> memref<384x64xf32, #tpu.memory_space<hbm>>
    tpu.enqueue_dma source(%arg4 : memref<384x64xf32, #tpu.memory_space<vmem>>) target(%dma_start3A_3516 : memref<384x64xf32, #tpu.memory_space<hbm>>) target_semaphore(%arg9 : memref<!tpu.dma_semaphore, #tpu.memory_space<semaphore_mem>>)
    %dma_wait3A_3517 = arith.constant 0 : i32
    %dma_wait3A_3518 = tpu.memref_slice %arg2[%add3A_2989, %dma_wait3A_3517] : memref<73728x64xf32, #tpu.memory_space<hbm>> -> memref<384x64xf32, #tpu.memory_space<hbm>>
    %dma_wait3A_3519 = arith.constant 0 : i32
    %dma_wait3A_3520 = tpu.memref_slice %arg2[%add3A_2989, %dma_wait3A_3519] : memref<73728x64xf32, #tpu.memory_space<hbm>> -> memref<384x64xf32, #tpu.memory_space<hbm>>
    tpu.wait_dma2 semaphore(%arg8 : memref<!tpu.dma_semaphore, #tpu.memory_space<semaphore_mem>>) src(%dma_wait3A_3520 : memref<384x64xf32, #tpu.memory_space<hbm>>) dst(%arg5 : memref<384x64xf32, #tpu.memory_space<vmem>>)
    %get3A_3521 = arith.constant 48 : i32
    %get3A_3522 = arith.index_cast %get3A_3521 : i32 to index
    %get3A_3523 = arith.constant 1 : index
    %get3A_3524 = tpu.vector_load %arg5[%get3A_3522, %get3A_3523] {strides = array<i32>} : memref<384x64xf32, #tpu.memory_space<vmem>>, vector<1x16xf32>,
    %get3A_3525 = vector.shape_cast %get3A_3524 : vector<1x16xf32> to vector<16xf32>
    %get3A_3526 = arith.constant 48 : i32
    %get3A_3527 = arith.index_cast %get3A_3526 : i32 to index
    %get3A_3528 = arith.constant 17 : index
    %get3A_3529 = tpu.vector_load %arg5[%get3A_3527, %get3A_3528] {strides = array<i32>} : memref<384x64xf32, #tpu.memory_space<vmem>>, vector<1x16xf32>,
    %get3A_3530 = vector.shape_cast %get3A_3529 : vector<1x16xf32> to vector<16xf32>
    %get3A_3531 = arith.constant 48 : i32
    %get3A_3532 = arith.index_cast %get3A_3531 : i32 to index
    %get3A_3533 = arith.constant 33 : index
    %get3A_3534 = tpu.vector_load %arg5[%get3A_3532, %get3A_3533] {strides = array<i32>} : memref<384x64xf32, #tpu.memory_space<vmem>>, vector<1x16xf32>,
    %get3A_3535 = vector.shape_cast %get3A_3534 : vector<1x16xf32> to vector<16xf32>
    %get3A_3536 = arith.constant 48 : i32
    %get3A_3537 = arith.index_cast %get3A_3536 : i32 to index
    %get3A_3538 = arith.constant 48 : index
    %get3A_3539 = tpu.vector_load %arg5[%get3A_3537, %get3A_3538] {strides = array<i32>} : memref<384x64xf32, #tpu.memory_space<vmem>>, vector<1x16xf32>,
    %get3A_3540 = vector.shape_cast %get3A_3539 : vector<1x16xf32> to vector<16xf32>
    %swap3A_3541 = arith.constant 0 : index
    %swap3A_3542 = tpu.vector_load %arg6[%swap3A_3541] {strides = array<i32>} : memref<32xf32, #tpu.memory_space<vmem>>, vector<16xf32>,
    %swap3A_3543 = vector.shape_cast %swap3A_3542 : vector<16xf32> to vector<16xf32>
    %swap3A_3544 = vector.shape_cast %get3A_3540 : vector<16xf32> to vector<16xf32>
    tpu.vector_store %arg6[%swap3A_3541], %swap3A_3544 {strides = array<i32>} : memref<32xf32, #tpu.memory_space<vmem>>, vector<16xf32>,
    %get3A_3545 = arith.constant 1 : index
    %get3A_3546 = tpu.vector_load %arg6[%get3A_3545] {strides = array<i32>} : memref<32xf32, #tpu.memory_space<vmem>>, vector<16xf32>,
    %get3A_3547 = vector.shape_cast %get3A_3546 : vector<16xf32> to vector<16xf32>
    %eq3A_3548 = arith.constant 15 : i32
    %eq3A_3549 = vector.broadcast %eq3A_3548 : i32 to vector<16xi32>
    %eq3A_3550 = arith.cmpi eq, %iota3A, %eq3A_3549 : vector<16xi32>
    %jit3A_3551 = arith.constant 0.000000e+00 : f32
    %broadcast_in_dim3A_3552 = vector.broadcast %jit3A_3551 : f32 to vector<16xf32>
    %select_n3A_3553 = arith.select %eq3A_3550, %broadcast_in_dim3A_3552, %get3A_3547 : vector<16xi1>, vector<16xf32>
    %swap3A_3554 = arith.constant 48 : i32
    %swap3A_3555 = arith.index_cast %swap3A_3554 : i32 to index
    %swap3A_3556 = arith.constant 0 : index
    %swap3A_3557 = tpu.vector_load %arg5[%swap3A_3555, %swap3A_3556] {strides = array<i32>} : memref<384x64xf32, #tpu.memory_space<vmem>>, vector<1x16xf32>,
    %swap3A_3558 = vector.shape_cast %swap3A_3557 : vector<1x16xf32> to vector<16xf32>
    %swap3A_3559 = vector.shape_cast %get3A_3525 : vector<16xf32> to vector<1x16xf32>
    tpu.vector_store %arg5[%swap3A_3555, %swap3A_3556], %swap3A_3559 {strides = array<i32>} : memref<384x64xf32, #tpu.memory_space<vmem>>, vector<1x16xf32>,
    %swap3A_3560 = arith.constant 48 : i32
    %swap3A_3561 = arith.index_cast %swap3A_3560 : i32 to index
    %swap3A_3562 = arith.constant 16 : index
    %swap3A_3563 = tpu.vector_load %arg5[%swap3A_3561, %swap3A_3562] {strides = array<i32>} : memref<384x64xf32, #tpu.memory_space<vmem>>, vector<1x16xf32>,
    %swap3A_3564 = vector.shape_cast %swap3A_3563 : vector<1x16xf32> to vector<16xf32>
    %swap3A_3565 = vector.shape_cast %get3A_3530 : vector<16xf32> to vector<1x16xf32>
    tpu.vector_store %arg5[%swap3A_3561, %swap3A_3562], %swap3A_3565 {strides = array<i32>} : memref<384x64xf32, #tpu.memory_space<vmem>>, vector<1x16xf32>,
    %swap3A_3566 = arith.constant 48 : i32
    %swap3A_3567 = arith.index_cast %swap3A_3566 : i32 to index
    %swap3A_3568 = arith.constant 32 : index
    %swap3A_3569 = tpu.vector_load %arg5[%swap3A_3567, %swap3A_3568] {strides = array<i32>} : memref<384x64xf32, #tpu.memory_space<vmem>>, vector<1x16xf32>,
    %swap3A_3570 = vector.shape_cast %swap3A_3569 : vector<1x16xf32> to vector<16xf32>
    %swap3A_3571 = vector.shape_cast %get3A_3535 : vector<16xf32> to vector<1x16xf32>
    tpu.vector_store %arg5[%swap3A_3567, %swap3A_3568], %swap3A_3571 {strides = array<i32>} : memref<384x64xf32, #tpu.memory_space<vmem>>, vector<1x16xf32>,
    %swap3A_3572 = arith.constant 48 : i32
    %swap3A_3573 = arith.index_cast %swap3A_3572 : i32 to index
    %swap3A_3574 = arith.constant 48 : index
    %swap3A_3575 = tpu.vector_load %arg5[%swap3A_3573, %swap3A_3574] {strides = array<i32>} : memref<384x64xf32, #tpu.memory_space<vmem>>, vector<1x16xf32>,
    %swap3A_3576 = vector.shape_cast %swap3A_3575 : vector<1x16xf32> to vector<16xf32>
    %swap3A_3577 = vector.shape_cast %select_n3A_3553 : vector<16xf32> to vector<1x16xf32>
    tpu.vector_store %arg5[%swap3A_3573, %swap3A_3574], %swap3A_3577 {strides = array<i32>} : memref<384x64xf32, #tpu.memory_space<vmem>>, vector<1x16xf32>,
    %get3A_3578 = arith.constant 51 : i32
    %get3A_3579 = arith.index_cast %get3A_3578 : i32 to index
    %get3A_3580 = arith.constant 1 : index
    %get3A_3581 = tpu.vector_load %arg5[%get3A_3579, %get3A_3580] {strides = array<i32>} : memref<384x64xf32, #tpu.memory_space<vmem>>, vector<1x16xf32>,
    %get3A_3582 = vector.shape_cast %get3A_3581 : vector<1x16xf32> to vector<16xf32>
    %get3A_3583 = arith.constant 51 : i32
    %get3A_3584 = arith.index_cast %get3A_3583 : i32 to index
    %get3A_3585 = arith.constant 17 : index
    %get3A_3586 = tpu.vector_load %arg5[%get3A_3584, %get3A_3585] {strides = array<i32>} : memref<384x64xf32, #tpu.memory_space<vmem>>, vector<1x16xf32>,
    %get3A_3587 = vector.shape_cast %get3A_3586 : vector<1x16xf32> to vector<16xf32>
    %get3A_3588 = arith.constant 51 : i32
    %get3A_3589 = arith.index_cast %get3A_3588 : i32 to index
    %get3A_3590 = arith.constant 33 : index
    %get3A_3591 = tpu.vector_load %arg5[%get3A_3589, %get3A_3590] {strides = array<i32>} : memref<384x64xf32, #tpu.memory_space<vmem>>, vector<1x16xf32>,
    %get3A_3592 = vector.shape_cast %get3A_3591 : vector<1x16xf32> to vector<16xf32>
    %get3A_3593 = arith.constant 51 : i32
    %get3A_3594 = arith.index_cast %get3A_3593 : i32 to index
    %get3A_3595 = arith.constant 48 : index
    %get3A_3596 = tpu.vector_load %arg5[%get3A_3594, %get3A_3595] {strides = array<i32>} : memref<384x64xf32, #tpu.memory_space<vmem>>, vector<1x16xf32>,
    %get3A_3597 = vector.shape_cast %get3A_3596 : vector<1x16xf32> to vector<16xf32>
    %swap3A_3598 = arith.constant 0 : index
    %swap3A_3599 = tpu.vector_load %arg6[%swap3A_3598] {strides = array<i32>} : memref<32xf32, #tpu.memory_space<vmem>>, vector<16xf32>,
    %swap3A_3600 = vector.shape_cast %swap3A_3599 : vector<16xf32> to vector<16xf32>
    %swap3A_3601 = vector.shape_cast %get3A_3597 : vector<16xf32> to vector<16xf32>
    tpu.vector_store %arg6[%swap3A_3598], %swap3A_3601 {strides = array<i32>} : memref<32xf32, #tpu.memory_space<vmem>>, vector<16xf32>,
    %get3A_3602 = arith.constant 1 : index
    %get3A_3603 = tpu.vector_load %arg6[%get3A_3602] {strides = array<i32>} : memref<32xf32, #tpu.memory_space<vmem>>, vector<16xf32>,
    %get3A_3604 = vector.shape_cast %get3A_3603 : vector<16xf32> to vector<16xf32>
    %eq3A_3605 = arith.constant 15 : i32
    %eq3A_3606 = vector.broadcast %eq3A_3605 : i32 to vector<16xi32>
    %eq3A_3607 = arith.cmpi eq, %iota3A, %eq3A_3606 : vector<16xi32>
    %jit3A_3608 = arith.constant 0.000000e+00 : f32
    %broadcast_in_dim3A_3609 = vector.broadcast %jit3A_3608 : f32 to vector<16xf32>
    %select_n3A_3610 = arith.select %eq3A_3607, %broadcast_in_dim3A_3609, %get3A_3604 : vector<16xi1>, vector<16xf32>
    %swap3A_3611 = arith.constant 51 : i32
    %swap3A_3612 = arith.index_cast %swap3A_3611 : i32 to index
    %swap3A_3613 = arith.constant 0 : index
    %swap3A_3614 = tpu.vector_load %arg5[%swap3A_3612, %swap3A_3613] {strides = array<i32>} : memref<384x64xf32, #tpu.memory_space<vmem>>, vector<1x16xf32>,
    %swap3A_3615 = vector.shape_cast %swap3A_3614 : vector<1x16xf32> to vector<16xf32>
    %swap3A_3616 = vector.shape_cast %get3A_3582 : vector<16xf32> to vector<1x16xf32>
    tpu.vector_store %arg5[%swap3A_3612, %swap3A_3613], %swap3A_3616 {strides = array<i32>} : memref<384x64xf32, #tpu.memory_space<vmem>>, vector<1x16xf32>,
    %swap3A_3617 = arith.constant 51 : i32
    %swap3A_3618 = arith.index_cast %swap3A_3617 : i32 to index
    %swap3A_3619 = arith.constant 16 : index
    %swap3A_3620 = tpu.vector_load %arg5[%swap3A_3618, %swap3A_3619] {strides = array<i32>} : memref<384x64xf32, #tpu.memory_space<vmem>>, vector<1x16xf32>,
    %swap3A_3621 = vector.shape_cast %swap3A_3620 : vector<1x16xf32> to vector<16xf32>
    %swap3A_3622 = vector.shape_cast %get3A_3587 : vector<16xf32> to vector<1x16xf32>
    tpu.vector_store %arg5[%swap3A_3618, %swap3A_3619], %swap3A_3622 {strides = array<i32>} : memref<384x64xf32, #tpu.memory_space<vmem>>, vector<1x16xf32>,
    %swap3A_3623 = arith.constant 51 : i32
    %swap3A_3624 = arith.index_cast %swap3A_3623 : i32 to index
    %swap3A_3625 = arith.constant 32 : index
    %swap3A_3626 = tpu.vector_load %arg5[%swap3A_3624, %swap3A_3625] {strides = array<i32>} : memref<384x64xf32, #tpu.memory_space<vmem>>, vector<1x16xf32>,
    %swap3A_3627 = vector.shape_cast %swap3A_3626 : vector<1x16xf32> to vector<16xf32>
    %swap3A_3628 = vector.shape_cast %get3A_3592 : vector<16xf32> to vector<1x16xf32>
    tpu.vector_store %arg5[%swap3A_3624, %swap3A_3625], %swap3A_3628 {strides = array<i32>} : memref<384x64xf32, #tpu.memory_space<vmem>>, vector<1x16xf32>,
    %swap3A_3629 = arith.constant 51 : i32
    %swap3A_3630 = arith.index_cast %swap3A_3629 : i32 to index
    %swap3A_3631 = arith.constant 48 : index
    %swap3A_3632 = tpu.vector_load %arg5[%swap3A_3630, %swap3A_3631] {strides = array<i32>} : memref<384x64xf32, #tpu.memory_space<vmem>>, vector<1x16xf32>,
    %swap3A_3633 = vector.shape_cast %swap3A_3632 : vector<1x16xf32> to vector<16xf32>
    %swap3A_3634 = vector.shape_cast %select_n3A_3610 : vector<16xf32> to vector<1x16xf32>
    tpu.vector_store %arg5[%swap3A_3630, %swap3A_3631], %swap3A_3634 {strides = array<i32>} : memref<384x64xf32, #tpu.memory_space<vmem>>, vector<1x16xf32>,
    %get3A_3635 = arith.constant 95 : i32
    %get3A_3636 = arith.index_cast %get3A_3635 : i32 to index
    %get3A_3637 = arith.constant 0 : index
    %get3A_3638 = tpu.vector_load %arg5[%get3A_3636, %get3A_3637] {strides = array<i32>} : memref<384x64xf32, #tpu.memory_space<vmem>>, vector<1x16xf32>,
    %get3A_3639 = vector.shape_cast %get3A_3638 : vector<1x16xf32> to vector<16xf32>
    %swap3A_3640 = arith.constant 1 : index
    %swap3A_3641 = tpu.vector_load %arg6[%swap3A_3640] {strides = array<i32>} : memref<32xf32, #tpu.memory_space<vmem>>, vector<16xf32>,
    %swap3A_3642 = vector.shape_cast %swap3A_3641 : vector<16xf32> to vector<16xf32>
    %swap3A_3643 = vector.shape_cast %get3A_3639 : vector<16xf32> to vector<16xf32>
    tpu.vector_store %arg6[%swap3A_3640], %swap3A_3643 {strides = array<i32>} : memref<32xf32, #tpu.memory_space<vmem>>, vector<16xf32>,
    %get3A_3644 = arith.constant 0 : index
    %get3A_3645 = tpu.vector_load %arg6[%get3A_3644] {strides = array<i32>} : memref<32xf32, #tpu.memory_space<vmem>>, vector<16xf32>,
    %get3A_3646 = vector.shape_cast %get3A_3645 : vector<16xf32> to vector<16xf32>
    %eq3A_3647 = arith.constant 0 : i32
    %eq3A_3648 = vector.broadcast %eq3A_3647 : i32 to vector<16xi32>
    %eq3A_3649 = arith.cmpi eq, %iota3A, %eq3A_3648 : vector<16xi32>
    %jit3A_3650 = arith.constant 0.000000e+00 : f32
    %broadcast_in_dim3A_3651 = vector.broadcast %jit3A_3650 : f32 to vector<16xf32>
    %select_n3A_3652 = arith.select %eq3A_3649, %broadcast_in_dim3A_3651, %get3A_3646 : vector<16xi1>, vector<16xf32>
    %get3A_3653 = arith.constant 95 : i32
    %get3A_3654 = arith.index_cast %get3A_3653 : i32 to index
    %get3A_3655 = arith.constant 15 : index
    %get3A_3656 = tpu.vector_load %arg5[%get3A_3654, %get3A_3655] {strides = array<i32>} : memref<384x64xf32, #tpu.memory_space<vmem>>, vector<1x16xf32>,
    %get3A_3657 = vector.shape_cast %get3A_3656 : vector<1x16xf32> to vector<16xf32>
    %get3A_3658 = arith.constant 95 : i32
    %get3A_3659 = arith.index_cast %get3A_3658 : i32 to index
    %get3A_3660 = arith.constant 31 : index
    %get3A_3661 = tpu.vector_load %arg5[%get3A_3659, %get3A_3660] {strides = array<i32>} : memref<384x64xf32, #tpu.memory_space<vmem>>, vector<1x16xf32>,
    %get3A_3662 = vector.shape_cast %get3A_3661 : vector<1x16xf32> to vector<16xf32>
    %get3A_3663 = arith.constant 95 : i32
    %get3A_3664 = arith.index_cast %get3A_3663 : i32 to index
    %get3A_3665 = arith.constant 47 : index
    %get3A_3666 = tpu.vector_load %arg5[%get3A_3664, %get3A_3665] {strides = array<i32>} : memref<384x64xf32, #tpu.memory_space<vmem>>, vector<1x16xf32>,
    %get3A_3667 = vector.shape_cast %get3A_3666 : vector<1x16xf32> to vector<16xf32>
    %swap3A_3668 = arith.constant 95 : i32
    %swap3A_3669 = arith.index_cast %swap3A_3668 : i32 to index
    %swap3A_3670 = arith.constant 0 : index
    %swap3A_3671 = tpu.vector_load %arg5[%swap3A_3669, %swap3A_3670] {strides = array<i32>} : memref<384x64xf32, #tpu.memory_space<vmem>>, vector<1x16xf32>,
    %swap3A_3672 = vector.shape_cast %swap3A_3671 : vector<1x16xf32> to vector<16xf32>
    %swap3A_3673 = vector.shape_cast %select_n3A_3652 : vector<16xf32> to vector<1x16xf32>
    tpu.vector_store %arg5[%swap3A_3669, %swap3A_3670], %swap3A_3673 {strides = array<i32>} : memref<384x64xf32, #tpu.memory_space<vmem>>, vector<1x16xf32>,
    %swap3A_3674 = arith.constant 95 : i32
    %swap3A_3675 = arith.index_cast %swap3A_3674 : i32 to index
    %swap3A_3676 = arith.constant 16 : index
    %swap3A_3677 = tpu.vector_load %arg5[%swap3A_3675, %swap3A_3676] {strides = array<i32>} : memref<384x64xf32, #tpu.memory_space<vmem>>, vector<1x16xf32>,
    %swap3A_3678 = vector.shape_cast %swap3A_3677 : vector<1x16xf32> to vector<16xf32>
    %swap3A_3679 = vector.shape_cast %get3A_3657 : vector<16xf32> to vector<1x16xf32>
    tpu.vector_store %arg5[%swap3A_3675, %swap3A_3676], %swap3A_3679 {strides = array<i32>} : memref<384x64xf32, #tpu.memory_space<vmem>>, vector<1x16xf32>,
    %swap3A_3680 = arith.constant 95 : i32
    %swap3A_3681 = arith.index_cast %swap3A_3680 : i32 to index
    %swap3A_3682 = arith.constant 32 : index
    %swap3A_3683 = tpu.vector_load %arg5[%swap3A_3681, %swap3A_3682] {strides = array<i32>} : memref<384x64xf32, #tpu.memory_space<vmem>>, vector<1x16xf32>,
    %swap3A_3684 = vector.shape_cast %swap3A_3683 : vector<1x16xf32> to vector<16xf32>
    %swap3A_3685 = vector.shape_cast %get3A_3662 : vector<16xf32> to vector<1x16xf32>
    tpu.vector_store %arg5[%swap3A_3681, %swap3A_3682], %swap3A_3685 {strides = array<i32>} : memref<384x64xf32, #tpu.memory_space<vmem>>, vector<1x16xf32>,
    %swap3A_3686 = arith.constant 95 : i32
    %swap3A_3687 = arith.index_cast %swap3A_3686 : i32 to index
    %swap3A_3688 = arith.constant 48 : index
    %swap3A_3689 = tpu.vector_load %arg5[%swap3A_3687, %swap3A_3688] {strides = array<i32>} : memref<384x64xf32, #tpu.memory_space<vmem>>, vector<1x16xf32>,
    %swap3A_3690 = vector.shape_cast %swap3A_3689 : vector<1x16xf32> to vector<16xf32>
    %swap3A_3691 = vector.shape_cast %get3A_3667 : vector<16xf32> to vector<1x16xf32>
    tpu.vector_store %arg5[%swap3A_3687, %swap3A_3688], %swap3A_3691 {strides = array<i32>} : memref<384x64xf32, #tpu.memory_space<vmem>>, vector<1x16xf32>,
    %get3A_3692 = arith.constant 96 : i32
    %get3A_3693 = arith.index_cast %get3A_3692 : i32 to index
    %get3A_3694 = arith.constant 1 : index
    %get3A_3695 = tpu.vector_load %arg5[%get3A_3693, %get3A_3694] {strides = array<i32>} : memref<384x64xf32, #tpu.memory_space<vmem>>, vector<1x16xf32>,
    %get3A_3696 = vector.shape_cast %get3A_3695 : vector<1x16xf32> to vector<16xf32>
    %get3A_3697 = arith.constant 96 : i32
    %get3A_3698 = arith.index_cast %get3A_3697 : i32 to index
    %get3A_3699 = arith.constant 17 : index
    %get3A_3700 = tpu.vector_load %arg5[%get3A_3698, %get3A_3699] {strides = array<i32>} : memref<384x64xf32, #tpu.memory_space<vmem>>, vector<1x16xf32>,
    %get3A_3701 = vector.shape_cast %get3A_3700 : vector<1x16xf32> to vector<16xf32>
    %get3A_3702 = arith.constant 96 : i32
    %get3A_3703 = arith.index_cast %get3A_3702 : i32 to index
    %get3A_3704 = arith.constant 33 : index
    %get3A_3705 = tpu.vector_load %arg5[%get3A_3703, %get3A_3704] {strides = array<i32>} : memref<384x64xf32, #tpu.memory_space<vmem>>, vector<1x16xf32>,
    %get3A_3706 = vector.shape_cast %get3A_3705 : vector<1x16xf32> to vector<16xf32>
    %get3A_3707 = arith.constant 96 : i32
    %get3A_3708 = arith.index_cast %get3A_3707 : i32 to index
    %get3A_3709 = arith.constant 48 : index
    %get3A_3710 = tpu.vector_load %arg5[%get3A_3708, %get3A_3709] {strides = array<i32>} : memref<384x64xf32, #tpu.memory_space<vmem>>, vector<1x16xf32>,
    %get3A_3711 = vector.shape_cast %get3A_3710 : vector<1x16xf32> to vector<16xf32>
    %swap3A_3712 = arith.constant 0 : index
    %swap3A_3713 = tpu.vector_load %arg6[%swap3A_3712] {strides = array<i32>} : memref<32xf32, #tpu.memory_space<vmem>>, vector<16xf32>,
    %swap3A_3714 = vector.shape_cast %swap3A_3713 : vector<16xf32> to vector<16xf32>
    %swap3A_3715 = vector.shape_cast %get3A_3711 : vector<16xf32> to vector<16xf32>
    tpu.vector_store %arg6[%swap3A_3712], %swap3A_3715 {strides = array<i32>} : memref<32xf32, #tpu.memory_space<vmem>>, vector<16xf32>,
    %get3A_3716 = arith.constant 1 : index
    %get3A_3717 = tpu.vector_load %arg6[%get3A_3716] {strides = array<i32>} : memref<32xf32, #tpu.memory_space<vmem>>, vector<16xf32>,
    %get3A_3718 = vector.shape_cast %get3A_3717 : vector<16xf32> to vector<16xf32>
    %eq3A_3719 = arith.constant 15 : i32
    %eq3A_3720 = vector.broadcast %eq3A_3719 : i32 to vector<16xi32>
    %eq3A_3721 = arith.cmpi eq, %iota3A, %eq3A_3720 : vector<16xi32>
    %jit3A_3722 = arith.constant 0.000000e+00 : f32
    %broadcast_in_dim3A_3723 = vector.broadcast %jit3A_3722 : f32 to vector<16xf32>
    %select_n3A_3724 = arith.select %eq3A_3721, %broadcast_in_dim3A_3723, %get3A_3718 : vector<16xi1>, vector<16xf32>
    %swap3A_3725 = arith.constant 96 : i32
    %swap3A_3726 = arith.index_cast %swap3A_3725 : i32 to index
    %swap3A_3727 = arith.constant 0 : index
    %swap3A_3728 = tpu.vector_load %arg5[%swap3A_3726, %swap3A_3727] {strides = array<i32>} : memref<384x64xf32, #tpu.memory_space<vmem>>, vector<1x16xf32>,
    %swap3A_3729 = vector.shape_cast %swap3A_3728 : vector<1x16xf32> to vector<16xf32>
    %swap3A_3730 = vector.shape_cast %get3A_3696 : vector<16xf32> to vector<1x16xf32>
    tpu.vector_store %arg5[%swap3A_3726, %swap3A_3727], %swap3A_3730 {strides = array<i32>} : memref<384x64xf32, #tpu.memory_space<vmem>>, vector<1x16xf32>,
    %swap3A_3731 = arith.constant 96 : i32
    %swap3A_3732 = arith.index_cast %swap3A_3731 : i32 to index
    %swap3A_3733 = arith.constant 16 : index
    %swap3A_3734 = tpu.vector_load %arg5[%swap3A_3732, %swap3A_3733] {strides = array<i32>} : memref<384x64xf32, #tpu.memory_space<vmem>>, vector<1x16xf32>,
    %swap3A_3735 = vector.shape_cast %swap3A_3734 : vector<1x16xf32> to vector<16xf32>
    %swap3A_3736 = vector.shape_cast %get3A_3701 : vector<16xf32> to vector<1x16xf32>
    tpu.vector_store %arg5[%swap3A_3732, %swap3A_3733], %swap3A_3736 {strides = array<i32>} : memref<384x64xf32, #tpu.memory_space<vmem>>, vector<1x16xf32>,
    %swap3A_3737 = arith.constant 96 : i32
    %swap3A_3738 = arith.index_cast %swap3A_3737 : i32 to index
    %swap3A_3739 = arith.constant 32 : index
    %swap3A_3740 = tpu.vector_load %arg5[%swap3A_3738, %swap3A_3739] {strides = array<i32>} : memref<384x64xf32, #tpu.memory_space<vmem>>, vector<1x16xf32>,
    %swap3A_3741 = vector.shape_cast %swap3A_3740 : vector<1x16xf32> to vector<16xf32>
    %swap3A_3742 = vector.shape_cast %get3A_3706 : vector<16xf32> to vector<1x16xf32>
    tpu.vector_store %arg5[%swap3A_3738, %swap3A_3739], %swap3A_3742 {strides = array<i32>} : memref<384x64xf32, #tpu.memory_space<vmem>>, vector<1x16xf32>,
    %swap3A_3743 = arith.constant 96 : i32
    %swap3A_3744 = arith.index_cast %swap3A_3743 : i32 to index
    %swap3A_3745 = arith.constant 48 : index
    %swap3A_3746 = tpu.vector_load %arg5[%swap3A_3744, %swap3A_3745] {strides = array<i32>} : memref<384x64xf32, #tpu.memory_space<vmem>>, vector<1x16xf32>,
    %swap3A_3747 = vector.shape_cast %swap3A_3746 : vector<1x16xf32> to vector<16xf32>
    %swap3A_3748 = vector.shape_cast %select_n3A_3724 : vector<16xf32> to vector<1x16xf32>
    tpu.vector_store %arg5[%swap3A_3744, %swap3A_3745], %swap3A_3748 {strides = array<i32>} : memref<384x64xf32, #tpu.memory_space<vmem>>, vector<1x16xf32>,
    %get3A_3749 = arith.constant 162 : i32
    %get3A_3750 = arith.index_cast %get3A_3749 : i32 to index
    %get3A_3751 = arith.constant 0 : index
    %get3A_3752 = tpu.vector_load %arg5[%get3A_3750, %get3A_3751] {strides = array<i32>} : memref<384x64xf32, #tpu.memory_space<vmem>>, vector<1x16xf32>,
    %get3A_3753 = vector.shape_cast %get3A_3752 : vector<1x16xf32> to vector<16xf32>
    %swap3A_3754 = arith.constant 1 : index
    %swap3A_3755 = tpu.vector_load %arg6[%swap3A_3754] {strides = array<i32>} : memref<32xf32, #tpu.memory_space<vmem>>, vector<16xf32>,
    %swap3A_3756 = vector.shape_cast %swap3A_3755 : vector<16xf32> to vector<16xf32>
    %swap3A_3757 = vector.shape_cast %get3A_3753 : vector<16xf32> to vector<16xf32>
    tpu.vector_store %arg6[%swap3A_3754], %swap3A_3757 {strides = array<i32>} : memref<32xf32, #tpu.memory_space<vmem>>, vector<16xf32>,
    %get3A_3758 = arith.constant 0 : index
    %get3A_3759 = tpu.vector_load %arg6[%get3A_3758] {strides = array<i32>} : memref<32xf32, #tpu.memory_space<vmem>>, vector<16xf32>,
    %get3A_3760 = vector.shape_cast %get3A_3759 : vector<16xf32> to vector<16xf32>
    %eq3A_3761 = arith.constant 0 : i32
    %eq3A_3762 = vector.broadcast %eq3A_3761 : i32 to vector<16xi32>
    %eq3A_3763 = arith.cmpi eq, %iota3A, %eq3A_3762 : vector<16xi32>
    %jit3A_3764 = arith.constant 0.000000e+00 : f32
    %broadcast_in_dim3A_3765 = vector.broadcast %jit3A_3764 : f32 to vector<16xf32>
    %select_n3A_3766 = arith.select %eq3A_3763, %broadcast_in_dim3A_3765, %get3A_3760 : vector<16xi1>, vector<16xf32>
    %get3A_3767 = arith.constant 162 : i32
    %get3A_3768 = arith.index_cast %get3A_3767 : i32 to index
    %get3A_3769 = arith.constant 15 : index
    %get3A_3770 = tpu.vector_load %arg5[%get3A_3768, %get3A_3769] {strides = array<i32>} : memref<384x64xf32, #tpu.memory_space<vmem>>, vector<1x16xf32>,
    %get3A_3771 = vector.shape_cast %get3A_3770 : vector<1x16xf32> to vector<16xf32>
    %get3A_3772 = arith.constant 162 : i32
    %get3A_3773 = arith.index_cast %get3A_3772 : i32 to index
    %get3A_3774 = arith.constant 31 : index
    %get3A_3775 = tpu.vector_load %arg5[%get3A_3773, %get3A_3774] {strides = array<i32>} : memref<384x64xf32, #tpu.memory_space<vmem>>, vector<1x16xf32>,
    %get3A_3776 = vector.shape_cast %get3A_3775 : vector<1x16xf32> to vector<16xf32>
    %get3A_3777 = arith.constant 162 : i32
    %get3A_3778 = arith.index_cast %get3A_3777 : i32 to index
    %get3A_3779 = arith.constant 47 : index
    %get3A_3780 = tpu.vector_load %arg5[%get3A_3778, %get3A_3779] {strides = array<i32>} : memref<384x64xf32, #tpu.memory_space<vmem>>, vector<1x16xf32>,
    %get3A_3781 = vector.shape_cast %get3A_3780 : vector<1x16xf32> to vector<16xf32>
    %swap3A_3782 = arith.constant 162 : i32
    %swap3A_3783 = arith.index_cast %swap3A_3782 : i32 to index
    %swap3A_3784 = arith.constant 0 : index
    %swap3A_3785 = tpu.vector_load %arg5[%swap3A_3783, %swap3A_3784] {strides = array<i32>} : memref<384x64xf32, #tpu.memory_space<vmem>>, vector<1x16xf32>,
    %swap3A_3786 = vector.shape_cast %swap3A_3785 : vector<1x16xf32> to vector<16xf32>
    %swap3A_3787 = vector.shape_cast %select_n3A_3766 : vector<16xf32> to vector<1x16xf32>
    tpu.vector_store %arg5[%swap3A_3783, %swap3A_3784], %swap3A_3787 {strides = array<i32>} : memref<384x64xf32, #tpu.memory_space<vmem>>, vector<1x16xf32>,
    %swap3A_3788 = arith.constant 162 : i32
    %swap3A_3789 = arith.index_cast %swap3A_3788 : i32 to index
    %swap3A_3790 = arith.constant 16 : index
    %swap3A_3791 = tpu.vector_load %arg5[%swap3A_3789, %swap3A_3790] {strides = array<i32>} : memref<384x64xf32, #tpu.memory_space<vmem>>, vector<1x16xf32>,
    %swap3A_3792 = vector.shape_cast %swap3A_3791 : vector<1x16xf32> to vector<16xf32>
    %swap3A_3793 = vector.shape_cast %get3A_3771 : vector<16xf32> to vector<1x16xf32>
    tpu.vector_store %arg5[%swap3A_3789, %swap3A_3790], %swap3A_3793 {strides = array<i32>} : memref<384x64xf32, #tpu.memory_space<vmem>>, vector<1x16xf32>,
    %swap3A_3794 = arith.constant 162 : i32
    %swap3A_3795 = arith.index_cast %swap3A_3794 : i32 to index
    %swap3A_3796 = arith.constant 32 : index
    %swap3A_3797 = tpu.vector_load %arg5[%swap3A_3795, %swap3A_3796] {strides = array<i32>} : memref<384x64xf32, #tpu.memory_space<vmem>>, vector<1x16xf32>,
    %swap3A_3798 = vector.shape_cast %swap3A_3797 : vector<1x16xf32> to vector<16xf32>
    %swap3A_3799 = vector.shape_cast %get3A_3776 : vector<16xf32> to vector<1x16xf32>
    tpu.vector_store %arg5[%swap3A_3795, %swap3A_3796], %swap3A_3799 {strides = array<i32>} : memref<384x64xf32, #tpu.memory_space<vmem>>, vector<1x16xf32>,
    %swap3A_3800 = arith.constant 162 : i32
    %swap3A_3801 = arith.index_cast %swap3A_3800 : i32 to index
    %swap3A_3802 = arith.constant 48 : index
    %swap3A_3803 = tpu.vector_load %arg5[%swap3A_3801, %swap3A_3802] {strides = array<i32>} : memref<384x64xf32, #tpu.memory_space<vmem>>, vector<1x16xf32>,
    %swap3A_3804 = vector.shape_cast %swap3A_3803 : vector<1x16xf32> to vector<16xf32>
    %swap3A_3805 = vector.shape_cast %get3A_3781 : vector<16xf32> to vector<1x16xf32>
    tpu.vector_store %arg5[%swap3A_3801, %swap3A_3802], %swap3A_3805 {strides = array<i32>} : memref<384x64xf32, #tpu.memory_space<vmem>>, vector<1x16xf32>,
    %get3A_3806 = arith.constant 165 : i32
    %get3A_3807 = arith.index_cast %get3A_3806 : i32 to index
    %get3A_3808 = arith.constant 0 : index
    %get3A_3809 = tpu.vector_load %arg5[%get3A_3807, %get3A_3808] {strides = array<i32>} : memref<384x64xf32, #tpu.memory_space<vmem>>, vector<1x16xf32>,
    %get3A_3810 = vector.shape_cast %get3A_3809 : vector<1x16xf32> to vector<16xf32>
    %swap3A_3811 = arith.constant 1 : index
    %swap3A_3812 = tpu.vector_load %arg6[%swap3A_3811] {strides = array<i32>} : memref<32xf32, #tpu.memory_space<vmem>>, vector<16xf32>,
    %swap3A_3813 = vector.shape_cast %swap3A_3812 : vector<16xf32> to vector<16xf32>
    %swap3A_3814 = vector.shape_cast %get3A_3810 : vector<16xf32> to vector<16xf32>
    tpu.vector_store %arg6[%swap3A_3811], %swap3A_3814 {strides = array<i32>} : memref<32xf32, #tpu.memory_space<vmem>>, vector<16xf32>,
    %get3A_3815 = arith.constant 0 : index
    %get3A_3816 = tpu.vector_load %arg6[%get3A_3815] {strides = array<i32>} : memref<32xf32, #tpu.memory_space<vmem>>, vector<16xf32>,
    %get3A_3817 = vector.shape_cast %get3A_3816 : vector<16xf32> to vector<16xf32>
    %eq3A_3818 = arith.constant 0 : i32
    %eq3A_3819 = vector.broadcast %eq3A_3818 : i32 to vector<16xi32>
    %eq3A_3820 = arith.cmpi eq, %iota3A, %eq3A_3819 : vector<16xi32>
    %jit3A_3821 = arith.constant 0.000000e+00 : f32
    %broadcast_in_dim3A_3822 = vector.broadcast %jit3A_3821 : f32 to vector<16xf32>
    %select_n3A_3823 = arith.select %eq3A_3820, %broadcast_in_dim3A_3822, %get3A_3817 : vector<16xi1>, vector<16xf32>
    %get3A_3824 = arith.constant 165 : i32
    %get3A_3825 = arith.index_cast %get3A_3824 : i32 to index
    %get3A_3826 = arith.constant 15 : index
    %get3A_3827 = tpu.vector_load %arg5[%get3A_3825, %get3A_3826] {strides = array<i32>} : memref<384x64xf32, #tpu.memory_space<vmem>>, vector<1x16xf32>,
    %get3A_3828 = vector.shape_cast %get3A_3827 : vector<1x16xf32> to vector<16xf32>
    %get3A_3829 = arith.constant 165 : i32
    %get3A_3830 = arith.index_cast %get3A_3829 : i32 to index
    %get3A_3831 = arith.constant 31 : index
    %get3A_3832 = tpu.vector_load %arg5[%get3A_3830, %get3A_3831] {strides = array<i32>} : memref<384x64xf32, #tpu.memory_space<vmem>>, vector<1x16xf32>,
    %get3A_3833 = vector.shape_cast %get3A_3832 : vector<1x16xf32> to vector<16xf32>
    %get3A_3834 = arith.constant 165 : i32
    %get3A_3835 = arith.index_cast %get3A_3834 : i32 to index
    %get3A_3836 = arith.constant 47 : index
    %get3A_3837 = tpu.vector_load %arg5[%get3A_3835, %get3A_3836] {strides = array<i32>} : memref<384x64xf32, #tpu.memory_space<vmem>>, vector<1x16xf32>,
    %get3A_3838 = vector.shape_cast %get3A_3837 : vector<1x16xf32> to vector<16xf32>
    %swap3A_3839 = arith.constant 165 : i32
    %swap3A_3840 = arith.index_cast %swap3A_3839 : i32 to index
    %swap3A_3841 = arith.constant 0 : index
    %swap3A_3842 = tpu.vector_load %arg5[%swap3A_3840, %swap3A_3841] {strides = array<i32>} : memref<384x64xf32, #tpu.memory_space<vmem>>, vector<1x16xf32>,
    %swap3A_3843 = vector.shape_cast %swap3A_3842 : vector<1x16xf32> to vector<16xf32>
    %swap3A_3844 = vector.shape_cast %select_n3A_3823 : vector<16xf32> to vector<1x16xf32>
    tpu.vector_store %arg5[%swap3A_3840, %swap3A_3841], %swap3A_3844 {strides = array<i32>} : memref<384x64xf32, #tpu.memory_space<vmem>>, vector<1x16xf32>,
    %swap3A_3845 = arith.constant 165 : i32
    %swap3A_3846 = arith.index_cast %swap3A_3845 : i32 to index
    %swap3A_3847 = arith.constant 16 : index
    %swap3A_3848 = tpu.vector_load %arg5[%swap3A_3846, %swap3A_3847] {strides = array<i32>} : memref<384x64xf32, #tpu.memory_space<vmem>>, vector<1x16xf32>,
    %swap3A_3849 = vector.shape_cast %swap3A_3848 : vector<1x16xf32> to vector<16xf32>
    %swap3A_3850 = vector.shape_cast %get3A_3828 : vector<16xf32> to vector<1x16xf32>
    tpu.vector_store %arg5[%swap3A_3846, %swap3A_3847], %swap3A_3850 {strides = array<i32>} : memref<384x64xf32, #tpu.memory_space<vmem>>, vector<1x16xf32>,
    %swap3A_3851 = arith.constant 165 : i32
    %swap3A_3852 = arith.index_cast %swap3A_3851 : i32 to index
    %swap3A_3853 = arith.constant 32 : index
    %swap3A_3854 = tpu.vector_load %arg5[%swap3A_3852, %swap3A_3853] {strides = array<i32>} : memref<384x64xf32, #tpu.memory_space<vmem>>, vector<1x16xf32>,
    %swap3A_3855 = vector.shape_cast %swap3A_3854 : vector<1x16xf32> to vector<16xf32>
    %swap3A_3856 = vector.shape_cast %get3A_3833 : vector<16xf32> to vector<1x16xf32>
    tpu.vector_store %arg5[%swap3A_3852, %swap3A_3853], %swap3A_3856 {strides = array<i32>} : memref<384x64xf32, #tpu.memory_space<vmem>>, vector<1x16xf32>,
    %swap3A_3857 = arith.constant 165 : i32
    %swap3A_3858 = arith.index_cast %swap3A_3857 : i32 to index
    %swap3A_3859 = arith.constant 48 : index
    %swap3A_3860 = tpu.vector_load %arg5[%swap3A_3858, %swap3A_3859] {strides = array<i32>} : memref<384x64xf32, #tpu.memory_space<vmem>>, vector<1x16xf32>,
    %swap3A_3861 = vector.shape_cast %swap3A_3860 : vector<1x16xf32> to vector<16xf32>
    %swap3A_3862 = vector.shape_cast %get3A_3838 : vector<16xf32> to vector<1x16xf32>
    tpu.vector_store %arg5[%swap3A_3858, %swap3A_3859], %swap3A_3862 {strides = array<i32>} : memref<384x64xf32, #tpu.memory_space<vmem>>, vector<1x16xf32>,
    %get3A_3863 = arith.constant 232 : i32
    %get3A_3864 = arith.index_cast %get3A_3863 : i32 to index
    %get3A_3865 = arith.constant 1 : index
    %get3A_3866 = tpu.vector_load %arg5[%get3A_3864, %get3A_3865] {strides = array<i32>} : memref<384x64xf32, #tpu.memory_space<vmem>>, vector<1x16xf32>,
    %get3A_3867 = vector.shape_cast %get3A_3866 : vector<1x16xf32> to vector<16xf32>
    %get3A_3868 = arith.constant 232 : i32
    %get3A_3869 = arith.index_cast %get3A_3868 : i32 to index
    %get3A_3870 = arith.constant 17 : index
    %get3A_3871 = tpu.vector_load %arg5[%get3A_3869, %get3A_3870] {strides = array<i32>} : memref<384x64xf32, #tpu.memory_space<vmem>>, vector<1x16xf32>,
    %get3A_3872 = vector.shape_cast %get3A_3871 : vector<1x16xf32> to vector<16xf32>
    %get3A_3873 = arith.constant 232 : i32
    %get3A_3874 = arith.index_cast %get3A_3873 : i32 to index
    %get3A_3875 = arith.constant 33 : index
    %get3A_3876 = tpu.vector_load %arg5[%get3A_3874, %get3A_3875] {strides = array<i32>} : memref<384x64xf32, #tpu.memory_space<vmem>>, vector<1x16xf32>,
    %get3A_3877 = vector.shape_cast %get3A_3876 : vector<1x16xf32> to vector<16xf32>
    %get3A_3878 = arith.constant 232 : i32
    %get3A_3879 = arith.index_cast %get3A_3878 : i32 to index
    %get3A_3880 = arith.constant 48 : index
    %get3A_3881 = tpu.vector_load %arg5[%get3A_3879, %get3A_3880] {strides = array<i32>} : memref<384x64xf32, #tpu.memory_space<vmem>>, vector<1x16xf32>,
    %get3A_3882 = vector.shape_cast %get3A_3881 : vector<1x16xf32> to vector<16xf32>
    %swap3A_3883 = arith.constant 0 : index
    %swap3A_3884 = tpu.vector_load %arg6[%swap3A_3883] {strides = array<i32>} : memref<32xf32, #tpu.memory_space<vmem>>, vector<16xf32>,
    %swap3A_3885 = vector.shape_cast %swap3A_3884 : vector<16xf32> to vector<16xf32>
    %swap3A_3886 = vector.shape_cast %get3A_3882 : vector<16xf32> to vector<16xf32>
    tpu.vector_store %arg6[%swap3A_3883], %swap3A_3886 {strides = array<i32>} : memref<32xf32, #tpu.memory_space<vmem>>, vector<16xf32>,
    %get3A_3887 = arith.constant 1 : index
    %get3A_3888 = tpu.vector_load %arg6[%get3A_3887] {strides = array<i32>} : memref<32xf32, #tpu.memory_space<vmem>>, vector<16xf32>,
    %get3A_3889 = vector.shape_cast %get3A_3888 : vector<16xf32> to vector<16xf32>
    %eq3A_3890 = arith.constant 15 : i32
    %eq3A_3891 = vector.broadcast %eq3A_3890 : i32 to vector<16xi32>
    %eq3A_3892 = arith.cmpi eq, %iota3A, %eq3A_3891 : vector<16xi32>
    %jit3A_3893 = arith.constant 0.000000e+00 : f32
    %broadcast_in_dim3A_3894 = vector.broadcast %jit3A_3893 : f32 to vector<16xf32>
    %select_n3A_3895 = arith.select %eq3A_3892, %broadcast_in_dim3A_3894, %get3A_3889 : vector<16xi1>, vector<16xf32>
    %swap3A_3896 = arith.constant 232 : i32
    %swap3A_3897 = arith.index_cast %swap3A_3896 : i32 to index
    %swap3A_3898 = arith.constant 0 : index
    %swap3A_3899 = tpu.vector_load %arg5[%swap3A_3897, %swap3A_3898] {strides = array<i32>} : memref<384x64xf32, #tpu.memory_space<vmem>>, vector<1x16xf32>,
    %swap3A_3900 = vector.shape_cast %swap3A_3899 : vector<1x16xf32> to vector<16xf32>
    %swap3A_3901 = vector.shape_cast %get3A_3867 : vector<16xf32> to vector<1x16xf32>
    tpu.vector_store %arg5[%swap3A_3897, %swap3A_3898], %swap3A_3901 {strides = array<i32>} : memref<384x64xf32, #tpu.memory_space<vmem>>, vector<1x16xf32>,
    %swap3A_3902 = arith.constant 232 : i32
    %swap3A_3903 = arith.index_cast %swap3A_3902 : i32 to index
    %swap3A_3904 = arith.constant 16 : index
    %swap3A_3905 = tpu.vector_load %arg5[%swap3A_3903, %swap3A_3904] {strides = array<i32>} : memref<384x64xf32, #tpu.memory_space<vmem>>, vector<1x16xf32>,
    %swap3A_3906 = vector.shape_cast %swap3A_3905 : vector<1x16xf32> to vector<16xf32>
    %swap3A_3907 = vector.shape_cast %get3A_3872 : vector<16xf32> to vector<1x16xf32>
    tpu.vector_store %arg5[%swap3A_3903, %swap3A_3904], %swap3A_3907 {strides = array<i32>} : memref<384x64xf32, #tpu.memory_space<vmem>>, vector<1x16xf32>,
    %swap3A_3908 = arith.constant 232 : i32
    %swap3A_3909 = arith.index_cast %swap3A_3908 : i32 to index
    %swap3A_3910 = arith.constant 32 : index
    %swap3A_3911 = tpu.vector_load %arg5[%swap3A_3909, %swap3A_3910] {strides = array<i32>} : memref<384x64xf32, #tpu.memory_space<vmem>>, vector<1x16xf32>,
    %swap3A_3912 = vector.shape_cast %swap3A_3911 : vector<1x16xf32> to vector<16xf32>
    %swap3A_3913 = vector.shape_cast %get3A_3877 : vector<16xf32> to vector<1x16xf32>
    tpu.vector_store %arg5[%swap3A_3909, %swap3A_3910], %swap3A_3913 {strides = array<i32>} : memref<384x64xf32, #tpu.memory_space<vmem>>, vector<1x16xf32>,
    %swap3A_3914 = arith.constant 232 : i32
    %swap3A_3915 = arith.index_cast %swap3A_3914 : i32 to index
    %swap3A_3916 = arith.constant 48 : index
    %swap3A_3917 = tpu.vector_load %arg5[%swap3A_3915, %swap3A_3916] {strides = array<i32>} : memref<384x64xf32, #tpu.memory_space<vmem>>, vector<1x16xf32>,
    %swap3A_3918 = vector.shape_cast %swap3A_3917 : vector<1x16xf32> to vector<16xf32>
    %swap3A_3919 = vector.shape_cast %select_n3A_3895 : vector<16xf32> to vector<1x16xf32>
    tpu.vector_store %arg5[%swap3A_3915, %swap3A_3916], %swap3A_3919 {strides = array<i32>} : memref<384x64xf32, #tpu.memory_space<vmem>>, vector<1x16xf32>,
    %get3A_3920 = arith.constant 261 : i32
    %get3A_3921 = arith.index_cast %get3A_3920 : i32 to index
    %get3A_3922 = arith.constant 0 : index
    %get3A_3923 = tpu.vector_load %arg5[%get3A_3921, %get3A_3922] {strides = array<i32>} : memref<384x64xf32, #tpu.memory_space<vmem>>, vector<1x16xf32>,
    %get3A_3924 = vector.shape_cast %get3A_3923 : vector<1x16xf32> to vector<16xf32>
    %swap3A_3925 = arith.constant 1 : index
    %swap3A_3926 = tpu.vector_load %arg6[%swap3A_3925] {strides = array<i32>} : memref<32xf32, #tpu.memory_space<vmem>>, vector<16xf32>,
    %swap3A_3927 = vector.shape_cast %swap3A_3926 : vector<16xf32> to vector<16xf32>
    %swap3A_3928 = vector.shape_cast %get3A_3924 : vector<16xf32> to vector<16xf32>
    tpu.vector_store %arg6[%swap3A_3925], %swap3A_3928 {strides = array<i32>} : memref<32xf32, #tpu.memory_space<vmem>>, vector<16xf32>,
    %get3A_3929 = arith.constant 0 : index
    %get3A_3930 = tpu.vector_load %arg6[%get3A_3929] {strides = array<i32>} : memref<32xf32, #tpu.memory_space<vmem>>, vector<16xf32>,
    %get3A_3931 = vector.shape_cast %get3A_3930 : vector<16xf32> to vector<16xf32>
    %eq3A_3932 = arith.constant 0 : i32
    %eq3A_3933 = vector.broadcast %eq3A_3932 : i32 to vector<16xi32>
    %eq3A_3934 = arith.cmpi eq, %iota3A, %eq3A_3933 : vector<16xi32>
    %jit3A_3935 = arith.constant 0.000000e+00 : f32
    %broadcast_in_dim3A_3936 = vector.broadcast %jit3A_3935 : f32 to vector<16xf32>
    %select_n3A_3937 = arith.select %eq3A_3934, %broadcast_in_dim3A_3936, %get3A_3931 : vector<16xi1>, vector<16xf32>
    %get3A_3938 = arith.constant 261 : i32
    %get3A_3939 = arith.index_cast %get3A_3938 : i32 to index
    %get3A_3940 = arith.constant 15 : index
    %get3A_3941 = tpu.vector_load %arg5[%get3A_3939, %get3A_3940] {strides = array<i32>} : memref<384x64xf32, #tpu.memory_space<vmem>>, vector<1x16xf32>,
    %get3A_3942 = vector.shape_cast %get3A_3941 : vector<1x16xf32> to vector<16xf32>
    %get3A_3943 = arith.constant 261 : i32
    %get3A_3944 = arith.index_cast %get3A_3943 : i32 to index
    %get3A_3945 = arith.constant 31 : index
    %get3A_3946 = tpu.vector_load %arg5[%get3A_3944, %get3A_3945] {strides = array<i32>} : memref<384x64xf32, #tpu.memory_space<vmem>>, vector<1x16xf32>,
    %get3A_3947 = vector.shape_cast %get3A_3946 : vector<1x16xf32> to vector<16xf32>
    %get3A_3948 = arith.constant 261 : i32
    %get3A_3949 = arith.index_cast %get3A_3948 : i32 to index
    %get3A_3950 = arith.constant 47 : index
    %get3A_3951 = tpu.vector_load %arg5[%get3A_3949, %get3A_3950] {strides = array<i32>} : memref<384x64xf32, #tpu.memory_space<vmem>>, vector<1x16xf32>,
    %get3A_3952 = vector.shape_cast %get3A_3951 : vector<1x16xf32> to vector<16xf32>
    %swap3A_3953 = arith.constant 261 : i32
    %swap3A_3954 = arith.index_cast %swap3A_3953 : i32 to index
    %swap3A_3955 = arith.constant 0 : index
    %swap3A_3956 = tpu.vector_load %arg5[%swap3A_3954, %swap3A_3955] {strides = array<i32>} : memref<384x64xf32, #tpu.memory_space<vmem>>, vector<1x16xf32>,
    %swap3A_3957 = vector.shape_cast %swap3A_3956 : vector<1x16xf32> to vector<16xf32>
    %swap3A_3958 = vector.shape_cast %select_n3A_3937 : vector<16xf32> to vector<1x16xf32>
    tpu.vector_store %arg5[%swap3A_3954, %swap3A_3955], %swap3A_3958 {strides = array<i32>} : memref<384x64xf32, #tpu.memory_space<vmem>>, vector<1x16xf32>,
    %swap3A_3959 = arith.constant 261 : i32
    %swap3A_3960 = arith.index_cast %swap3A_3959 : i32 to index
    %swap3A_3961 = arith.constant 16 : index
    %swap3A_3962 = tpu.vector_load %arg5[%swap3A_3960, %swap3A_3961] {strides = array<i32>} : memref<384x64xf32, #tpu.memory_space<vmem>>, vector<1x16xf32>,
    %swap3A_3963 = vector.shape_cast %swap3A_3962 : vector<1x16xf32> to vector<16xf32>
    %swap3A_3964 = vector.shape_cast %get3A_3942 : vector<16xf32> to vector<1x16xf32>
    tpu.vector_store %arg5[%swap3A_3960, %swap3A_3961], %swap3A_3964 {strides = array<i32>} : memref<384x64xf32, #tpu.memory_space<vmem>>, vector<1x16xf32>,
    %swap3A_3965 = arith.constant 261 : i32
    %swap3A_3966 = arith.index_cast %swap3A_3965 : i32 to index
    %swap3A_3967 = arith.constant 32 : index
    %swap3A_3968 = tpu.vector_load %arg5[%swap3A_3966, %swap3A_3967] {strides = array<i32>} : memref<384x64xf32, #tpu.memory_space<vmem>>, vector<1x16xf32>,
    %swap3A_3969 = vector.shape_cast %swap3A_3968 : vector<1x16xf32> to vector<16xf32>
    %swap3A_3970 = vector.shape_cast %get3A_3947 : vector<16xf32> to vector<1x16xf32>
    tpu.vector_store %arg5[%swap3A_3966, %swap3A_3967], %swap3A_3970 {strides = array<i32>} : memref<384x64xf32, #tpu.memory_space<vmem>>, vector<1x16xf32>,
    %swap3A_3971 = arith.constant 261 : i32
    %swap3A_3972 = arith.index_cast %swap3A_3971 : i32 to index
    %swap3A_3973 = arith.constant 48 : index
    %swap3A_3974 = tpu.vector_load %arg5[%swap3A_3972, %swap3A_3973] {strides = array<i32>} : memref<384x64xf32, #tpu.memory_space<vmem>>, vector<1x16xf32>,
    %swap3A_3975 = vector.shape_cast %swap3A_3974 : vector<1x16xf32> to vector<16xf32>
    %swap3A_3976 = vector.shape_cast %get3A_3952 : vector<16xf32> to vector<1x16xf32>
    tpu.vector_store %arg5[%swap3A_3972, %swap3A_3973], %swap3A_3976 {strides = array<i32>} : memref<384x64xf32, #tpu.memory_space<vmem>>, vector<1x16xf32>,
    %get3A_3977 = arith.constant 278 : i32
    %get3A_3978 = arith.index_cast %get3A_3977 : i32 to index
    %get3A_3979 = arith.constant 1 : index
    %get3A_3980 = tpu.vector_load %arg5[%get3A_3978, %get3A_3979] {strides = array<i32>} : memref<384x64xf32, #tpu.memory_space<vmem>>, vector<1x16xf32>,
    %get3A_3981 = vector.shape_cast %get3A_3980 : vector<1x16xf32> to vector<16xf32>
    %get3A_3982 = arith.constant 278 : i32
    %get3A_3983 = arith.index_cast %get3A_3982 : i32 to index
    %get3A_3984 = arith.constant 17 : index
    %get3A_3985 = tpu.vector_load %arg5[%get3A_3983, %get3A_3984] {strides = array<i32>} : memref<384x64xf32, #tpu.memory_space<vmem>>, vector<1x16xf32>,
    %get3A_3986 = vector.shape_cast %get3A_3985 : vector<1x16xf32> to vector<16xf32>
    %get3A_3987 = arith.constant 278 : i32
    %get3A_3988 = arith.index_cast %get3A_3987 : i32 to index
    %get3A_3989 = arith.constant 33 : index
    %get3A_3990 = tpu.vector_load %arg5[%get3A_3988, %get3A_3989] {strides = array<i32>} : memref<384x64xf32, #tpu.memory_space<vmem>>, vector<1x16xf32>,
    %get3A_3991 = vector.shape_cast %get3A_3990 : vector<1x16xf32> to vector<16xf32>
    %get3A_3992 = arith.constant 278 : i32
    %get3A_3993 = arith.index_cast %get3A_3992 : i32 to index
    %get3A_3994 = arith.constant 48 : index
    %get3A_3995 = tpu.vector_load %arg5[%get3A_3993, %get3A_3994] {strides = array<i32>} : memref<384x64xf32, #tpu.memory_space<vmem>>, vector<1x16xf32>,
    %get3A_3996 = vector.shape_cast %get3A_3995 : vector<1x16xf32> to vector<16xf32>
    %swap3A_3997 = arith.constant 0 : index
    %swap3A_3998 = tpu.vector_load %arg6[%swap3A_3997] {strides = array<i32>} : memref<32xf32, #tpu.memory_space<vmem>>, vector<16xf32>,
    %swap3A_3999 = vector.shape_cast %swap3A_3998 : vector<16xf32> to vector<16xf32>
    %swap3A_4000 = vector.shape_cast %get3A_3996 : vector<16xf32> to vector<16xf32>
    tpu.vector_store %arg6[%swap3A_3997], %swap3A_4000 {strides = array<i32>} : memref<32xf32, #tpu.memory_space<vmem>>, vector<16xf32>,
    %get3A_4001 = arith.constant 1 : index
    %get3A_4002 = tpu.vector_load %arg6[%get3A_4001] {strides = array<i32>} : memref<32xf32, #tpu.memory_space<vmem>>, vector<16xf32>,
    %get3A_4003 = vector.shape_cast %get3A_4002 : vector<16xf32> to vector<16xf32>
    %eq3A_4004 = arith.constant 15 : i32
    %eq3A_4005 = vector.broadcast %eq3A_4004 : i32 to vector<16xi32>
    %eq3A_4006 = arith.cmpi eq, %iota3A, %eq3A_4005 : vector<16xi32>
    %jit3A_4007 = arith.constant 0.000000e+00 : f32
    %broadcast_in_dim3A_4008 = vector.broadcast %jit3A_4007 : f32 to vector<16xf32>
    %select_n3A_4009 = arith.select %eq3A_4006, %broadcast_in_dim3A_4008, %get3A_4003 : vector<16xi1>, vector<16xf32>
    %swap3A_4010 = arith.constant 278 : i32
    %swap3A_4011 = arith.index_cast %swap3A_4010 : i32 to index
    %swap3A_4012 = arith.constant 0 : index
    %swap3A_4013 = tpu.vector_load %arg5[%swap3A_4011, %swap3A_4012] {strides = array<i32>} : memref<384x64xf32, #tpu.memory_space<vmem>>, vector<1x16xf32>,
    %swap3A_4014 = vector.shape_cast %swap3A_4013 : vector<1x16xf32> to vector<16xf32>
    %swap3A_4015 = vector.shape_cast %get3A_3981 : vector<16xf32> to vector<1x16xf32>
    tpu.vector_store %arg5[%swap3A_4011, %swap3A_4012], %swap3A_4015 {strides = array<i32>} : memref<384x64xf32, #tpu.memory_space<vmem>>, vector<1x16xf32>,
    %swap3A_4016 = arith.constant 278 : i32
    %swap3A_4017 = arith.index_cast %swap3A_4016 : i32 to index
    %swap3A_4018 = arith.constant 16 : index
    %swap3A_4019 = tpu.vector_load %arg5[%swap3A_4017, %swap3A_4018] {strides = array<i32>} : memref<384x64xf32, #tpu.memory_space<vmem>>, vector<1x16xf32>,
    %swap3A_4020 = vector.shape_cast %swap3A_4019 : vector<1x16xf32> to vector<16xf32>
    %swap3A_4021 = vector.shape_cast %get3A_3986 : vector<16xf32> to vector<1x16xf32>
    tpu.vector_store %arg5[%swap3A_4017, %swap3A_4018], %swap3A_4021 {strides = array<i32>} : memref<384x64xf32, #tpu.memory_space<vmem>>, vector<1x16xf32>,
    %swap3A_4022 = arith.constant 278 : i32
    %swap3A_4023 = arith.index_cast %swap3A_4022 : i32 to index
    %swap3A_4024 = arith.constant 32 : index
    %swap3A_4025 = tpu.vector_load %arg5[%swap3A_4023, %swap3A_4024] {strides = array<i32>} : memref<384x64xf32, #tpu.memory_space<vmem>>, vector<1x16xf32>,
    %swap3A_4026 = vector.shape_cast %swap3A_4025 : vector<1x16xf32> to vector<16xf32>
    %swap3A_4027 = vector.shape_cast %get3A_3991 : vector<16xf32> to vector<1x16xf32>
    tpu.vector_store %arg5[%swap3A_4023, %swap3A_4024], %swap3A_4027 {strides = array<i32>} : memref<384x64xf32, #tpu.memory_space<vmem>>, vector<1x16xf32>,
    %swap3A_4028 = arith.constant 278 : i32
    %swap3A_4029 = arith.index_cast %swap3A_4028 : i32 to index
    %swap3A_4030 = arith.constant 48 : index
    %swap3A_4031 = tpu.vector_load %arg5[%swap3A_4029, %swap3A_4030] {strides = array<i32>} : memref<384x64xf32, #tpu.memory_space<vmem>>, vector<1x16xf32>,
    %swap3A_4032 = vector.shape_cast %swap3A_4031 : vector<1x16xf32> to vector<16xf32>
    %swap3A_4033 = vector.shape_cast %select_n3A_4009 : vector<16xf32> to vector<1x16xf32>
    tpu.vector_store %arg5[%swap3A_4029, %swap3A_4030], %swap3A_4033 {strides = array<i32>} : memref<384x64xf32, #tpu.memory_space<vmem>>, vector<1x16xf32>,
    %get3A_4034 = arith.constant 282 : i32
    %get3A_4035 = arith.index_cast %get3A_4034 : i32 to index
    %get3A_4036 = arith.constant 1 : index
    %get3A_4037 = tpu.vector_load %arg5[%get3A_4035, %get3A_4036] {strides = array<i32>} : memref<384x64xf32, #tpu.memory_space<vmem>>, vector<1x16xf32>,
    %get3A_4038 = vector.shape_cast %get3A_4037 : vector<1x16xf32> to vector<16xf32>
    %get3A_4039 = arith.constant 282 : i32
    %get3A_4040 = arith.index_cast %get3A_4039 : i32 to index
    %get3A_4041 = arith.constant 17 : index
    %get3A_4042 = tpu.vector_load %arg5[%get3A_4040, %get3A_4041] {strides = array<i32>} : memref<384x64xf32, #tpu.memory_space<vmem>>, vector<1x16xf32>,
    %get3A_4043 = vector.shape_cast %get3A_4042 : vector<1x16xf32> to vector<16xf32>
    %get3A_4044 = arith.constant 282 : i32
    %get3A_4045 = arith.index_cast %get3A_4044 : i32 to index
    %get3A_4046 = arith.constant 33 : index
    %get3A_4047 = tpu.vector_load %arg5[%get3A_4045, %get3A_4046] {strides = array<i32>} : memref<384x64xf32, #tpu.memory_space<vmem>>, vector<1x16xf32>,
    %get3A_4048 = vector.shape_cast %get3A_4047 : vector<1x16xf32> to vector<16xf32>
    %get3A_4049 = arith.constant 282 : i32
    %get3A_4050 = arith.index_cast %get3A_4049 : i32 to index
    %get3A_4051 = arith.constant 48 : index
    %get3A_4052 = tpu.vector_load %arg5[%get3A_4050, %get3A_4051] {strides = array<i32>} : memref<384x64xf32, #tpu.memory_space<vmem>>, vector<1x16xf32>,
    %get3A_4053 = vector.shape_cast %get3A_4052 : vector<1x16xf32> to vector<16xf32>
    %swap3A_4054 = arith.constant 0 : index
    %swap3A_4055 = tpu.vector_load %arg6[%swap3A_4054] {strides = array<i32>} : memref<32xf32, #tpu.memory_space<vmem>>, vector<16xf32>,
    %swap3A_4056 = vector.shape_cast %swap3A_4055 : vector<16xf32> to vector<16xf32>
    %swap3A_4057 = vector.shape_cast %get3A_4053 : vector<16xf32> to vector<16xf32>
    tpu.vector_store %arg6[%swap3A_4054], %swap3A_4057 {strides = array<i32>} : memref<32xf32, #tpu.memory_space<vmem>>, vector<16xf32>,
    %get3A_4058 = arith.constant 1 : index
    %get3A_4059 = tpu.vector_load %arg6[%get3A_4058] {strides = array<i32>} : memref<32xf32, #tpu.memory_space<vmem>>, vector<16xf32>,
    %get3A_4060 = vector.shape_cast %get3A_4059 : vector<16xf32> to vector<16xf32>
    %eq3A_4061 = arith.constant 15 : i32
    %eq3A_4062 = vector.broadcast %eq3A_4061 : i32 to vector<16xi32>
    %eq3A_4063 = arith.cmpi eq, %iota3A, %eq3A_4062 : vector<16xi32>
    %jit3A_4064 = arith.constant 0.000000e+00 : f32
    %broadcast_in_dim3A_4065 = vector.broadcast %jit3A_4064 : f32 to vector<16xf32>
    %select_n3A_4066 = arith.select %eq3A_4063, %broadcast_in_dim3A_4065, %get3A_4060 : vector<16xi1>, vector<16xf32>
    %swap3A_4067 = arith.constant 282 : i32
    %swap3A_4068 = arith.index_cast %swap3A_4067 : i32 to index
    %swap3A_4069 = arith.constant 0 : index
    %swap3A_4070 = tpu.vector_load %arg5[%swap3A_4068, %swap3A_4069] {strides = array<i32>} : memref<384x64xf32, #tpu.memory_space<vmem>>, vector<1x16xf32>,
    %swap3A_4071 = vector.shape_cast %swap3A_4070 : vector<1x16xf32> to vector<16xf32>
    %swap3A_4072 = vector.shape_cast %get3A_4038 : vector<16xf32> to vector<1x16xf32>
    tpu.vector_store %arg5[%swap3A_4068, %swap3A_4069], %swap3A_4072 {strides = array<i32>} : memref<384x64xf32, #tpu.memory_space<vmem>>, vector<1x16xf32>,
    %swap3A_4073 = arith.constant 282 : i32
    %swap3A_4074 = arith.index_cast %swap3A_4073 : i32 to index
    %swap3A_4075 = arith.constant 16 : index
    %swap3A_4076 = tpu.vector_load %arg5[%swap3A_4074, %swap3A_4075] {strides = array<i32>} : memref<384x64xf32, #tpu.memory_space<vmem>>, vector<1x16xf32>,
    %swap3A_4077 = vector.shape_cast %swap3A_4076 : vector<1x16xf32> to vector<16xf32>
    %swap3A_4078 = vector.shape_cast %get3A_4043 : vector<16xf32> to vector<1x16xf32>
    tpu.vector_store %arg5[%swap3A_4074, %swap3A_4075], %swap3A_4078 {strides = array<i32>} : memref<384x64xf32, #tpu.memory_space<vmem>>, vector<1x16xf32>,
    %swap3A_4079 = arith.constant 282 : i32
    %swap3A_4080 = arith.index_cast %swap3A_4079 : i32 to index
    %swap3A_4081 = arith.constant 32 : index
    %swap3A_4082 = tpu.vector_load %arg5[%swap3A_4080, %swap3A_4081] {strides = array<i32>} : memref<384x64xf32, #tpu.memory_space<vmem>>, vector<1x16xf32>,
    %swap3A_4083 = vector.shape_cast %swap3A_4082 : vector<1x16xf32> to vector<16xf32>
    %swap3A_4084 = vector.shape_cast %get3A_4048 : vector<16xf32> to vector<1x16xf32>
    tpu.vector_store %arg5[%swap3A_4080, %swap3A_4081], %swap3A_4084 {strides = array<i32>} : memref<384x64xf32, #tpu.memory_space<vmem>>, vector<1x16xf32>,
    %swap3A_4085 = arith.constant 282 : i32
    %swap3A_4086 = arith.index_cast %swap3A_4085 : i32 to index
    %swap3A_4087 = arith.constant 48 : index
    %swap3A_4088 = tpu.vector_load %arg5[%swap3A_4086, %swap3A_4087] {strides = array<i32>} : memref<384x64xf32, #tpu.memory_space<vmem>>, vector<1x16xf32>,
    %swap3A_4089 = vector.shape_cast %swap3A_4088 : vector<1x16xf32> to vector<16xf32>
    %swap3A_4090 = vector.shape_cast %select_n3A_4066 : vector<16xf32> to vector<1x16xf32>
    tpu.vector_store %arg5[%swap3A_4086, %swap3A_4087], %swap3A_4090 {strides = array<i32>} : memref<384x64xf32, #tpu.memory_space<vmem>>, vector<1x16xf32>,
    %get3A_4091 = arith.constant 288 : i32
    %get3A_4092 = arith.index_cast %get3A_4091 : i32 to index
    %get3A_4093 = arith.constant 0 : index
    %get3A_4094 = tpu.vector_load %arg5[%get3A_4092, %get3A_4093] {strides = array<i32>} : memref<384x64xf32, #tpu.memory_space<vmem>>, vector<1x16xf32>,
    %get3A_4095 = vector.shape_cast %get3A_4094 : vector<1x16xf32> to vector<16xf32>
    %swap3A_4096 = arith.constant 1 : index
    %swap3A_4097 = tpu.vector_load %arg6[%swap3A_4096] {strides = array<i32>} : memref<32xf32, #tpu.memory_space<vmem>>, vector<16xf32>,
    %swap3A_4098 = vector.shape_cast %swap3A_4097 : vector<16xf32> to vector<16xf32>
    %swap3A_4099 = vector.shape_cast %get3A_4095 : vector<16xf32> to vector<16xf32>
    tpu.vector_store %arg6[%swap3A_4096], %swap3A_4099 {strides = array<i32>} : memref<32xf32, #tpu.memory_space<vmem>>, vector<16xf32>,
    %get3A_4100 = arith.constant 0 : index
    %get3A_4101 = tpu.vector_load %arg6[%get3A_4100] {strides = array<i32>} : memref<32xf32, #tpu.memory_space<vmem>>, vector<16xf32>,
    %get3A_4102 = vector.shape_cast %get3A_4101 : vector<16xf32> to vector<16xf32>
    %eq3A_4103 = arith.constant 0 : i32
    %eq3A_4104 = vector.broadcast %eq3A_4103 : i32 to vector<16xi32>
    %eq3A_4105 = arith.cmpi eq, %iota3A, %eq3A_4104 : vector<16xi32>
    %jit3A_4106 = arith.constant 0.000000e+00 : f32
    %broadcast_in_dim3A_4107 = vector.broadcast %jit3A_4106 : f32 to vector<16xf32>
    %select_n3A_4108 = arith.select %eq3A_4105, %broadcast_in_dim3A_4107, %get3A_4102 : vector<16xi1>, vector<16xf32>
    %get3A_4109 = arith.constant 288 : i32
    %get3A_4110 = arith.index_cast %get3A_4109 : i32 to index
    %get3A_4111 = arith.constant 15 : index
    %get3A_4112 = tpu.vector_load %arg5[%get3A_4110, %get3A_4111] {strides = array<i32>} : memref<384x64xf32, #tpu.memory_space<vmem>>, vector<1x16xf32>,
    %get3A_4113 = vector.shape_cast %get3A_4112 : vector<1x16xf32> to vector<16xf32>
    %get3A_4114 = arith.constant 288 : i32
    %get3A_4115 = arith.index_cast %get3A_4114 : i32 to index
    %get3A_4116 = arith.constant 31 : index
    %get3A_4117 = tpu.vector_load %arg5[%get3A_4115, %get3A_4116] {strides = array<i32>} : memref<384x64xf32, #tpu.memory_space<vmem>>, vector<1x16xf32>,
    %get3A_4118 = vector.shape_cast %get3A_4117 : vector<1x16xf32> to vector<16xf32>
    %get3A_4119 = arith.constant 288 : i32
    %get3A_4120 = arith.index_cast %get3A_4119 : i32 to index
    %get3A_4121 = arith.constant 47 : index
    %get3A_4122 = tpu.vector_load %arg5[%get3A_4120, %get3A_4121] {strides = array<i32>} : memref<384x64xf32, #tpu.memory_space<vmem>>, vector<1x16xf32>,
    %get3A_4123 = vector.shape_cast %get3A_4122 : vector<1x16xf32> to vector<16xf32>
    %swap3A_4124 = arith.constant 288 : i32
    %swap3A_4125 = arith.index_cast %swap3A_4124 : i32 to index
    %swap3A_4126 = arith.constant 0 : index
    %swap3A_4127 = tpu.vector_load %arg5[%swap3A_4125, %swap3A_4126] {strides = array<i32>} : memref<384x64xf32, #tpu.memory_space<vmem>>, vector<1x16xf32>,
    %swap3A_4128 = vector.shape_cast %swap3A_4127 : vector<1x16xf32> to vector<16xf32>
    %swap3A_4129 = vector.shape_cast %select_n3A_4108 : vector<16xf32> to vector<1x16xf32>
    tpu.vector_store %arg5[%swap3A_4125, %swap3A_4126], %swap3A_4129 {strides = array<i32>} : memref<384x64xf32, #tpu.memory_space<vmem>>, vector<1x16xf32>,
    %swap3A_4130 = arith.constant 288 : i32
    %swap3A_4131 = arith.index_cast %swap3A_4130 : i32 to index
    %swap3A_4132 = arith.constant 16 : index
    %swap3A_4133 = tpu.vector_load %arg5[%swap3A_4131, %swap3A_4132] {strides = array<i32>} : memref<384x64xf32, #tpu.memory_space<vmem>>, vector<1x16xf32>,
    %swap3A_4134 = vector.shape_cast %swap3A_4133 : vector<1x16xf32> to vector<16xf32>
    %swap3A_4135 = vector.shape_cast %get3A_4113 : vector<16xf32> to vector<1x16xf32>
    tpu.vector_store %arg5[%swap3A_4131, %swap3A_4132], %swap3A_4135 {strides = array<i32>} : memref<384x64xf32, #tpu.memory_space<vmem>>, vector<1x16xf32>,
    %swap3A_4136 = arith.constant 288 : i32
    %swap3A_4137 = arith.index_cast %swap3A_4136 : i32 to index
    %swap3A_4138 = arith.constant 32 : index
    %swap3A_4139 = tpu.vector_load %arg5[%swap3A_4137, %swap3A_4138] {strides = array<i32>} : memref<384x64xf32, #tpu.memory_space<vmem>>, vector<1x16xf32>,
    %swap3A_4140 = vector.shape_cast %swap3A_4139 : vector<1x16xf32> to vector<16xf32>
    %swap3A_4141 = vector.shape_cast %get3A_4118 : vector<16xf32> to vector<1x16xf32>
    tpu.vector_store %arg5[%swap3A_4137, %swap3A_4138], %swap3A_4141 {strides = array<i32>} : memref<384x64xf32, #tpu.memory_space<vmem>>, vector<1x16xf32>,
    %swap3A_4142 = arith.constant 288 : i32
    %swap3A_4143 = arith.index_cast %swap3A_4142 : i32 to index
    %swap3A_4144 = arith.constant 48 : index
    %swap3A_4145 = tpu.vector_load %arg5[%swap3A_4143, %swap3A_4144] {strides = array<i32>} : memref<384x64xf32, #tpu.memory_space<vmem>>, vector<1x16xf32>,
    %swap3A_4146 = vector.shape_cast %swap3A_4145 : vector<1x16xf32> to vector<16xf32>
    %swap3A_4147 = vector.shape_cast %get3A_4123 : vector<16xf32> to vector<1x16xf32>
    tpu.vector_store %arg5[%swap3A_4143, %swap3A_4144], %swap3A_4147 {strides = array<i32>} : memref<384x64xf32, #tpu.memory_space<vmem>>, vector<1x16xf32>,
    %get3A_4148 = arith.constant 361 : i32
    %get3A_4149 = arith.index_cast %get3A_4148 : i32 to index
    %get3A_4150 = arith.constant 0 : index
    %get3A_4151 = tpu.vector_load %arg5[%get3A_4149, %get3A_4150] {strides = array<i32>} : memref<384x64xf32, #tpu.memory_space<vmem>>, vector<1x16xf32>,
    %get3A_4152 = vector.shape_cast %get3A_4151 : vector<1x16xf32> to vector<16xf32>
    %swap3A_4153 = arith.constant 1 : index
    %swap3A_4154 = tpu.vector_load %arg6[%swap3A_4153] {strides = array<i32>} : memref<32xf32, #tpu.memory_space<vmem>>, vector<16xf32>,
    %swap3A_4155 = vector.shape_cast %swap3A_4154 : vector<16xf32> to vector<16xf32>
    %swap3A_4156 = vector.shape_cast %get3A_4152 : vector<16xf32> to vector<16xf32>
    tpu.vector_store %arg6[%swap3A_4153], %swap3A_4156 {strides = array<i32>} : memref<32xf32, #tpu.memory_space<vmem>>, vector<16xf32>,
    %get3A_4157 = arith.constant 0 : index
    %get3A_4158 = tpu.vector_load %arg6[%get3A_4157] {strides = array<i32>} : memref<32xf32, #tpu.memory_space<vmem>>, vector<16xf32>,
    %get3A_4159 = vector.shape_cast %get3A_4158 : vector<16xf32> to vector<16xf32>
    %eq3A_4160 = arith.constant 0 : i32
    %eq3A_4161 = vector.broadcast %eq3A_4160 : i32 to vector<16xi32>
    %eq3A_4162 = arith.cmpi eq, %iota3A, %eq3A_4161 : vector<16xi32>
    %jit3A_4163 = arith.constant 0.000000e+00 : f32
    %broadcast_in_dim3A_4164 = vector.broadcast %jit3A_4163 : f32 to vector<16xf32>
    %select_n3A_4165 = arith.select %eq3A_4162, %broadcast_in_dim3A_4164, %get3A_4159 : vector<16xi1>, vector<16xf32>
    %get3A_4166 = arith.constant 361 : i32
    %get3A_4167 = arith.index_cast %get3A_4166 : i32 to index
    %get3A_4168 = arith.constant 15 : index
    %get3A_4169 = tpu.vector_load %arg5[%get3A_4167, %get3A_4168] {strides = array<i32>} : memref<384x64xf32, #tpu.memory_space<vmem>>, vector<1x16xf32>,
    %get3A_4170 = vector.shape_cast %get3A_4169 : vector<1x16xf32> to vector<16xf32>
    %get3A_4171 = arith.constant 361 : i32
    %get3A_4172 = arith.index_cast %get3A_4171 : i32 to index
    %get3A_4173 = arith.constant 31 : index
    %get3A_4174 = tpu.vector_load %arg5[%get3A_4172, %get3A_4173] {strides = array<i32>} : memref<384x64xf32, #tpu.memory_space<vmem>>, vector<1x16xf32>,
    %get3A_4175 = vector.shape_cast %get3A_4174 : vector<1x16xf32> to vector<16xf32>
    %get3A_4176 = arith.constant 361 : i32
    %get3A_4177 = arith.index_cast %get3A_4176 : i32 to index
    %get3A_4178 = arith.constant 47 : index
    %get3A_4179 = tpu.vector_load %arg5[%get3A_4177, %get3A_4178] {strides = array<i32>} : memref<384x64xf32, #tpu.memory_space<vmem>>, vector<1x16xf32>,
    %get3A_4180 = vector.shape_cast %get3A_4179 : vector<1x16xf32> to vector<16xf32>
    %swap3A_4181 = arith.constant 361 : i32
    %swap3A_4182 = arith.index_cast %swap3A_4181 : i32 to index
    %swap3A_4183 = arith.constant 0 : index
    %swap3A_4184 = tpu.vector_load %arg5[%swap3A_4182, %swap3A_4183] {strides = array<i32>} : memref<384x64xf32, #tpu.memory_space<vmem>>, vector<1x16xf32>,
    %swap3A_4185 = vector.shape_cast %swap3A_4184 : vector<1x16xf32> to vector<16xf32>
    %swap3A_4186 = vector.shape_cast %select_n3A_4165 : vector<16xf32> to vector<1x16xf32>
    tpu.vector_store %arg5[%swap3A_4182, %swap3A_4183], %swap3A_4186 {strides = array<i32>} : memref<384x64xf32, #tpu.memory_space<vmem>>, vector<1x16xf32>,
    %swap3A_4187 = arith.constant 361 : i32
    %swap3A_4188 = arith.index_cast %swap3A_4187 : i32 to index
    %swap3A_4189 = arith.constant 16 : index
    %swap3A_4190 = tpu.vector_load %arg5[%swap3A_4188, %swap3A_4189] {strides = array<i32>} : memref<384x64xf32, #tpu.memory_space<vmem>>, vector<1x16xf32>,
    %swap3A_4191 = vector.shape_cast %swap3A_4190 : vector<1x16xf32> to vector<16xf32>
    %swap3A_4192 = vector.shape_cast %get3A_4170 : vector<16xf32> to vector<1x16xf32>
    tpu.vector_store %arg5[%swap3A_4188, %swap3A_4189], %swap3A_4192 {strides = array<i32>} : memref<384x64xf32, #tpu.memory_space<vmem>>, vector<1x16xf32>,
    %swap3A_4193 = arith.constant 361 : i32
    %swap3A_4194 = arith.index_cast %swap3A_4193 : i32 to index
    %swap3A_4195 = arith.constant 32 : index
    %swap3A_4196 = tpu.vector_load %arg5[%swap3A_4194, %swap3A_4195] {strides = array<i32>} : memref<384x64xf32, #tpu.memory_space<vmem>>, vector<1x16xf32>,
    %swap3A_4197 = vector.shape_cast %swap3A_4196 : vector<1x16xf32> to vector<16xf32>
    %swap3A_4198 = vector.shape_cast %get3A_4175 : vector<16xf32> to vector<1x16xf32>
    tpu.vector_store %arg5[%swap3A_4194, %swap3A_4195], %swap3A_4198 {strides = array<i32>} : memref<384x64xf32, #tpu.memory_space<vmem>>, vector<1x16xf32>,
    %swap3A_4199 = arith.constant 361 : i32
    %swap3A_4200 = arith.index_cast %swap3A_4199 : i32 to index
    %swap3A_4201 = arith.constant 48 : index
    %swap3A_4202 = tpu.vector_load %arg5[%swap3A_4200, %swap3A_4201] {strides = array<i32>} : memref<384x64xf32, #tpu.memory_space<vmem>>, vector<1x16xf32>,
    %swap3A_4203 = vector.shape_cast %swap3A_4202 : vector<1x16xf32> to vector<16xf32>
    %swap3A_4204 = vector.shape_cast %get3A_4180 : vector<16xf32> to vector<1x16xf32>
    tpu.vector_store %arg5[%swap3A_4200, %swap3A_4201], %swap3A_4204 {strides = array<i32>} : memref<384x64xf32, #tpu.memory_space<vmem>>, vector<1x16xf32>,
    %add3A_4205 = arith.constant 1920 : i32
    %add3A_4206 = arith.addi %mul3A_2, %add3A_4205 : i32
    %dma_start3A_4207 = arith.constant 0 : i32
    %dma_start3A_4208 = tpu.memref_slice %arg3[%add3A_4206, %dma_start3A_4207] : memref<73728x64xf32, #tpu.memory_space<hbm>> -> memref<384x64xf32, #tpu.memory_space<hbm>>
    %dma_start3A_4209 = arith.constant 0 : i32
    %dma_start3A_4210 = tpu.memref_slice %arg3[%add3A_4206, %dma_start3A_4209] : memref<73728x64xf32, #tpu.memory_space<hbm>> -> memref<384x64xf32, #tpu.memory_space<hbm>>
    tpu.enqueue_dma source(%arg5 : memref<384x64xf32, #tpu.memory_space<vmem>>) target(%dma_start3A_4210 : memref<384x64xf32, #tpu.memory_space<hbm>>) target_semaphore(%arg10 : memref<!tpu.dma_semaphore, #tpu.memory_space<semaphore_mem>>)
    %dma_wait3A_4211 = arith.constant 0 : i32
    %dma_wait3A_4212 = tpu.memref_slice %arg3[%add3A_3512, %dma_wait3A_4211] : memref<73728x64xf32, #tpu.memory_space<hbm>> -> memref<384x64xf32, #tpu.memory_space<hbm>>
    %dma_wait3A_4213 = arith.constant 0 : i32
    %dma_wait3A_4214 = tpu.memref_slice %arg3[%add3A_3512, %dma_wait3A_4213] : memref<73728x64xf32, #tpu.memory_space<hbm>> -> memref<384x64xf32, #tpu.memory_space<hbm>>
    tpu.wait_dma2 semaphore(%arg9 : memref<!tpu.dma_semaphore, #tpu.memory_space<semaphore_mem>>) src(%arg4 : memref<384x64xf32, #tpu.memory_space<vmem>>) dst(%dma_wait3A_4214 : memref<384x64xf32, #tpu.memory_space<hbm>>)
    %dma_wait3A_4215 = arith.constant 0 : i32
    %dma_wait3A_4216 = tpu.memref_slice %arg3[%add3A_4206, %dma_wait3A_4215] : memref<73728x64xf32, #tpu.memory_space<hbm>> -> memref<384x64xf32, #tpu.memory_space<hbm>>
    %dma_wait3A_4217 = arith.constant 0 : i32
    %dma_wait3A_4218 = tpu.memref_slice %arg3[%add3A_4206, %dma_wait3A_4217] : memref<73728x64xf32, #tpu.memory_space<hbm>> -> memref<384x64xf32, #tpu.memory_space<hbm>>
    tpu.wait_dma2 semaphore(%arg10 : memref<!tpu.dma_semaphore, #tpu.memory_space<semaphore_mem>>) src(%arg5 : memref<384x64xf32, #tpu.memory_space<vmem>>) dst(%dma_wait3A_4218 : memref<384x64xf32, #tpu.memory_space<hbm>>)
    return
  }
}

</mosaic_0001>

<sc_bundles>
// kernel: kernel.3.cloned.1.call-start
scs
__scs_entry_jumppad:
0x0: {  	(pc) =	sbr.rel $0x88, $3  }
0x1: {  	(tag) =	ssettag $0x0;
	lr =	simm.s32 $0x1  }
0x2: {  	[smem:$0x3FA0] =	sst lr;
	_ =	strace $0xD0000000  }
0x3: {  	_ = 	snop  }
0x4: {  	_ = 	snop  }
0x5: {  	_ = 	snop  }
0x6: {  	_ = 	snop  }
0x7: {  	_ = 	snop  }
__scs_overlays_trampoline_lowered:
0x8: {  	[smem:$0x3FAF] =	sst s0  }
0x9: {  	[smem:$0x3FB0] =	sst s1  }
0xa: {  	[smem:$0x3FB1] =	sst s2  }
0xb: {  	[smem:$0x3FB2] =	sst s3  }
0xc: {  	[smem:$0x3FB3] =	sst s4  }
0xd: {  	[smem:$0x3FB4] =	sst s5  }
0xe: {  	[smem:$0x3FB5] =	sst s6  }
0xf: {  	[smem:$0x3FB6] =	sst s7  }
0x10: {  	[smem:$0x3FB7] =	sst s8  }
0x11: {  	[smem:$0x3FB8] =	sst s9;
	s0 =	simm.s32 @!p0 $0x0  }
0x12: {  	s1 =	sld [smem:$0x3F9E];
	s0 =	simm.s32 @p0 $0x1  }
0x13: {  	[smem:$0x3FB9] =	sst s0;
	s0 =	simm.s32 @!p1 $0x0  }
0x14: {  	s2 =	sld [smem:$0x3F9D];
	s0 =	simm.s32 @p1 $0x1  }
0x15: {  	[smem:$0x3FBA] =	sst s0;
	s0 =	simm.s32 @!p2 $0x0  }
0x16: {  	s3 =	sld [smem:$0x3FDB];
	s0 =	simm.s32 @p2 $0x1  }
0x17: {  	s4 =	simm.s32 $0x1BF5;
	[smem:$0x3FBC] =	sst s0  }
0x18: {  	s0 =	sld [smem:$0x3F9F];
	_ =	swait.ge [sflag:s4], $0x0  }
0x19: {  	s7 =	sld [smem:$0x3FA0]  }
0x1a: {  	s8 =	sadd.s32 $0xFFFFE003, lr  }
0x1b: {  	s9 =	sadd.s32 $0xFFFFFEF7, lr;
	s5 =	simm.s32 $0xFFFFFFFF;
	p2 =	slt.u32 s8, $0xFFFFF086  }
0x1c: {  	p1 =	slt.u32 s9, $0xF7A;
	s5 =	simm.s32 @!p2 $0x0  }
0x1d: {  	s5 =	simm.s32 @p1 $0x1;
	p0 =	seq.s32 s7, s2  }
0x1e: {  	s7 =	smul.u32 @!p0 $0xF7A, s2;
	p2 =	seq.s32 @!p0 s5, $0x0  }
0x1f: {  	s9 =	smul.u32 $0xF7A, s1;
	s8 =	simm.s32 @!p0 $0x1BF5;
	p2 =	por !p2, p0  }
0x20: {  	[sflag:s8] =	ssyncset.s32 @!p0 $0xFFFFF086;
	s6 =	sadd.s32 @!p0 s3, s7;
	s7 =	simm.s32 @!p0 $0x108  }
0x21: {  	s3 =	sadd.s32 s3, s9;
	s6 =	sadd.s32 @!p0 $0x88, s6;
	s7 =	simm.s32 @p2 $0x1082  }
0x22: {  	[simem:s7], [sflag:s8] =	dma.local @!p0 [hbm:s6], $0xF7A  }
0x23: {  	s9 =	sor.u32 $0xD0000000, s2;
	s6 =	simm.s32 $0x108;
	_ =	swait.ge @!p0 [sflag:s8], $0x0  }
0x24: {  	s3 =	sadd.s32 $0x88, s3;
	s6 =	simm.s32 @!p1 $0x1082;
	[sflag:s4] =	ssyncset.s32 $0xFFFFF086  }
0x25: {  	[simem:s6], [sflag:s4] =	dma.local [hbm:s3], $0xF7A  }
0x26: {  	[smem:$0x3FA0] =	sst s1;
	(tag) =	ssettag s2;
	_ =	strace s9  }
0x27: {  	s1 =	sld [smem:$0x3FB0]  }
0x28: {  	s2 =	sld [smem:$0x3FB1]  }
0x29: {  	s4 =	sld [smem:$0x3FB3]  }
0x2a: {  	p0 =	seq.s32 s5, $0x0;
	s5 =	sld [smem:$0x3FB4]  }
0x2b: {  	s6 =	sld [smem:$0x3FB5]  }
0x2c: {  	s7 =	sld [smem:$0x3FB6]  }
0x2d: {  	s3 =	simm.s32 $0x108;
	s8 =	sld [smem:$0x3FB7]  }
0x2e: {  	s3 =	simm.s32 @!p0 $0x1082;
	s9 =	sld [smem:$0x3FB8]  }
0x2f: {  	lr =	sadd.s32 s0, s3;
	s0 =	sld [smem:$0x3FAF]  }
0x30: {  	s3 =	sld [smem:$0x3FB2]  }
0x31: {  	[smem:$0x3FBB] =	sst s10  }
0x32: {  	s10 =	sld [smem:$0x3FB9];
	_ =	sdelay $0x3  }
0x33: {  	p0 =	seq.s32 s10, $0x1;
	s10 =	sld [smem:$0x3FBB];
	_ =	sdelay $0x3  }
0x34: {  	[smem:$0x3FBB] =	sst s10  }
0x35: {  	s10 =	sld [smem:$0x3FBA];
	_ =	sdelay $0x3  }
0x36: {  	p1 =	seq.s32 s10, $0x1;
	s10 =	sld [smem:$0x3FBB];
	_ =	sdelay $0x3  }
0x37: {  	[smem:$0x3FBB] =	sst s10  }
0x38: {  	s10 =	sld [smem:$0x3FBC]  }
0x39: {  	_ = 	snop;
	(pc) =	sbr.ind lr, $3  }
0x3a: {  	_ = 	snop  }
0x3b: {  	_ = 	snop  }
0x3c: {  	p2 =	seq.s32 s10, $0x1;
	s10 =	sld [smem:$0x3FBB]  }
0x3d: {  	_ =	shalt  }
0x3e: {  	_ =	shalt  }
0x3f: {  	_ =	shalt  }
0x40: {  	_ =	shalt  }
0x41: {  	_ =	shalt  }
0x42: {  	_ =	shalt  }
0x43: {  	_ =	shalt  }
0x44: {  	_ =	shalt  }
0x45: {  	_ =	shalt  }
0x46: {  	_ =	shalt  }
0x47: {  	_ =	shalt  }
0x48: {  	_ =	shalt  }
0x49: {  	_ =	shalt  }
0x4a: {  	_ =	shalt  }
0x4b: {  	_ =	shalt  }
0x4c: {  	_ =	shalt  }
0x4d: {  	_ =	shalt  }
0x4e: {  	_ =	shalt  }
0x4f: {  	_ =	shalt  }
0x50: {  	_ =	shalt  }
0x51: {  	_ =	shalt  }
0x52: {  	_ =	shalt  }
0x53: {  	_ =	shalt  }
0x54: {  	_ =	shalt  }
0x55: {  	_ =	shalt  }
0x56: {  	_ =	shalt  }
0x57: {  	_ =	shalt  }
0x58: {  	_ =	shalt  }
0x59: {  	_ =	shalt  }
0x5a: {  	_ =	shalt  }
0x5b: {  	_ =	shalt  }
0x5c: {  	_ =	shalt  }
0x5d: {  	_ =	shalt  }
0x5e: {  	_ =	shalt  }
0x5f: {  	_ =	shalt  }
0x60: {  	_ =	shalt  }
0x61: {  	_ =	shalt  }
0x62: {  	_ =	shalt  }
0x63: {  	_ =	shalt  }
0x64: {  	_ =	shalt  }
0x65: {  	_ =	shalt  }
0x66: {  	_ =	shalt  }
0x67: {  	_ =	shalt  }
0x68: {  	_ =	shalt  }
0x69: {  	_ =	shalt  }
0x6a: {  	_ =	shalt  }
0x6b: {  	_ =	shalt  }
0x6c: {  	_ =	shalt  }
0x6d: {  	_ =	shalt  }
0x6e: {  	_ =	shalt  }
0x6f: {  	_ =	shalt  }
0x70: {  	_ =	shalt  }
0x71: {  	_ =	shalt  }
0x72: {  	_ =	shalt  }
0x73: {  	_ =	shalt  }
0x74: {  	_ =	shalt  }
0x75: {  	_ =	shalt  }
0x76: {  	_ =	shalt  }
0x77: {  	_ =	shalt  }
0x78: {  	_ =	shalt  }
0x79: {  	_ =	shalt  }
0x7a: {  	_ =	shalt  }
0x7b: {  	_ =	shalt  }
0x7c: {  	_ =	shalt  }
0x7d: {  	_ =	shalt  }
0x7e: {  	_ =	shalt  }
0x7f: {  	_ =	shalt  }
0x80: {  	_ =	shalt  }
0x81: {  	_ =	shalt  }
0x82: {  	_ =	shalt  }
0x83: {  	_ =	shalt  }
0x84: {  	_ =	shalt  }
0x85: {  	_ =	shalt  }
0x86: {  	_ =	shalt  }
0x87: {  	_ =	shalt  }
.Lfunc_end0:
.L_simem_size_0:
called_computation_lowered:
.L_overlay_start_0:
0x88: {  	s2 =	sld [smem:$0x3FD9]  }
0x89: {  	s3 =	sld [smem:$0x3FFE];
	_ =	sdelay $0x1  }
0x8a: {  	s1 =	srdreg.scid  }
0x8b: {  	s0 =	sand.u32 $0x1, s1  }
0x8c: {  	s16 =	sshll.u32 s0, $0xA;
	s2 =	sadd.s32 s3, s2  }
0x8d: {  	s2 =	sadd.s32 s2, s16  }
0x8e: {  	[smem:$0x3FC7] =	sst s2  }
0x8f: {  	_ = 	snop  }
0x90: {  	(tm) =	ssettm $0x1  }
0x91: {  	s17 =	sld [smem:$0x3FFB];
	_ =	sdelay $0x3  }
0x92: {  	_ =	strace s17  }
0x93: {  	s2 =	sld [smem:$0x3FFC];
	_ =	sdelay $0x3  }
0x94: {  	_ =	strace s2  }
0x95: {  	s2 =	sld [smem:$0x3FFD];
	_ =	sdelay $0x3  }
0x96: {  	_ =	strace s2  }
0x97: {  	_ =	strace $0x8FFFFFFF  }
0x98: {  	s18 =	sld [smem:$0x3FDB];
	_ =	sdelay $0x1  }
0x99: {  	s19 =	simm.s32 $_scs_section_size  }
0x9a: {  	s4 =	simm.s32 $_size__tile_overlayer_lowered;
	s5 =	simm.s32 $_tile_overlayer_lowered  }
0x9b: {  	s22 =	simm.s32 $0x1BFF;
	s21 =	sshll.u32 s5, $0x1;
	s2 =	sadd.s32 s19, s18  }
0x9c: {  	s6 =	simm.s32 $0x0;
	s20 =	sshll.u32 s4, $0x1;
	s4 =	sadd.s32 s21, s2  }
0x9d: {  	[timem:s6], [sflag:s22] =	dma.local [hbm:s4], s20  }
0x9e: {  	_ =	swait.ge [sflag:s22], s20  }
0x9f: {  	s3 =	ssub.s32 $0x0, s20;
	[sflag:s22] =	ssyncset.done $0x0  }
0xa0: {  	[sflag:s22] =	ssyncadd.s32 s3;
	_ =	sdelay $0x1  }
0xa1: {  	s23 =	simm.s32 $0x1B8B  }
0xa2: {  	_ =	swait.ge [sflag:s23], $0x1  }
0xa3: {  	[sflag:s23] =	ssyncset.done $0x0  }
0xa4: {  	s25 =	simm.s32 $0x1B8E;
	s24 =	sld [smem:$0x3FFE];
	[sflag:s23] =	ssyncadd.s32 $0xFFFFFFFF  }
0xa5: {  	s26 =	simm.s32 $execute0_lowered;
	[smem:$0x3FD2] =	sst s25  }
0xa6: {  	s4 =	sshll.u32 s26, $0x1;
	_ =	strace $0x80000046;
	[dreg:$0x1] =	wrdreg $0xFFFFFFFF  }
0xa7: {  	s28 =	simm.s32 $_size_execute0_lowered;
	s2 =	sadd.s32 s2, s4;
	[dreg:$0x0] =	wrdreg $0x0  }
0xa8: {  	s4 =	sshll.u32 s28, $0x1;
	[dreg:$0x2] =	wrdreg s2  }
0xa9: {  	[dreg:$0x3] =	wrdreg s4  }
0xaa: {  	[dreg:$0x4] =	wrdreg $0xC0  }
0xab: {  	_ =	task [dreg:s6], $0x5FFFF  }
0xac: {  	[dreg:$0x1] =	wrdreg $0xFFFFFFFF  }
0xad: {  	[dreg:$0x0] =	wrdreg $0x60  }
0xae: {  	[dreg:$0x2] =	wrdreg s24  }
0xaf: {  	[dreg:$0x3] =	wrdreg $0x9  }
0xb0: {  	_ =	task.clear_ibuf [dreg:s6], $0x4FFFF;
	_ =	strace $0x90000046  }
0xb1: {  	s29 =	simm.s32 $0x9;
	_ =	strace $0x80000048  }
0xb2: {  	_ =	swait.ge [sflag:s29], $0x1  }
0xb3: {  	[sflag:s29] =	ssyncadd.s32 $0xFFFFFFFF  }
0xb4: {  	_ =	strace $0x90000048  }
0xb5: {  	_ =	sfence  }
0xb6: {  	s30 =	sld [smem:$0x0];
	_ =	sdelay $0x2  }
0xb7: {  	s31 =	sshll.u32 s1, $0xD;
	s1 =	sshrl.u32 s1, $0x2  }
0xb8: {  	s3 =	sand.u32 $0x4000, s31;
	s1 =	sadd.s32 s1, s30  }
0xb9: {  	s0 =	sor.u32 s3, s0;
	s1 =	sshll.u32 s1, $0x11  }
0xba: {  	s0 =	sor.u32 s1, s0  }
0xbb: {  	s0 =	sadd.s32 $0x8F2B, s0  }
0xbc: {  	[sflag:s0] =	ssyncadd.remote.s32 $0x1  }
0xbd: {  	_ =	sfence.sel $0xFFFF  }
0xbe: {  	[dreg:$0x0] =	wrdreg $0xFFFFFFFF;
	(pc) =	sbr.abs _section_cstart, $3  }
0xbf: {  	[dreg:$0x1] =	wrdreg $0xFFFFFFFF  }
0xc0: {  	_ =	task.clear_ibuf [dreg:s6], $0x2FFFF;
	_ =	strace $0x9FFFFFFF  }
0xc1: {  	(tm) =	ssettm $0x7FFFFFFF  }
tec
execute0_lowered:
.L_overlay_start_1:
0x0: {  	(tag) =	ssettag $0x1  }
0x1: {  	s3 =	rddreg [dreg:$0x0]  }
0x2: {  	s0 =	rddreg [dreg:$0x1]  }
0x3: {  	s4 =	srdreg.scid;
	s1 =	stileid.u32;
	s2 =	simm.s32 $0x0  }
0x4: {  	s18 =	simm.s32 $0x3;
	s4 =	sand.u32 $0x1, s4;
	s5 =	sshll.u32 s1, $0x1  }
0x5: {  	s19 =	simm.s32 $0x2;
	s20 =	simm.s32 $0x4;
	s5 =	sor.u32 s4, s5  }
0x6: {  	[smem:$0x7FF] =	sst s2;
	s4 =	ssub.s32 $0x2, s4;
	s6 =	smul.u32 $0x48000, s5  }
0x7: {  	s12 =	sadd.s32 $0x400, s3;
	s5 =	smul.u32 $0x9000, s5;
	s31 =	sshrl.u32 s4, $0x1  }
0x8: {  	s14 =	sadd.s32 $0x120400, s3;
	_ =	strace $0x80000047;
	s15 =	ssub.s32 s4, s31  }
0x9: {  	s13 =	sshrl.u32 s6, $0x3;
	s3 =	sadd.s32 s12, s5;
	s5 =	sadd.s32 s14, s5  }
0xa: {  	s15 =	smax.u32 s15, $0x1;
	s7 =	sadd.s32 $0x1800, s13;
	s9 =	sadd.s32 $0x3000, s13  }
0xb: {  	s11 =	sadd.s32 $0x4800, s13;
	s16 =	sadd.s32 $0x6000, s13;
	s17 =	sadd.s32 $0x7800, s13  }
0xc: {  	s4 =	sadd.s32 s12, s7;
	s6 =	sadd.s32 s12, s9;
	s7 =	sadd.s32 s14, s7  }
0xd: {  	s8 =	sadd.s32 s12, s11;
	s9 =	sadd.s32 s14, s9;
	s10 =	sadd.s32 s12, s16  }
0xe: {  	s11 =	sadd.s32 s14, s11;
	s12 =	sadd.s32 s12, s17;
	s13 =	sadd.s32 s14, s16  }
0xf: {  	v0 =	vlaneseq.u32;
	s14 =	sadd.s32 s14, s17;
	s16 =	simm.s32 $0xC000;
	s17 =	simm.s32 $0x1  }
.LBB2_1:
0x10: {  	[tilespmem:s2], [sflag:$0x1] =	stream.linear.gather [hbm4b:s3+s2], $0xC000, $0x38;
	[tilespmem:$0x18080] =	vst v63  }
0x11: {  	_ = 	snop  }
0x12: {  	[tilespmem:s16], [sflag:$0x2] =	stream.linear.gather [hbm4b:s4+s2], $0xC000, $0x38;
	[tilespmem:$0x18080] =	vst v63  }
0x13: {  	_ =	swait.ge [sflag:s17], $0xC000  }
0x14: {  	[sflag:s17] =	ssyncset.done $0x0  }
0x15: {  	[sflag:s17] =	ssyncadd.s32 $0xFFFF4000  }
0x16: {  	v1 =	vld [tilespmem:$0x1A80]  }
0x17: {  	v2 =	vld [tilespmem:$0x1A8F]  }
0x18: {  	v3 =	vld [tilespmem:$0x1A9F]  }
0x19: {  	v4 =	vld [tilespmem:$0x1CB0]  }
0x1a: {  	v5 =	vld [tilespmem:$0x1AAF]  }
0x1b: {  	v51 =	vld [tilespmem:$0x1CA1]  }
0x1c: {  	v55 =	vld [tilespmem:$0x22AF]  }
0x1d: {  	v57 =	vld [tilespmem:$0x232F];
	[tilespmem:$0x18001] =	vst v1  }
0x1e: {  	v63 =	vld [tilespmem:$0x3E21];
	[tilespmem:$0x1A90] =	vst v2  }
0x1f: {  	v12 =	vld [tilespmem:$0x4E2F];
	[tilespmem:$0x1AA0] =	vst v3  }
0x20: {  	v21 =	vld [tilespmem:$0x702F];
	[tilespmem:$0x1AB0] =	vst v5  }
0x21: {  	v2 =	vld [tilespmem:$0x1C91];
	[tilespmem:$0x1CA0] =	vst v51  }
0x22: {  	v6 =	vld [tilespmem:$0x2280];
	[tilespmem:$0x22B0] =	vst v55  }
0x23: {  	[tilespmem:$0x2330] =	vst v57;
	v1 =	vld [tilespmem:$0x18000]  }
0x24: {  	v61 =	vld [tilespmem:$0x3E11];
	[tilespmem:$0x3E20] =	vst v63  }
0x25: {  	v23 =	vld [tilespmem:$0x7AAF];
	[tilespmem:$0x4E30] =	vst v12  }
0x26: {  	v52 =	vld [tilespmem:$0x2300];
	[tilespmem:$0x7030] =	vst v21  }
0x27: {  	vm0 =	veq.s32 v0, $0x0;
	v54 =	vld [tilespmem:$0x3100];
	[tilespmem:$0x18000] =	vst v4  }
0x28: {  	v3 =	vld [tilespmem:$0x18001];
	[tilespmem:$0x18001] =	vst v6;
	v1 =	vsel vm0, $0x0, v1  }
0x29: {  	[tilespmem:$0x1A80] =	vst v1;
	v1 =	vld [tilespmem:$0x1C81]  }
0x2a: {  	[tilespmem:$0x7AB0] =	vst v23;
	v53 =	vld [tilespmem:$0x18000]  }
0x2b: {  	v27 =	vld [tilespmem:$0xB481];
	[tilespmem:$0x18001] =	vst v52  }
0x2c: {  	[tilespmem:$0x1C90] =	vst v2;
	v2 =	vld [tilespmem:$0x229F]  }
0x2d: {  	vm1 =	veq.s32 v0, $0xF;
	v56 =	vld [tilespmem:$0x18000];
	[tilespmem:$0x18001] =	vst v54  }
0x2e: {  	v3 =	vsel vm1, $0x0, v3;
	[tilespmem:$0x1C80] =	vst v1;
	v1 =	vld [tilespmem:$0x228F]  }
0x2f: {  	v59 =	vld [tilespmem:$0x3E30];
	[tilespmem:$0x1CB0] =	vst v3;
	v3 =	vsel vm0, $0x0, v53  }
0x30: {  	[tilespmem:$0x2280] =	vst v3;
	v3 =	vld [tilespmem:$0x230F]  }
0x31: {  	[tilespmem:$0x22A0] =	vst v2;
	v2 =	vld [tilespmem:$0x18000]  }
0x32: {  	[tilespmem:$0xB480] =	vst v27  }
0x33: {  	v5 =	vsel vm0, $0x0, v56;
	[tilespmem:$0x2290] =	vst v1;
	v1 =	vld [tilespmem:$0x231F]  }
0x34: {  	v60 =	vld [tilespmem:$0x4200];
	[tilespmem:$0x2300] =	vst v5  }
0x35: {  	[tilespmem:$0x2310] =	vst v3;
	v3 =	vld [tilespmem:$0x311F]  }
0x36: {  	v58 =	vld [tilespmem:$0x310F];
	[tilespmem:$0x18000] =	vst v59;
	v2 =	vsel vm0, $0x0, v2  }
0x37: {  	[tilespmem:$0x3100] =	vst v2;
	v2 =	vld [tilespmem:$0x3E01]  }
0x38: {  	[tilespmem:$0x2320] =	vst v1;
	v1 =	vld [tilespmem:$0x312F]  }
0x39: {  	v62 =	vld [tilespmem:$0x18001];
	[tilespmem:$0x18001] =	vst v60  }
0x3a: {  	[tilespmem:$0x3120] =	vst v3;
	v3 =	vld [tilespmem:$0x4E00]  }
0x3b: {  	v9 =	vld [tilespmem:$0x421F];
	[tilespmem:$0x3110] =	vst v58  }
0x3c: {  	[tilespmem:$0x3E00] =	vst v2;
	v2 =	vld [tilespmem:$0x420F]  }
0x3d: {  	[tilespmem:$0x3130] =	vst v1;
	v1 =	vld [tilespmem:$0x18000]  }
0x3e: {  	v11 =	vld [tilespmem:$0x4E0F];
	[tilespmem:$0x3E10] =	vst v61  }
0x3f: {  	v6 =	vsel vm1, $0x0, v62;
	[tilespmem:$0x18001] =	vst v3;
	v3 =	vld [tilespmem:$0x422F]  }
0x40: {  	[tilespmem:$0x3E30] =	vst v6;
	v10 =	vld [tilespmem:$0x18000]  }
0x41: {  	v13 =	vld [tilespmem:$0x6180];
	[tilespmem:$0x4220] =	vst v9  }
0x42: {  	[tilespmem:$0x4210] =	vst v2;
	v2 =	vld [tilespmem:$0x5B30];
	v1 =	vsel vm0, $0x0, v1  }
0x43: {  	[tilespmem:$0x4200] =	vst v1;
	v1 =	vld [tilespmem:$0x4E1F]  }
0x44: {  	v14 =	vld [tilespmem:$0x5B11];
	[tilespmem:$0x4230] =	vst v3  }
0x45: {  	v15 =	vld [tilespmem:$0x7000];
	v3 =	vsel vm0, $0x0, v10;
	[tilespmem:$0x4E10] =	vst v11  }
0x46: {  	[tilespmem:$0x4E00] =	vst v3;
	v3 =	vld [tilespmem:$0x5B01]  }
0x47: {  	[tilespmem:$0x18000] =	vst v2;
	v2 =	vld [tilespmem:$0x5B21]  }
0x48: {  	v18 =	vld [tilespmem:$0x7A80];
	[tilespmem:$0x4E20] =	vst v1  }
0x49: {  	v1 =	vld [tilespmem:$0x18001];
	[tilespmem:$0x18001] =	vst v13  }
0x4a: {  	[tilespmem:$0x5B10] =	vst v14;
	v16 =	vld [tilespmem:$0x18000]  }
0x4b: {  	[tilespmem:$0x5B00] =	vst v3;
	v3 =	vld [tilespmem:$0x618F]  }
0x4c: {  	v20 =	vld [tilespmem:$0x7E00];
	[tilespmem:$0x5B20] =	vst v2  }
0x4d: {  	v2 =	vld [tilespmem:$0x61AF];
	[tilespmem:$0x18001] =	vst v15  }
0x4e: {  	v19 =	vld [tilespmem:$0x18000];
	[tilespmem:$0x18001] =	vst v18;
	v1 =	vsel vm1, $0x0, v1  }
0x4f: {  	v17 =	vld [tilespmem:$0x619F];
	[tilespmem:$0x5B30] =	vst v1  }
0x50: {  	v1 =	vsel vm0, $0x0, v16;
	[tilespmem:$0x6190] =	vst v3;
	v3 =	vld [tilespmem:$0x701F]  }
0x51: {  	[tilespmem:$0x6180] =	vst v1;
	v1 =	vld [tilespmem:$0x700F]  }
0x52: {  	v22 =	vld [tilespmem:$0x18000];
	[tilespmem:$0x18001] =	vst v20  }
0x53: {  	v26 =	vld [tilespmem:$0xB4B0];
	[tilespmem:$0x61B0] =	vst v2;
	v2 =	vsel vm0, $0x0, v19  }
0x54: {  	[tilespmem:$0x7000] =	vst v2;
	v2 =	vld [tilespmem:$0x7A8F]  }
0x55: {  	[tilespmem:$0x7020] =	vst v3;
	v3 =	vld [tilespmem:$0x18000]  }
0x56: {  	[tilespmem:$0x7010] =	vst v1;
	v1 =	vld [tilespmem:$0x7A9F]  }
0x57: {  	v25 =	vld [tilespmem:$0x7E0F];
	[tilespmem:$0x61A0] =	vst v17  }
0x58: {  	v28 =	vld [tilespmem:$0xB4A1];
	v24 =	vsel vm0, $0x0, v22;
	[tilespmem:$0x18000] =	vst v26  }
0x59: {  	[tilespmem:$0x7A80] =	vst v24;
	v29 =	vld [tilespmem:$0x18001]  }
0x5a: {  	[tilespmem:$0x7A90] =	vst v2;
	v2 =	vld [tilespmem:$0x7E1F]  }
0x5b: {  	v3 =	vsel vm0, $0x0, v3;
	[tilespmem:$0x7AA0] =	vst v1;
	v1 =	vld [tilespmem:$0x7E2F]  }
0x5c: {  	[tilespmem:$0x7E00] =	vst v3;
	v3 =	vld [tilespmem:$0xB491]  }
0x5d: {  	[tilespmem:$0x7E10] =	vst v25  }
0x5e: {  	[tilespmem:$0xB4A0] =	vst v28  }
0x5f: {  	[tilespmem:$0x7E20] =	vst v2  }
0x60: {  	[tilespmem:$0x7E30] =	vst v1  }
0x61: {  	[tilespmem:$0xB490] =	vst v3;
	v1 =	vsel vm1, $0x0, v29  }
0x62: {  	[tilespmem:$0xB4B0] =	vst v1  }
0x63: {  	[hbm4b:s5+s2] =	stream.linear.scatter [tilespmem:s2], [sflag:$0x3], $0xC000, $0x38;
	[tilespmem:$0x18080] =	vst v63  }
0x64: {  	_ =	swait.ge [sflag:s18], $0xC000  }
0x65: {  	[sflag:s18] =	ssyncset.done $0x0  }
0x66: {  	[sflag:s18] =	ssyncadd.s32 $0xFFFF4000  }
0x67: {  	[tilespmem:s2], [sflag:$0x1] =	stream.linear.gather [hbm4b:s6+s2], $0xC000, $0x38;
	[tilespmem:$0x18080] =	vst v63  }
0x68: {  	_ =	swait.ge [sflag:s19], $0xC000  }
0x69: {  	[sflag:s19] =	ssyncset.done $0x0  }
0x6a: {  	[sflag:s19] =	ssyncadd.s32 $0xFFFF4000  }
0x6b: {  	v1 =	vld [tilespmem:$0xC000]  }
0x6c: {  	v3 =	vld [tilespmem:$0xC00F]  }
0x6d: {  	v30 =	vld [tilespmem:$0xC01F]  }
0x6e: {  	v31 =	vld [tilespmem:$0xE680]  }
0x6f: {  	v32 =	vld [tilespmem:$0xC02F]  }
0x70: {  	v33 =	vld [tilespmem:$0xDC2F]  }
0x71: {  	[tilespmem:$0x18001] =	vst v1;
	v1 =	vld [tilespmem:$0xDC00]  }
0x72: {  	v2 =	vld [tilespmem:$0x18000]  }
0x73: {  	v35 =	vld [tilespmem:$0xE68F]  }
0x74: {  	v36 =	vld [tilespmem:$0xE6AF]  }
0x75: {  	v37 =	vld [tilespmem:$0xF301];
	[tilespmem:$0xC010] =	vst v3  }
0x76: {  	v39 =	vld [tilespmem:$0xFA8F];
	[tilespmem:$0x18001] =	vst v1  }
0x77: {  	[tilespmem:$0xC020] =	vst v30;
	v1 =	vsel vm0, $0x0, v2;
	v2 =	vld [tilespmem:$0x18000]  }
0x78: {  	v40 =	vld [tilespmem:$0xFA9F];
	[tilespmem:$0xC030] =	vst v32  }
0x79: {  	v3 =	vld [tilespmem:$0xDC1F];
	[tilespmem:$0xDC30] =	vst v33  }
0x7a: {  	v41 =	vld [tilespmem:$0x10001];
	[tilespmem:$0xE6B0] =	vst v36  }
0x7b: {  	[tilespmem:$0xC000] =	vst v1;
	v1 =	vld [tilespmem:$0xDC0F]  }
0x7c: {  	v50 =	vld [tilespmem:$0x1191F];
	[tilespmem:$0xF300] =	vst v37;
	v2 =	vsel vm0, $0x0, v2  }
0x7d: {  	[tilespmem:$0xDC00] =	vst v2;
	v2 =	vld [tilespmem:$0xF330]  }
0x7e: {  	v51 =	vld [tilespmem:$0x1192F];
	[tilespmem:$0xDC20] =	vst v3  }
0x7f: {  	v3 =	vld [tilespmem:$0xFA80];
	[tilespmem:$0x18001] =	vst v31  }
0x80: {  	[tilespmem:$0xDC10] =	vst v1;
	v1 =	vld [tilespmem:$0xE69F]  }
0x81: {  	[tilespmem:$0xFA90] =	vst v39;
	v34 =	vld [tilespmem:$0x18000]  }
0x82: {  	[tilespmem:$0x18000] =	vst v2;
	v2 =	vld [tilespmem:$0xF311]  }
0x83: {  	[tilespmem:$0x10000] =	vst v41;
	v38 =	vld [tilespmem:$0x18001]  }
0x84: {  	[tilespmem:$0x18001] =	vst v3;
	v3 =	vld [tilespmem:$0xF321]  }
0x85: {  	[tilespmem:$0xE6A0] =	vst v1;
	v1 =	vld [tilespmem:$0x18000]  }
0x86: {  	[tilespmem:$0x11920] =	vst v50  }
0x87: {  	[tilespmem:$0xF310] =	vst v2;
	v2 =	vld [tilespmem:$0x10030]  }
0x88: {  	v42 =	vld [tilespmem:$0x10021];
	[tilespmem:$0x11930] =	vst v51  }
0x89: {  	[tilespmem:$0xF320] =	vst v3;
	v3 =	vld [tilespmem:$0xFAAF]  }
0x8a: {  	v44 =	vld [tilespmem:$0x10291];
	[tilespmem:$0xE690] =	vst v35;
	v1 =	vsel vm0, $0x0, v1  }
0x8b: {  	[tilespmem:$0xFA80] =	vst v1;
	v1 =	vld [tilespmem:$0x10011]  }
0x8c: {  	v4 =	vsel vm0, $0x0, v34;
	[tilespmem:$0x18000] =	vst v2;
	v2 =	vld [tilespmem:$0x102B0]  }
0x8d: {  	v46 =	vld [tilespmem:$0x11900];
	[tilespmem:$0xE680] =	vst v4  }
0x8e: {  	[tilespmem:$0xFAB0] =	vst v3;
	v3 =	vld [tilespmem:$0x10281]  }
0x8f: {  	[tilespmem:$0xFAA0] =	vst v40;
	v43 =	vld [tilespmem:$0x18001]  }
0x90: {  	[tilespmem:$0x10010] =	vst v1;
	v1 =	vld [tilespmem:$0x102A1]  }
0x91: {  	v6 =	vsel vm1, $0x0, v38;
	[tilespmem:$0x18000] =	vst v2;
	v2 =	vld [tilespmem:$0x114B0]  }
0x92: {  	v47 =	vld [tilespmem:$0x11491];
	[tilespmem:$0xF330] =	vst v6  }
0x93: {  	[tilespmem:$0x10280] =	vst v3;
	v3 =	vld [tilespmem:$0x11481]  }
0x94: {  	v48 =	vld [tilespmem:$0x11C80];
	[tilespmem:$0x10020] =	vst v42  }
0x95: {  	v45 =	vld [tilespmem:$0x18001];
	[tilespmem:$0x102A0] =	vst v1  }
0x96: {  	[tilespmem:$0x18000] =	vst v2;
	v2 =	vld [tilespmem:$0x114A1]  }
0x97: {  	v1 =	vld [tilespmem:$0x18001];
	[tilespmem:$0x18001] =	vst v46  }
0x98: {  	[tilespmem:$0x11480] =	vst v3;
	v3 =	vld [tilespmem:$0x1190F]  }
0x99: {  	[tilespmem:$0x10290] =	vst v44;
	v49 =	vld [tilespmem:$0x18000]  }
0x9a: {  	[tilespmem:$0x11490] =	vst v47  }
0x9b: {  	[tilespmem:$0x114A0] =	vst v2;
	v2 =	vld [tilespmem:$0x12180]  }
0x9c: {  	[tilespmem:$0x18001] =	vst v48  }
0x9d: {  	v52 =	vld [tilespmem:$0x18000];
	v1 =	vsel vm1, $0x0, v1;
	[tilespmem:$0x11910] =	vst v3  }
0x9e: {  	v3 =	vld [tilespmem:$0x11C9F];
	[tilespmem:$0x114B0] =	vst v1;
	v1 =	vsel vm0, $0x0, v49  }
0x9f: {  	[tilespmem:$0x11900] =	vst v1;
	v1 =	vld [tilespmem:$0x11C8F]  }
0xa0: {  	v4 =	vsel vm1, $0x0, v43;
	[tilespmem:$0x18001] =	vst v2;
	v2 =	vld [tilespmem:$0x11CAF]  }
0xa1: {  	[tilespmem:$0x10030] =	vst v4;
	v5 =	vsel vm1, $0x0, v45;
	v53 =	vld [tilespmem:$0x18000]  }
0xa2: {  	[tilespmem:$0x102B0] =	vst v5;
	v54 =	vsel vm0, $0x0, v52  }
0xa3: {  	[tilespmem:$0x11C80] =	vst v54  }
0xa4: {  	[tilespmem:$0x11CA0] =	vst v3  }
0xa5: {  	v55 =	vld [tilespmem:$0x121AF];
	[tilespmem:$0x11C90] =	vst v1  }
0xa6: {  	v1 =	vld [tilespmem:$0x1218F];
	[tilespmem:$0x11CB0] =	vst v2;
	v2 =	vsel vm0, $0x0, v53  }
0xa7: {  	v3 =	vld [tilespmem:$0x1219F];
	[tilespmem:$0x12180] =	vst v2  }
0xa8: {  	v2 =	vld [tilespmem:$0x12330]  }
0xa9: {  	v56 =	vld [tilespmem:$0x12301]  }
0xaa: {  	v57 =	vld [tilespmem:$0x12311]  }
0xab: {  	[tilespmem:$0x12190] =	vst v1;
	v1 =	vld [tilespmem:$0x13D30]  }
0xac: {  	v58 =	vld [tilespmem:$0x16B80]  }
0xad: {  	v59 =	vld [tilespmem:$0x13D01]  }
0xae: {  	[tilespmem:$0x121A0] =	vst v3;
	v61 =	vld [tilespmem:$0x13D21]  }
0xaf: {  	[tilespmem:$0x18000] =	vst v2;
	v2 =	vld [tilespmem:$0x12321]  }
0xb0: {  	[tilespmem:$0x121B0] =	vst v55;
	v3 =	vld [tilespmem:$0x18001]  }
0xb1: {  	v9 =	vld [tilespmem:$0x16D8F];
	[tilespmem:$0x12300] =	vst v56  }
0xb2: {  	v11 =	vld [tilespmem:$0x17481];
	[tilespmem:$0x12310] =	vst v57  }
0xb3: {  	[tilespmem:$0x18000] =	vst v1;
	v1 =	vld [tilespmem:$0x13D11]  }
0xb4: {  	[tilespmem:$0x12320] =	vst v2;
	v2 =	vld [tilespmem:$0x16D80]  }
0xb5: {  	v60 =	vld [tilespmem:$0x18001];
	[tilespmem:$0x18001] =	vst v58;
	v3 =	vsel vm1, $0x0, v3  }
0xb6: {  	[tilespmem:$0x12330] =	vst v3;
	v3 =	vld [tilespmem:$0x18000]  }
0xb7: {  	v10 =	vld [tilespmem:$0x16D9F];
	[tilespmem:$0x13D00] =	vst v59  }
0xb8: {  	[tilespmem:$0x13D10] =	vst v1;
	v1 =	vld [tilespmem:$0x16B9F]  }
0xb9: {  	[tilespmem:$0x18001] =	vst v2;
	v2 =	vld [tilespmem:$0x16BAF]  }
0xba: {  	[tilespmem:$0x16D90] =	vst v9;
	v63 =	vld [tilespmem:$0x18000]  }
0xbb: {  	v62 =	vld [tilespmem:$0x16B8F];
	[tilespmem:$0x17480] =	vst v11;
	v3 =	vsel vm0, $0x0, v3  }
0xbc: {  	[tilespmem:$0x16B80] =	vst v3;
	v3 =	vld [tilespmem:$0x174B0]  }
0xbd: {  	[tilespmem:$0x13D20] =	vst v61  }
0xbe: {  	[tilespmem:$0x16BA0] =	vst v1  }
0xbf: {  	v1 =	vld [tilespmem:$0x16DAF];
	[tilespmem:$0x16BB0] =	vst v2;
	v2 =	vsel vm0, $0x0, v63  }
0xc0: {  	[tilespmem:$0x16D80] =	vst v2;
	v2 =	vld [tilespmem:$0x17491]  }
0xc1: {  	[tilespmem:$0x18000] =	vst v3;
	v3 =	vld [tilespmem:$0x174A1]  }
0xc2: {  	[tilespmem:$0x16B90] =	vst v62;
	v6 =	vsel vm1, $0x0, v60;
	v12 =	vld [tilespmem:$0x18001]  }
0xc3: {  	[tilespmem:$0x13D30] =	vst v6  }
0xc4: {  	[tilespmem:$0x16DA0] =	vst v10  }
0xc5: {  	[tilespmem:$0x16DB0] =	vst v1  }
0xc6: {  	[tilespmem:$0x17490] =	vst v2  }
0xc7: {  	[tilespmem:$0x174A0] =	vst v3;
	v1 =	vsel vm1, $0x0, v12  }
0xc8: {  	[tilespmem:$0x174B0] =	vst v1  }
0xc9: {  	[hbm4b:s7+s2] =	stream.linear.scatter [tilespmem:s16], [sflag:$0x4], $0xC000, $0x38;
	[tilespmem:$0x18080] =	vst v63  }
0xca: {  	_ =	swait.ge [sflag:s20], $0xC000  }
0xcb: {  	[sflag:s20] =	ssyncset.done $0x0  }
0xcc: {  	[sflag:s20] =	ssyncadd.s32 $0xFFFF4000  }
0xcd: {  	[tilespmem:s16], [sflag:$0x2] =	stream.linear.gather [hbm4b:s8+s2], $0xC000, $0x38;
	[tilespmem:$0x18080] =	vst v63  }
0xce: {  	_ =	swait.ge [sflag:s17], $0xC000  }
0xcf: {  	[sflag:s17] =	ssyncset.done $0x0  }
0xd0: {  	[sflag:s17] =	ssyncadd.s32 $0xFFFF4000  }
0xd1: {  	v1 =	vld [tilespmem:$0x3B0]  }
0xd2: {  	v2 =	vld [tilespmem:$0x381]  }
0xd3: {  	v3 =	vld [tilespmem:$0x391]  }
0xd4: {  	v13 =	vld [tilespmem:$0xC30]  }
0xd5: {  	v14 =	vld [tilespmem:$0x3A1]  }
0xd6: {  	v15 =	vld [tilespmem:$0xC01]  }
0xd7: {  	v16 =	vld [tilespmem:$0xC21]  }
0xd8: {  	v18 =	vld [tilespmem:$0xC91];
	[tilespmem:$0x18000] =	vst v1  }
0xd9: {  	v19 =	vld [tilespmem:$0xCA1];
	[tilespmem:$0x380] =	vst v2  }
0xda: {  	v24 =	vld [tilespmem:$0x672F];
	[tilespmem:$0x390] =	vst v3  }
0xdb: {  	v26 =	vld [tilespmem:$0x6B81];
	[tilespmem:$0x3A0] =	vst v14  }
0xdc: {  	v36 =	vld [tilespmem:$0x892F];
	[tilespmem:$0xC00] =	vst v15  }
0xdd: {  	v2 =	vld [tilespmem:$0xC11];
	[tilespmem:$0xC20] =	vst v16  }
0xde: {  	v38 =	vld [tilespmem:$0x962F];
	[tilespmem:$0xCA0] =	vst v19  }
0xdf: {  	v41 =	vld [tilespmem:$0xB781];
	[tilespmem:$0x6730] =	vst v24  }
0xe0: {  	[tilespmem:$0x6B80] =	vst v26;
	v1 =	vld [tilespmem:$0x18001]  }
0xe1: {  	v17 =	vld [tilespmem:$0xCB0];
	[tilespmem:$0x18000] =	vst v13  }
0xe2: {  	[tilespmem:$0x8930] =	vst v36;
	v3 =	vld [tilespmem:$0x18001]  }
0xe3: {  	[tilespmem:$0x9630] =	vst v38  }
0xe4: {  	[tilespmem:$0xC10] =	vst v2;
	v2 =	vld [tilespmem:$0x4030]  }
0xe5: {  	v20 =	vld [tilespmem:$0x6700];
	[tilespmem:$0xB780] =	vst v41;
	v1 =	vsel vm1, $0x0, v1  }
0xe6: {  	[tilespmem:$0x3B0] =	vst v1;
	v1 =	vld [tilespmem:$0xC81]  }
0xe7: {  	v22 =	vld [tilespmem:$0x4021];
	[tilespmem:$0x18000] =	vst v17;
	v3 =	vsel vm1, $0x0, v3  }
0xe8: {  	[tilespmem:$0xC30] =	vst v3;
	v3 =	vld [tilespmem:$0x18001]  }
0xe9: {  	[tilespmem:$0x18000] =	vst v2;
	v2 =	vld [tilespmem:$0x4011]  }
0xea: {  	v21 =	vld [tilespmem:$0x18001];
	[tilespmem:$0x18001] =	vst v20  }
0xeb: {  	[tilespmem:$0xC80] =	vst v1;
	v1 =	vld [tilespmem:$0x4001]  }
0xec: {  	[tilespmem:$0xC90] =	vst v18;
	v23 =	vld [tilespmem:$0x18000]  }
0xed: {  	v25 =	vld [tilespmem:$0x6C80];
	[tilespmem:$0x4020] =	vst v22;
	v3 =	vsel vm1, $0x0, v3  }
0xee: {  	[tilespmem:$0xCB0] =	vst v3;
	v3 =	vld [tilespmem:$0x670F]  }
0xef: {  	[tilespmem:$0x4010] =	vst v2;
	v2 =	vld [tilespmem:$0x6BB0]  }
0xf0: {  	v6 =	vsel vm1, $0x0, v21;
	[tilespmem:$0x4000] =	vst v1;
	v1 =	vld [tilespmem:$0x671F]  }
0xf1: {  	v27 =	vld [tilespmem:$0x7900];
	[tilespmem:$0x4030] =	vst v6;
	v4 =	vsel vm0, $0x0, v23  }
0xf2: {  	v29 =	vld [tilespmem:$0x6C8F];
	[tilespmem:$0x6700] =	vst v4  }
0xf3: {  	[tilespmem:$0x6710] =	vst v3;
	v3 =	vld [tilespmem:$0x6B91]  }
0xf4: {  	v30 =	vld [tilespmem:$0x8900];
	[tilespmem:$0x18000] =	vst v2  }
0xf5: {  	v2 =	vld [tilespmem:$0x6BA1];
	[tilespmem:$0x6720] =	vst v1  }
0xf6: {  	v1 =	vld [tilespmem:$0x18001];
	[tilespmem:$0x18001] =	vst v25  }
0xf7: {  	v28 =	vld [tilespmem:$0x18000];
	[tilespmem:$0x18001] =	vst v27  }
0xf8: {  	v33 =	vld [tilespmem:$0x9600];
	[tilespmem:$0x6B90] =	vst v3  }
0xf9: {  	v3 =	vld [tilespmem:$0x6C9F];
	[tilespmem:$0x6C90] =	vst v29  }
0xfa: {  	v31 =	vld [tilespmem:$0x18000];
	[tilespmem:$0x18001] =	vst v30  }
0xfb: {  	[tilespmem:$0x6BA0] =	vst v2;
	v2 =	vld [tilespmem:$0x6CAF];
	v1 =	vsel vm1, $0x0, v1  }
0xfc: {  	v35 =	vld [tilespmem:$0xA480];
	[tilespmem:$0x6BB0] =	vst v1;
	v1 =	vsel vm0, $0x0, v28  }
0xfd: {  	[tilespmem:$0x6C80] =	vst v1;
	v1 =	vld [tilespmem:$0x790F]  }
0xfe: {  	v34 =	vld [tilespmem:$0x18000];
	[tilespmem:$0x18001] =	vst v33  }
0xff: {  	[tilespmem:$0x6CA0] =	vst v3;
	v3 =	vld [tilespmem:$0x792F]  }
0x100: {  	v32 =	vld [tilespmem:$0x791F];
	[tilespmem:$0x6CB0] =	vst v2;
	v2 =	vsel vm0, $0x0, v31  }
0x101: {  	[tilespmem:$0x7900] =	vst v2;
	v2 =	vld [tilespmem:$0x890F]  }
0x102: {  	[tilespmem:$0x7910] =	vst v1;
	v1 =	vld [tilespmem:$0x891F]  }
0x103: {  	v37 =	vld [tilespmem:$0x18000];
	[tilespmem:$0x18001] =	vst v35  }
0x104: {  	v40 =	vld [tilespmem:$0xB7B0];
	[tilespmem:$0x7930] =	vst v3;
	v3 =	vsel vm0, $0x0, v34  }
0x105: {  	[tilespmem:$0x8900] =	vst v3;
	v3 =	vld [tilespmem:$0x960F]  }
0x106: {  	[tilespmem:$0x8910] =	vst v2;
	v2 =	vld [tilespmem:$0x961F]  }
0x107: {  	[tilespmem:$0x8920] =	vst v1;
	v1 =	vld [tilespmem:$0x18000]  }
0x108: {  	v39 =	vld [tilespmem:$0xA48F];
	[tilespmem:$0x7920] =	vst v32  }
0x109: {  	v42 =	vld [tilespmem:$0xB7A1];
	[tilespmem:$0x18000] =	vst v40  }
0x10a: {  	v5 =	vsel vm0, $0x0, v37;
	[tilespmem:$0x9610] =	vst v3;
	v3 =	vld [tilespmem:$0xA49F]  }
0x10b: {  	[tilespmem:$0x9600] =	vst v5;
	v43 =	vld [tilespmem:$0x18001]  }
0x10c: {  	[tilespmem:$0x9620] =	vst v2;
	v2 =	vld [tilespmem:$0xA4AF];
	v1 =	vsel vm0, $0x0, v1  }
0x10d: {  	[tilespmem:$0xA480] =	vst v1;
	v1 =	vld [tilespmem:$0xB791]  }
0x10e: {  	[tilespmem:$0xA490] =	vst v39  }
0x10f: {  	[tilespmem:$0xA4A0] =	vst v3  }
0x110: {  	[tilespmem:$0xB7A0] =	vst v42  }
0x111: {  	[tilespmem:$0xA4B0] =	vst v2  }
0x112: {  	[tilespmem:$0xB790] =	vst v1;
	v1 =	vsel vm1, $0x0, v43  }
0x113: {  	[tilespmem:$0xB7B0] =	vst v1  }
0x114: {  	[hbm4b:s9+s2] =	stream.linear.scatter [tilespmem:s2], [sflag:$0x3], $0xC000, $0x38;
	[tilespmem:$0x18080] =	vst v63  }
0x115: {  	_ =	swait.ge [sflag:s18], $0xC000  }
0x116: {  	[sflag:s18] =	ssyncset.done $0x0  }
0x117: {  	[sflag:s18] =	ssyncadd.s32 $0xFFFF4000  }
0x118: {  	[tilespmem:s2], [sflag:$0x1] =	stream.linear.gather [hbm4b:s10+s2], $0xC000, $0x38;
	[tilespmem:$0x18080] =	vst v63  }
0x119: {  	_ =	swait.ge [sflag:s19], $0xC000  }
0x11a: {  	[sflag:s19] =	ssyncset.done $0x0  }
0x11b: {  	[sflag:s19] =	ssyncadd.s32 $0xFFFF4000  }
0x11c: {  	v1 =	vld [tilespmem:$0xC600]  }
0x11d: {  	v2 =	vld [tilespmem:$0xC60F]  }
0x11e: {  	v3 =	vld [tilespmem:$0xC61F]  }
0x11f: {  	v44 =	vld [tilespmem:$0xC62F]  }
0x120: {  	v45 =	vld [tilespmem:$0xDD30]  }
0x121: {  	v46 =	vld [tilespmem:$0xDD01]  }
0x122: {  	v47 =	vld [tilespmem:$0x10000]  }
0x123: {  	v49 =	vld [tilespmem:$0xEB81]  }
0x124: {  	v50 =	vld [tilespmem:$0xEBA1];
	[tilespmem:$0x18001] =	vst v1  }
0x125: {  	[tilespmem:$0xC610] =	vst v2;
	v2 =	vld [tilespmem:$0xEBB0]  }
0x126: {  	[tilespmem:$0xC620] =	vst v3;
	v1 =	vld [tilespmem:$0x18000]  }
0x127: {  	v51 =	vld [tilespmem:$0x1000F];
	[tilespmem:$0xC630] =	vst v44  }
0x128: {  	v52 =	vld [tilespmem:$0x1001F];
	[tilespmem:$0xDD00] =	vst v46  }
0x129: {  	v53 =	vld [tilespmem:$0x1002F];
	[tilespmem:$0x18000] =	vst v45  }
0x12a: {  	[tilespmem:$0xEB80] =	vst v49;
	v48 =	vld [tilespmem:$0x18001]  }
0x12b: {  	[tilespmem:$0x18000] =	vst v2;
	v2 =	vld [tilespmem:$0xEB91];
	v1 =	vsel vm0, $0x0, v1  }
0x12c: {  	[tilespmem:$0xC600] =	vst v1;
	v1 =	vld [tilespmem:$0xDD11]  }
0x12d: {  	v56 =	vld [tilespmem:$0x11181];
	[tilespmem:$0x10010] =	vst v51  }
0x12e: {  	v3 =	vld [tilespmem:$0xDD21];
	[tilespmem:$0x10020] =	vst v52  }
0x12f: {  	v58 =	vld [tilespmem:$0x11901];
	[tilespmem:$0x10030] =	vst v53  }
0x130: {  	v59 =	vld [tilespmem:$0x11911];
	[tilespmem:$0xEB90] =	vst v2  }
0x131: {  	v2 =	vld [tilespmem:$0x109B0];
	[tilespmem:$0xDD10] =	vst v1  }
0x132: {  	v1 =	vld [tilespmem:$0x18001];
	[tilespmem:$0x18001] =	vst v47  }
0x133: {  	[tilespmem:$0xDD20] =	vst v3;
	v3 =	vld [tilespmem:$0x18000]  }
0x134: {  	v60 =	vld [tilespmem:$0x14981];
	[tilespmem:$0x11180] =	vst v56  }
0x135: {  	v54 =	vld [tilespmem:$0x109A1];
	[tilespmem:$0x11900] =	vst v58  }
0x136: {  	v61 =	vld [tilespmem:$0x14991];
	[tilespmem:$0x11910] =	vst v59  }
0x137: {  	[tilespmem:$0x18000] =	vst v2;
	v2 =	vld [tilespmem:$0x111B0];
	v1 =	vsel vm1, $0x0, v1  }
0x138: {  	[tilespmem:$0xEBB0] =	vst v1;
	v1 =	vsel vm0, $0x0, v3;
	v3 =	vld [tilespmem:$0x10981]  }
0x139: {  	v9 =	vld [tilespmem:$0x15221];
	[tilespmem:$0x14980] =	vst v60  }
0x13a: {  	[tilespmem:$0x10000] =	vst v1;
	v1 =	vld [tilespmem:$0x10991]  }
0x13b: {  	[tilespmem:$0x14990] =	vst v61;
	v55 =	vld [tilespmem:$0x18001]  }
0x13c: {  	[tilespmem:$0x18000] =	vst v2;
	v2 =	vld [tilespmem:$0x11930]  }
0x13d: {  	[tilespmem:$0x10980] =	vst v3;
	v3 =	vld [tilespmem:$0x11191]  }
0x13e: {  	v63 =	vld [tilespmem:$0x15211];
	[tilespmem:$0x15220] =	vst v9  }
0x13f: {  	[tilespmem:$0x10990] =	vst v1;
	v1 =	vld [tilespmem:$0x111A1]  }
0x140: {  	[tilespmem:$0xEBA0] =	vst v50;
	v57 =	vld [tilespmem:$0x18001]  }
0x141: {  	[tilespmem:$0x18000] =	vst v2;
	v2 =	vld [tilespmem:$0x149B0]  }
0x142: {  	v4 =	vsel vm1, $0x0, v48;
	[tilespmem:$0x11190] =	vst v3;
	v3 =	vld [tilespmem:$0x11921]  }
0x143: {  	v62 =	vld [tilespmem:$0x15230];
	[tilespmem:$0xDD30] =	vst v4  }
0x144: {  	[tilespmem:$0x111A0] =	vst v1;
	v1 =	vld [tilespmem:$0x18001]  }
0x145: {  	[tilespmem:$0x109A0] =	vst v54  }
0x146: {  	[tilespmem:$0x18000] =	vst v2  }
0x147: {  	v2 =	vld [tilespmem:$0x149A1];
	[tilespmem:$0x11920] =	vst v3  }
0x148: {  	v6 =	vsel vm1, $0x0, v55;
	v3 =	vld [tilespmem:$0x18001];
	[tilespmem:$0x18000] =	vst v62  }
0x149: {  	[tilespmem:$0x109B0] =	vst v6;
	v1 =	vsel vm1, $0x0, v1;
	v10 =	vld [tilespmem:$0x18001]  }
0x14a: {  	v4 =	vsel vm1, $0x0, v57;
	[tilespmem:$0x11930] =	vst v1;
	v1 =	vld [tilespmem:$0x15201]  }
0x14b: {  	[tilespmem:$0x111B0] =	vst v4  }
0x14c: {  	[tilespmem:$0x149A0] =	vst v2  }
0x14d: {  	[tilespmem:$0x15210] =	vst v63;
	v3 =	vsel vm1, $0x0, v3  }
0x14e: {  	[tilespmem:$0x149B0] =	vst v3  }
0x14f: {  	[tilespmem:$0x15200] =	vst v1;
	v1 =	vsel vm1, $0x0, v10  }
0x150: {  	[tilespmem:$0x15230] =	vst v1  }
0x151: {  	[hbm4b:s11+s2] =	stream.linear.scatter [tilespmem:s16], [sflag:$0x4], $0xC000, $0x38;
	[tilespmem:$0x18080] =	vst v63  }
0x152: {  	_ =	swait.ge [sflag:s20], $0xC000  }
0x153: {  	[sflag:s20] =	ssyncset.done $0x0  }
0x154: {  	[sflag:s20] =	ssyncadd.s32 $0xFFFF4000  }
0x155: {  	[tilespmem:s16], [sflag:$0x2] =	stream.linear.gather [hbm4b:s12+s2], $0xC000, $0x38;
	[tilespmem:$0x18080] =	vst v63  }
0x156: {  	_ =	swait.ge [sflag:s17], $0xC000  }
0x157: {  	[sflag:s17] =	ssyncset.done $0x0  }
0x158: {  	[sflag:s17] =	ssyncadd.s32 $0xFFFF4000  }
0x159: {  	v1 =	vld [tilespmem:$0x2830]  }
0x15a: {  	v2 =	vld [tilespmem:$0x2801]  }
0x15b: {  	v3 =	vld [tilespmem:$0x2811]  }
0x15c: {  	v11 =	vld [tilespmem:$0x2821]  }
0x15d: {  	v12 =	vld [tilespmem:$0x35B0]  }
0x15e: {  	v13 =	vld [tilespmem:$0x3581]  }
0x15f: {  	v14 =	vld [tilespmem:$0x35A1]  }
0x160: {  	v15 =	vld [tilespmem:$0x3F80]  }
0x161: {  	v16 =	vld [tilespmem:$0x3A01];
	[tilespmem:$0x18000] =	vst v1  }
0x162: {  	v17 =	vld [tilespmem:$0x3A21];
	[tilespmem:$0x2800] =	vst v2  }
0x163: {  	v20 =	vld [tilespmem:$0x3FAF];
	[tilespmem:$0x2810] =	vst v3  }
0x164: {  	v23 =	vld [tilespmem:$0x44A1];
	[tilespmem:$0x2820] =	vst v11  }
0x165: {  	[tilespmem:$0x3580] =	vst v13;
	v1 =	vld [tilespmem:$0x18001]  }
0x166: {  	v2 =	vld [tilespmem:$0x3591];
	[tilespmem:$0x35A0] =	vst v14  }
0x167: {  	v3 =	vld [tilespmem:$0x3A30];
	[tilespmem:$0x3A00] =	vst v16  }
0x168: {  	v22 =	vld [tilespmem:$0x4491];
	[tilespmem:$0x3FB0] =	vst v20  }
0x169: {  	v28 =	vld [tilespmem:$0x672F];
	[tilespmem:$0x44A0] =	vst v23  }
0x16a: {  	v29 =	vld [tilespmem:$0x8101];
	[tilespmem:$0x18000] =	vst v12;
	v1 =	vsel vm1, $0x0, v1  }
0x16b: {  	[tilespmem:$0x2830] =	vst v1;
	v1 =	vld [tilespmem:$0x18001]  }
0x16c: {  	[tilespmem:$0x18000] =	vst v3;
	v3 =	vld [tilespmem:$0x3A11]  }
0x16d: {  	v19 =	vld [tilespmem:$0x44B0];
	[tilespmem:$0x3590] =	vst v2  }
0x16e: {  	v2 =	vld [tilespmem:$0x18001];
	[tilespmem:$0x18001] =	vst v15  }
0x16f: {  	[tilespmem:$0x6730] =	vst v28;
	v18 =	vld [tilespmem:$0x18000]  }
0x170: {  	v21 =	vld [tilespmem:$0x5E80];
	[tilespmem:$0x8100] =	vst v29  }
0x171: {  	v1 =	vsel vm1, $0x0, v1;
	[tilespmem:$0x3A10] =	vst v3;
	v3 =	vld [tilespmem:$0x3F9F]  }
0x172: {  	[tilespmem:$0x35B0] =	vst v1;
	v1 =	vld [tilespmem:$0x3F8F]  }
0x173: {  	v31 =	vld [tilespmem:$0xB181];
	[tilespmem:$0x18000] =	vst v19;
	v2 =	vsel vm1, $0x0, v2  }
0x174: {  	v32 =	vld [tilespmem:$0xB191];
	[tilespmem:$0x3A30] =	vst v2;
	v2 =	vsel vm0, $0x0, v18  }
0x175: {  	[tilespmem:$0x3F80] =	vst v2;
	v2 =	vld [tilespmem:$0x4481]  }
0x176: {  	[tilespmem:$0x3FA0] =	vst v3;
	v3 =	vld [tilespmem:$0x6700]  }
0x177: {  	v33 =	vld [tilespmem:$0xB1A1];
	[tilespmem:$0x3F90] =	vst v1  }
0x178: {  	v1 =	vld [tilespmem:$0x18001];
	[tilespmem:$0x18001] =	vst v21  }
0x179: {  	[tilespmem:$0xB180] =	vst v31;
	v24 =	vld [tilespmem:$0x18000]  }
0x17a: {  	[tilespmem:$0x4480] =	vst v2;
	v2 =	vld [tilespmem:$0x5E8F]  }
0x17b: {  	[tilespmem:$0x18001] =	vst v3;
	v3 =	vld [tilespmem:$0x5EAF]  }
0x17c: {  	[tilespmem:$0xB190] =	vst v32;
	v26 =	vld [tilespmem:$0x18000]  }
0x17d: {  	v25 =	vld [tilespmem:$0x5E9F];
	[tilespmem:$0xB1A0] =	vst v33;
	v1 =	vsel vm1, $0x0, v1  }
0x17e: {  	v27 =	vld [tilespmem:$0x670F];
	[tilespmem:$0x44B0] =	vst v1  }
0x17f: {  	v1 =	vsel vm0, $0x0, v24;
	[tilespmem:$0x5E90] =	vst v2;
	v2 =	vld [tilespmem:$0x8130]  }
0x180: {  	[tilespmem:$0x5E80] =	vst v1;
	v1 =	vld [tilespmem:$0x671F]  }
0x181: {  	v30 =	vld [tilespmem:$0xB1B0];
	[tilespmem:$0x5EB0] =	vst v3;
	v3 =	vsel vm0, $0x0, v26  }
0x182: {  	[tilespmem:$0x6700] =	vst v3;
	v3 =	vld [tilespmem:$0x8111]  }
0x183: {  	[tilespmem:$0x3A20] =	vst v17  }
0x184: {  	[tilespmem:$0x18000] =	vst v2  }
0x185: {  	v2 =	vld [tilespmem:$0x8121];
	[tilespmem:$0x6720] =	vst v1  }
0x186: {  	v1 =	vld [tilespmem:$0x18001];
	[tilespmem:$0x18000] =	vst v30  }
0x187: {  	[tilespmem:$0x8110] =	vst v3;
	v3 =	vld [tilespmem:$0x18001]  }
0x188: {  	[tilespmem:$0x4490] =	vst v22  }
0x189: {  	[tilespmem:$0x5EA0] =	vst v25  }
0x18a: {  	[tilespmem:$0x6710] =	vst v27  }
0x18b: {  	[tilespmem:$0x8120] =	vst v2;
	v1 =	vsel vm1, $0x0, v1  }
0x18c: {  	[tilespmem:$0x8130] =	vst v1;
	v1 =	vsel vm1, $0x0, v3  }
0x18d: {  	[tilespmem:$0xB1B0] =	vst v1  }
0x18e: {  	[hbm4b:s13+s2] =	stream.linear.scatter [tilespmem:s2], [sflag:$0x3], $0xC000, $0x38;
	[tilespmem:$0x18080] =	vst v63  }
0x18f: {  	_ =	swait.ge [sflag:s19], $0xC000  }
0x190: {  	[sflag:s19] =	ssyncset.done $0x0  }
0x191: {  	[sflag:s19] =	ssyncadd.s32 $0xFFFF4000  }
0x192: {  	v1 =	vld [tilespmem:$0xD830]  }
0x193: {  	v2 =	vld [tilespmem:$0xD801]  }
0x194: {  	v3 =	vld [tilespmem:$0xD811]  }
0x195: {  	v34 =	vld [tilespmem:$0xD9B0]  }
0x196: {  	v35 =	vld [tilespmem:$0xD821]  }
0x197: {  	v37 =	vld [tilespmem:$0xD991]  }
0x198: {  	v39 =	vld [tilespmem:$0xEF8F]  }
0x199: {  	v40 =	vld [tilespmem:$0xEF9F]  }
0x19a: {  	v41 =	vld [tilespmem:$0x11100]  }
0x19b: {  	v45 =	vld [tilespmem:$0x1112F]  }
0x19c: {  	v49 =	vld [tilespmem:$0x112AF];
	[tilespmem:$0x18000] =	vst v1  }
0x19d: {  	v50 =	vld [tilespmem:$0x13401];
	[tilespmem:$0xD800] =	vst v2  }
0x19e: {  	v52 =	vld [tilespmem:$0x1428F];
	[tilespmem:$0xD810] =	vst v3  }
0x19f: {  	v1 =	vld [tilespmem:$0xEF80];
	[tilespmem:$0xD820] =	vst v35  }
0x1a0: {  	v2 =	vld [tilespmem:$0xD981];
	[tilespmem:$0xD990] =	vst v37  }
0x1a1: {  	v53 =	vld [tilespmem:$0x1429F];
	[tilespmem:$0xEF90] =	vst v39  }
0x1a2: {  	v54 =	vld [tilespmem:$0x14B01];
	[tilespmem:$0x11130] =	vst v45  }
0x1a3: {  	v36 =	vld [tilespmem:$0x18001];
	[tilespmem:$0x18000] =	vst v34  }
0x1a4: {  	[tilespmem:$0x112B0] =	vst v49;
	v3 =	vld [tilespmem:$0x18001]  }
0x1a5: {  	[tilespmem:$0x18001] =	vst v1;
	v1 =	vld [tilespmem:$0xD9A1]  }
0x1a6: {  	v57 =	vld [tilespmem:$0x14D01];
	[tilespmem:$0x13400] =	vst v50  }
0x1a7: {  	[tilespmem:$0xD980] =	vst v2;
	v2 =	vld [tilespmem:$0xF030]  }
0x1a8: {  	[tilespmem:$0x14290] =	vst v52;
	v38 =	vld [tilespmem:$0x18000]  }
0x1a9: {  	v58 =	vld [tilespmem:$0x14D11];
	[tilespmem:$0x14B00] =	vst v54  }
0x1aa: {  	v3 =	vsel vm1, $0x0, v3;
	[tilespmem:$0xD9A0] =	vst v1;
	v1 =	vld [tilespmem:$0xEFAF]  }
0x1ab: {  	v60 =	vld [tilespmem:$0x1500F];
	[tilespmem:$0xD9B0] =	vst v3  }
0x1ac: {  	[tilespmem:$0x18000] =	vst v2;
	v2 =	vld [tilespmem:$0xF011]  }
0x1ad: {  	v3 =	vsel vm0, $0x0, v38;
	v42 =	vld [tilespmem:$0x18001];
	[tilespmem:$0x18001] =	vst v41  }
0x1ae: {  	[tilespmem:$0xEF80] =	vst v3;
	v3 =	vld [tilespmem:$0xF001]  }
0x1af: {  	[tilespmem:$0xEFB0] =	vst v1;
	v1 =	vld [tilespmem:$0x18000]  }
0x1b0: {  	v43 =	vld [tilespmem:$0x11280];
	[tilespmem:$0x14D00] =	vst v57  }
0x1b1: {  	v61 =	vld [tilespmem:$0x1501F];
	[tilespmem:$0x14D10] =	vst v58  }
0x1b2: {  	[tilespmem:$0xF010] =	vst v2;
	v2 =	vld [tilespmem:$0x1111F]  }
0x1b3: {  	v62 =	vld [tilespmem:$0x1749F];
	[tilespmem:$0x15010] =	vst v60  }
0x1b4: {  	[tilespmem:$0xF000] =	vst v3;
	v3 =	vld [tilespmem:$0x1110F];
	v1 =	vsel vm0, $0x0, v1  }
0x1b5: {  	[tilespmem:$0x11100] =	vst v1;
	v1 =	vld [tilespmem:$0x13430]  }
0x1b6: {  	v63 =	vld [tilespmem:$0x174AF];
	[tilespmem:$0x18001] =	vst v43  }
0x1b7: {  	[tilespmem:$0x11120] =	vst v2;
	v2 =	vld [tilespmem:$0x14280]  }
0x1b8: {  	[tilespmem:$0x174A0] =	vst v62;
	v46 =	vld [tilespmem:$0x18000]  }
0x1b9: {  	[tilespmem:$0x11110] =	vst v3;
	v3 =	vld [tilespmem:$0x1129F]  }
0x1ba: {  	[tilespmem:$0x18000] =	vst v1;
	v1 =	vld [tilespmem:$0x13411]  }
0x1bb: {  	[tilespmem:$0x174B0] =	vst v63;
	v51 =	vld [tilespmem:$0x18001]  }
0x1bc: {  	v6 =	vsel vm1, $0x0, v36;
	[tilespmem:$0x18001] =	vst v2;
	v2 =	vld [tilespmem:$0x13421]  }
0x1bd: {  	v44 =	vld [tilespmem:$0xF021];
	[tilespmem:$0xD830] =	vst v6  }
0x1be: {  	[tilespmem:$0x112A0] =	vst v3;
	v3 =	vld [tilespmem:$0x18000]  }
0x1bf: {  	[tilespmem:$0xEFA0] =	vst v40  }
0x1c0: {  	[tilespmem:$0x13410] =	vst v1;
	v1 =	vld [tilespmem:$0x14B30]  }
0x1c1: {  	[tilespmem:$0x13420] =	vst v2;
	v2 =	vld [tilespmem:$0x142AF]  }
0x1c2: {  	[tilespmem:$0xF020] =	vst v44;
	v6 =	vsel vm1, $0x0, v42  }
0x1c3: {  	v55 =	vld [tilespmem:$0x14D30];
	[tilespmem:$0xF030] =	vst v6;
	v3 =	vsel vm0, $0x0, v3  }
0x1c4: {  	[tilespmem:$0x14280] =	vst v3;
	v3 =	vld [tilespmem:$0x14B11]  }
0x1c5: {  	[tilespmem:$0x18000] =	vst v1;
	v1 =	vld [tilespmem:$0x14B21]  }
0x1c6: {  	v48 =	vsel vm0, $0x0, v46;
	[tilespmem:$0x142B0] =	vst v2;
	v2 =	vld [tilespmem:$0x15000]  }
0x1c7: {  	v47 =	vld [tilespmem:$0x1128F];
	[tilespmem:$0x11280] =	vst v48  }
0x1c8: {  	v56 =	vld [tilespmem:$0x18001];
	[tilespmem:$0x18000] =	vst v55  }
0x1c9: {  	[tilespmem:$0x14B10] =	vst v3;
	v3 =	vld [tilespmem:$0x18001]  }
0x1ca: {  	[tilespmem:$0x14B20] =	vst v1;
	v1 =	vld [tilespmem:$0x17480]  }
0x1cb: {  	[tilespmem:$0x18001] =	vst v2;
	v2 =	vld [tilespmem:$0x14D21]  }
0x1cc: {  	[tilespmem:$0x11290] =	vst v47;
	v59 =	vld [tilespmem:$0x18000]  }
0x1cd: {  	v6 =	vsel vm1, $0x0, v51;
	[tilespmem:$0x142A0] =	vst v53  }
0x1ce: {  	[tilespmem:$0x13430] =	vst v6  }
0x1cf: {  	[tilespmem:$0x18001] =	vst v1;
	v1 =	vld [tilespmem:$0x1502F]  }
0x1d0: {  	v3 =	vsel vm1, $0x0, v3;
	[tilespmem:$0x14D20] =	vst v2;
	v2 =	vld [tilespmem:$0x18000]  }
0x1d1: {  	[tilespmem:$0x14D30] =	vst v3;
	v3 =	vsel vm0, $0x0, v59  }
0x1d2: {  	v4 =	vsel vm1, $0x0, v56;
	[tilespmem:$0x15000] =	vst v3;
	v3 =	vld [tilespmem:$0x1748F]  }
0x1d3: {  	[tilespmem:$0x14B30] =	vst v4  }
0x1d4: {  	[tilespmem:$0x15020] =	vst v61  }
0x1d5: {  	[tilespmem:$0x15030] =	vst v1;
	v1 =	vsel vm0, $0x0, v2  }
0x1d6: {  	[tilespmem:$0x17480] =	vst v1  }
0x1d7: {  	[tilespmem:$0x17490] =	vst v3  }
0x1d8: {  	[hbm4b:s14+s2] =	stream.linear.scatter [tilespmem:s16], [sflag:$0x4], $0xC000, $0x38;
	[tilespmem:$0x18080] =	vst v63  }
0x1d9: {  	p0 =	sne.s32 s15, $0x1;
	_ =	swait.ge [sflag:s18], $0xC000  }
.Ltmp0:
0x1da: {  	[sflag:s18] =	ssyncset.done $0x0;
	(pc) =	sbr.rel @p0 .LBB2_1-.Ltmp0, $4  }
0x1db: {  	[sflag:s18] =	ssyncadd.s32 $0xFFFF4000  }
0x1dc: {  	_ =	swait.ge [sflag:s20], $0xC000  }
0x1dd: {  	[sflag:s20] =	ssyncset.done $0x0  }
0x1de: {  	s15 =	sadd.s32 $0xFFFFFFFF, s15;
	[sflag:s20] =	ssyncadd.s32 $0xFFFF4000  }
0x1df: {  	_ =	sfence.sel $0x180000  }
0x1e0: {  	[bflag:$0x0] =	sbarrier.arrive $0xFFFF  }
0x1e1: {  	p0 =	sne.s32 s1, $0x0;
	_ =	strace $0x90000047  }
0x1e2: {  	s0 =	sadd.s32 @!p0 $0x100000, s0;
	[bflag:$0x2] =	sbarrier.arrive $0xFFFF  }
0x1e3: {  	[sflag:s0] =	ssyncadd.tile.s32 @!p0 $0x1;
	_ =	shalt  }
.Lfunc_end2:
_tile_overlayer_lowered:
.L_overlay_start_2:
0x1e4: {  	(tag) =	ssettag $0x2  }
0x1e5: {  	s0 =	rddreg [dreg:$0x0];
	s2 =	stileid.u32  }
0x1e6: {  	s1 =	rddreg [dreg:$0x1];
	p0 =	sne.s32 s2, $0x0  }
0x1e7: {  	s3 =	rddreg [dreg:$0x2];
	[bflag:$0x3] =	sbarrier.arrive $0xFFFF;
	s2 =	simm.s32 @!p0 $0x1C05  }
0x1e8: {  	[timem:s3], [sflag:s2] =	dma.local @!p0 [hbm:s0], s1  }
0x1e9: {  	s0 =	simm.s32 @!p0 $0x5  }
0x1ea: {  	_ =	swait.ge @!p0 [sflag:s0], s1  }
0x1eb: {  	s1 =	ssub.s32 @!p0 $0x0, s1;
	[sflag:s0] =	ssyncset.done @!p0 $0x0  }
0x1ec: {  	[sflag:s0] =	ssyncadd.s32 @!p0 s1  }
0x1ed: {  	[bflag:$0x3] =	sbarrier.arrive $0xFFFF  }
0x1ee: {  	_ =	shalt  }

</sc_bundles>
